<compile_context>
chip_gen: v7x
topology: tpu7x:2x2x1
jax: 0.10.2.dev20260603
libtpu: 0.0.44.dev20260713+nightly
codegen_flags: <defaults>
</compile_context>

<pallas_src>
import functools

import jax
import jax.numpy as jnp
from jax import lax
from jax.experimental import pallas as pl
from jax.experimental.pallas import tpu as pltpu
from jax.experimental.pallas import tpu_sc as plsc

_BINS = 128
_C = 26
_BATCH = 16384
_NC, _NS, _L = 2, 16, 16
_NW = _NC * _NS
_COLS = _BATCH // _NW
_CV = _COLS // _L
_FB = _C * _BINS
_PRIV = 8
_HSTRIDE = _FB + 1
_HWORDS = ((_PRIV * _HSTRIDE + 255) // 256) * 256
_BPS = _FB // _NS
_TROWS = 32
_TABN = _TROWS * _BINS

_MESH = plsc.VectorSubcoreMesh(core_axis_name="c", subcore_axis_name="s")


@functools.partial(
    pl.kernel,
    out_type=jax.ShapeDtypeStruct((_NC * _FB,), jnp.float32),
    mesh=_MESH,
    compiler_params=pltpu.CompilerParams(needs_layout_passes=False),
    scratch_types=[
        pltpu.VMEM((_C, _COLS), jnp.float32),
        pltpu.VMEM((_C, _COLS), jnp.int32),
        pltpu.VMEM((_HWORDS,), jnp.float32),
        pltpu.VMEM((_FB,), jnp.float32),
        pltpu.VMEM_SHARED((_NS * _FB,), jnp.float32),
        pltpu.VMEM((_NS * _BPS,), jnp.float32),
        pltpu.VMEM((_BPS,), jnp.float32),
        pltpu.SemaphoreType.DMA,
    ],
)
def _hist_call(s_hbm, p_hbm, cnt_hbm, s_v, p_v, h_v, r_v, shared, cls_v, o_v, sem):
    cid = lax.axis_index("c")
    sid = lax.axis_index("s")
    wid = cid * _NS + sid
    col0 = wid * _COLS
    h_s = pltpu.async_copy(s_hbm.at[:, pl.ds(col0, _COLS)], s_v, sem)
    h_p = pltpu.async_copy(p_hbm.at[:, pl.ds(col0, _COLS)], p_v, sem)

    zero = jnp.zeros((_L,), jnp.float32)

    @plsc.parallel_loop(0, _HWORDS // 256, 1, unroll=2)
    def zbody(i):
        b = i * 256
        for k in range(16):
            h_v[pl.ds(b + k * _L, _L)] = zero

    h_s.wait()
    h_p.wait()

    lane = lax.broadcasted_iota(jnp.int32, (_L,), 0)
    lane_off = (lane % _PRIV) * _HSTRIDE
    mlow = lane < _PRIV
    mhigh = jnp.logical_not(mlow)

    @plsc.parallel_loop(0, _CV, 1, unroll=4)
    def mbody(j):
        b = j * _L
        for c0 in range(0, _C, 4):
            cg = range(c0, min(c0 + 4, _C))
            ss = [s_v[c, pl.ds(b, _L)] for c in cg]
            pp = [p_v[c, pl.ds(b, _L)] for c in cg]
            idxs = [lane_off +
                    (jnp.minimum((s * 128.0).astype(jnp.int32), _BINS - 1)
                     + c * _BINS)
                    for c, s in zip(cg, ss)]
            vals = [p.astype(jnp.float32) for p in pp]
            for idx, val in zip(idxs, vals):
                plsc.addupdate_scatter(h_v, [idx], val, mask=mlow)
                plsc.addupdate_scatter(h_v, [idx], val, mask=mhigh)

    @plsc.parallel_loop(0, _FB // _L, 1, unroll=4)
    def rbody(j):
        b = j * _L
        acc = h_v[pl.ds(b, _L)]
        for l in range(1, _PRIV):
            acc = acc + h_v[pl.ds(l * _HSTRIDE + b, _L)]
        r_v[pl.ds(b, _L)] = acc

    pltpu.sync_copy(r_v, shared.at[pl.ds(sid * _FB, _FB)])
    plsc.subcore_barrier()
    handles = [
        pltpu.async_copy(shared.at[pl.ds(l * _FB + sid * _BPS, _BPS)],
                         cls_v.at[pl.ds(l * _BPS, _BPS)], sem)
        for l in range(_NS)
    ]
    for h in handles:
        h.wait()

    @plsc.parallel_loop(0, _BPS // _L, 1, unroll=2)
    def cbody(k):
        b = k * _L
        acc = cls_v[pl.ds(b, _L)]
        for l in range(1, _NS):
            acc = acc + cls_v[pl.ds(l * _BPS + b, _L)]
        o_v[pl.ds(b, _L)] = acc
    pltpu.sync_copy(o_v, cnt_hbm.at[pl.ds(cid * _FB + sid * _BPS, _BPS)])


def _fit_kernel(cnt_ref, w1_ref, b1_ref, w2_ref, b2_ref, ta_ref, tb_ref):
    cnt2 = jnp.reshape(cnt_ref[...], (2 * _C, _BINS))
    cnt = cnt2[0:_C] + cnt2[_C:2 * _C]
    total = jnp.sum(cnt, axis=1, keepdims=True)
    hist = cnt / total
    h = jnp.clip(hist, 1e-6, 1.0 - 1e-6)
    h = jnp.log(h / (1.0 - h))
    h = lax.dot_general(h, w1_ref[...], (((1,), (1,)), ((), ())),
                        precision=lax.Precision.HIGHEST,
                        preferred_element_type=jnp.float32) \
        + jnp.reshape(b1_ref[...], (1, _BINS))
    h = jnp.where(h >= 0.0, h, 0.01 * h)
    d = lax.dot_general(h, w2_ref[...], (((1,), (1,)), ((), ())),
                        precision=lax.Precision.HIGHEST,
                        preferred_element_type=jnp.float32) \
        + jnp.reshape(b2_ref[...], (1, _BINS))
    mx = jnp.max(d, axis=1, keepdims=True)
    e = jnp.exp(d - mx)
    p = e / jnp.sum(e, axis=1, keepdims=True)
    rr = lax.broadcasted_iota(jnp.int32, (_BINS, _BINS), 0)
    cc = lax.broadcasted_iota(jnp.int32, (_BINS, _BINS), 1)
    tri = (rr <= cc).astype(jnp.float32)
    y = lax.dot_general(p, tri, (((1,), (0,)), ((), ())),
                        precision=lax.Precision.HIGHEST,
                        preferred_element_type=jnp.float32)
    e0 = y - p
    ji = lax.broadcasted_iota(jnp.int32, (1, _BINS), 1)
    j = ji.astype(jnp.float32)
    dxinv = jnp.where(ji == 0, 256.0, 128.0)
    x0 = jnp.where(ji == 0, 0.0, (2.0 * j - 1.0) / 256.0)
    bt = p * dxinv
    at = e0 - bt * x0
    zrows = jnp.zeros((_TROWS - _C, _BINS), jnp.float32)
    ta_ref[0:_C, :] = at
    ta_ref[_C:_TROWS, :] = zrows
    tb_ref[0:_C, :] = bt
    tb_ref[_C:_TROWS, :] = zrows


_fit_call = pl.pallas_call(
    _fit_kernel,
    out_shape=(
        jax.ShapeDtypeStruct((_TROWS, _BINS), jnp.float32),
        jax.ShapeDtypeStruct((_TROWS, _BINS), jnp.float32),
    ),
)


@functools.partial(
    pl.kernel,
    out_type=jax.ShapeDtypeStruct((_C, _BATCH), jnp.float32),
    mesh=_MESH,
    compiler_params=pltpu.CompilerParams(needs_layout_passes=False),
    scratch_types=[
        pltpu.VMEM((_C, _COLS), jnp.float32),
        pltpu.VMEM((_C, _COLS), jnp.int32),
        pltpu.VMEM((_TABN,), jnp.float32),
        pltpu.VMEM((_TABN,), jnp.float32),
        pltpu.VMEM((_C, _COLS), jnp.float32),
        pltpu.SemaphoreType.DMA,
    ],
)
def _interp_call(s_hbm, p_hbm, ta_hbm, tb_hbm, out_hbm,
                 s_v, p_v, ta_v, tb_v, o_v, sem):
    cid = lax.axis_index("c")
    sid = lax.axis_index("s")
    wid = cid * _NS + sid
    col0 = wid * _COLS

    handles = [
        pltpu.async_copy(ta_hbm, ta_v, sem),
        pltpu.async_copy(tb_hbm, tb_v, sem),
        pltpu.async_copy(s_hbm.at[:, pl.ds(col0, _COLS)], s_v, sem),
        pltpu.async_copy(p_hbm.at[:, pl.ds(col0, _COLS)], p_v, sem),
    ]
    for h in handles:
        h.wait()

    ones = jnp.ones((_L,), jnp.float32)

    @plsc.parallel_loop(0, _CV, 1, unroll=4)
    def mbody(j):
        b = j * _L
        for c0 in range(0, _C, 4):
            cg = range(c0, min(c0 + 4, _C))
            ss = [s_v[c, pl.ds(b, _L)] for c in cg]
            pp = [p_v[c, pl.ds(b, _L)] for c in cg]
            iraws = [(s * 128.0 + 0.5).astype(jnp.int32) for s in ss]
            idxs = [jnp.minimum(ir, _BINS - 1) + c * _BINS
                    for c, ir in zip(cg, iraws)]
            aa = [plsc.load_gather(ta_v, [idx]) for idx in idxs]
            bbs = [plsc.load_gather(tb_v, [idx]) for idx in idxs]
            for c, s16, p16, iraw, a, bb in zip(cg, ss, pp, iraws, aa, bbs):
                w = a + bb * s16
                y127 = a + bb * (255.0 / 256.0)
                wedge = y127 + (1.0 - y127) * (256.0 * s16 - 255.0)
                w = jnp.where(iraw >= _BINS, wedge, w)
                o_v[c, pl.ds(b, _L)] = jnp.where(p16 == 1, w, ones)
    pltpu.sync_copy(o_v, out_hbm.at[:, pl.ds(col0, _COLS)])


def kernel(y_score, y_partial, W1, b1, W2, b2):
    s_t = y_score.T
    p_t = y_partial.astype(jnp.int32).T
    cnt = _hist_call(s_t, p_t)
    ta, tb = _fit_call(cnt, W1, b1, W2, b2)
    out_t = _interp_call(s_t, p_t, ta.reshape(_TABN), tb.reshape(_TABN))
    return out_t.T

# --- scband reference (transcript-rebuilt; emitter-appended) ---
"""Pipeline reference for scband-my-weighter-10350871183799 (READ-ONLY COPY).

The authoritative reference and input builder live on the scoring server;
editing this copy changes nothing except your own understanding.
"""

import jax, jax.numpy as jnp
import numpy as np

BINS = 128
BATCH = 16384
NUM_CLASSES = 26


def setup_inputs(seed: int = 0) -> dict:
    key = jax.random.key(seed)
    k1, k2, k3, k4 = jax.random.split(key, 4)
    y_score = jax.random.uniform(k1, (BATCH, NUM_CLASSES), dtype=jnp.float32)
    y_partial = jax.random.randint(k2, (BATCH, NUM_CLASSES), 0, 2)
    lim = 1.0 / np.sqrt(BINS)
    W1 = jax.random.uniform(k3, (BINS, BINS), minval=-lim, maxval=lim, dtype=jnp.float32)
    b1 = jnp.zeros((BINS,), dtype=jnp.float32)
    W2 = jax.random.uniform(k4, (BINS, BINS), minval=-lim, maxval=lim, dtype=jnp.float32)
    b2 = jnp.zeros((BINS,), dtype=jnp.float32)
    return {"y_score": y_score, "y_partial": y_partial, "W1": W1, "b1": b1, "W2": W2, "b2": b2}


def _fit(hist, W1, b1, W2, b2):
    # torch.logit(hist, eps=1e-6)
    h = jnp.clip(hist, 1e-6, 1.0 - 1e-6)
    h = jnp.log(h / (1.0 - h))
    # Linear -> LeakyReLU(0.01) -> Linear
    h = h @ W1.T + b1
    h = jnp.where(h >= 0, h, 0.01 * h)
    y_delta = h @ W2.T + b2
    y = jnp.cumsum(jax.nn.softmax(y_delta, axis=-1), axis=-1)
    return y


def _interpolate(query, x, y):
    indices = jnp.searchsorted(x, query, side='left') - 1
    indices = jnp.clip(indices, 0, x.shape[0] - 2)
    x0 = x[indices]
    x1 = x[indices + 1]
    y0 = y[indices]
    y1 = y[indices + 1]
    slope = (y1 - y0) / (x1 - x0)
    return y0 + slope * (query - x0)


def reference(y_score, y_partial, W1, b1, W2, b2):
    bins_edges = jnp.linspace(0.0, 1.0, BINS + 1)
    x_mid = (bins_edges[1:] + bins_edges[:-1]) / 2.0
    x_ = jnp.concatenate([jnp.array([0.0]), x_mid, jnp.array([1.0])])
    mask_f = (y_partial == 1).astype(jnp.float32)
    cols = []
    for c in range(y_score.shape[1]):
        m = mask_f[:, c]
        s = y_score[:, c]
        # histogram of masked scores over [0,1] with BINS bins (right edge of last bin inclusive)
        idx = jnp.clip(jnp.searchsorted(bins_edges, s, side='right') - 1, 0, BINS - 1)
        counts = jax.ops.segment_sum(m, idx, num_segments=BINS)
        hist = counts / m.sum()
        y = _fit(hist, W1, b1, W2, b2)
        y_ = jnp.concatenate([jnp.array([0.0]), y, jnp.array([1.0])])
        w = _interpolate(s, x_, y_)
        # weight[mask, c] = w  ;  elsewhere ones
        cols.append(jnp.where(m > 0, w, 1.0))
    return jnp.stack(cols, axis=1)

if __name__ == "__main__":
    import jax
    _d = setup_inputs()
    print(jax.jit(kernel)(*tuple(_d.values())))

</pallas_src>

<mosaic_0001>
#map = affine_map<(d0, d1) -> (0, 0)>
#map1 = affine_map<(d0, d1) -> (0)>
module attributes {stable_mosaic.version = 14 : i64} {
  func.func @_interp_call(%arg0: i32, %arg1: i32, %arg2: memref<26x16384xf32, #tpu.memory_space<hbm>>, %arg3: memref<26x16384xi32, #tpu.memory_space<hbm>>, %arg4: memref<4096xf32, #tpu.memory_space<hbm>>, %arg5: memref<4096xf32, #tpu.memory_space<hbm>>, %arg6: memref<26x16384xf32, #tpu.memory_space<hbm>>, %arg7: memref<26x512xf32, #tpu.memory_space<vmem>>, %arg8: memref<26x512xi32, #tpu.memory_space<vmem>>, %arg9: memref<4096xf32, #tpu.memory_space<vmem>>, %arg10: memref<4096xf32, #tpu.memory_space<vmem>>, %arg11: memref<26x512xf32, #tpu.memory_space<vmem>>, %arg12: memref<!tpu.dma_semaphore, #tpu.memory_space<semaphore_mem>>) attributes {dimension_semantics = [#tpu.dimension_semantics<core_parallel>, #tpu.dimension_semantics<subcore_parallel>], iteration_bounds = array<i64: 2, 16>, scalar_prefetch = 0 : i64, scratch_operands = 6 : i64, tpu.core_type = #tpu.core_type<sc_vector_subcore>, window_params = [{transform_indices = #map}, {transform_indices = #map}, {transform_indices = #map1}, {transform_indices = #map1}, {transform_indices = #map}]} {
    %mul3A = arith.constant 16 : i32
    %mul3A_0 = arith.muli %arg0, %mul3A : i32
    %add3A = arith.addi %mul3A_0, %arg1 : i32
    %mul3A_1 = arith.constant 512 : i32
    %mul3A_2 = arith.muli %add3A, %mul3A_1 : i32
    tpu.enqueue_dma source(%arg4 : memref<4096xf32, #tpu.memory_space<hbm>>) target(%arg9 : memref<4096xf32, #tpu.memory_space<vmem>>) target_semaphore(%arg12 : memref<!tpu.dma_semaphore, #tpu.memory_space<semaphore_mem>>)
    tpu.enqueue_dma source(%arg5 : memref<4096xf32, #tpu.memory_space<hbm>>) target(%arg10 : memref<4096xf32, #tpu.memory_space<vmem>>) target_semaphore(%arg12 : memref<!tpu.dma_semaphore, #tpu.memory_space<semaphore_mem>>)
    %dma_start3A = arith.constant 0 : i32
    %dma_start3A_3 = tpu.memref_slice %arg2[%dma_start3A, %mul3A_2] : memref<26x16384xf32, #tpu.memory_space<hbm>> -> memref<26x512xf32, #tpu.memory_space<hbm>>
    %dma_start3A_4 = arith.constant 0 : i32
    %dma_start3A_5 = tpu.memref_slice %arg2[%dma_start3A_4, %mul3A_2] : memref<26x16384xf32, #tpu.memory_space<hbm>> -> memref<26x512xf32, #tpu.memory_space<hbm>>
    tpu.enqueue_dma source(%dma_start3A_5 : memref<26x512xf32, #tpu.memory_space<hbm>>) target(%arg7 : memref<26x512xf32, #tpu.memory_space<vmem>>) target_semaphore(%arg12 : memref<!tpu.dma_semaphore, #tpu.memory_space<semaphore_mem>>)
    %dma_start3A_6 = arith.constant 0 : i32
    %dma_start3A_7 = tpu.memref_slice %arg3[%dma_start3A_6, %mul3A_2] : memref<26x16384xi32, #tpu.memory_space<hbm>> -> memref<26x512xi32, #tpu.memory_space<hbm>>
    %dma_start3A_8 = arith.constant 0 : i32
    %dma_start3A_9 = tpu.memref_slice %arg3[%dma_start3A_8, %mul3A_2] : memref<26x16384xi32, #tpu.memory_space<hbm>> -> memref<26x512xi32, #tpu.memory_space<hbm>>
    tpu.enqueue_dma source(%dma_start3A_9 : memref<26x512xi32, #tpu.memory_space<hbm>>) target(%arg8 : memref<26x512xi32, #tpu.memory_space<vmem>>) target_semaphore(%arg12 : memref<!tpu.dma_semaphore, #tpu.memory_space<semaphore_mem>>)
    tpu.wait_dma2 semaphore(%arg12 : memref<!tpu.dma_semaphore, #tpu.memory_space<semaphore_mem>>) src(%arg4 : memref<4096xf32, #tpu.memory_space<hbm>>) dst(%arg9 : memref<4096xf32, #tpu.memory_space<vmem>>)
    tpu.wait_dma2 semaphore(%arg12 : memref<!tpu.dma_semaphore, #tpu.memory_space<semaphore_mem>>) src(%arg5 : memref<4096xf32, #tpu.memory_space<hbm>>) dst(%arg10 : memref<4096xf32, #tpu.memory_space<vmem>>)
    %dma_wait3A = arith.constant 0 : i32
    %dma_wait3A_10 = tpu.memref_slice %arg2[%dma_wait3A, %mul3A_2] : memref<26x16384xf32, #tpu.memory_space<hbm>> -> memref<26x512xf32, #tpu.memory_space<hbm>>
    %dma_wait3A_11 = arith.constant 0 : i32
    %dma_wait3A_12 = tpu.memref_slice %arg2[%dma_wait3A_11, %mul3A_2] : memref<26x16384xf32, #tpu.memory_space<hbm>> -> memref<26x512xf32, #tpu.memory_space<hbm>>
    tpu.wait_dma2 semaphore(%arg12 : memref<!tpu.dma_semaphore, #tpu.memory_space<semaphore_mem>>) src(%dma_wait3A_12 : memref<26x512xf32, #tpu.memory_space<hbm>>) dst(%arg7 : memref<26x512xf32, #tpu.memory_space<vmem>>)
    %dma_wait3A_13 = arith.constant 0 : i32
    %dma_wait3A_14 = tpu.memref_slice %arg3[%dma_wait3A_13, %mul3A_2] : memref<26x16384xi32, #tpu.memory_space<hbm>> -> memref<26x512xi32, #tpu.memory_space<hbm>>
    %dma_wait3A_15 = arith.constant 0 : i32
    %dma_wait3A_16 = tpu.memref_slice %arg3[%dma_wait3A_15, %mul3A_2] : memref<26x16384xi32, #tpu.memory_space<hbm>> -> memref<26x512xi32, #tpu.memory_space<hbm>>
    tpu.wait_dma2 semaphore(%arg12 : memref<!tpu.dma_semaphore, #tpu.memory_space<semaphore_mem>>) src(%dma_wait3A_16 : memref<26x512xi32, #tpu.memory_space<hbm>>) dst(%arg8 : memref<26x512xi32, #tpu.memory_space<vmem>>)
    %broadcast_in_dim3A = arith.constant 1.000000e+00 : f32
    %broadcast_in_dim3A_17 = vector.broadcast %broadcast_in_dim3A : f32 to vector<16xf32>
    %parallel_loop3A = arith.constant 0 : i32
    %parallel_loop3A_18 = arith.constant 32 : i32
    %parallel_loop3A_19 = arith.constant 1 : i32
    scf.for %parallel_loop3A_20 = %parallel_loop3A to %parallel_loop3A_18 step %parallel_loop3A_19  : i32 {
      %parallel_loop3A_21 = arith.constant 16 : i32
      %parallel_loop3A_22 = arith.muli %parallel_loop3A_20, %parallel_loop3A_21 : i32
      %parallel_loop3A_23 = arith.constant 0 : i32
      %parallel_loop3A_24 = arith.index_cast %parallel_loop3A_23 : i32 to index
      %parallel_loop3A_25 = arith.index_cast %parallel_loop3A_22 : i32 to index
      %parallel_loop3A_26 = tpu.vector_load %arg7[%parallel_loop3A_24, %parallel_loop3A_25] {strides = array<i32>} : memref<26x512xf32, #tpu.memory_space<vmem>>, vector<16xf32>,
      %parallel_loop3A_27 = arith.constant 1 : i32
      %parallel_loop3A_28 = arith.index_cast %parallel_loop3A_27 : i32 to index
      %parallel_loop3A_29 = arith.index_cast %parallel_loop3A_22 : i32 to index
      %parallel_loop3A_30 = tpu.vector_load %arg7[%parallel_loop3A_28, %parallel_loop3A_29] {strides = array<i32>} : memref<26x512xf32, #tpu.memory_space<vmem>>, vector<16xf32>,
      %parallel_loop3A_31 = arith.constant 2 : i32
      %parallel_loop3A_32 = arith.index_cast %parallel_loop3A_31 : i32 to index
      %parallel_loop3A_33 = arith.index_cast %parallel_loop3A_22 : i32 to index
      %parallel_loop3A_34 = tpu.vector_load %arg7[%parallel_loop3A_32, %parallel_loop3A_33] {strides = array<i32>} : memref<26x512xf32, #tpu.memory_space<vmem>>, vector<16xf32>,
      %parallel_loop3A_35 = arith.constant 3 : i32
      %parallel_loop3A_36 = arith.index_cast %parallel_loop3A_35 : i32 to index
      %parallel_loop3A_37 = arith.index_cast %parallel_loop3A_22 : i32 to index
      %parallel_loop3A_38 = tpu.vector_load %arg7[%parallel_loop3A_36, %parallel_loop3A_37] {strides = array<i32>} : memref<26x512xf32, #tpu.memory_space<vmem>>, vector<16xf32>,
      %parallel_loop3A_39 = arith.constant 0 : i32
      %parallel_loop3A_40 = arith.index_cast %parallel_loop3A_39 : i32 to index
      %parallel_loop3A_41 = arith.index_cast %parallel_loop3A_22 : i32 to index
      %parallel_loop3A_42 = tpu.vector_load %arg8[%parallel_loop3A_40, %parallel_loop3A_41] {strides = array<i32>} : memref<26x512xi32, #tpu.memory_space<vmem>>, vector<16xi32>,
      %parallel_loop3A_43 = arith.constant 1 : i32
      %parallel_loop3A_44 = arith.index_cast %parallel_loop3A_43 : i32 to index
      %parallel_loop3A_45 = arith.index_cast %parallel_loop3A_22 : i32 to index
      %parallel_loop3A_46 = tpu.vector_load %arg8[%parallel_loop3A_44, %parallel_loop3A_45] {strides = array<i32>} : memref<26x512xi32, #tpu.memory_space<vmem>>, vector<16xi32>,
      %parallel_loop3A_47 = arith.constant 2 : i32
      %parallel_loop3A_48 = arith.index_cast %parallel_loop3A_47 : i32 to index
      %parallel_loop3A_49 = arith.index_cast %parallel_loop3A_22 : i32 to index
      %parallel_loop3A_50 = tpu.vector_load %arg8[%parallel_loop3A_48, %parallel_loop3A_49] {strides = array<i32>} : memref<26x512xi32, #tpu.memory_space<vmem>>, vector<16xi32>,
      %parallel_loop3A_51 = arith.constant 3 : i32
      %parallel_loop3A_52 = arith.index_cast %parallel_loop3A_51 : i32 to index
      %parallel_loop3A_53 = arith.index_cast %parallel_loop3A_22 : i32 to index
      %parallel_loop3A_54 = tpu.vector_load %arg8[%parallel_loop3A_52, %parallel_loop3A_53] {strides = array<i32>} : memref<26x512xi32, #tpu.memory_space<vmem>>, vector<16xi32>,
      %parallel_loop3A_55 = arith.constant 1.280000e+02 : f32
      %parallel_loop3A_56 = vector.broadcast %parallel_loop3A_55 : f32 to vector<16xf32>
      %parallel_loop3A_57 = arith.mulf %parallel_loop3A_26, %parallel_loop3A_56 : vector<16xf32>
      %parallel_loop3A_58 = arith.constant 5.000000e-01 : f32
      %parallel_loop3A_59 = vector.broadcast %parallel_loop3A_58 : f32 to vector<16xf32>
      %parallel_loop3A_60 = arith.addf %parallel_loop3A_57, %parallel_loop3A_59 : vector<16xf32>
      %parallel_loop3A_61 = arith.fptosi %parallel_loop3A_60 : vector<16xf32> to vector<16xi32>
      %parallel_loop3A_62 = arith.constant 1.280000e+02 : f32
      %parallel_loop3A_63 = vector.broadcast %parallel_loop3A_62 : f32 to vector<16xf32>
      %parallel_loop3A_64 = arith.mulf %parallel_loop3A_30, %parallel_loop3A_63 : vector<16xf32>
      %parallel_loop3A_65 = arith.constant 5.000000e-01 : f32
      %parallel_loop3A_66 = vector.broadcast %parallel_loop3A_65 : f32 to vector<16xf32>
      %parallel_loop3A_67 = arith.addf %parallel_loop3A_64, %parallel_loop3A_66 : vector<16xf32>
      %parallel_loop3A_68 = arith.fptosi %parallel_loop3A_67 : vector<16xf32> to vector<16xi32>
      %parallel_loop3A_69 = arith.constant 1.280000e+02 : f32
      %parallel_loop3A_70 = vector.broadcast %parallel_loop3A_69 : f32 to vector<16xf32>
      %parallel_loop3A_71 = arith.mulf %parallel_loop3A_34, %parallel_loop3A_70 : vector<16xf32>
      %parallel_loop3A_72 = arith.constant 5.000000e-01 : f32
      %parallel_loop3A_73 = vector.broadcast %parallel_loop3A_72 : f32 to vector<16xf32>
      %parallel_loop3A_74 = arith.addf %parallel_loop3A_71, %parallel_loop3A_73 : vector<16xf32>
      %parallel_loop3A_75 = arith.fptosi %parallel_loop3A_74 : vector<16xf32> to vector<16xi32>
      %parallel_loop3A_76 = arith.constant 1.280000e+02 : f32
      %parallel_loop3A_77 = vector.broadcast %parallel_loop3A_76 : f32 to vector<16xf32>
      %parallel_loop3A_78 = arith.mulf %parallel_loop3A_38, %parallel_loop3A_77 : vector<16xf32>
      %parallel_loop3A_79 = arith.constant 5.000000e-01 : f32
      %parallel_loop3A_80 = vector.broadcast %parallel_loop3A_79 : f32 to vector<16xf32>
      %parallel_loop3A_81 = arith.addf %parallel_loop3A_78, %parallel_loop3A_80 : vector<16xf32>
      %parallel_loop3A_82 = arith.fptosi %parallel_loop3A_81 : vector<16xf32> to vector<16xi32>
      %parallel_loop3A_83 = arith.constant 127 : i32
      %parallel_loop3A_84 = vector.broadcast %parallel_loop3A_83 : i32 to vector<16xi32>
      %parallel_loop3A_85 = arith.minsi %parallel_loop3A_61, %parallel_loop3A_84 : vector<16xi32>
      %parallel_loop3A_86 = arith.constant 0 : i32
      %parallel_loop3A_87 = vector.broadcast %parallel_loop3A_86 : i32 to vector<16xi32>
      %parallel_loop3A_88 = arith.addi %parallel_loop3A_85, %parallel_loop3A_87 : vector<16xi32>
      %parallel_loop3A_89 = arith.constant 127 : i32
      %parallel_loop3A_90 = vector.broadcast %parallel_loop3A_89 : i32 to vector<16xi32>
      %parallel_loop3A_91 = arith.minsi %parallel_loop3A_68, %parallel_loop3A_90 : vector<16xi32>
      %parallel_loop3A_92 = arith.constant 128 : i32
      %parallel_loop3A_93 = vector.broadcast %parallel_loop3A_92 : i32 to vector<16xi32>
      %parallel_loop3A_94 = arith.addi %parallel_loop3A_91, %parallel_loop3A_93 : vector<16xi32>
      %parallel_loop3A_95 = arith.constant 127 : i32
      %parallel_loop3A_96 = vector.broadcast %parallel_loop3A_95 : i32 to vector<16xi32>
      %parallel_loop3A_97 = arith.minsi %parallel_loop3A_75, %parallel_loop3A_96 : vector<16xi32>
      %parallel_loop3A_98 = arith.constant 256 : i32
      %parallel_loop3A_99 = vector.broadcast %parallel_loop3A_98 : i32 to vector<16xi32>
      %parallel_loop3A_100 = arith.addi %parallel_loop3A_97, %parallel_loop3A_99 : vector<16xi32>
      %parallel_loop3A_101 = arith.constant 127 : i32
      %parallel_loop3A_102 = vector.broadcast %parallel_loop3A_101 : i32 to vector<16xi32>
      %parallel_loop3A_103 = arith.minsi %parallel_loop3A_82, %parallel_loop3A_102 : vector<16xi32>
      %parallel_loop3A_104 = arith.constant 384 : i32
      %parallel_loop3A_105 = vector.broadcast %parallel_loop3A_104 : i32 to vector<16xi32>
      %parallel_loop3A_106 = arith.addi %parallel_loop3A_103, %parallel_loop3A_105 : vector<16xi32>
      %parallel_loop3A_107 = tpu.vector_load_idx %arg9[%parallel_loop3A_88] : memref<4096xf32, #tpu.memory_space<vmem>>[vector<16xi32>], vector<16xf32>,
      %parallel_loop3A_108 = tpu.vector_load_idx %arg9[%parallel_loop3A_94] : memref<4096xf32, #tpu.memory_space<vmem>>[vector<16xi32>], vector<16xf32>,
      %parallel_loop3A_109 = tpu.vector_load_idx %arg9[%parallel_loop3A_100] : memref<4096xf32, #tpu.memory_space<vmem>>[vector<16xi32>], vector<16xf32>,
      %parallel_loop3A_110 = tpu.vector_load_idx %arg9[%parallel_loop3A_106] : memref<4096xf32, #tpu.memory_space<vmem>>[vector<16xi32>], vector<16xf32>,
      %parallel_loop3A_111 = tpu.vector_load_idx %arg10[%parallel_loop3A_88] : memref<4096xf32, #tpu.memory_space<vmem>>[vector<16xi32>], vector<16xf32>,
      %parallel_loop3A_112 = tpu.vector_load_idx %arg10[%parallel_loop3A_94] : memref<4096xf32, #tpu.memory_space<vmem>>[vector<16xi32>], vector<16xf32>,
      %parallel_loop3A_113 = tpu.vector_load_idx %arg10[%parallel_loop3A_100] : memref<4096xf32, #tpu.memory_space<vmem>>[vector<16xi32>], vector<16xf32>,
      %parallel_loop3A_114 = tpu.vector_load_idx %arg10[%parallel_loop3A_106] : memref<4096xf32, #tpu.memory_space<vmem>>[vector<16xi32>], vector<16xf32>,
      %parallel_loop3A_115 = arith.mulf %parallel_loop3A_111, %parallel_loop3A_26 : vector<16xf32>
      %parallel_loop3A_116 = arith.addf %parallel_loop3A_107, %parallel_loop3A_115 : vector<16xf32>
      %parallel_loop3A_117 = arith.constant 0.99609375 : f32
      %parallel_loop3A_118 = vector.broadcast %parallel_loop3A_117 : f32 to vector<16xf32>
      %parallel_loop3A_119 = arith.mulf %parallel_loop3A_111, %parallel_loop3A_118 : vector<16xf32>
      %parallel_loop3A_120 = arith.addf %parallel_loop3A_107, %parallel_loop3A_119 : vector<16xf32>
      %parallel_loop3A_121 = arith.constant 1.000000e+00 : f32
      %parallel_loop3A_122 = vector.broadcast %parallel_loop3A_121 : f32 to vector<16xf32>
      %parallel_loop3A_123 = arith.subf %parallel_loop3A_122, %parallel_loop3A_120 : vector<16xf32>
      %parallel_loop3A_124 = arith.constant 2.560000e+02 : f32
      %parallel_loop3A_125 = vector.broadcast %parallel_loop3A_124 : f32 to vector<16xf32>
      %parallel_loop3A_126 = arith.mulf %parallel_loop3A_125, %parallel_loop3A_26 : vector<16xf32>
      %parallel_loop3A_127 = arith.constant 2.550000e+02 : f32
      %parallel_loop3A_128 = vector.broadcast %parallel_loop3A_127 : f32 to vector<16xf32>
      %parallel_loop3A_129 = arith.subf %parallel_loop3A_126, %parallel_loop3A_128 : vector<16xf32>
      %parallel_loop3A_130 = arith.mulf %parallel_loop3A_123, %parallel_loop3A_129 : vector<16xf32>
      %parallel_loop3A_131 = arith.addf %parallel_loop3A_120, %parallel_loop3A_130 : vector<16xf32>
      %parallel_loop3A_132 = arith.constant 128 : i32
      %parallel_loop3A_133 = vector.broadcast %parallel_loop3A_132 : i32 to vector<16xi32>
      %parallel_loop3A_134 = arith.cmpi sge, %parallel_loop3A_61, %parallel_loop3A_133 : vector<16xi32>
      %parallel_loop3A_135 = arith.select %parallel_loop3A_134, %parallel_loop3A_131, %parallel_loop3A_116 : vector<16xi1>, vector<16xf32>
      %parallel_loop3A_136 = arith.constant 1 : i32
      %parallel_loop3A_137 = vector.broadcast %parallel_loop3A_136 : i32 to vector<16xi32>
      %parallel_loop3A_138 = arith.cmpi eq, %parallel_loop3A_42, %parallel_loop3A_137 : vector<16xi32>
      %parallel_loop3A_139 = arith.select %parallel_loop3A_138, %parallel_loop3A_135, %broadcast_in_dim3A_17 : vector<16xi1>, vector<16xf32>
      %parallel_loop3A_140 = arith.constant 0 : i32
      %parallel_loop3A_141 = arith.index_cast %parallel_loop3A_140 : i32 to index
      %parallel_loop3A_142 = arith.index_cast %parallel_loop3A_22 : i32 to index
      %parallel_loop3A_143 = tpu.vector_load %arg11[%parallel_loop3A_141, %parallel_loop3A_142] {strides = array<i32>} : memref<26x512xf32, #tpu.memory_space<vmem>>, vector<16xf32>,
      tpu.vector_store %arg11[%parallel_loop3A_141, %parallel_loop3A_142], %parallel_loop3A_139 {strides = array<i32>} : memref<26x512xf32, #tpu.memory_space<vmem>>, vector<16xf32>,
      %parallel_loop3A_144 = arith.mulf %parallel_loop3A_112, %parallel_loop3A_30 : vector<16xf32>
      %parallel_loop3A_145 = arith.addf %parallel_loop3A_108, %parallel_loop3A_144 : vector<16xf32>
      %parallel_loop3A_146 = arith.constant 0.99609375 : f32
      %parallel_loop3A_147 = vector.broadcast %parallel_loop3A_146 : f32 to vector<16xf32>
      %parallel_loop3A_148 = arith.mulf %parallel_loop3A_112, %parallel_loop3A_147 : vector<16xf32>
      %parallel_loop3A_149 = arith.addf %parallel_loop3A_108, %parallel_loop3A_148 : vector<16xf32>
      %parallel_loop3A_150 = arith.constant 1.000000e+00 : f32
      %parallel_loop3A_151 = vector.broadcast %parallel_loop3A_150 : f32 to vector<16xf32>
      %parallel_loop3A_152 = arith.subf %parallel_loop3A_151, %parallel_loop3A_149 : vector<16xf32>
      %parallel_loop3A_153 = arith.constant 2.560000e+02 : f32
      %parallel_loop3A_154 = vector.broadcast %parallel_loop3A_153 : f32 to vector<16xf32>
      %parallel_loop3A_155 = arith.mulf %parallel_loop3A_154, %parallel_loop3A_30 : vector<16xf32>
      %parallel_loop3A_156 = arith.constant 2.550000e+02 : f32
      %parallel_loop3A_157 = vector.broadcast %parallel_loop3A_156 : f32 to vector<16xf32>
      %parallel_loop3A_158 = arith.subf %parallel_loop3A_155, %parallel_loop3A_157 : vector<16xf32>
      %parallel_loop3A_159 = arith.mulf %parallel_loop3A_152, %parallel_loop3A_158 : vector<16xf32>
      %parallel_loop3A_160 = arith.addf %parallel_loop3A_149, %parallel_loop3A_159 : vector<16xf32>
      %parallel_loop3A_161 = arith.constant 128 : i32
      %parallel_loop3A_162 = vector.broadcast %parallel_loop3A_161 : i32 to vector<16xi32>
      %parallel_loop3A_163 = arith.cmpi sge, %parallel_loop3A_68, %parallel_loop3A_162 : vector<16xi32>
      %parallel_loop3A_164 = arith.select %parallel_loop3A_163, %parallel_loop3A_160, %parallel_loop3A_145 : vector<16xi1>, vector<16xf32>
      %parallel_loop3A_165 = arith.constant 1 : i32
      %parallel_loop3A_166 = vector.broadcast %parallel_loop3A_165 : i32 to vector<16xi32>
      %parallel_loop3A_167 = arith.cmpi eq, %parallel_loop3A_46, %parallel_loop3A_166 : vector<16xi32>
      %parallel_loop3A_168 = arith.select %parallel_loop3A_167, %parallel_loop3A_164, %broadcast_in_dim3A_17 : vector<16xi1>, vector<16xf32>
      %parallel_loop3A_169 = arith.constant 1 : i32
      %parallel_loop3A_170 = arith.index_cast %parallel_loop3A_169 : i32 to index
      %parallel_loop3A_171 = arith.index_cast %parallel_loop3A_22 : i32 to index
      %parallel_loop3A_172 = tpu.vector_load %arg11[%parallel_loop3A_170, %parallel_loop3A_171] {strides = array<i32>} : memref<26x512xf32, #tpu.memory_space<vmem>>, vector<16xf32>,
      tpu.vector_store %arg11[%parallel_loop3A_170, %parallel_loop3A_171], %parallel_loop3A_168 {strides = array<i32>} : memref<26x512xf32, #tpu.memory_space<vmem>>, vector<16xf32>,
      %parallel_loop3A_173 = arith.mulf %parallel_loop3A_113, %parallel_loop3A_34 : vector<16xf32>
      %parallel_loop3A_174 = arith.addf %parallel_loop3A_109, %parallel_loop3A_173 : vector<16xf32>
      %parallel_loop3A_175 = arith.constant 0.99609375 : f32
      %parallel_loop3A_176 = vector.broadcast %parallel_loop3A_175 : f32 to vector<16xf32>
      %parallel_loop3A_177 = arith.mulf %parallel_loop3A_113, %parallel_loop3A_176 : vector<16xf32>
      %parallel_loop3A_178 = arith.addf %parallel_loop3A_109, %parallel_loop3A_177 : vector<16xf32>
      %parallel_loop3A_179 = arith.constant 1.000000e+00 : f32
      %parallel_loop3A_180 = vector.broadcast %parallel_loop3A_179 : f32 to vector<16xf32>
      %parallel_loop3A_181 = arith.subf %parallel_loop3A_180, %parallel_loop3A_178 : vector<16xf32>
      %parallel_loop3A_182 = arith.constant 2.560000e+02 : f32
      %parallel_loop3A_183 = vector.broadcast %parallel_loop3A_182 : f32 to vector<16xf32>
      %parallel_loop3A_184 = arith.mulf %parallel_loop3A_183, %parallel_loop3A_34 : vector<16xf32>
      %parallel_loop3A_185 = arith.constant 2.550000e+02 : f32
      %parallel_loop3A_186 = vector.broadcast %parallel_loop3A_185 : f32 to vector<16xf32>
      %parallel_loop3A_187 = arith.subf %parallel_loop3A_184, %parallel_loop3A_186 : vector<16xf32>
      %parallel_loop3A_188 = arith.mulf %parallel_loop3A_181, %parallel_loop3A_187 : vector<16xf32>
      %parallel_loop3A_189 = arith.addf %parallel_loop3A_178, %parallel_loop3A_188 : vector<16xf32>
      %parallel_loop3A_190 = arith.constant 128 : i32
      %parallel_loop3A_191 = vector.broadcast %parallel_loop3A_190 : i32 to vector<16xi32>
      %parallel_loop3A_192 = arith.cmpi sge, %parallel_loop3A_75, %parallel_loop3A_191 : vector<16xi32>
      %parallel_loop3A_193 = arith.select %parallel_loop3A_192, %parallel_loop3A_189, %parallel_loop3A_174 : vector<16xi1>, vector<16xf32>
      %parallel_loop3A_194 = arith.constant 1 : i32
      %parallel_loop3A_195 = vector.broadcast %parallel_loop3A_194 : i32 to vector<16xi32>
      %parallel_loop3A_196 = arith.cmpi eq, %parallel_loop3A_50, %parallel_loop3A_195 : vector<16xi32>
      %parallel_loop3A_197 = arith.select %parallel_loop3A_196, %parallel_loop3A_193, %broadcast_in_dim3A_17 : vector<16xi1>, vector<16xf32>
      %parallel_loop3A_198 = arith.constant 2 : i32
      %parallel_loop3A_199 = arith.index_cast %parallel_loop3A_198 : i32 to index
      %parallel_loop3A_200 = arith.index_cast %parallel_loop3A_22 : i32 to index
      %parallel_loop3A_201 = tpu.vector_load %arg11[%parallel_loop3A_199, %parallel_loop3A_200] {strides = array<i32>} : memref<26x512xf32, #tpu.memory_space<vmem>>, vector<16xf32>,
      tpu.vector_store %arg11[%parallel_loop3A_199, %parallel_loop3A_200], %parallel_loop3A_197 {strides = array<i32>} : memref<26x512xf32, #tpu.memory_space<vmem>>, vector<16xf32>,
      %parallel_loop3A_202 = arith.mulf %parallel_loop3A_114, %parallel_loop3A_38 : vector<16xf32>
      %parallel_loop3A_203 = arith.addf %parallel_loop3A_110, %parallel_loop3A_202 : vector<16xf32>
      %parallel_loop3A_204 = arith.constant 0.99609375 : f32
      %parallel_loop3A_205 = vector.broadcast %parallel_loop3A_204 : f32 to vector<16xf32>
      %parallel_loop3A_206 = arith.mulf %parallel_loop3A_114, %parallel_loop3A_205 : vector<16xf32>
      %parallel_loop3A_207 = arith.addf %parallel_loop3A_110, %parallel_loop3A_206 : vector<16xf32>
      %parallel_loop3A_208 = arith.constant 1.000000e+00 : f32
      %parallel_loop3A_209 = vector.broadcast %parallel_loop3A_208 : f32 to vector<16xf32>
      %parallel_loop3A_210 = arith.subf %parallel_loop3A_209, %parallel_loop3A_207 : vector<16xf32>
      %parallel_loop3A_211 = arith.constant 2.560000e+02 : f32
      %parallel_loop3A_212 = vector.broadcast %parallel_loop3A_211 : f32 to vector<16xf32>
      %parallel_loop3A_213 = arith.mulf %parallel_loop3A_212, %parallel_loop3A_38 : vector<16xf32>
      %parallel_loop3A_214 = arith.constant 2.550000e+02 : f32
      %parallel_loop3A_215 = vector.broadcast %parallel_loop3A_214 : f32 to vector<16xf32>
      %parallel_loop3A_216 = arith.subf %parallel_loop3A_213, %parallel_loop3A_215 : vector<16xf32>
      %parallel_loop3A_217 = arith.mulf %parallel_loop3A_210, %parallel_loop3A_216 : vector<16xf32>
      %parallel_loop3A_218 = arith.addf %parallel_loop3A_207, %parallel_loop3A_217 : vector<16xf32>
      %parallel_loop3A_219 = arith.constant 128 : i32
      %parallel_loop3A_220 = vector.broadcast %parallel_loop3A_219 : i32 to vector<16xi32>
      %parallel_loop3A_221 = arith.cmpi sge, %parallel_loop3A_82, %parallel_loop3A_220 : vector<16xi32>
      %parallel_loop3A_222 = arith.select %parallel_loop3A_221, %parallel_loop3A_218, %parallel_loop3A_203 : vector<16xi1>, vector<16xf32>
      %parallel_loop3A_223 = arith.constant 1 : i32
      %parallel_loop3A_224 = vector.broadcast %parallel_loop3A_223 : i32 to vector<16xi32>
      %parallel_loop3A_225 = arith.cmpi eq, %parallel_loop3A_54, %parallel_loop3A_224 : vector<16xi32>
      %parallel_loop3A_226 = arith.select %parallel_loop3A_225, %parallel_loop3A_222, %broadcast_in_dim3A_17 : vector<16xi1>, vector<16xf32>
      %parallel_loop3A_227 = arith.constant 3 : i32
      %parallel_loop3A_228 = arith.index_cast %parallel_loop3A_227 : i32 to index
      %parallel_loop3A_229 = arith.index_cast %parallel_loop3A_22 : i32 to index
      %parallel_loop3A_230 = tpu.vector_load %arg11[%parallel_loop3A_228, %parallel_loop3A_229] {strides = array<i32>} : memref<26x512xf32, #tpu.memory_space<vmem>>, vector<16xf32>,
      tpu.vector_store %arg11[%parallel_loop3A_228, %parallel_loop3A_229], %parallel_loop3A_226 {strides = array<i32>} : memref<26x512xf32, #tpu.memory_space<vmem>>, vector<16xf32>,
      %parallel_loop3A_231 = arith.constant 4 : i32
      %parallel_loop3A_232 = arith.index_cast %parallel_loop3A_231 : i32 to index
      %parallel_loop3A_233 = arith.index_cast %parallel_loop3A_22 : i32 to index
      %parallel_loop3A_234 = tpu.vector_load %arg7[%parallel_loop3A_232, %parallel_loop3A_233] {strides = array<i32>} : memref<26x512xf32, #tpu.memory_space<vmem>>, vector<16xf32>,
      %parallel_loop3A_235 = arith.constant 5 : i32
      %parallel_loop3A_236 = arith.index_cast %parallel_loop3A_235 : i32 to index
      %parallel_loop3A_237 = arith.index_cast %parallel_loop3A_22 : i32 to index
      %parallel_loop3A_238 = tpu.vector_load %arg7[%parallel_loop3A_236, %parallel_loop3A_237] {strides = array<i32>} : memref<26x512xf32, #tpu.memory_space<vmem>>, vector<16xf32>,
      %parallel_loop3A_239 = arith.constant 6 : i32
      %parallel_loop3A_240 = arith.index_cast %parallel_loop3A_239 : i32 to index
      %parallel_loop3A_241 = arith.index_cast %parallel_loop3A_22 : i32 to index
      %parallel_loop3A_242 = tpu.vector_load %arg7[%parallel_loop3A_240, %parallel_loop3A_241] {strides = array<i32>} : memref<26x512xf32, #tpu.memory_space<vmem>>, vector<16xf32>,
      %parallel_loop3A_243 = arith.constant 7 : i32
      %parallel_loop3A_244 = arith.index_cast %parallel_loop3A_243 : i32 to index
      %parallel_loop3A_245 = arith.index_cast %parallel_loop3A_22 : i32 to index
      %parallel_loop3A_246 = tpu.vector_load %arg7[%parallel_loop3A_244, %parallel_loop3A_245] {strides = array<i32>} : memref<26x512xf32, #tpu.memory_space<vmem>>, vector<16xf32>,
      %parallel_loop3A_247 = arith.constant 4 : i32
      %parallel_loop3A_248 = arith.index_cast %parallel_loop3A_247 : i32 to index
      %parallel_loop3A_249 = arith.index_cast %parallel_loop3A_22 : i32 to index
      %parallel_loop3A_250 = tpu.vector_load %arg8[%parallel_loop3A_248, %parallel_loop3A_249] {strides = array<i32>} : memref<26x512xi32, #tpu.memory_space<vmem>>, vector<16xi32>,
      %parallel_loop3A_251 = arith.constant 5 : i32
      %parallel_loop3A_252 = arith.index_cast %parallel_loop3A_251 : i32 to index
      %parallel_loop3A_253 = arith.index_cast %parallel_loop3A_22 : i32 to index
      %parallel_loop3A_254 = tpu.vector_load %arg8[%parallel_loop3A_252, %parallel_loop3A_253] {strides = array<i32>} : memref<26x512xi32, #tpu.memory_space<vmem>>, vector<16xi32>,
      %parallel_loop3A_255 = arith.constant 6 : i32
      %parallel_loop3A_256 = arith.index_cast %parallel_loop3A_255 : i32 to index
      %parallel_loop3A_257 = arith.index_cast %parallel_loop3A_22 : i32 to index
      %parallel_loop3A_258 = tpu.vector_load %arg8[%parallel_loop3A_256, %parallel_loop3A_257] {strides = array<i32>} : memref<26x512xi32, #tpu.memory_space<vmem>>, vector<16xi32>,
      %parallel_loop3A_259 = arith.constant 7 : i32
      %parallel_loop3A_260 = arith.index_cast %parallel_loop3A_259 : i32 to index
      %parallel_loop3A_261 = arith.index_cast %parallel_loop3A_22 : i32 to index
      %parallel_loop3A_262 = tpu.vector_load %arg8[%parallel_loop3A_260, %parallel_loop3A_261] {strides = array<i32>} : memref<26x512xi32, #tpu.memory_space<vmem>>, vector<16xi32>,
      %parallel_loop3A_263 = arith.constant 1.280000e+02 : f32
      %parallel_loop3A_264 = vector.broadcast %parallel_loop3A_263 : f32 to vector<16xf32>
      %parallel_loop3A_265 = arith.mulf %parallel_loop3A_234, %parallel_loop3A_264 : vector<16xf32>
      %parallel_loop3A_266 = arith.constant 5.000000e-01 : f32
      %parallel_loop3A_267 = vector.broadcast %parallel_loop3A_266 : f32 to vector<16xf32>
      %parallel_loop3A_268 = arith.addf %parallel_loop3A_265, %parallel_loop3A_267 : vector<16xf32>
      %parallel_loop3A_269 = arith.fptosi %parallel_loop3A_268 : vector<16xf32> to vector<16xi32>
      %parallel_loop3A_270 = arith.constant 1.280000e+02 : f32
      %parallel_loop3A_271 = vector.broadcast %parallel_loop3A_270 : f32 to vector<16xf32>
      %parallel_loop3A_272 = arith.mulf %parallel_loop3A_238, %parallel_loop3A_271 : vector<16xf32>
      %parallel_loop3A_273 = arith.constant 5.000000e-01 : f32
      %parallel_loop3A_274 = vector.broadcast %parallel_loop3A_273 : f32 to vector<16xf32>
      %parallel_loop3A_275 = arith.addf %parallel_loop3A_272, %parallel_loop3A_274 : vector<16xf32>
      %parallel_loop3A_276 = arith.fptosi %parallel_loop3A_275 : vector<16xf32> to vector<16xi32>
      %parallel_loop3A_277 = arith.constant 1.280000e+02 : f32
      %parallel_loop3A_278 = vector.broadcast %parallel_loop3A_277 : f32 to vector<16xf32>
      %parallel_loop3A_279 = arith.mulf %parallel_loop3A_242, %parallel_loop3A_278 : vector<16xf32>
      %parallel_loop3A_280 = arith.constant 5.000000e-01 : f32
      %parallel_loop3A_281 = vector.broadcast %parallel_loop3A_280 : f32 to vector<16xf32>
      %parallel_loop3A_282 = arith.addf %parallel_loop3A_279, %parallel_loop3A_281 : vector<16xf32>
      %parallel_loop3A_283 = arith.fptosi %parallel_loop3A_282 : vector<16xf32> to vector<16xi32>
      %parallel_loop3A_284 = arith.constant 1.280000e+02 : f32
      %parallel_loop3A_285 = vector.broadcast %parallel_loop3A_284 : f32 to vector<16xf32>
      %parallel_loop3A_286 = arith.mulf %parallel_loop3A_246, %parallel_loop3A_285 : vector<16xf32>
      %parallel_loop3A_287 = arith.constant 5.000000e-01 : f32
      %parallel_loop3A_288 = vector.broadcast %parallel_loop3A_287 : f32 to vector<16xf32>
      %parallel_loop3A_289 = arith.addf %parallel_loop3A_286, %parallel_loop3A_288 : vector<16xf32>
      %parallel_loop3A_290 = arith.fptosi %parallel_loop3A_289 : vector<16xf32> to vector<16xi32>
      %parallel_loop3A_291 = arith.constant 127 : i32
      %parallel_loop3A_292 = vector.broadcast %parallel_loop3A_291 : i32 to vector<16xi32>
      %parallel_loop3A_293 = arith.minsi %parallel_loop3A_269, %parallel_loop3A_292 : vector<16xi32>
      %parallel_loop3A_294 = arith.constant 512 : i32
      %parallel_loop3A_295 = vector.broadcast %parallel_loop3A_294 : i32 to vector<16xi32>
      %parallel_loop3A_296 = arith.addi %parallel_loop3A_293, %parallel_loop3A_295 : vector<16xi32>
      %parallel_loop3A_297 = arith.constant 127 : i32
      %parallel_loop3A_298 = vector.broadcast %parallel_loop3A_297 : i32 to vector<16xi32>
      %parallel_loop3A_299 = arith.minsi %parallel_loop3A_276, %parallel_loop3A_298 : vector<16xi32>
      %parallel_loop3A_300 = arith.constant 640 : i32
      %parallel_loop3A_301 = vector.broadcast %parallel_loop3A_300 : i32 to vector<16xi32>
      %parallel_loop3A_302 = arith.addi %parallel_loop3A_299, %parallel_loop3A_301 : vector<16xi32>
      %parallel_loop3A_303 = arith.constant 127 : i32
      %parallel_loop3A_304 = vector.broadcast %parallel_loop3A_303 : i32 to vector<16xi32>
      %parallel_loop3A_305 = arith.minsi %parallel_loop3A_283, %parallel_loop3A_304 : vector<16xi32>
      %parallel_loop3A_306 = arith.constant 768 : i32
      %parallel_loop3A_307 = vector.broadcast %parallel_loop3A_306 : i32 to vector<16xi32>
      %parallel_loop3A_308 = arith.addi %parallel_loop3A_305, %parallel_loop3A_307 : vector<16xi32>
      %parallel_loop3A_309 = arith.constant 127 : i32
      %parallel_loop3A_310 = vector.broadcast %parallel_loop3A_309 : i32 to vector<16xi32>
      %parallel_loop3A_311 = arith.minsi %parallel_loop3A_290, %parallel_loop3A_310 : vector<16xi32>
      %parallel_loop3A_312 = arith.constant 896 : i32
      %parallel_loop3A_313 = vector.broadcast %parallel_loop3A_312 : i32 to vector<16xi32>
      %parallel_loop3A_314 = arith.addi %parallel_loop3A_311, %parallel_loop3A_313 : vector<16xi32>
      %parallel_loop3A_315 = tpu.vector_load_idx %arg9[%parallel_loop3A_296] : memref<4096xf32, #tpu.memory_space<vmem>>[vector<16xi32>], vector<16xf32>,
      %parallel_loop3A_316 = tpu.vector_load_idx %arg9[%parallel_loop3A_302] : memref<4096xf32, #tpu.memory_space<vmem>>[vector<16xi32>], vector<16xf32>,
      %parallel_loop3A_317 = tpu.vector_load_idx %arg9[%parallel_loop3A_308] : memref<4096xf32, #tpu.memory_space<vmem>>[vector<16xi32>], vector<16xf32>,
      %parallel_loop3A_318 = tpu.vector_load_idx %arg9[%parallel_loop3A_314] : memref<4096xf32, #tpu.memory_space<vmem>>[vector<16xi32>], vector<16xf32>,
      %parallel_loop3A_319 = tpu.vector_load_idx %arg10[%parallel_loop3A_296] : memref<4096xf32, #tpu.memory_space<vmem>>[vector<16xi32>], vector<16xf32>,
      %parallel_loop3A_320 = tpu.vector_load_idx %arg10[%parallel_loop3A_302] : memref<4096xf32, #tpu.memory_space<vmem>>[vector<16xi32>], vector<16xf32>,
      %parallel_loop3A_321 = tpu.vector_load_idx %arg10[%parallel_loop3A_308] : memref<4096xf32, #tpu.memory_space<vmem>>[vector<16xi32>], vector<16xf32>,
      %parallel_loop3A_322 = tpu.vector_load_idx %arg10[%parallel_loop3A_314] : memref<4096xf32, #tpu.memory_space<vmem>>[vector<16xi32>], vector<16xf32>,
      %parallel_loop3A_323 = arith.mulf %parallel_loop3A_319, %parallel_loop3A_234 : vector<16xf32>
      %parallel_loop3A_324 = arith.addf %parallel_loop3A_315, %parallel_loop3A_323 : vector<16xf32>
      %parallel_loop3A_325 = arith.constant 0.99609375 : f32
      %parallel_loop3A_326 = vector.broadcast %parallel_loop3A_325 : f32 to vector<16xf32>
      %parallel_loop3A_327 = arith.mulf %parallel_loop3A_319, %parallel_loop3A_326 : vector<16xf32>
      %parallel_loop3A_328 = arith.addf %parallel_loop3A_315, %parallel_loop3A_327 : vector<16xf32>
      %parallel_loop3A_329 = arith.constant 1.000000e+00 : f32
      %parallel_loop3A_330 = vector.broadcast %parallel_loop3A_329 : f32 to vector<16xf32>
      %parallel_loop3A_331 = arith.subf %parallel_loop3A_330, %parallel_loop3A_328 : vector<16xf32>
      %parallel_loop3A_332 = arith.constant 2.560000e+02 : f32
      %parallel_loop3A_333 = vector.broadcast %parallel_loop3A_332 : f32 to vector<16xf32>
      %parallel_loop3A_334 = arith.mulf %parallel_loop3A_333, %parallel_loop3A_234 : vector<16xf32>
      %parallel_loop3A_335 = arith.constant 2.550000e+02 : f32
      %parallel_loop3A_336 = vector.broadcast %parallel_loop3A_335 : f32 to vector<16xf32>
      %parallel_loop3A_337 = arith.subf %parallel_loop3A_334, %parallel_loop3A_336 : vector<16xf32>
      %parallel_loop3A_338 = arith.mulf %parallel_loop3A_331, %parallel_loop3A_337 : vector<16xf32>
      %parallel_loop3A_339 = arith.addf %parallel_loop3A_328, %parallel_loop3A_338 : vector<16xf32>
      %parallel_loop3A_340 = arith.constant 128 : i32
      %parallel_loop3A_341 = vector.broadcast %parallel_loop3A_340 : i32 to vector<16xi32>
      %parallel_loop3A_342 = arith.cmpi sge, %parallel_loop3A_269, %parallel_loop3A_341 : vector<16xi32>
      %parallel_loop3A_343 = arith.select %parallel_loop3A_342, %parallel_loop3A_339, %parallel_loop3A_324 : vector<16xi1>, vector<16xf32>
      %parallel_loop3A_344 = arith.constant 1 : i32
      %parallel_loop3A_345 = vector.broadcast %parallel_loop3A_344 : i32 to vector<16xi32>
      %parallel_loop3A_346 = arith.cmpi eq, %parallel_loop3A_250, %parallel_loop3A_345 : vector<16xi32>
      %parallel_loop3A_347 = arith.select %parallel_loop3A_346, %parallel_loop3A_343, %broadcast_in_dim3A_17 : vector<16xi1>, vector<16xf32>
      %parallel_loop3A_348 = arith.constant 4 : i32
      %parallel_loop3A_349 = arith.index_cast %parallel_loop3A_348 : i32 to index
      %parallel_loop3A_350 = arith.index_cast %parallel_loop3A_22 : i32 to index
      %parallel_loop3A_351 = tpu.vector_load %arg11[%parallel_loop3A_349, %parallel_loop3A_350] {strides = array<i32>} : memref<26x512xf32, #tpu.memory_space<vmem>>, vector<16xf32>,
      tpu.vector_store %arg11[%parallel_loop3A_349, %parallel_loop3A_350], %parallel_loop3A_347 {strides = array<i32>} : memref<26x512xf32, #tpu.memory_space<vmem>>, vector<16xf32>,
      %parallel_loop3A_352 = arith.mulf %parallel_loop3A_320, %parallel_loop3A_238 : vector<16xf32>
      %parallel_loop3A_353 = arith.addf %parallel_loop3A_316, %parallel_loop3A_352 : vector<16xf32>
      %parallel_loop3A_354 = arith.constant 0.99609375 : f32
      %parallel_loop3A_355 = vector.broadcast %parallel_loop3A_354 : f32 to vector<16xf32>
      %parallel_loop3A_356 = arith.mulf %parallel_loop3A_320, %parallel_loop3A_355 : vector<16xf32>
      %parallel_loop3A_357 = arith.addf %parallel_loop3A_316, %parallel_loop3A_356 : vector<16xf32>
      %parallel_loop3A_358 = arith.constant 1.000000e+00 : f32
      %parallel_loop3A_359 = vector.broadcast %parallel_loop3A_358 : f32 to vector<16xf32>
      %parallel_loop3A_360 = arith.subf %parallel_loop3A_359, %parallel_loop3A_357 : vector<16xf32>
      %parallel_loop3A_361 = arith.constant 2.560000e+02 : f32
      %parallel_loop3A_362 = vector.broadcast %parallel_loop3A_361 : f32 to vector<16xf32>
      %parallel_loop3A_363 = arith.mulf %parallel_loop3A_362, %parallel_loop3A_238 : vector<16xf32>
      %parallel_loop3A_364 = arith.constant 2.550000e+02 : f32
      %parallel_loop3A_365 = vector.broadcast %parallel_loop3A_364 : f32 to vector<16xf32>
      %parallel_loop3A_366 = arith.subf %parallel_loop3A_363, %parallel_loop3A_365 : vector<16xf32>
      %parallel_loop3A_367 = arith.mulf %parallel_loop3A_360, %parallel_loop3A_366 : vector<16xf32>
      %parallel_loop3A_368 = arith.addf %parallel_loop3A_357, %parallel_loop3A_367 : vector<16xf32>
      %parallel_loop3A_369 = arith.constant 128 : i32
      %parallel_loop3A_370 = vector.broadcast %parallel_loop3A_369 : i32 to vector<16xi32>
      %parallel_loop3A_371 = arith.cmpi sge, %parallel_loop3A_276, %parallel_loop3A_370 : vector<16xi32>
      %parallel_loop3A_372 = arith.select %parallel_loop3A_371, %parallel_loop3A_368, %parallel_loop3A_353 : vector<16xi1>, vector<16xf32>
      %parallel_loop3A_373 = arith.constant 1 : i32
      %parallel_loop3A_374 = vector.broadcast %parallel_loop3A_373 : i32 to vector<16xi32>
      %parallel_loop3A_375 = arith.cmpi eq, %parallel_loop3A_254, %parallel_loop3A_374 : vector<16xi32>
      %parallel_loop3A_376 = arith.select %parallel_loop3A_375, %parallel_loop3A_372, %broadcast_in_dim3A_17 : vector<16xi1>, vector<16xf32>
      %parallel_loop3A_377 = arith.constant 5 : i32
      %parallel_loop3A_378 = arith.index_cast %parallel_loop3A_377 : i32 to index
      %parallel_loop3A_379 = arith.index_cast %parallel_loop3A_22 : i32 to index
      %parallel_loop3A_380 = tpu.vector_load %arg11[%parallel_loop3A_378, %parallel_loop3A_379] {strides = array<i32>} : memref<26x512xf32, #tpu.memory_space<vmem>>, vector<16xf32>,
      tpu.vector_store %arg11[%parallel_loop3A_378, %parallel_loop3A_379], %parallel_loop3A_376 {strides = array<i32>} : memref<26x512xf32, #tpu.memory_space<vmem>>, vector<16xf32>,
      %parallel_loop3A_381 = arith.mulf %parallel_loop3A_321, %parallel_loop3A_242 : vector<16xf32>
      %parallel_loop3A_382 = arith.addf %parallel_loop3A_317, %parallel_loop3A_381 : vector<16xf32>
      %parallel_loop3A_383 = arith.constant 0.99609375 : f32
      %parallel_loop3A_384 = vector.broadcast %parallel_loop3A_383 : f32 to vector<16xf32>
      %parallel_loop3A_385 = arith.mulf %parallel_loop3A_321, %parallel_loop3A_384 : vector<16xf32>
      %parallel_loop3A_386 = arith.addf %parallel_loop3A_317, %parallel_loop3A_385 : vector<16xf32>
      %parallel_loop3A_387 = arith.constant 1.000000e+00 : f32
      %parallel_loop3A_388 = vector.broadcast %parallel_loop3A_387 : f32 to vector<16xf32>
      %parallel_loop3A_389 = arith.subf %parallel_loop3A_388, %parallel_loop3A_386 : vector<16xf32>
      %parallel_loop3A_390 = arith.constant 2.560000e+02 : f32
      %parallel_loop3A_391 = vector.broadcast %parallel_loop3A_390 : f32 to vector<16xf32>
      %parallel_loop3A_392 = arith.mulf %parallel_loop3A_391, %parallel_loop3A_242 : vector<16xf32>
      %parallel_loop3A_393 = arith.constant 2.550000e+02 : f32
      %parallel_loop3A_394 = vector.broadcast %parallel_loop3A_393 : f32 to vector<16xf32>
      %parallel_loop3A_395 = arith.subf %parallel_loop3A_392, %parallel_loop3A_394 : vector<16xf32>
      %parallel_loop3A_396 = arith.mulf %parallel_loop3A_389, %parallel_loop3A_395 : vector<16xf32>
      %parallel_loop3A_397 = arith.addf %parallel_loop3A_386, %parallel_loop3A_396 : vector<16xf32>
      %parallel_loop3A_398 = arith.constant 128 : i32
      %parallel_loop3A_399 = vector.broadcast %parallel_loop3A_398 : i32 to vector<16xi32>
      %parallel_loop3A_400 = arith.cmpi sge, %parallel_loop3A_283, %parallel_loop3A_399 : vector<16xi32>
      %parallel_loop3A_401 = arith.select %parallel_loop3A_400, %parallel_loop3A_397, %parallel_loop3A_382 : vector<16xi1>, vector<16xf32>
      %parallel_loop3A_402 = arith.constant 1 : i32
      %parallel_loop3A_403 = vector.broadcast %parallel_loop3A_402 : i32 to vector<16xi32>
      %parallel_loop3A_404 = arith.cmpi eq, %parallel_loop3A_258, %parallel_loop3A_403 : vector<16xi32>
      %parallel_loop3A_405 = arith.select %parallel_loop3A_404, %parallel_loop3A_401, %broadcast_in_dim3A_17 : vector<16xi1>, vector<16xf32>
      %parallel_loop3A_406 = arith.constant 6 : i32
      %parallel_loop3A_407 = arith.index_cast %parallel_loop3A_406 : i32 to index
      %parallel_loop3A_408 = arith.index_cast %parallel_loop3A_22 : i32 to index
      %parallel_loop3A_409 = tpu.vector_load %arg11[%parallel_loop3A_407, %parallel_loop3A_408] {strides = array<i32>} : memref<26x512xf32, #tpu.memory_space<vmem>>, vector<16xf32>,
      tpu.vector_store %arg11[%parallel_loop3A_407, %parallel_loop3A_408], %parallel_loop3A_405 {strides = array<i32>} : memref<26x512xf32, #tpu.memory_space<vmem>>, vector<16xf32>,
      %parallel_loop3A_410 = arith.mulf %parallel_loop3A_322, %parallel_loop3A_246 : vector<16xf32>
      %parallel_loop3A_411 = arith.addf %parallel_loop3A_318, %parallel_loop3A_410 : vector<16xf32>
      %parallel_loop3A_412 = arith.constant 0.99609375 : f32
      %parallel_loop3A_413 = vector.broadcast %parallel_loop3A_412 : f32 to vector<16xf32>
      %parallel_loop3A_414 = arith.mulf %parallel_loop3A_322, %parallel_loop3A_413 : vector<16xf32>
      %parallel_loop3A_415 = arith.addf %parallel_loop3A_318, %parallel_loop3A_414 : vector<16xf32>
      %parallel_loop3A_416 = arith.constant 1.000000e+00 : f32
      %parallel_loop3A_417 = vector.broadcast %parallel_loop3A_416 : f32 to vector<16xf32>
      %parallel_loop3A_418 = arith.subf %parallel_loop3A_417, %parallel_loop3A_415 : vector<16xf32>
      %parallel_loop3A_419 = arith.constant 2.560000e+02 : f32
      %parallel_loop3A_420 = vector.broadcast %parallel_loop3A_419 : f32 to vector<16xf32>
      %parallel_loop3A_421 = arith.mulf %parallel_loop3A_420, %parallel_loop3A_246 : vector<16xf32>
      %parallel_loop3A_422 = arith.constant 2.550000e+02 : f32
      %parallel_loop3A_423 = vector.broadcast %parallel_loop3A_422 : f32 to vector<16xf32>
      %parallel_loop3A_424 = arith.subf %parallel_loop3A_421, %parallel_loop3A_423 : vector<16xf32>
      %parallel_loop3A_425 = arith.mulf %parallel_loop3A_418, %parallel_loop3A_424 : vector<16xf32>
      %parallel_loop3A_426 = arith.addf %parallel_loop3A_415, %parallel_loop3A_425 : vector<16xf32>
      %parallel_loop3A_427 = arith.constant 128 : i32
      %parallel_loop3A_428 = vector.broadcast %parallel_loop3A_427 : i32 to vector<16xi32>
      %parallel_loop3A_429 = arith.cmpi sge, %parallel_loop3A_290, %parallel_loop3A_428 : vector<16xi32>
      %parallel_loop3A_430 = arith.select %parallel_loop3A_429, %parallel_loop3A_426, %parallel_loop3A_411 : vector<16xi1>, vector<16xf32>
      %parallel_loop3A_431 = arith.constant 1 : i32
      %parallel_loop3A_432 = vector.broadcast %parallel_loop3A_431 : i32 to vector<16xi32>
      %parallel_loop3A_433 = arith.cmpi eq, %parallel_loop3A_262, %parallel_loop3A_432 : vector<16xi32>
      %parallel_loop3A_434 = arith.select %parallel_loop3A_433, %parallel_loop3A_430, %broadcast_in_dim3A_17 : vector<16xi1>, vector<16xf32>
      %parallel_loop3A_435 = arith.constant 7 : i32
      %parallel_loop3A_436 = arith.index_cast %parallel_loop3A_435 : i32 to index
      %parallel_loop3A_437 = arith.index_cast %parallel_loop3A_22 : i32 to index
      %parallel_loop3A_438 = tpu.vector_load %arg11[%parallel_loop3A_436, %parallel_loop3A_437] {strides = array<i32>} : memref<26x512xf32, #tpu.memory_space<vmem>>, vector<16xf32>,
      tpu.vector_store %arg11[%parallel_loop3A_436, %parallel_loop3A_437], %parallel_loop3A_434 {strides = array<i32>} : memref<26x512xf32, #tpu.memory_space<vmem>>, vector<16xf32>,
      %parallel_loop3A_439 = arith.constant 8 : i32
      %parallel_loop3A_440 = arith.index_cast %parallel_loop3A_439 : i32 to index
      %parallel_loop3A_441 = arith.index_cast %parallel_loop3A_22 : i32 to index
      %parallel_loop3A_442 = tpu.vector_load %arg7[%parallel_loop3A_440, %parallel_loop3A_441] {strides = array<i32>} : memref<26x512xf32, #tpu.memory_space<vmem>>, vector<16xf32>,
      %parallel_loop3A_443 = arith.constant 9 : i32
      %parallel_loop3A_444 = arith.index_cast %parallel_loop3A_443 : i32 to index
      %parallel_loop3A_445 = arith.index_cast %parallel_loop3A_22 : i32 to index
      %parallel_loop3A_446 = tpu.vector_load %arg7[%parallel_loop3A_444, %parallel_loop3A_445] {strides = array<i32>} : memref<26x512xf32, #tpu.memory_space<vmem>>, vector<16xf32>,
      %parallel_loop3A_447 = arith.constant 10 : i32
      %parallel_loop3A_448 = arith.index_cast %parallel_loop3A_447 : i32 to index
      %parallel_loop3A_449 = arith.index_cast %parallel_loop3A_22 : i32 to index
      %parallel_loop3A_450 = tpu.vector_load %arg7[%parallel_loop3A_448, %parallel_loop3A_449] {strides = array<i32>} : memref<26x512xf32, #tpu.memory_space<vmem>>, vector<16xf32>,
      %parallel_loop3A_451 = arith.constant 11 : i32
      %parallel_loop3A_452 = arith.index_cast %parallel_loop3A_451 : i32 to index
      %parallel_loop3A_453 = arith.index_cast %parallel_loop3A_22 : i32 to index
      %parallel_loop3A_454 = tpu.vector_load %arg7[%parallel_loop3A_452, %parallel_loop3A_453] {strides = array<i32>} : memref<26x512xf32, #tpu.memory_space<vmem>>, vector<16xf32>,
      %parallel_loop3A_455 = arith.constant 8 : i32
      %parallel_loop3A_456 = arith.index_cast %parallel_loop3A_455 : i32 to index
      %parallel_loop3A_457 = arith.index_cast %parallel_loop3A_22 : i32 to index
      %parallel_loop3A_458 = tpu.vector_load %arg8[%parallel_loop3A_456, %parallel_loop3A_457] {strides = array<i32>} : memref<26x512xi32, #tpu.memory_space<vmem>>, vector<16xi32>,
      %parallel_loop3A_459 = arith.constant 9 : i32
      %parallel_loop3A_460 = arith.index_cast %parallel_loop3A_459 : i32 to index
      %parallel_loop3A_461 = arith.index_cast %parallel_loop3A_22 : i32 to index
      %parallel_loop3A_462 = tpu.vector_load %arg8[%parallel_loop3A_460, %parallel_loop3A_461] {strides = array<i32>} : memref<26x512xi32, #tpu.memory_space<vmem>>, vector<16xi32>,
      %parallel_loop3A_463 = arith.constant 10 : i32
      %parallel_loop3A_464 = arith.index_cast %parallel_loop3A_463 : i32 to index
      %parallel_loop3A_465 = arith.index_cast %parallel_loop3A_22 : i32 to index
      %parallel_loop3A_466 = tpu.vector_load %arg8[%parallel_loop3A_464, %parallel_loop3A_465] {strides = array<i32>} : memref<26x512xi32, #tpu.memory_space<vmem>>, vector<16xi32>,
      %parallel_loop3A_467 = arith.constant 11 : i32
      %parallel_loop3A_468 = arith.index_cast %parallel_loop3A_467 : i32 to index
      %parallel_loop3A_469 = arith.index_cast %parallel_loop3A_22 : i32 to index
      %parallel_loop3A_470 = tpu.vector_load %arg8[%parallel_loop3A_468, %parallel_loop3A_469] {strides = array<i32>} : memref<26x512xi32, #tpu.memory_space<vmem>>, vector<16xi32>,
      %parallel_loop3A_471 = arith.constant 1.280000e+02 : f32
      %parallel_loop3A_472 = vector.broadcast %parallel_loop3A_471 : f32 to vector<16xf32>
      %parallel_loop3A_473 = arith.mulf %parallel_loop3A_442, %parallel_loop3A_472 : vector<16xf32>
      %parallel_loop3A_474 = arith.constant 5.000000e-01 : f32
      %parallel_loop3A_475 = vector.broadcast %parallel_loop3A_474 : f32 to vector<16xf32>
      %parallel_loop3A_476 = arith.addf %parallel_loop3A_473, %parallel_loop3A_475 : vector<16xf32>
      %parallel_loop3A_477 = arith.fptosi %parallel_loop3A_476 : vector<16xf32> to vector<16xi32>
      %parallel_loop3A_478 = arith.constant 1.280000e+02 : f32
      %parallel_loop3A_479 = vector.broadcast %parallel_loop3A_478 : f32 to vector<16xf32>
      %parallel_loop3A_480 = arith.mulf %parallel_loop3A_446, %parallel_loop3A_479 : vector<16xf32>
      %parallel_loop3A_481 = arith.constant 5.000000e-01 : f32
      %parallel_loop3A_482 = vector.broadcast %parallel_loop3A_481 : f32 to vector<16xf32>
      %parallel_loop3A_483 = arith.addf %parallel_loop3A_480, %parallel_loop3A_482 : vector<16xf32>
      %parallel_loop3A_484 = arith.fptosi %parallel_loop3A_483 : vector<16xf32> to vector<16xi32>
      %parallel_loop3A_485 = arith.constant 1.280000e+02 : f32
      %parallel_loop3A_486 = vector.broadcast %parallel_loop3A_485 : f32 to vector<16xf32>
      %parallel_loop3A_487 = arith.mulf %parallel_loop3A_450, %parallel_loop3A_486 : vector<16xf32>
      %parallel_loop3A_488 = arith.constant 5.000000e-01 : f32
      %parallel_loop3A_489 = vector.broadcast %parallel_loop3A_488 : f32 to vector<16xf32>
      %parallel_loop3A_490 = arith.addf %parallel_loop3A_487, %parallel_loop3A_489 : vector<16xf32>
      %parallel_loop3A_491 = arith.fptosi %parallel_loop3A_490 : vector<16xf32> to vector<16xi32>
      %parallel_loop3A_492 = arith.constant 1.280000e+02 : f32
      %parallel_loop3A_493 = vector.broadcast %parallel_loop3A_492 : f32 to vector<16xf32>
      %parallel_loop3A_494 = arith.mulf %parallel_loop3A_454, %parallel_loop3A_493 : vector<16xf32>
      %parallel_loop3A_495 = arith.constant 5.000000e-01 : f32
      %parallel_loop3A_496 = vector.broadcast %parallel_loop3A_495 : f32 to vector<16xf32>
      %parallel_loop3A_497 = arith.addf %parallel_loop3A_494, %parallel_loop3A_496 : vector<16xf32>
      %parallel_loop3A_498 = arith.fptosi %parallel_loop3A_497 : vector<16xf32> to vector<16xi32>
      %parallel_loop3A_499 = arith.constant 127 : i32
      %parallel_loop3A_500 = vector.broadcast %parallel_loop3A_499 : i32 to vector<16xi32>
      %parallel_loop3A_501 = arith.minsi %parallel_loop3A_477, %parallel_loop3A_500 : vector<16xi32>
      %parallel_loop3A_502 = arith.constant 1024 : i32
      %parallel_loop3A_503 = vector.broadcast %parallel_loop3A_502 : i32 to vector<16xi32>
      %parallel_loop3A_504 = arith.addi %parallel_loop3A_501, %parallel_loop3A_503 : vector<16xi32>
      %parallel_loop3A_505 = arith.constant 127 : i32
      %parallel_loop3A_506 = vector.broadcast %parallel_loop3A_505 : i32 to vector<16xi32>
      %parallel_loop3A_507 = arith.minsi %parallel_loop3A_484, %parallel_loop3A_506 : vector<16xi32>
      %parallel_loop3A_508 = arith.constant 1152 : i32
      %parallel_loop3A_509 = vector.broadcast %parallel_loop3A_508 : i32 to vector<16xi32>
      %parallel_loop3A_510 = arith.addi %parallel_loop3A_507, %parallel_loop3A_509 : vector<16xi32>
      %parallel_loop3A_511 = arith.constant 127 : i32
      %parallel_loop3A_512 = vector.broadcast %parallel_loop3A_511 : i32 to vector<16xi32>
      %parallel_loop3A_513 = arith.minsi %parallel_loop3A_491, %parallel_loop3A_512 : vector<16xi32>
      %parallel_loop3A_514 = arith.constant 1280 : i32
      %parallel_loop3A_515 = vector.broadcast %parallel_loop3A_514 : i32 to vector<16xi32>
      %parallel_loop3A_516 = arith.addi %parallel_loop3A_513, %parallel_loop3A_515 : vector<16xi32>
      %parallel_loop3A_517 = arith.constant 127 : i32
      %parallel_loop3A_518 = vector.broadcast %parallel_loop3A_517 : i32 to vector<16xi32>
      %parallel_loop3A_519 = arith.minsi %parallel_loop3A_498, %parallel_loop3A_518 : vector<16xi32>
      %parallel_loop3A_520 = arith.constant 1408 : i32
      %parallel_loop3A_521 = vector.broadcast %parallel_loop3A_520 : i32 to vector<16xi32>
      %parallel_loop3A_522 = arith.addi %parallel_loop3A_519, %parallel_loop3A_521 : vector<16xi32>
      %parallel_loop3A_523 = tpu.vector_load_idx %arg9[%parallel_loop3A_504] : memref<4096xf32, #tpu.memory_space<vmem>>[vector<16xi32>], vector<16xf32>,
      %parallel_loop3A_524 = tpu.vector_load_idx %arg9[%parallel_loop3A_510] : memref<4096xf32, #tpu.memory_space<vmem>>[vector<16xi32>], vector<16xf32>,
      %parallel_loop3A_525 = tpu.vector_load_idx %arg9[%parallel_loop3A_516] : memref<4096xf32, #tpu.memory_space<vmem>>[vector<16xi32>], vector<16xf32>,
      %parallel_loop3A_526 = tpu.vector_load_idx %arg9[%parallel_loop3A_522] : memref<4096xf32, #tpu.memory_space<vmem>>[vector<16xi32>], vector<16xf32>,
      %parallel_loop3A_527 = tpu.vector_load_idx %arg10[%parallel_loop3A_504] : memref<4096xf32, #tpu.memory_space<vmem>>[vector<16xi32>], vector<16xf32>,
      %parallel_loop3A_528 = tpu.vector_load_idx %arg10[%parallel_loop3A_510] : memref<4096xf32, #tpu.memory_space<vmem>>[vector<16xi32>], vector<16xf32>,
      %parallel_loop3A_529 = tpu.vector_load_idx %arg10[%parallel_loop3A_516] : memref<4096xf32, #tpu.memory_space<vmem>>[vector<16xi32>], vector<16xf32>,
      %parallel_loop3A_530 = tpu.vector_load_idx %arg10[%parallel_loop3A_522] : memref<4096xf32, #tpu.memory_space<vmem>>[vector<16xi32>], vector<16xf32>,
      %parallel_loop3A_531 = arith.mulf %parallel_loop3A_527, %parallel_loop3A_442 : vector<16xf32>
      %parallel_loop3A_532 = arith.addf %parallel_loop3A_523, %parallel_loop3A_531 : vector<16xf32>
      %parallel_loop3A_533 = arith.constant 0.99609375 : f32
      %parallel_loop3A_534 = vector.broadcast %parallel_loop3A_533 : f32 to vector<16xf32>
      %parallel_loop3A_535 = arith.mulf %parallel_loop3A_527, %parallel_loop3A_534 : vector<16xf32>
      %parallel_loop3A_536 = arith.addf %parallel_loop3A_523, %parallel_loop3A_535 : vector<16xf32>
      %parallel_loop3A_537 = arith.constant 1.000000e+00 : f32
      %parallel_loop3A_538 = vector.broadcast %parallel_loop3A_537 : f32 to vector<16xf32>
      %parallel_loop3A_539 = arith.subf %parallel_loop3A_538, %parallel_loop3A_536 : vector<16xf32>
      %parallel_loop3A_540 = arith.constant 2.560000e+02 : f32
      %parallel_loop3A_541 = vector.broadcast %parallel_loop3A_540 : f32 to vector<16xf32>
      %parallel_loop3A_542 = arith.mulf %parallel_loop3A_541, %parallel_loop3A_442 : vector<16xf32>
      %parallel_loop3A_543 = arith.constant 2.550000e+02 : f32
      %parallel_loop3A_544 = vector.broadcast %parallel_loop3A_543 : f32 to vector<16xf32>
      %parallel_loop3A_545 = arith.subf %parallel_loop3A_542, %parallel_loop3A_544 : vector<16xf32>
      %parallel_loop3A_546 = arith.mulf %parallel_loop3A_539, %parallel_loop3A_545 : vector<16xf32>
      %parallel_loop3A_547 = arith.addf %parallel_loop3A_536, %parallel_loop3A_546 : vector<16xf32>
      %parallel_loop3A_548 = arith.constant 128 : i32
      %parallel_loop3A_549 = vector.broadcast %parallel_loop3A_548 : i32 to vector<16xi32>
      %parallel_loop3A_550 = arith.cmpi sge, %parallel_loop3A_477, %parallel_loop3A_549 : vector<16xi32>
      %parallel_loop3A_551 = arith.select %parallel_loop3A_550, %parallel_loop3A_547, %parallel_loop3A_532 : vector<16xi1>, vector<16xf32>
      %parallel_loop3A_552 = arith.constant 1 : i32
      %parallel_loop3A_553 = vector.broadcast %parallel_loop3A_552 : i32 to vector<16xi32>
      %parallel_loop3A_554 = arith.cmpi eq, %parallel_loop3A_458, %parallel_loop3A_553 : vector<16xi32>
      %parallel_loop3A_555 = arith.select %parallel_loop3A_554, %parallel_loop3A_551, %broadcast_in_dim3A_17 : vector<16xi1>, vector<16xf32>
      %parallel_loop3A_556 = arith.constant 8 : i32
      %parallel_loop3A_557 = arith.index_cast %parallel_loop3A_556 : i32 to index
      %parallel_loop3A_558 = arith.index_cast %parallel_loop3A_22 : i32 to index
      %parallel_loop3A_559 = tpu.vector_load %arg11[%parallel_loop3A_557, %parallel_loop3A_558] {strides = array<i32>} : memref<26x512xf32, #tpu.memory_space<vmem>>, vector<16xf32>,
      tpu.vector_store %arg11[%parallel_loop3A_557, %parallel_loop3A_558], %parallel_loop3A_555 {strides = array<i32>} : memref<26x512xf32, #tpu.memory_space<vmem>>, vector<16xf32>,
      %parallel_loop3A_560 = arith.mulf %parallel_loop3A_528, %parallel_loop3A_446 : vector<16xf32>
      %parallel_loop3A_561 = arith.addf %parallel_loop3A_524, %parallel_loop3A_560 : vector<16xf32>
      %parallel_loop3A_562 = arith.constant 0.99609375 : f32
      %parallel_loop3A_563 = vector.broadcast %parallel_loop3A_562 : f32 to vector<16xf32>
      %parallel_loop3A_564 = arith.mulf %parallel_loop3A_528, %parallel_loop3A_563 : vector<16xf32>
      %parallel_loop3A_565 = arith.addf %parallel_loop3A_524, %parallel_loop3A_564 : vector<16xf32>
      %parallel_loop3A_566 = arith.constant 1.000000e+00 : f32
      %parallel_loop3A_567 = vector.broadcast %parallel_loop3A_566 : f32 to vector<16xf32>
      %parallel_loop3A_568 = arith.subf %parallel_loop3A_567, %parallel_loop3A_565 : vector<16xf32>
      %parallel_loop3A_569 = arith.constant 2.560000e+02 : f32
      %parallel_loop3A_570 = vector.broadcast %parallel_loop3A_569 : f32 to vector<16xf32>
      %parallel_loop3A_571 = arith.mulf %parallel_loop3A_570, %parallel_loop3A_446 : vector<16xf32>
      %parallel_loop3A_572 = arith.constant 2.550000e+02 : f32
      %parallel_loop3A_573 = vector.broadcast %parallel_loop3A_572 : f32 to vector<16xf32>
      %parallel_loop3A_574 = arith.subf %parallel_loop3A_571, %parallel_loop3A_573 : vector<16xf32>
      %parallel_loop3A_575 = arith.mulf %parallel_loop3A_568, %parallel_loop3A_574 : vector<16xf32>
      %parallel_loop3A_576 = arith.addf %parallel_loop3A_565, %parallel_loop3A_575 : vector<16xf32>
      %parallel_loop3A_577 = arith.constant 128 : i32
      %parallel_loop3A_578 = vector.broadcast %parallel_loop3A_577 : i32 to vector<16xi32>
      %parallel_loop3A_579 = arith.cmpi sge, %parallel_loop3A_484, %parallel_loop3A_578 : vector<16xi32>
      %parallel_loop3A_580 = arith.select %parallel_loop3A_579, %parallel_loop3A_576, %parallel_loop3A_561 : vector<16xi1>, vector<16xf32>
      %parallel_loop3A_581 = arith.constant 1 : i32
      %parallel_loop3A_582 = vector.broadcast %parallel_loop3A_581 : i32 to vector<16xi32>
      %parallel_loop3A_583 = arith.cmpi eq, %parallel_loop3A_462, %parallel_loop3A_582 : vector<16xi32>
      %parallel_loop3A_584 = arith.select %parallel_loop3A_583, %parallel_loop3A_580, %broadcast_in_dim3A_17 : vector<16xi1>, vector<16xf32>
      %parallel_loop3A_585 = arith.constant 9 : i32
      %parallel_loop3A_586 = arith.index_cast %parallel_loop3A_585 : i32 to index
      %parallel_loop3A_587 = arith.index_cast %parallel_loop3A_22 : i32 to index
      %parallel_loop3A_588 = tpu.vector_load %arg11[%parallel_loop3A_586, %parallel_loop3A_587] {strides = array<i32>} : memref<26x512xf32, #tpu.memory_space<vmem>>, vector<16xf32>,
      tpu.vector_store %arg11[%parallel_loop3A_586, %parallel_loop3A_587], %parallel_loop3A_584 {strides = array<i32>} : memref<26x512xf32, #tpu.memory_space<vmem>>, vector<16xf32>,
      %parallel_loop3A_589 = arith.mulf %parallel_loop3A_529, %parallel_loop3A_450 : vector<16xf32>
      %parallel_loop3A_590 = arith.addf %parallel_loop3A_525, %parallel_loop3A_589 : vector<16xf32>
      %parallel_loop3A_591 = arith.constant 0.99609375 : f32
      %parallel_loop3A_592 = vector.broadcast %parallel_loop3A_591 : f32 to vector<16xf32>
      %parallel_loop3A_593 = arith.mulf %parallel_loop3A_529, %parallel_loop3A_592 : vector<16xf32>
      %parallel_loop3A_594 = arith.addf %parallel_loop3A_525, %parallel_loop3A_593 : vector<16xf32>
      %parallel_loop3A_595 = arith.constant 1.000000e+00 : f32
      %parallel_loop3A_596 = vector.broadcast %parallel_loop3A_595 : f32 to vector<16xf32>
      %parallel_loop3A_597 = arith.subf %parallel_loop3A_596, %parallel_loop3A_594 : vector<16xf32>
      %parallel_loop3A_598 = arith.constant 2.560000e+02 : f32
      %parallel_loop3A_599 = vector.broadcast %parallel_loop3A_598 : f32 to vector<16xf32>
      %parallel_loop3A_600 = arith.mulf %parallel_loop3A_599, %parallel_loop3A_450 : vector<16xf32>
      %parallel_loop3A_601 = arith.constant 2.550000e+02 : f32
      %parallel_loop3A_602 = vector.broadcast %parallel_loop3A_601 : f32 to vector<16xf32>
      %parallel_loop3A_603 = arith.subf %parallel_loop3A_600, %parallel_loop3A_602 : vector<16xf32>
      %parallel_loop3A_604 = arith.mulf %parallel_loop3A_597, %parallel_loop3A_603 : vector<16xf32>
      %parallel_loop3A_605 = arith.addf %parallel_loop3A_594, %parallel_loop3A_604 : vector<16xf32>
      %parallel_loop3A_606 = arith.constant 128 : i32
      %parallel_loop3A_607 = vector.broadcast %parallel_loop3A_606 : i32 to vector<16xi32>
      %parallel_loop3A_608 = arith.cmpi sge, %parallel_loop3A_491, %parallel_loop3A_607 : vector<16xi32>
      %parallel_loop3A_609 = arith.select %parallel_loop3A_608, %parallel_loop3A_605, %parallel_loop3A_590 : vector<16xi1>, vector<16xf32>
      %parallel_loop3A_610 = arith.constant 1 : i32
      %parallel_loop3A_611 = vector.broadcast %parallel_loop3A_610 : i32 to vector<16xi32>
      %parallel_loop3A_612 = arith.cmpi eq, %parallel_loop3A_466, %parallel_loop3A_611 : vector<16xi32>
      %parallel_loop3A_613 = arith.select %parallel_loop3A_612, %parallel_loop3A_609, %broadcast_in_dim3A_17 : vector<16xi1>, vector<16xf32>
      %parallel_loop3A_614 = arith.constant 10 : i32
      %parallel_loop3A_615 = arith.index_cast %parallel_loop3A_614 : i32 to index
      %parallel_loop3A_616 = arith.index_cast %parallel_loop3A_22 : i32 to index
      %parallel_loop3A_617 = tpu.vector_load %arg11[%parallel_loop3A_615, %parallel_loop3A_616] {strides = array<i32>} : memref<26x512xf32, #tpu.memory_space<vmem>>, vector<16xf32>,
      tpu.vector_store %arg11[%parallel_loop3A_615, %parallel_loop3A_616], %parallel_loop3A_613 {strides = array<i32>} : memref<26x512xf32, #tpu.memory_space<vmem>>, vector<16xf32>,
      %parallel_loop3A_618 = arith.mulf %parallel_loop3A_530, %parallel_loop3A_454 : vector<16xf32>
      %parallel_loop3A_619 = arith.addf %parallel_loop3A_526, %parallel_loop3A_618 : vector<16xf32>
      %parallel_loop3A_620 = arith.constant 0.99609375 : f32
      %parallel_loop3A_621 = vector.broadcast %parallel_loop3A_620 : f32 to vector<16xf32>
      %parallel_loop3A_622 = arith.mulf %parallel_loop3A_530, %parallel_loop3A_621 : vector<16xf32>
      %parallel_loop3A_623 = arith.addf %parallel_loop3A_526, %parallel_loop3A_622 : vector<16xf32>
      %parallel_loop3A_624 = arith.constant 1.000000e+00 : f32
      %parallel_loop3A_625 = vector.broadcast %parallel_loop3A_624 : f32 to vector<16xf32>
      %parallel_loop3A_626 = arith.subf %parallel_loop3A_625, %parallel_loop3A_623 : vector<16xf32>
      %parallel_loop3A_627 = arith.constant 2.560000e+02 : f32
      %parallel_loop3A_628 = vector.broadcast %parallel_loop3A_627 : f32 to vector<16xf32>
      %parallel_loop3A_629 = arith.mulf %parallel_loop3A_628, %parallel_loop3A_454 : vector<16xf32>
      %parallel_loop3A_630 = arith.constant 2.550000e+02 : f32
      %parallel_loop3A_631 = vector.broadcast %parallel_loop3A_630 : f32 to vector<16xf32>
      %parallel_loop3A_632 = arith.subf %parallel_loop3A_629, %parallel_loop3A_631 : vector<16xf32>
      %parallel_loop3A_633 = arith.mulf %parallel_loop3A_626, %parallel_loop3A_632 : vector<16xf32>
      %parallel_loop3A_634 = arith.addf %parallel_loop3A_623, %parallel_loop3A_633 : vector<16xf32>
      %parallel_loop3A_635 = arith.constant 128 : i32
      %parallel_loop3A_636 = vector.broadcast %parallel_loop3A_635 : i32 to vector<16xi32>
      %parallel_loop3A_637 = arith.cmpi sge, %parallel_loop3A_498, %parallel_loop3A_636 : vector<16xi32>
      %parallel_loop3A_638 = arith.select %parallel_loop3A_637, %parallel_loop3A_634, %parallel_loop3A_619 : vector<16xi1>, vector<16xf32>
      %parallel_loop3A_639 = arith.constant 1 : i32
      %parallel_loop3A_640 = vector.broadcast %parallel_loop3A_639 : i32 to vector<16xi32>
      %parallel_loop3A_641 = arith.cmpi eq, %parallel_loop3A_470, %parallel_loop3A_640 : vector<16xi32>
      %parallel_loop3A_642 = arith.select %parallel_loop3A_641, %parallel_loop3A_638, %broadcast_in_dim3A_17 : vector<16xi1>, vector<16xf32>
      %parallel_loop3A_643 = arith.constant 11 : i32
      %parallel_loop3A_644 = arith.index_cast %parallel_loop3A_643 : i32 to index
      %parallel_loop3A_645 = arith.index_cast %parallel_loop3A_22 : i32 to index
      %parallel_loop3A_646 = tpu.vector_load %arg11[%parallel_loop3A_644, %parallel_loop3A_645] {strides = array<i32>} : memref<26x512xf32, #tpu.memory_space<vmem>>, vector<16xf32>,
      tpu.vector_store %arg11[%parallel_loop3A_644, %parallel_loop3A_645], %parallel_loop3A_642 {strides = array<i32>} : memref<26x512xf32, #tpu.memory_space<vmem>>, vector<16xf32>,
      %parallel_loop3A_647 = arith.constant 12 : i32
      %parallel_loop3A_648 = arith.index_cast %parallel_loop3A_647 : i32 to index
      %parallel_loop3A_649 = arith.index_cast %parallel_loop3A_22 : i32 to index
      %parallel_loop3A_650 = tpu.vector_load %arg7[%parallel_loop3A_648, %parallel_loop3A_649] {strides = array<i32>} : memref<26x512xf32, #tpu.memory_space<vmem>>, vector<16xf32>,
      %parallel_loop3A_651 = arith.constant 13 : i32
      %parallel_loop3A_652 = arith.index_cast %parallel_loop3A_651 : i32 to index
      %parallel_loop3A_653 = arith.index_cast %parallel_loop3A_22 : i32 to index
      %parallel_loop3A_654 = tpu.vector_load %arg7[%parallel_loop3A_652, %parallel_loop3A_653] {strides = array<i32>} : memref<26x512xf32, #tpu.memory_space<vmem>>, vector<16xf32>,
      %parallel_loop3A_655 = arith.constant 14 : i32
      %parallel_loop3A_656 = arith.index_cast %parallel_loop3A_655 : i32 to index
      %parallel_loop3A_657 = arith.index_cast %parallel_loop3A_22 : i32 to index
      %parallel_loop3A_658 = tpu.vector_load %arg7[%parallel_loop3A_656, %parallel_loop3A_657] {strides = array<i32>} : memref<26x512xf32, #tpu.memory_space<vmem>>, vector<16xf32>,
      %parallel_loop3A_659 = arith.constant 15 : i32
      %parallel_loop3A_660 = arith.index_cast %parallel_loop3A_659 : i32 to index
      %parallel_loop3A_661 = arith.index_cast %parallel_loop3A_22 : i32 to index
      %parallel_loop3A_662 = tpu.vector_load %arg7[%parallel_loop3A_660, %parallel_loop3A_661] {strides = array<i32>} : memref<26x512xf32, #tpu.memory_space<vmem>>, vector<16xf32>,
      %parallel_loop3A_663 = arith.constant 12 : i32
      %parallel_loop3A_664 = arith.index_cast %parallel_loop3A_663 : i32 to index
      %parallel_loop3A_665 = arith.index_cast %parallel_loop3A_22 : i32 to index
      %parallel_loop3A_666 = tpu.vector_load %arg8[%parallel_loop3A_664, %parallel_loop3A_665] {strides = array<i32>} : memref<26x512xi32, #tpu.memory_space<vmem>>, vector<16xi32>,
      %parallel_loop3A_667 = arith.constant 13 : i32
      %parallel_loop3A_668 = arith.index_cast %parallel_loop3A_667 : i32 to index
      %parallel_loop3A_669 = arith.index_cast %parallel_loop3A_22 : i32 to index
      %parallel_loop3A_670 = tpu.vector_load %arg8[%parallel_loop3A_668, %parallel_loop3A_669] {strides = array<i32>} : memref<26x512xi32, #tpu.memory_space<vmem>>, vector<16xi32>,
      %parallel_loop3A_671 = arith.constant 14 : i32
      %parallel_loop3A_672 = arith.index_cast %parallel_loop3A_671 : i32 to index
      %parallel_loop3A_673 = arith.index_cast %parallel_loop3A_22 : i32 to index
      %parallel_loop3A_674 = tpu.vector_load %arg8[%parallel_loop3A_672, %parallel_loop3A_673] {strides = array<i32>} : memref<26x512xi32, #tpu.memory_space<vmem>>, vector<16xi32>,
      %parallel_loop3A_675 = arith.constant 15 : i32
      %parallel_loop3A_676 = arith.index_cast %parallel_loop3A_675 : i32 to index
      %parallel_loop3A_677 = arith.index_cast %parallel_loop3A_22 : i32 to index
      %parallel_loop3A_678 = tpu.vector_load %arg8[%parallel_loop3A_676, %parallel_loop3A_677] {strides = array<i32>} : memref<26x512xi32, #tpu.memory_space<vmem>>, vector<16xi32>,
      %parallel_loop3A_679 = arith.constant 1.280000e+02 : f32
      %parallel_loop3A_680 = vector.broadcast %parallel_loop3A_679 : f32 to vector<16xf32>
      %parallel_loop3A_681 = arith.mulf %parallel_loop3A_650, %parallel_loop3A_680 : vector<16xf32>
      %parallel_loop3A_682 = arith.constant 5.000000e-01 : f32
      %parallel_loop3A_683 = vector.broadcast %parallel_loop3A_682 : f32 to vector<16xf32>
      %parallel_loop3A_684 = arith.addf %parallel_loop3A_681, %parallel_loop3A_683 : vector<16xf32>
      %parallel_loop3A_685 = arith.fptosi %parallel_loop3A_684 : vector<16xf32> to vector<16xi32>
      %parallel_loop3A_686 = arith.constant 1.280000e+02 : f32
      %parallel_loop3A_687 = vector.broadcast %parallel_loop3A_686 : f32 to vector<16xf32>
      %parallel_loop3A_688 = arith.mulf %parallel_loop3A_654, %parallel_loop3A_687 : vector<16xf32>
      %parallel_loop3A_689 = arith.constant 5.000000e-01 : f32
      %parallel_loop3A_690 = vector.broadcast %parallel_loop3A_689 : f32 to vector<16xf32>
      %parallel_loop3A_691 = arith.addf %parallel_loop3A_688, %parallel_loop3A_690 : vector<16xf32>
      %parallel_loop3A_692 = arith.fptosi %parallel_loop3A_691 : vector<16xf32> to vector<16xi32>
      %parallel_loop3A_693 = arith.constant 1.280000e+02 : f32
      %parallel_loop3A_694 = vector.broadcast %parallel_loop3A_693 : f32 to vector<16xf32>
      %parallel_loop3A_695 = arith.mulf %parallel_loop3A_658, %parallel_loop3A_694 : vector<16xf32>
      %parallel_loop3A_696 = arith.constant 5.000000e-01 : f32
      %parallel_loop3A_697 = vector.broadcast %parallel_loop3A_696 : f32 to vector<16xf32>
      %parallel_loop3A_698 = arith.addf %parallel_loop3A_695, %parallel_loop3A_697 : vector<16xf32>
      %parallel_loop3A_699 = arith.fptosi %parallel_loop3A_698 : vector<16xf32> to vector<16xi32>
      %parallel_loop3A_700 = arith.constant 1.280000e+02 : f32
      %parallel_loop3A_701 = vector.broadcast %parallel_loop3A_700 : f32 to vector<16xf32>
      %parallel_loop3A_702 = arith.mulf %parallel_loop3A_662, %parallel_loop3A_701 : vector<16xf32>
      %parallel_loop3A_703 = arith.constant 5.000000e-01 : f32
      %parallel_loop3A_704 = vector.broadcast %parallel_loop3A_703 : f32 to vector<16xf32>
      %parallel_loop3A_705 = arith.addf %parallel_loop3A_702, %parallel_loop3A_704 : vector<16xf32>
      %parallel_loop3A_706 = arith.fptosi %parallel_loop3A_705 : vector<16xf32> to vector<16xi32>
      %parallel_loop3A_707 = arith.constant 127 : i32
      %parallel_loop3A_708 = vector.broadcast %parallel_loop3A_707 : i32 to vector<16xi32>
      %parallel_loop3A_709 = arith.minsi %parallel_loop3A_685, %parallel_loop3A_708 : vector<16xi32>
      %parallel_loop3A_710 = arith.constant 1536 : i32
      %parallel_loop3A_711 = vector.broadcast %parallel_loop3A_710 : i32 to vector<16xi32>
      %parallel_loop3A_712 = arith.addi %parallel_loop3A_709, %parallel_loop3A_711 : vector<16xi32>
      %parallel_loop3A_713 = arith.constant 127 : i32
      %parallel_loop3A_714 = vector.broadcast %parallel_loop3A_713 : i32 to vector<16xi32>
      %parallel_loop3A_715 = arith.minsi %parallel_loop3A_692, %parallel_loop3A_714 : vector<16xi32>
      %parallel_loop3A_716 = arith.constant 1664 : i32
      %parallel_loop3A_717 = vector.broadcast %parallel_loop3A_716 : i32 to vector<16xi32>
      %parallel_loop3A_718 = arith.addi %parallel_loop3A_715, %parallel_loop3A_717 : vector<16xi32>
      %parallel_loop3A_719 = arith.constant 127 : i32
      %parallel_loop3A_720 = vector.broadcast %parallel_loop3A_719 : i32 to vector<16xi32>
      %parallel_loop3A_721 = arith.minsi %parallel_loop3A_699, %parallel_loop3A_720 : vector<16xi32>
      %parallel_loop3A_722 = arith.constant 1792 : i32
      %parallel_loop3A_723 = vector.broadcast %parallel_loop3A_722 : i32 to vector<16xi32>
      %parallel_loop3A_724 = arith.addi %parallel_loop3A_721, %parallel_loop3A_723 : vector<16xi32>
      %parallel_loop3A_725 = arith.constant 127 : i32
      %parallel_loop3A_726 = vector.broadcast %parallel_loop3A_725 : i32 to vector<16xi32>
      %parallel_loop3A_727 = arith.minsi %parallel_loop3A_706, %parallel_loop3A_726 : vector<16xi32>
      %parallel_loop3A_728 = arith.constant 1920 : i32
      %parallel_loop3A_729 = vector.broadcast %parallel_loop3A_728 : i32 to vector<16xi32>
      %parallel_loop3A_730 = arith.addi %parallel_loop3A_727, %parallel_loop3A_729 : vector<16xi32>
      %parallel_loop3A_731 = tpu.vector_load_idx %arg9[%parallel_loop3A_712] : memref<4096xf32, #tpu.memory_space<vmem>>[vector<16xi32>], vector<16xf32>,
      %parallel_loop3A_732 = tpu.vector_load_idx %arg9[%parallel_loop3A_718] : memref<4096xf32, #tpu.memory_space<vmem>>[vector<16xi32>], vector<16xf32>,
      %parallel_loop3A_733 = tpu.vector_load_idx %arg9[%parallel_loop3A_724] : memref<4096xf32, #tpu.memory_space<vmem>>[vector<16xi32>], vector<16xf32>,
      %parallel_loop3A_734 = tpu.vector_load_idx %arg9[%parallel_loop3A_730] : memref<4096xf32, #tpu.memory_space<vmem>>[vector<16xi32>], vector<16xf32>,
      %parallel_loop3A_735 = tpu.vector_load_idx %arg10[%parallel_loop3A_712] : memref<4096xf32, #tpu.memory_space<vmem>>[vector<16xi32>], vector<16xf32>,
      %parallel_loop3A_736 = tpu.vector_load_idx %arg10[%parallel_loop3A_718] : memref<4096xf32, #tpu.memory_space<vmem>>[vector<16xi32>], vector<16xf32>,
      %parallel_loop3A_737 = tpu.vector_load_idx %arg10[%parallel_loop3A_724] : memref<4096xf32, #tpu.memory_space<vmem>>[vector<16xi32>], vector<16xf32>,
      %parallel_loop3A_738 = tpu.vector_load_idx %arg10[%parallel_loop3A_730] : memref<4096xf32, #tpu.memory_space<vmem>>[vector<16xi32>], vector<16xf32>,
      %parallel_loop3A_739 = arith.mulf %parallel_loop3A_735, %parallel_loop3A_650 : vector<16xf32>
      %parallel_loop3A_740 = arith.addf %parallel_loop3A_731, %parallel_loop3A_739 : vector<16xf32>
      %parallel_loop3A_741 = arith.constant 0.99609375 : f32
      %parallel_loop3A_742 = vector.broadcast %parallel_loop3A_741 : f32 to vector<16xf32>
      %parallel_loop3A_743 = arith.mulf %parallel_loop3A_735, %parallel_loop3A_742 : vector<16xf32>
      %parallel_loop3A_744 = arith.addf %parallel_loop3A_731, %parallel_loop3A_743 : vector<16xf32>
      %parallel_loop3A_745 = arith.constant 1.000000e+00 : f32
      %parallel_loop3A_746 = vector.broadcast %parallel_loop3A_745 : f32 to vector<16xf32>
      %parallel_loop3A_747 = arith.subf %parallel_loop3A_746, %parallel_loop3A_744 : vector<16xf32>
      %parallel_loop3A_748 = arith.constant 2.560000e+02 : f32
      %parallel_loop3A_749 = vector.broadcast %parallel_loop3A_748 : f32 to vector<16xf32>
      %parallel_loop3A_750 = arith.mulf %parallel_loop3A_749, %parallel_loop3A_650 : vector<16xf32>
      %parallel_loop3A_751 = arith.constant 2.550000e+02 : f32
      %parallel_loop3A_752 = vector.broadcast %parallel_loop3A_751 : f32 to vector<16xf32>
      %parallel_loop3A_753 = arith.subf %parallel_loop3A_750, %parallel_loop3A_752 : vector<16xf32>
      %parallel_loop3A_754 = arith.mulf %parallel_loop3A_747, %parallel_loop3A_753 : vector<16xf32>
      %parallel_loop3A_755 = arith.addf %parallel_loop3A_744, %parallel_loop3A_754 : vector<16xf32>
      %parallel_loop3A_756 = arith.constant 128 : i32
      %parallel_loop3A_757 = vector.broadcast %parallel_loop3A_756 : i32 to vector<16xi32>
      %parallel_loop3A_758 = arith.cmpi sge, %parallel_loop3A_685, %parallel_loop3A_757 : vector<16xi32>
      %parallel_loop3A_759 = arith.select %parallel_loop3A_758, %parallel_loop3A_755, %parallel_loop3A_740 : vector<16xi1>, vector<16xf32>
      %parallel_loop3A_760 = arith.constant 1 : i32
      %parallel_loop3A_761 = vector.broadcast %parallel_loop3A_760 : i32 to vector<16xi32>
      %parallel_loop3A_762 = arith.cmpi eq, %parallel_loop3A_666, %parallel_loop3A_761 : vector<16xi32>
      %parallel_loop3A_763 = arith.select %parallel_loop3A_762, %parallel_loop3A_759, %broadcast_in_dim3A_17 : vector<16xi1>, vector<16xf32>
      %parallel_loop3A_764 = arith.constant 12 : i32
      %parallel_loop3A_765 = arith.index_cast %parallel_loop3A_764 : i32 to index
      %parallel_loop3A_766 = arith.index_cast %parallel_loop3A_22 : i32 to index
      %parallel_loop3A_767 = tpu.vector_load %arg11[%parallel_loop3A_765, %parallel_loop3A_766] {strides = array<i32>} : memref<26x512xf32, #tpu.memory_space<vmem>>, vector<16xf32>,
      tpu.vector_store %arg11[%parallel_loop3A_765, %parallel_loop3A_766], %parallel_loop3A_763 {strides = array<i32>} : memref<26x512xf32, #tpu.memory_space<vmem>>, vector<16xf32>,
      %parallel_loop3A_768 = arith.mulf %parallel_loop3A_736, %parallel_loop3A_654 : vector<16xf32>
      %parallel_loop3A_769 = arith.addf %parallel_loop3A_732, %parallel_loop3A_768 : vector<16xf32>
      %parallel_loop3A_770 = arith.constant 0.99609375 : f32
      %parallel_loop3A_771 = vector.broadcast %parallel_loop3A_770 : f32 to vector<16xf32>
      %parallel_loop3A_772 = arith.mulf %parallel_loop3A_736, %parallel_loop3A_771 : vector<16xf32>
      %parallel_loop3A_773 = arith.addf %parallel_loop3A_732, %parallel_loop3A_772 : vector<16xf32>
      %parallel_loop3A_774 = arith.constant 1.000000e+00 : f32
      %parallel_loop3A_775 = vector.broadcast %parallel_loop3A_774 : f32 to vector<16xf32>
      %parallel_loop3A_776 = arith.subf %parallel_loop3A_775, %parallel_loop3A_773 : vector<16xf32>
      %parallel_loop3A_777 = arith.constant 2.560000e+02 : f32
      %parallel_loop3A_778 = vector.broadcast %parallel_loop3A_777 : f32 to vector<16xf32>
      %parallel_loop3A_779 = arith.mulf %parallel_loop3A_778, %parallel_loop3A_654 : vector<16xf32>
      %parallel_loop3A_780 = arith.constant 2.550000e+02 : f32
      %parallel_loop3A_781 = vector.broadcast %parallel_loop3A_780 : f32 to vector<16xf32>
      %parallel_loop3A_782 = arith.subf %parallel_loop3A_779, %parallel_loop3A_781 : vector<16xf32>
      %parallel_loop3A_783 = arith.mulf %parallel_loop3A_776, %parallel_loop3A_782 : vector<16xf32>
      %parallel_loop3A_784 = arith.addf %parallel_loop3A_773, %parallel_loop3A_783 : vector<16xf32>
      %parallel_loop3A_785 = arith.constant 128 : i32
      %parallel_loop3A_786 = vector.broadcast %parallel_loop3A_785 : i32 to vector<16xi32>
      %parallel_loop3A_787 = arith.cmpi sge, %parallel_loop3A_692, %parallel_loop3A_786 : vector<16xi32>
      %parallel_loop3A_788 = arith.select %parallel_loop3A_787, %parallel_loop3A_784, %parallel_loop3A_769 : vector<16xi1>, vector<16xf32>
      %parallel_loop3A_789 = arith.constant 1 : i32
      %parallel_loop3A_790 = vector.broadcast %parallel_loop3A_789 : i32 to vector<16xi32>
      %parallel_loop3A_791 = arith.cmpi eq, %parallel_loop3A_670, %parallel_loop3A_790 : vector<16xi32>
      %parallel_loop3A_792 = arith.select %parallel_loop3A_791, %parallel_loop3A_788, %broadcast_in_dim3A_17 : vector<16xi1>, vector<16xf32>
      %parallel_loop3A_793 = arith.constant 13 : i32
      %parallel_loop3A_794 = arith.index_cast %parallel_loop3A_793 : i32 to index
      %parallel_loop3A_795 = arith.index_cast %parallel_loop3A_22 : i32 to index
      %parallel_loop3A_796 = tpu.vector_load %arg11[%parallel_loop3A_794, %parallel_loop3A_795] {strides = array<i32>} : memref<26x512xf32, #tpu.memory_space<vmem>>, vector<16xf32>,
      tpu.vector_store %arg11[%parallel_loop3A_794, %parallel_loop3A_795], %parallel_loop3A_792 {strides = array<i32>} : memref<26x512xf32, #tpu.memory_space<vmem>>, vector<16xf32>,
      %parallel_loop3A_797 = arith.mulf %parallel_loop3A_737, %parallel_loop3A_658 : vector<16xf32>
      %parallel_loop3A_798 = arith.addf %parallel_loop3A_733, %parallel_loop3A_797 : vector<16xf32>
      %parallel_loop3A_799 = arith.constant 0.99609375 : f32
      %parallel_loop3A_800 = vector.broadcast %parallel_loop3A_799 : f32 to vector<16xf32>
      %parallel_loop3A_801 = arith.mulf %parallel_loop3A_737, %parallel_loop3A_800 : vector<16xf32>
      %parallel_loop3A_802 = arith.addf %parallel_loop3A_733, %parallel_loop3A_801 : vector<16xf32>
      %parallel_loop3A_803 = arith.constant 1.000000e+00 : f32
      %parallel_loop3A_804 = vector.broadcast %parallel_loop3A_803 : f32 to vector<16xf32>
      %parallel_loop3A_805 = arith.subf %parallel_loop3A_804, %parallel_loop3A_802 : vector<16xf32>
      %parallel_loop3A_806 = arith.constant 2.560000e+02 : f32
      %parallel_loop3A_807 = vector.broadcast %parallel_loop3A_806 : f32 to vector<16xf32>
      %parallel_loop3A_808 = arith.mulf %parallel_loop3A_807, %parallel_loop3A_658 : vector<16xf32>
      %parallel_loop3A_809 = arith.constant 2.550000e+02 : f32
      %parallel_loop3A_810 = vector.broadcast %parallel_loop3A_809 : f32 to vector<16xf32>
      %parallel_loop3A_811 = arith.subf %parallel_loop3A_808, %parallel_loop3A_810 : vector<16xf32>
      %parallel_loop3A_812 = arith.mulf %parallel_loop3A_805, %parallel_loop3A_811 : vector<16xf32>
      %parallel_loop3A_813 = arith.addf %parallel_loop3A_802, %parallel_loop3A_812 : vector<16xf32>
      %parallel_loop3A_814 = arith.constant 128 : i32
      %parallel_loop3A_815 = vector.broadcast %parallel_loop3A_814 : i32 to vector<16xi32>
      %parallel_loop3A_816 = arith.cmpi sge, %parallel_loop3A_699, %parallel_loop3A_815 : vector<16xi32>
      %parallel_loop3A_817 = arith.select %parallel_loop3A_816, %parallel_loop3A_813, %parallel_loop3A_798 : vector<16xi1>, vector<16xf32>
      %parallel_loop3A_818 = arith.constant 1 : i32
      %parallel_loop3A_819 = vector.broadcast %parallel_loop3A_818 : i32 to vector<16xi32>
      %parallel_loop3A_820 = arith.cmpi eq, %parallel_loop3A_674, %parallel_loop3A_819 : vector<16xi32>
      %parallel_loop3A_821 = arith.select %parallel_loop3A_820, %parallel_loop3A_817, %broadcast_in_dim3A_17 : vector<16xi1>, vector<16xf32>
      %parallel_loop3A_822 = arith.constant 14 : i32
      %parallel_loop3A_823 = arith.index_cast %parallel_loop3A_822 : i32 to index
      %parallel_loop3A_824 = arith.index_cast %parallel_loop3A_22 : i32 to index
      %parallel_loop3A_825 = tpu.vector_load %arg11[%parallel_loop3A_823, %parallel_loop3A_824] {strides = array<i32>} : memref<26x512xf32, #tpu.memory_space<vmem>>, vector<16xf32>,
      tpu.vector_store %arg11[%parallel_loop3A_823, %parallel_loop3A_824], %parallel_loop3A_821 {strides = array<i32>} : memref<26x512xf32, #tpu.memory_space<vmem>>, vector<16xf32>,
      %parallel_loop3A_826 = arith.mulf %parallel_loop3A_738, %parallel_loop3A_662 : vector<16xf32>
      %parallel_loop3A_827 = arith.addf %parallel_loop3A_734, %parallel_loop3A_826 : vector<16xf32>
      %parallel_loop3A_828 = arith.constant 0.99609375 : f32
      %parallel_loop3A_829 = vector.broadcast %parallel_loop3A_828 : f32 to vector<16xf32>
      %parallel_loop3A_830 = arith.mulf %parallel_loop3A_738, %parallel_loop3A_829 : vector<16xf32>
      %parallel_loop3A_831 = arith.addf %parallel_loop3A_734, %parallel_loop3A_830 : vector<16xf32>
      %parallel_loop3A_832 = arith.constant 1.000000e+00 : f32
      %parallel_loop3A_833 = vector.broadcast %parallel_loop3A_832 : f32 to vector<16xf32>
      %parallel_loop3A_834 = arith.subf %parallel_loop3A_833, %parallel_loop3A_831 : vector<16xf32>
      %parallel_loop3A_835 = arith.constant 2.560000e+02 : f32
      %parallel_loop3A_836 = vector.broadcast %parallel_loop3A_835 : f32 to vector<16xf32>
      %parallel_loop3A_837 = arith.mulf %parallel_loop3A_836, %parallel_loop3A_662 : vector<16xf32>
      %parallel_loop3A_838 = arith.constant 2.550000e+02 : f32
      %parallel_loop3A_839 = vector.broadcast %parallel_loop3A_838 : f32 to vector<16xf32>
      %parallel_loop3A_840 = arith.subf %parallel_loop3A_837, %parallel_loop3A_839 : vector<16xf32>
      %parallel_loop3A_841 = arith.mulf %parallel_loop3A_834, %parallel_loop3A_840 : vector<16xf32>
      %parallel_loop3A_842 = arith.addf %parallel_loop3A_831, %parallel_loop3A_841 : vector<16xf32>
      %parallel_loop3A_843 = arith.constant 128 : i32
      %parallel_loop3A_844 = vector.broadcast %parallel_loop3A_843 : i32 to vector<16xi32>
      %parallel_loop3A_845 = arith.cmpi sge, %parallel_loop3A_706, %parallel_loop3A_844 : vector<16xi32>
      %parallel_loop3A_846 = arith.select %parallel_loop3A_845, %parallel_loop3A_842, %parallel_loop3A_827 : vector<16xi1>, vector<16xf32>
      %parallel_loop3A_847 = arith.constant 1 : i32
      %parallel_loop3A_848 = vector.broadcast %parallel_loop3A_847 : i32 to vector<16xi32>
      %parallel_loop3A_849 = arith.cmpi eq, %parallel_loop3A_678, %parallel_loop3A_848 : vector<16xi32>
      %parallel_loop3A_850 = arith.select %parallel_loop3A_849, %parallel_loop3A_846, %broadcast_in_dim3A_17 : vector<16xi1>, vector<16xf32>
      %parallel_loop3A_851 = arith.constant 15 : i32
      %parallel_loop3A_852 = arith.index_cast %parallel_loop3A_851 : i32 to index
      %parallel_loop3A_853 = arith.index_cast %parallel_loop3A_22 : i32 to index
      %parallel_loop3A_854 = tpu.vector_load %arg11[%parallel_loop3A_852, %parallel_loop3A_853] {strides = array<i32>} : memref<26x512xf32, #tpu.memory_space<vmem>>, vector<16xf32>,
      tpu.vector_store %arg11[%parallel_loop3A_852, %parallel_loop3A_853], %parallel_loop3A_850 {strides = array<i32>} : memref<26x512xf32, #tpu.memory_space<vmem>>, vector<16xf32>,
      %parallel_loop3A_855 = arith.constant 16 : i32
      %parallel_loop3A_856 = arith.index_cast %parallel_loop3A_855 : i32 to index
      %parallel_loop3A_857 = arith.index_cast %parallel_loop3A_22 : i32 to index
      %parallel_loop3A_858 = tpu.vector_load %arg7[%parallel_loop3A_856, %parallel_loop3A_857] {strides = array<i32>} : memref<26x512xf32, #tpu.memory_space<vmem>>, vector<16xf32>,
      %parallel_loop3A_859 = arith.constant 17 : i32
      %parallel_loop3A_860 = arith.index_cast %parallel_loop3A_859 : i32 to index
      %parallel_loop3A_861 = arith.index_cast %parallel_loop3A_22 : i32 to index
      %parallel_loop3A_862 = tpu.vector_load %arg7[%parallel_loop3A_860, %parallel_loop3A_861] {strides = array<i32>} : memref<26x512xf32, #tpu.memory_space<vmem>>, vector<16xf32>,
      %parallel_loop3A_863 = arith.constant 18 : i32
      %parallel_loop3A_864 = arith.index_cast %parallel_loop3A_863 : i32 to index
      %parallel_loop3A_865 = arith.index_cast %parallel_loop3A_22 : i32 to index
      %parallel_loop3A_866 = tpu.vector_load %arg7[%parallel_loop3A_864, %parallel_loop3A_865] {strides = array<i32>} : memref<26x512xf32, #tpu.memory_space<vmem>>, vector<16xf32>,
      %parallel_loop3A_867 = arith.constant 19 : i32
      %parallel_loop3A_868 = arith.index_cast %parallel_loop3A_867 : i32 to index
      %parallel_loop3A_869 = arith.index_cast %parallel_loop3A_22 : i32 to index
      %parallel_loop3A_870 = tpu.vector_load %arg7[%parallel_loop3A_868, %parallel_loop3A_869] {strides = array<i32>} : memref<26x512xf32, #tpu.memory_space<vmem>>, vector<16xf32>,
      %parallel_loop3A_871 = arith.constant 16 : i32
      %parallel_loop3A_872 = arith.index_cast %parallel_loop3A_871 : i32 to index
      %parallel_loop3A_873 = arith.index_cast %parallel_loop3A_22 : i32 to index
      %parallel_loop3A_874 = tpu.vector_load %arg8[%parallel_loop3A_872, %parallel_loop3A_873] {strides = array<i32>} : memref<26x512xi32, #tpu.memory_space<vmem>>, vector<16xi32>,
      %parallel_loop3A_875 = arith.constant 17 : i32
      %parallel_loop3A_876 = arith.index_cast %parallel_loop3A_875 : i32 to index
      %parallel_loop3A_877 = arith.index_cast %parallel_loop3A_22 : i32 to index
      %parallel_loop3A_878 = tpu.vector_load %arg8[%parallel_loop3A_876, %parallel_loop3A_877] {strides = array<i32>} : memref<26x512xi32, #tpu.memory_space<vmem>>, vector<16xi32>,
      %parallel_loop3A_879 = arith.constant 18 : i32
      %parallel_loop3A_880 = arith.index_cast %parallel_loop3A_879 : i32 to index
      %parallel_loop3A_881 = arith.index_cast %parallel_loop3A_22 : i32 to index
      %parallel_loop3A_882 = tpu.vector_load %arg8[%parallel_loop3A_880, %parallel_loop3A_881] {strides = array<i32>} : memref<26x512xi32, #tpu.memory_space<vmem>>, vector<16xi32>,
      %parallel_loop3A_883 = arith.constant 19 : i32
      %parallel_loop3A_884 = arith.index_cast %parallel_loop3A_883 : i32 to index
      %parallel_loop3A_885 = arith.index_cast %parallel_loop3A_22 : i32 to index
      %parallel_loop3A_886 = tpu.vector_load %arg8[%parallel_loop3A_884, %parallel_loop3A_885] {strides = array<i32>} : memref<26x512xi32, #tpu.memory_space<vmem>>, vector<16xi32>,
      %parallel_loop3A_887 = arith.constant 1.280000e+02 : f32
      %parallel_loop3A_888 = vector.broadcast %parallel_loop3A_887 : f32 to vector<16xf32>
      %parallel_loop3A_889 = arith.mulf %parallel_loop3A_858, %parallel_loop3A_888 : vector<16xf32>
      %parallel_loop3A_890 = arith.constant 5.000000e-01 : f32
      %parallel_loop3A_891 = vector.broadcast %parallel_loop3A_890 : f32 to vector<16xf32>
      %parallel_loop3A_892 = arith.addf %parallel_loop3A_889, %parallel_loop3A_891 : vector<16xf32>
      %parallel_loop3A_893 = arith.fptosi %parallel_loop3A_892 : vector<16xf32> to vector<16xi32>
      %parallel_loop3A_894 = arith.constant 1.280000e+02 : f32
      %parallel_loop3A_895 = vector.broadcast %parallel_loop3A_894 : f32 to vector<16xf32>
      %parallel_loop3A_896 = arith.mulf %parallel_loop3A_862, %parallel_loop3A_895 : vector<16xf32>
      %parallel_loop3A_897 = arith.constant 5.000000e-01 : f32
      %parallel_loop3A_898 = vector.broadcast %parallel_loop3A_897 : f32 to vector<16xf32>
      %parallel_loop3A_899 = arith.addf %parallel_loop3A_896, %parallel_loop3A_898 : vector<16xf32>
      %parallel_loop3A_900 = arith.fptosi %parallel_loop3A_899 : vector<16xf32> to vector<16xi32>
      %parallel_loop3A_901 = arith.constant 1.280000e+02 : f32
      %parallel_loop3A_902 = vector.broadcast %parallel_loop3A_901 : f32 to vector<16xf32>
      %parallel_loop3A_903 = arith.mulf %parallel_loop3A_866, %parallel_loop3A_902 : vector<16xf32>
      %parallel_loop3A_904 = arith.constant 5.000000e-01 : f32
      %parallel_loop3A_905 = vector.broadcast %parallel_loop3A_904 : f32 to vector<16xf32>
      %parallel_loop3A_906 = arith.addf %parallel_loop3A_903, %parallel_loop3A_905 : vector<16xf32>
      %parallel_loop3A_907 = arith.fptosi %parallel_loop3A_906 : vector<16xf32> to vector<16xi32>
      %parallel_loop3A_908 = arith.constant 1.280000e+02 : f32
      %parallel_loop3A_909 = vector.broadcast %parallel_loop3A_908 : f32 to vector<16xf32>
      %parallel_loop3A_910 = arith.mulf %parallel_loop3A_870, %parallel_loop3A_909 : vector<16xf32>
      %parallel_loop3A_911 = arith.constant 5.000000e-01 : f32
      %parallel_loop3A_912 = vector.broadcast %parallel_loop3A_911 : f32 to vector<16xf32>
      %parallel_loop3A_913 = arith.addf %parallel_loop3A_910, %parallel_loop3A_912 : vector<16xf32>
      %parallel_loop3A_914 = arith.fptosi %parallel_loop3A_913 : vector<16xf32> to vector<16xi32>
      %parallel_loop3A_915 = arith.constant 127 : i32
      %parallel_loop3A_916 = vector.broadcast %parallel_loop3A_915 : i32 to vector<16xi32>
      %parallel_loop3A_917 = arith.minsi %parallel_loop3A_893, %parallel_loop3A_916 : vector<16xi32>
      %parallel_loop3A_918 = arith.constant 2048 : i32
      %parallel_loop3A_919 = vector.broadcast %parallel_loop3A_918 : i32 to vector<16xi32>
      %parallel_loop3A_920 = arith.addi %parallel_loop3A_917, %parallel_loop3A_919 : vector<16xi32>
      %parallel_loop3A_921 = arith.constant 127 : i32
      %parallel_loop3A_922 = vector.broadcast %parallel_loop3A_921 : i32 to vector<16xi32>
      %parallel_loop3A_923 = arith.minsi %parallel_loop3A_900, %parallel_loop3A_922 : vector<16xi32>
      %parallel_loop3A_924 = arith.constant 2176 : i32
      %parallel_loop3A_925 = vector.broadcast %parallel_loop3A_924 : i32 to vector<16xi32>
      %parallel_loop3A_926 = arith.addi %parallel_loop3A_923, %parallel_loop3A_925 : vector<16xi32>
      %parallel_loop3A_927 = arith.constant 127 : i32
      %parallel_loop3A_928 = vector.broadcast %parallel_loop3A_927 : i32 to vector<16xi32>
      %parallel_loop3A_929 = arith.minsi %parallel_loop3A_907, %parallel_loop3A_928 : vector<16xi32>
      %parallel_loop3A_930 = arith.constant 2304 : i32
      %parallel_loop3A_931 = vector.broadcast %parallel_loop3A_930 : i32 to vector<16xi32>
      %parallel_loop3A_932 = arith.addi %parallel_loop3A_929, %parallel_loop3A_931 : vector<16xi32>
      %parallel_loop3A_933 = arith.constant 127 : i32
      %parallel_loop3A_934 = vector.broadcast %parallel_loop3A_933 : i32 to vector<16xi32>
      %parallel_loop3A_935 = arith.minsi %parallel_loop3A_914, %parallel_loop3A_934 : vector<16xi32>
      %parallel_loop3A_936 = arith.constant 2432 : i32
      %parallel_loop3A_937 = vector.broadcast %parallel_loop3A_936 : i32 to vector<16xi32>
      %parallel_loop3A_938 = arith.addi %parallel_loop3A_935, %parallel_loop3A_937 : vector<16xi32>
      %parallel_loop3A_939 = tpu.vector_load_idx %arg9[%parallel_loop3A_920] : memref<4096xf32, #tpu.memory_space<vmem>>[vector<16xi32>], vector<16xf32>,
      %parallel_loop3A_940 = tpu.vector_load_idx %arg9[%parallel_loop3A_926] : memref<4096xf32, #tpu.memory_space<vmem>>[vector<16xi32>], vector<16xf32>,
      %parallel_loop3A_941 = tpu.vector_load_idx %arg9[%parallel_loop3A_932] : memref<4096xf32, #tpu.memory_space<vmem>>[vector<16xi32>], vector<16xf32>,
      %parallel_loop3A_942 = tpu.vector_load_idx %arg9[%parallel_loop3A_938] : memref<4096xf32, #tpu.memory_space<vmem>>[vector<16xi32>], vector<16xf32>,
      %parallel_loop3A_943 = tpu.vector_load_idx %arg10[%parallel_loop3A_920] : memref<4096xf32, #tpu.memory_space<vmem>>[vector<16xi32>], vector<16xf32>,
      %parallel_loop3A_944 = tpu.vector_load_idx %arg10[%parallel_loop3A_926] : memref<4096xf32, #tpu.memory_space<vmem>>[vector<16xi32>], vector<16xf32>,
      %parallel_loop3A_945 = tpu.vector_load_idx %arg10[%parallel_loop3A_932] : memref<4096xf32, #tpu.memory_space<vmem>>[vector<16xi32>], vector<16xf32>,
      %parallel_loop3A_946 = tpu.vector_load_idx %arg10[%parallel_loop3A_938] : memref<4096xf32, #tpu.memory_space<vmem>>[vector<16xi32>], vector<16xf32>,
      %parallel_loop3A_947 = arith.mulf %parallel_loop3A_943, %parallel_loop3A_858 : vector<16xf32>
      %parallel_loop3A_948 = arith.addf %parallel_loop3A_939, %parallel_loop3A_947 : vector<16xf32>
      %parallel_loop3A_949 = arith.constant 0.99609375 : f32
      %parallel_loop3A_950 = vector.broadcast %parallel_loop3A_949 : f32 to vector<16xf32>
      %parallel_loop3A_951 = arith.mulf %parallel_loop3A_943, %parallel_loop3A_950 : vector<16xf32>
      %parallel_loop3A_952 = arith.addf %parallel_loop3A_939, %parallel_loop3A_951 : vector<16xf32>
      %parallel_loop3A_953 = arith.constant 1.000000e+00 : f32
      %parallel_loop3A_954 = vector.broadcast %parallel_loop3A_953 : f32 to vector<16xf32>
      %parallel_loop3A_955 = arith.subf %parallel_loop3A_954, %parallel_loop3A_952 : vector<16xf32>
      %parallel_loop3A_956 = arith.constant 2.560000e+02 : f32
      %parallel_loop3A_957 = vector.broadcast %parallel_loop3A_956 : f32 to vector<16xf32>
      %parallel_loop3A_958 = arith.mulf %parallel_loop3A_957, %parallel_loop3A_858 : vector<16xf32>
      %parallel_loop3A_959 = arith.constant 2.550000e+02 : f32
      %parallel_loop3A_960 = vector.broadcast %parallel_loop3A_959 : f32 to vector<16xf32>
      %parallel_loop3A_961 = arith.subf %parallel_loop3A_958, %parallel_loop3A_960 : vector<16xf32>
      %parallel_loop3A_962 = arith.mulf %parallel_loop3A_955, %parallel_loop3A_961 : vector<16xf32>
      %parallel_loop3A_963 = arith.addf %parallel_loop3A_952, %parallel_loop3A_962 : vector<16xf32>
      %parallel_loop3A_964 = arith.constant 128 : i32
      %parallel_loop3A_965 = vector.broadcast %parallel_loop3A_964 : i32 to vector<16xi32>
      %parallel_loop3A_966 = arith.cmpi sge, %parallel_loop3A_893, %parallel_loop3A_965 : vector<16xi32>
      %parallel_loop3A_967 = arith.select %parallel_loop3A_966, %parallel_loop3A_963, %parallel_loop3A_948 : vector<16xi1>, vector<16xf32>
      %parallel_loop3A_968 = arith.constant 1 : i32
      %parallel_loop3A_969 = vector.broadcast %parallel_loop3A_968 : i32 to vector<16xi32>
      %parallel_loop3A_970 = arith.cmpi eq, %parallel_loop3A_874, %parallel_loop3A_969 : vector<16xi32>
      %parallel_loop3A_971 = arith.select %parallel_loop3A_970, %parallel_loop3A_967, %broadcast_in_dim3A_17 : vector<16xi1>, vector<16xf32>
      %parallel_loop3A_972 = arith.constant 16 : i32
      %parallel_loop3A_973 = arith.index_cast %parallel_loop3A_972 : i32 to index
      %parallel_loop3A_974 = arith.index_cast %parallel_loop3A_22 : i32 to index
      %parallel_loop3A_975 = tpu.vector_load %arg11[%parallel_loop3A_973, %parallel_loop3A_974] {strides = array<i32>} : memref<26x512xf32, #tpu.memory_space<vmem>>, vector<16xf32>,
      tpu.vector_store %arg11[%parallel_loop3A_973, %parallel_loop3A_974], %parallel_loop3A_971 {strides = array<i32>} : memref<26x512xf32, #tpu.memory_space<vmem>>, vector<16xf32>,
      %parallel_loop3A_976 = arith.mulf %parallel_loop3A_944, %parallel_loop3A_862 : vector<16xf32>
      %parallel_loop3A_977 = arith.addf %parallel_loop3A_940, %parallel_loop3A_976 : vector<16xf32>
      %parallel_loop3A_978 = arith.constant 0.99609375 : f32
      %parallel_loop3A_979 = vector.broadcast %parallel_loop3A_978 : f32 to vector<16xf32>
      %parallel_loop3A_980 = arith.mulf %parallel_loop3A_944, %parallel_loop3A_979 : vector<16xf32>
      %parallel_loop3A_981 = arith.addf %parallel_loop3A_940, %parallel_loop3A_980 : vector<16xf32>
      %parallel_loop3A_982 = arith.constant 1.000000e+00 : f32
      %parallel_loop3A_983 = vector.broadcast %parallel_loop3A_982 : f32 to vector<16xf32>
      %parallel_loop3A_984 = arith.subf %parallel_loop3A_983, %parallel_loop3A_981 : vector<16xf32>
      %parallel_loop3A_985 = arith.constant 2.560000e+02 : f32
      %parallel_loop3A_986 = vector.broadcast %parallel_loop3A_985 : f32 to vector<16xf32>
      %parallel_loop3A_987 = arith.mulf %parallel_loop3A_986, %parallel_loop3A_862 : vector<16xf32>
      %parallel_loop3A_988 = arith.constant 2.550000e+02 : f32
      %parallel_loop3A_989 = vector.broadcast %parallel_loop3A_988 : f32 to vector<16xf32>
      %parallel_loop3A_990 = arith.subf %parallel_loop3A_987, %parallel_loop3A_989 : vector<16xf32>
      %parallel_loop3A_991 = arith.mulf %parallel_loop3A_984, %parallel_loop3A_990 : vector<16xf32>
      %parallel_loop3A_992 = arith.addf %parallel_loop3A_981, %parallel_loop3A_991 : vector<16xf32>
      %parallel_loop3A_993 = arith.constant 128 : i32
      %parallel_loop3A_994 = vector.broadcast %parallel_loop3A_993 : i32 to vector<16xi32>
      %parallel_loop3A_995 = arith.cmpi sge, %parallel_loop3A_900, %parallel_loop3A_994 : vector<16xi32>
      %parallel_loop3A_996 = arith.select %parallel_loop3A_995, %parallel_loop3A_992, %parallel_loop3A_977 : vector<16xi1>, vector<16xf32>
      %parallel_loop3A_997 = arith.constant 1 : i32
      %parallel_loop3A_998 = vector.broadcast %parallel_loop3A_997 : i32 to vector<16xi32>
      %parallel_loop3A_999 = arith.cmpi eq, %parallel_loop3A_878, %parallel_loop3A_998 : vector<16xi32>
      %parallel_loop3A_1000 = arith.select %parallel_loop3A_999, %parallel_loop3A_996, %broadcast_in_dim3A_17 : vector<16xi1>, vector<16xf32>
      %parallel_loop3A_1001 = arith.constant 17 : i32
      %parallel_loop3A_1002 = arith.index_cast %parallel_loop3A_1001 : i32 to index
      %parallel_loop3A_1003 = arith.index_cast %parallel_loop3A_22 : i32 to index
      %parallel_loop3A_1004 = tpu.vector_load %arg11[%parallel_loop3A_1002, %parallel_loop3A_1003] {strides = array<i32>} : memref<26x512xf32, #tpu.memory_space<vmem>>, vector<16xf32>,
      tpu.vector_store %arg11[%parallel_loop3A_1002, %parallel_loop3A_1003], %parallel_loop3A_1000 {strides = array<i32>} : memref<26x512xf32, #tpu.memory_space<vmem>>, vector<16xf32>,
      %parallel_loop3A_1005 = arith.mulf %parallel_loop3A_945, %parallel_loop3A_866 : vector<16xf32>
      %parallel_loop3A_1006 = arith.addf %parallel_loop3A_941, %parallel_loop3A_1005 : vector<16xf32>
      %parallel_loop3A_1007 = arith.constant 0.99609375 : f32
      %parallel_loop3A_1008 = vector.broadcast %parallel_loop3A_1007 : f32 to vector<16xf32>
      %parallel_loop3A_1009 = arith.mulf %parallel_loop3A_945, %parallel_loop3A_1008 : vector<16xf32>
      %parallel_loop3A_1010 = arith.addf %parallel_loop3A_941, %parallel_loop3A_1009 : vector<16xf32>
      %parallel_loop3A_1011 = arith.constant 1.000000e+00 : f32
      %parallel_loop3A_1012 = vector.broadcast %parallel_loop3A_1011 : f32 to vector<16xf32>
      %parallel_loop3A_1013 = arith.subf %parallel_loop3A_1012, %parallel_loop3A_1010 : vector<16xf32>
      %parallel_loop3A_1014 = arith.constant 2.560000e+02 : f32
      %parallel_loop3A_1015 = vector.broadcast %parallel_loop3A_1014 : f32 to vector<16xf32>
      %parallel_loop3A_1016 = arith.mulf %parallel_loop3A_1015, %parallel_loop3A_866 : vector<16xf32>
      %parallel_loop3A_1017 = arith.constant 2.550000e+02 : f32
      %parallel_loop3A_1018 = vector.broadcast %parallel_loop3A_1017 : f32 to vector<16xf32>
      %parallel_loop3A_1019 = arith.subf %parallel_loop3A_1016, %parallel_loop3A_1018 : vector<16xf32>
      %parallel_loop3A_1020 = arith.mulf %parallel_loop3A_1013, %parallel_loop3A_1019 : vector<16xf32>
      %parallel_loop3A_1021 = arith.addf %parallel_loop3A_1010, %parallel_loop3A_1020 : vector<16xf32>
      %parallel_loop3A_1022 = arith.constant 128 : i32
      %parallel_loop3A_1023 = vector.broadcast %parallel_loop3A_1022 : i32 to vector<16xi32>
      %parallel_loop3A_1024 = arith.cmpi sge, %parallel_loop3A_907, %parallel_loop3A_1023 : vector<16xi32>
      %parallel_loop3A_1025 = arith.select %parallel_loop3A_1024, %parallel_loop3A_1021, %parallel_loop3A_1006 : vector<16xi1>, vector<16xf32>
      %parallel_loop3A_1026 = arith.constant 1 : i32
      %parallel_loop3A_1027 = vector.broadcast %parallel_loop3A_1026 : i32 to vector<16xi32>
      %parallel_loop3A_1028 = arith.cmpi eq, %parallel_loop3A_882, %parallel_loop3A_1027 : vector<16xi32>
      %parallel_loop3A_1029 = arith.select %parallel_loop3A_1028, %parallel_loop3A_1025, %broadcast_in_dim3A_17 : vector<16xi1>, vector<16xf32>
      %parallel_loop3A_1030 = arith.constant 18 : i32
      %parallel_loop3A_1031 = arith.index_cast %parallel_loop3A_1030 : i32 to index
      %parallel_loop3A_1032 = arith.index_cast %parallel_loop3A_22 : i32 to index
      %parallel_loop3A_1033 = tpu.vector_load %arg11[%parallel_loop3A_1031, %parallel_loop3A_1032] {strides = array<i32>} : memref<26x512xf32, #tpu.memory_space<vmem>>, vector<16xf32>,
      tpu.vector_store %arg11[%parallel_loop3A_1031, %parallel_loop3A_1032], %parallel_loop3A_1029 {strides = array<i32>} : memref<26x512xf32, #tpu.memory_space<vmem>>, vector<16xf32>,
      %parallel_loop3A_1034 = arith.mulf %parallel_loop3A_946, %parallel_loop3A_870 : vector<16xf32>
      %parallel_loop3A_1035 = arith.addf %parallel_loop3A_942, %parallel_loop3A_1034 : vector<16xf32>
      %parallel_loop3A_1036 = arith.constant 0.99609375 : f32
      %parallel_loop3A_1037 = vector.broadcast %parallel_loop3A_1036 : f32 to vector<16xf32>
      %parallel_loop3A_1038 = arith.mulf %parallel_loop3A_946, %parallel_loop3A_1037 : vector<16xf32>
      %parallel_loop3A_1039 = arith.addf %parallel_loop3A_942, %parallel_loop3A_1038 : vector<16xf32>
      %parallel_loop3A_1040 = arith.constant 1.000000e+00 : f32
      %parallel_loop3A_1041 = vector.broadcast %parallel_loop3A_1040 : f32 to vector<16xf32>
      %parallel_loop3A_1042 = arith.subf %parallel_loop3A_1041, %parallel_loop3A_1039 : vector<16xf32>
      %parallel_loop3A_1043 = arith.constant 2.560000e+02 : f32
      %parallel_loop3A_1044 = vector.broadcast %parallel_loop3A_1043 : f32 to vector<16xf32>
      %parallel_loop3A_1045 = arith.mulf %parallel_loop3A_1044, %parallel_loop3A_870 : vector<16xf32>
      %parallel_loop3A_1046 = arith.constant 2.550000e+02 : f32
      %parallel_loop3A_1047 = vector.broadcast %parallel_loop3A_1046 : f32 to vector<16xf32>
      %parallel_loop3A_1048 = arith.subf %parallel_loop3A_1045, %parallel_loop3A_1047 : vector<16xf32>
      %parallel_loop3A_1049 = arith.mulf %parallel_loop3A_1042, %parallel_loop3A_1048 : vector<16xf32>
      %parallel_loop3A_1050 = arith.addf %parallel_loop3A_1039, %parallel_loop3A_1049 : vector<16xf32>
      %parallel_loop3A_1051 = arith.constant 128 : i32
      %parallel_loop3A_1052 = vector.broadcast %parallel_loop3A_1051 : i32 to vector<16xi32>
      %parallel_loop3A_1053 = arith.cmpi sge, %parallel_loop3A_914, %parallel_loop3A_1052 : vector<16xi32>
      %parallel_loop3A_1054 = arith.select %parallel_loop3A_1053, %parallel_loop3A_1050, %parallel_loop3A_1035 : vector<16xi1>, vector<16xf32>
      %parallel_loop3A_1055 = arith.constant 1 : i32
      %parallel_loop3A_1056 = vector.broadcast %parallel_loop3A_1055 : i32 to vector<16xi32>
      %parallel_loop3A_1057 = arith.cmpi eq, %parallel_loop3A_886, %parallel_loop3A_1056 : vector<16xi32>
      %parallel_loop3A_1058 = arith.select %parallel_loop3A_1057, %parallel_loop3A_1054, %broadcast_in_dim3A_17 : vector<16xi1>, vector<16xf32>
      %parallel_loop3A_1059 = arith.constant 19 : i32
      %parallel_loop3A_1060 = arith.index_cast %parallel_loop3A_1059 : i32 to index
      %parallel_loop3A_1061 = arith.index_cast %parallel_loop3A_22 : i32 to index
      %parallel_loop3A_1062 = tpu.vector_load %arg11[%parallel_loop3A_1060, %parallel_loop3A_1061] {strides = array<i32>} : memref<26x512xf32, #tpu.memory_space<vmem>>, vector<16xf32>,
      tpu.vector_store %arg11[%parallel_loop3A_1060, %parallel_loop3A_1061], %parallel_loop3A_1058 {strides = array<i32>} : memref<26x512xf32, #tpu.memory_space<vmem>>, vector<16xf32>,
      %parallel_loop3A_1063 = arith.constant 20 : i32
      %parallel_loop3A_1064 = arith.index_cast %parallel_loop3A_1063 : i32 to index
      %parallel_loop3A_1065 = arith.index_cast %parallel_loop3A_22 : i32 to index
      %parallel_loop3A_1066 = tpu.vector_load %arg7[%parallel_loop3A_1064, %parallel_loop3A_1065] {strides = array<i32>} : memref<26x512xf32, #tpu.memory_space<vmem>>, vector<16xf32>,
      %parallel_loop3A_1067 = arith.constant 21 : i32
      %parallel_loop3A_1068 = arith.index_cast %parallel_loop3A_1067 : i32 to index
      %parallel_loop3A_1069 = arith.index_cast %parallel_loop3A_22 : i32 to index
      %parallel_loop3A_1070 = tpu.vector_load %arg7[%parallel_loop3A_1068, %parallel_loop3A_1069] {strides = array<i32>} : memref<26x512xf32, #tpu.memory_space<vmem>>, vector<16xf32>,
      %parallel_loop3A_1071 = arith.constant 22 : i32
      %parallel_loop3A_1072 = arith.index_cast %parallel_loop3A_1071 : i32 to index
      %parallel_loop3A_1073 = arith.index_cast %parallel_loop3A_22 : i32 to index
      %parallel_loop3A_1074 = tpu.vector_load %arg7[%parallel_loop3A_1072, %parallel_loop3A_1073] {strides = array<i32>} : memref<26x512xf32, #tpu.memory_space<vmem>>, vector<16xf32>,
      %parallel_loop3A_1075 = arith.constant 23 : i32
      %parallel_loop3A_1076 = arith.index_cast %parallel_loop3A_1075 : i32 to index
      %parallel_loop3A_1077 = arith.index_cast %parallel_loop3A_22 : i32 to index
      %parallel_loop3A_1078 = tpu.vector_load %arg7[%parallel_loop3A_1076, %parallel_loop3A_1077] {strides = array<i32>} : memref<26x512xf32, #tpu.memory_space<vmem>>, vector<16xf32>,
      %parallel_loop3A_1079 = arith.constant 20 : i32
      %parallel_loop3A_1080 = arith.index_cast %parallel_loop3A_1079 : i32 to index
      %parallel_loop3A_1081 = arith.index_cast %parallel_loop3A_22 : i32 to index
      %parallel_loop3A_1082 = tpu.vector_load %arg8[%parallel_loop3A_1080, %parallel_loop3A_1081] {strides = array<i32>} : memref<26x512xi32, #tpu.memory_space<vmem>>, vector<16xi32>,
      %parallel_loop3A_1083 = arith.constant 21 : i32
      %parallel_loop3A_1084 = arith.index_cast %parallel_loop3A_1083 : i32 to index
      %parallel_loop3A_1085 = arith.index_cast %parallel_loop3A_22 : i32 to index
      %parallel_loop3A_1086 = tpu.vector_load %arg8[%parallel_loop3A_1084, %parallel_loop3A_1085] {strides = array<i32>} : memref<26x512xi32, #tpu.memory_space<vmem>>, vector<16xi32>,
      %parallel_loop3A_1087 = arith.constant 22 : i32
      %parallel_loop3A_1088 = arith.index_cast %parallel_loop3A_1087 : i32 to index
      %parallel_loop3A_1089 = arith.index_cast %parallel_loop3A_22 : i32 to index
      %parallel_loop3A_1090 = tpu.vector_load %arg8[%parallel_loop3A_1088, %parallel_loop3A_1089] {strides = array<i32>} : memref<26x512xi32, #tpu.memory_space<vmem>>, vector<16xi32>,
      %parallel_loop3A_1091 = arith.constant 23 : i32
      %parallel_loop3A_1092 = arith.index_cast %parallel_loop3A_1091 : i32 to index
      %parallel_loop3A_1093 = arith.index_cast %parallel_loop3A_22 : i32 to index
      %parallel_loop3A_1094 = tpu.vector_load %arg8[%parallel_loop3A_1092, %parallel_loop3A_1093] {strides = array<i32>} : memref<26x512xi32, #tpu.memory_space<vmem>>, vector<16xi32>,
      %parallel_loop3A_1095 = arith.constant 1.280000e+02 : f32
      %parallel_loop3A_1096 = vector.broadcast %parallel_loop3A_1095 : f32 to vector<16xf32>
      %parallel_loop3A_1097 = arith.mulf %parallel_loop3A_1066, %parallel_loop3A_1096 : vector<16xf32>
      %parallel_loop3A_1098 = arith.constant 5.000000e-01 : f32
      %parallel_loop3A_1099 = vector.broadcast %parallel_loop3A_1098 : f32 to vector<16xf32>
      %parallel_loop3A_1100 = arith.addf %parallel_loop3A_1097, %parallel_loop3A_1099 : vector<16xf32>
      %parallel_loop3A_1101 = arith.fptosi %parallel_loop3A_1100 : vector<16xf32> to vector<16xi32>
      %parallel_loop3A_1102 = arith.constant 1.280000e+02 : f32
      %parallel_loop3A_1103 = vector.broadcast %parallel_loop3A_1102 : f32 to vector<16xf32>
      %parallel_loop3A_1104 = arith.mulf %parallel_loop3A_1070, %parallel_loop3A_1103 : vector<16xf32>
      %parallel_loop3A_1105 = arith.constant 5.000000e-01 : f32
      %parallel_loop3A_1106 = vector.broadcast %parallel_loop3A_1105 : f32 to vector<16xf32>
      %parallel_loop3A_1107 = arith.addf %parallel_loop3A_1104, %parallel_loop3A_1106 : vector<16xf32>
      %parallel_loop3A_1108 = arith.fptosi %parallel_loop3A_1107 : vector<16xf32> to vector<16xi32>
      %parallel_loop3A_1109 = arith.constant 1.280000e+02 : f32
      %parallel_loop3A_1110 = vector.broadcast %parallel_loop3A_1109 : f32 to vector<16xf32>
      %parallel_loop3A_1111 = arith.mulf %parallel_loop3A_1074, %parallel_loop3A_1110 : vector<16xf32>
      %parallel_loop3A_1112 = arith.constant 5.000000e-01 : f32
      %parallel_loop3A_1113 = vector.broadcast %parallel_loop3A_1112 : f32 to vector<16xf32>
      %parallel_loop3A_1114 = arith.addf %parallel_loop3A_1111, %parallel_loop3A_1113 : vector<16xf32>
      %parallel_loop3A_1115 = arith.fptosi %parallel_loop3A_1114 : vector<16xf32> to vector<16xi32>
      %parallel_loop3A_1116 = arith.constant 1.280000e+02 : f32
      %parallel_loop3A_1117 = vector.broadcast %parallel_loop3A_1116 : f32 to vector<16xf32>
      %parallel_loop3A_1118 = arith.mulf %parallel_loop3A_1078, %parallel_loop3A_1117 : vector<16xf32>
      %parallel_loop3A_1119 = arith.constant 5.000000e-01 : f32
      %parallel_loop3A_1120 = vector.broadcast %parallel_loop3A_1119 : f32 to vector<16xf32>
      %parallel_loop3A_1121 = arith.addf %parallel_loop3A_1118, %parallel_loop3A_1120 : vector<16xf32>
      %parallel_loop3A_1122 = arith.fptosi %parallel_loop3A_1121 : vector<16xf32> to vector<16xi32>
      %parallel_loop3A_1123 = arith.constant 127 : i32
      %parallel_loop3A_1124 = vector.broadcast %parallel_loop3A_1123 : i32 to vector<16xi32>
      %parallel_loop3A_1125 = arith.minsi %parallel_loop3A_1101, %parallel_loop3A_1124 : vector<16xi32>
      %parallel_loop3A_1126 = arith.constant 2560 : i32
      %parallel_loop3A_1127 = vector.broadcast %parallel_loop3A_1126 : i32 to vector<16xi32>
      %parallel_loop3A_1128 = arith.addi %parallel_loop3A_1125, %parallel_loop3A_1127 : vector<16xi32>
      %parallel_loop3A_1129 = arith.constant 127 : i32
      %parallel_loop3A_1130 = vector.broadcast %parallel_loop3A_1129 : i32 to vector<16xi32>
      %parallel_loop3A_1131 = arith.minsi %parallel_loop3A_1108, %parallel_loop3A_1130 : vector<16xi32>
      %parallel_loop3A_1132 = arith.constant 2688 : i32
      %parallel_loop3A_1133 = vector.broadcast %parallel_loop3A_1132 : i32 to vector<16xi32>
      %parallel_loop3A_1134 = arith.addi %parallel_loop3A_1131, %parallel_loop3A_1133 : vector<16xi32>
      %parallel_loop3A_1135 = arith.constant 127 : i32
      %parallel_loop3A_1136 = vector.broadcast %parallel_loop3A_1135 : i32 to vector<16xi32>
      %parallel_loop3A_1137 = arith.minsi %parallel_loop3A_1115, %parallel_loop3A_1136 : vector<16xi32>
      %parallel_loop3A_1138 = arith.constant 2816 : i32
      %parallel_loop3A_1139 = vector.broadcast %parallel_loop3A_1138 : i32 to vector<16xi32>
      %parallel_loop3A_1140 = arith.addi %parallel_loop3A_1137, %parallel_loop3A_1139 : vector<16xi32>
      %parallel_loop3A_1141 = arith.constant 127 : i32
      %parallel_loop3A_1142 = vector.broadcast %parallel_loop3A_1141 : i32 to vector<16xi32>
      %parallel_loop3A_1143 = arith.minsi %parallel_loop3A_1122, %parallel_loop3A_1142 : vector<16xi32>
      %parallel_loop3A_1144 = arith.constant 2944 : i32
      %parallel_loop3A_1145 = vector.broadcast %parallel_loop3A_1144 : i32 to vector<16xi32>
      %parallel_loop3A_1146 = arith.addi %parallel_loop3A_1143, %parallel_loop3A_1145 : vector<16xi32>
      %parallel_loop3A_1147 = tpu.vector_load_idx %arg9[%parallel_loop3A_1128] : memref<4096xf32, #tpu.memory_space<vmem>>[vector<16xi32>], vector<16xf32>,
      %parallel_loop3A_1148 = tpu.vector_load_idx %arg9[%parallel_loop3A_1134] : memref<4096xf32, #tpu.memory_space<vmem>>[vector<16xi32>], vector<16xf32>,
      %parallel_loop3A_1149 = tpu.vector_load_idx %arg9[%parallel_loop3A_1140] : memref<4096xf32, #tpu.memory_space<vmem>>[vector<16xi32>], vector<16xf32>,
      %parallel_loop3A_1150 = tpu.vector_load_idx %arg9[%parallel_loop3A_1146] : memref<4096xf32, #tpu.memory_space<vmem>>[vector<16xi32>], vector<16xf32>,
      %parallel_loop3A_1151 = tpu.vector_load_idx %arg10[%parallel_loop3A_1128] : memref<4096xf32, #tpu.memory_space<vmem>>[vector<16xi32>], vector<16xf32>,
      %parallel_loop3A_1152 = tpu.vector_load_idx %arg10[%parallel_loop3A_1134] : memref<4096xf32, #tpu.memory_space<vmem>>[vector<16xi32>], vector<16xf32>,
      %parallel_loop3A_1153 = tpu.vector_load_idx %arg10[%parallel_loop3A_1140] : memref<4096xf32, #tpu.memory_space<vmem>>[vector<16xi32>], vector<16xf32>,
      %parallel_loop3A_1154 = tpu.vector_load_idx %arg10[%parallel_loop3A_1146] : memref<4096xf32, #tpu.memory_space<vmem>>[vector<16xi32>], vector<16xf32>,
      %parallel_loop3A_1155 = arith.mulf %parallel_loop3A_1151, %parallel_loop3A_1066 : vector<16xf32>
      %parallel_loop3A_1156 = arith.addf %parallel_loop3A_1147, %parallel_loop3A_1155 : vector<16xf32>
      %parallel_loop3A_1157 = arith.constant 0.99609375 : f32
      %parallel_loop3A_1158 = vector.broadcast %parallel_loop3A_1157 : f32 to vector<16xf32>
      %parallel_loop3A_1159 = arith.mulf %parallel_loop3A_1151, %parallel_loop3A_1158 : vector<16xf32>
      %parallel_loop3A_1160 = arith.addf %parallel_loop3A_1147, %parallel_loop3A_1159 : vector<16xf32>
      %parallel_loop3A_1161 = arith.constant 1.000000e+00 : f32
      %parallel_loop3A_1162 = vector.broadcast %parallel_loop3A_1161 : f32 to vector<16xf32>
      %parallel_loop3A_1163 = arith.subf %parallel_loop3A_1162, %parallel_loop3A_1160 : vector<16xf32>
      %parallel_loop3A_1164 = arith.constant 2.560000e+02 : f32
      %parallel_loop3A_1165 = vector.broadcast %parallel_loop3A_1164 : f32 to vector<16xf32>
      %parallel_loop3A_1166 = arith.mulf %parallel_loop3A_1165, %parallel_loop3A_1066 : vector<16xf32>
      %parallel_loop3A_1167 = arith.constant 2.550000e+02 : f32
      %parallel_loop3A_1168 = vector.broadcast %parallel_loop3A_1167 : f32 to vector<16xf32>
      %parallel_loop3A_1169 = arith.subf %parallel_loop3A_1166, %parallel_loop3A_1168 : vector<16xf32>
      %parallel_loop3A_1170 = arith.mulf %parallel_loop3A_1163, %parallel_loop3A_1169 : vector<16xf32>
      %parallel_loop3A_1171 = arith.addf %parallel_loop3A_1160, %parallel_loop3A_1170 : vector<16xf32>
      %parallel_loop3A_1172 = arith.constant 128 : i32
      %parallel_loop3A_1173 = vector.broadcast %parallel_loop3A_1172 : i32 to vector<16xi32>
      %parallel_loop3A_1174 = arith.cmpi sge, %parallel_loop3A_1101, %parallel_loop3A_1173 : vector<16xi32>
      %parallel_loop3A_1175 = arith.select %parallel_loop3A_1174, %parallel_loop3A_1171, %parallel_loop3A_1156 : vector<16xi1>, vector<16xf32>
      %parallel_loop3A_1176 = arith.constant 1 : i32
      %parallel_loop3A_1177 = vector.broadcast %parallel_loop3A_1176 : i32 to vector<16xi32>
      %parallel_loop3A_1178 = arith.cmpi eq, %parallel_loop3A_1082, %parallel_loop3A_1177 : vector<16xi32>
      %parallel_loop3A_1179 = arith.select %parallel_loop3A_1178, %parallel_loop3A_1175, %broadcast_in_dim3A_17 : vector<16xi1>, vector<16xf32>
      %parallel_loop3A_1180 = arith.constant 20 : i32
      %parallel_loop3A_1181 = arith.index_cast %parallel_loop3A_1180 : i32 to index
      %parallel_loop3A_1182 = arith.index_cast %parallel_loop3A_22 : i32 to index
      %parallel_loop3A_1183 = tpu.vector_load %arg11[%parallel_loop3A_1181, %parallel_loop3A_1182] {strides = array<i32>} : memref<26x512xf32, #tpu.memory_space<vmem>>, vector<16xf32>,
      tpu.vector_store %arg11[%parallel_loop3A_1181, %parallel_loop3A_1182], %parallel_loop3A_1179 {strides = array<i32>} : memref<26x512xf32, #tpu.memory_space<vmem>>, vector<16xf32>,
      %parallel_loop3A_1184 = arith.mulf %parallel_loop3A_1152, %parallel_loop3A_1070 : vector<16xf32>
      %parallel_loop3A_1185 = arith.addf %parallel_loop3A_1148, %parallel_loop3A_1184 : vector<16xf32>
      %parallel_loop3A_1186 = arith.constant 0.99609375 : f32
      %parallel_loop3A_1187 = vector.broadcast %parallel_loop3A_1186 : f32 to vector<16xf32>
      %parallel_loop3A_1188 = arith.mulf %parallel_loop3A_1152, %parallel_loop3A_1187 : vector<16xf32>
      %parallel_loop3A_1189 = arith.addf %parallel_loop3A_1148, %parallel_loop3A_1188 : vector<16xf32>
      %parallel_loop3A_1190 = arith.constant 1.000000e+00 : f32
      %parallel_loop3A_1191 = vector.broadcast %parallel_loop3A_1190 : f32 to vector<16xf32>
      %parallel_loop3A_1192 = arith.subf %parallel_loop3A_1191, %parallel_loop3A_1189 : vector<16xf32>
      %parallel_loop3A_1193 = arith.constant 2.560000e+02 : f32
      %parallel_loop3A_1194 = vector.broadcast %parallel_loop3A_1193 : f32 to vector<16xf32>
      %parallel_loop3A_1195 = arith.mulf %parallel_loop3A_1194, %parallel_loop3A_1070 : vector<16xf32>
      %parallel_loop3A_1196 = arith.constant 2.550000e+02 : f32
      %parallel_loop3A_1197 = vector.broadcast %parallel_loop3A_1196 : f32 to vector<16xf32>
      %parallel_loop3A_1198 = arith.subf %parallel_loop3A_1195, %parallel_loop3A_1197 : vector<16xf32>
      %parallel_loop3A_1199 = arith.mulf %parallel_loop3A_1192, %parallel_loop3A_1198 : vector<16xf32>
      %parallel_loop3A_1200 = arith.addf %parallel_loop3A_1189, %parallel_loop3A_1199 : vector<16xf32>
      %parallel_loop3A_1201 = arith.constant 128 : i32
      %parallel_loop3A_1202 = vector.broadcast %parallel_loop3A_1201 : i32 to vector<16xi32>
      %parallel_loop3A_1203 = arith.cmpi sge, %parallel_loop3A_1108, %parallel_loop3A_1202 : vector<16xi32>
      %parallel_loop3A_1204 = arith.select %parallel_loop3A_1203, %parallel_loop3A_1200, %parallel_loop3A_1185 : vector<16xi1>, vector<16xf32>
      %parallel_loop3A_1205 = arith.constant 1 : i32
      %parallel_loop3A_1206 = vector.broadcast %parallel_loop3A_1205 : i32 to vector<16xi32>
      %parallel_loop3A_1207 = arith.cmpi eq, %parallel_loop3A_1086, %parallel_loop3A_1206 : vector<16xi32>
      %parallel_loop3A_1208 = arith.select %parallel_loop3A_1207, %parallel_loop3A_1204, %broadcast_in_dim3A_17 : vector<16xi1>, vector<16xf32>
      %parallel_loop3A_1209 = arith.constant 21 : i32
      %parallel_loop3A_1210 = arith.index_cast %parallel_loop3A_1209 : i32 to index
      %parallel_loop3A_1211 = arith.index_cast %parallel_loop3A_22 : i32 to index
      %parallel_loop3A_1212 = tpu.vector_load %arg11[%parallel_loop3A_1210, %parallel_loop3A_1211] {strides = array<i32>} : memref<26x512xf32, #tpu.memory_space<vmem>>, vector<16xf32>,
      tpu.vector_store %arg11[%parallel_loop3A_1210, %parallel_loop3A_1211], %parallel_loop3A_1208 {strides = array<i32>} : memref<26x512xf32, #tpu.memory_space<vmem>>, vector<16xf32>,
      %parallel_loop3A_1213 = arith.mulf %parallel_loop3A_1153, %parallel_loop3A_1074 : vector<16xf32>
      %parallel_loop3A_1214 = arith.addf %parallel_loop3A_1149, %parallel_loop3A_1213 : vector<16xf32>
      %parallel_loop3A_1215 = arith.constant 0.99609375 : f32
      %parallel_loop3A_1216 = vector.broadcast %parallel_loop3A_1215 : f32 to vector<16xf32>
      %parallel_loop3A_1217 = arith.mulf %parallel_loop3A_1153, %parallel_loop3A_1216 : vector<16xf32>
      %parallel_loop3A_1218 = arith.addf %parallel_loop3A_1149, %parallel_loop3A_1217 : vector<16xf32>
      %parallel_loop3A_1219 = arith.constant 1.000000e+00 : f32
      %parallel_loop3A_1220 = vector.broadcast %parallel_loop3A_1219 : f32 to vector<16xf32>
      %parallel_loop3A_1221 = arith.subf %parallel_loop3A_1220, %parallel_loop3A_1218 : vector<16xf32>
      %parallel_loop3A_1222 = arith.constant 2.560000e+02 : f32
      %parallel_loop3A_1223 = vector.broadcast %parallel_loop3A_1222 : f32 to vector<16xf32>
      %parallel_loop3A_1224 = arith.mulf %parallel_loop3A_1223, %parallel_loop3A_1074 : vector<16xf32>
      %parallel_loop3A_1225 = arith.constant 2.550000e+02 : f32
      %parallel_loop3A_1226 = vector.broadcast %parallel_loop3A_1225 : f32 to vector<16xf32>
      %parallel_loop3A_1227 = arith.subf %parallel_loop3A_1224, %parallel_loop3A_1226 : vector<16xf32>
      %parallel_loop3A_1228 = arith.mulf %parallel_loop3A_1221, %parallel_loop3A_1227 : vector<16xf32>
      %parallel_loop3A_1229 = arith.addf %parallel_loop3A_1218, %parallel_loop3A_1228 : vector<16xf32>
      %parallel_loop3A_1230 = arith.constant 128 : i32
      %parallel_loop3A_1231 = vector.broadcast %parallel_loop3A_1230 : i32 to vector<16xi32>
      %parallel_loop3A_1232 = arith.cmpi sge, %parallel_loop3A_1115, %parallel_loop3A_1231 : vector<16xi32>
      %parallel_loop3A_1233 = arith.select %parallel_loop3A_1232, %parallel_loop3A_1229, %parallel_loop3A_1214 : vector<16xi1>, vector<16xf32>
      %parallel_loop3A_1234 = arith.constant 1 : i32
      %parallel_loop3A_1235 = vector.broadcast %parallel_loop3A_1234 : i32 to vector<16xi32>
      %parallel_loop3A_1236 = arith.cmpi eq, %parallel_loop3A_1090, %parallel_loop3A_1235 : vector<16xi32>
      %parallel_loop3A_1237 = arith.select %parallel_loop3A_1236, %parallel_loop3A_1233, %broadcast_in_dim3A_17 : vector<16xi1>, vector<16xf32>
      %parallel_loop3A_1238 = arith.constant 22 : i32
      %parallel_loop3A_1239 = arith.index_cast %parallel_loop3A_1238 : i32 to index
      %parallel_loop3A_1240 = arith.index_cast %parallel_loop3A_22 : i32 to index
      %parallel_loop3A_1241 = tpu.vector_load %arg11[%parallel_loop3A_1239, %parallel_loop3A_1240] {strides = array<i32>} : memref<26x512xf32, #tpu.memory_space<vmem>>, vector<16xf32>,
      tpu.vector_store %arg11[%parallel_loop3A_1239, %parallel_loop3A_1240], %parallel_loop3A_1237 {strides = array<i32>} : memref<26x512xf32, #tpu.memory_space<vmem>>, vector<16xf32>,
      %parallel_loop3A_1242 = arith.mulf %parallel_loop3A_1154, %parallel_loop3A_1078 : vector<16xf32>
      %parallel_loop3A_1243 = arith.addf %parallel_loop3A_1150, %parallel_loop3A_1242 : vector<16xf32>
      %parallel_loop3A_1244 = arith.constant 0.99609375 : f32
      %parallel_loop3A_1245 = vector.broadcast %parallel_loop3A_1244 : f32 to vector<16xf32>
      %parallel_loop3A_1246 = arith.mulf %parallel_loop3A_1154, %parallel_loop3A_1245 : vector<16xf32>
      %parallel_loop3A_1247 = arith.addf %parallel_loop3A_1150, %parallel_loop3A_1246 : vector<16xf32>
      %parallel_loop3A_1248 = arith.constant 1.000000e+00 : f32
      %parallel_loop3A_1249 = vector.broadcast %parallel_loop3A_1248 : f32 to vector<16xf32>
      %parallel_loop3A_1250 = arith.subf %parallel_loop3A_1249, %parallel_loop3A_1247 : vector<16xf32>
      %parallel_loop3A_1251 = arith.constant 2.560000e+02 : f32
      %parallel_loop3A_1252 = vector.broadcast %parallel_loop3A_1251 : f32 to vector<16xf32>
      %parallel_loop3A_1253 = arith.mulf %parallel_loop3A_1252, %parallel_loop3A_1078 : vector<16xf32>
      %parallel_loop3A_1254 = arith.constant 2.550000e+02 : f32
      %parallel_loop3A_1255 = vector.broadcast %parallel_loop3A_1254 : f32 to vector<16xf32>
      %parallel_loop3A_1256 = arith.subf %parallel_loop3A_1253, %parallel_loop3A_1255 : vector<16xf32>
      %parallel_loop3A_1257 = arith.mulf %parallel_loop3A_1250, %parallel_loop3A_1256 : vector<16xf32>
      %parallel_loop3A_1258 = arith.addf %parallel_loop3A_1247, %parallel_loop3A_1257 : vector<16xf32>
      %parallel_loop3A_1259 = arith.constant 128 : i32
      %parallel_loop3A_1260 = vector.broadcast %parallel_loop3A_1259 : i32 to vector<16xi32>
      %parallel_loop3A_1261 = arith.cmpi sge, %parallel_loop3A_1122, %parallel_loop3A_1260 : vector<16xi32>
      %parallel_loop3A_1262 = arith.select %parallel_loop3A_1261, %parallel_loop3A_1258, %parallel_loop3A_1243 : vector<16xi1>, vector<16xf32>
      %parallel_loop3A_1263 = arith.constant 1 : i32
      %parallel_loop3A_1264 = vector.broadcast %parallel_loop3A_1263 : i32 to vector<16xi32>
      %parallel_loop3A_1265 = arith.cmpi eq, %parallel_loop3A_1094, %parallel_loop3A_1264 : vector<16xi32>
      %parallel_loop3A_1266 = arith.select %parallel_loop3A_1265, %parallel_loop3A_1262, %broadcast_in_dim3A_17 : vector<16xi1>, vector<16xf32>
      %parallel_loop3A_1267 = arith.constant 23 : i32
      %parallel_loop3A_1268 = arith.index_cast %parallel_loop3A_1267 : i32 to index
      %parallel_loop3A_1269 = arith.index_cast %parallel_loop3A_22 : i32 to index
      %parallel_loop3A_1270 = tpu.vector_load %arg11[%parallel_loop3A_1268, %parallel_loop3A_1269] {strides = array<i32>} : memref<26x512xf32, #tpu.memory_space<vmem>>, vector<16xf32>,
      tpu.vector_store %arg11[%parallel_loop3A_1268, %parallel_loop3A_1269], %parallel_loop3A_1266 {strides = array<i32>} : memref<26x512xf32, #tpu.memory_space<vmem>>, vector<16xf32>,
      %parallel_loop3A_1271 = arith.constant 24 : i32
      %parallel_loop3A_1272 = arith.index_cast %parallel_loop3A_1271 : i32 to index
      %parallel_loop3A_1273 = arith.index_cast %parallel_loop3A_22 : i32 to index
      %parallel_loop3A_1274 = tpu.vector_load %arg7[%parallel_loop3A_1272, %parallel_loop3A_1273] {strides = array<i32>} : memref<26x512xf32, #tpu.memory_space<vmem>>, vector<16xf32>,
      %parallel_loop3A_1275 = arith.constant 25 : i32
      %parallel_loop3A_1276 = arith.index_cast %parallel_loop3A_1275 : i32 to index
      %parallel_loop3A_1277 = arith.index_cast %parallel_loop3A_22 : i32 to index
      %parallel_loop3A_1278 = tpu.vector_load %arg7[%parallel_loop3A_1276, %parallel_loop3A_1277] {strides = array<i32>} : memref<26x512xf32, #tpu.memory_space<vmem>>, vector<16xf32>,
      %parallel_loop3A_1279 = arith.constant 24 : i32
      %parallel_loop3A_1280 = arith.index_cast %parallel_loop3A_1279 : i32 to index
      %parallel_loop3A_1281 = arith.index_cast %parallel_loop3A_22 : i32 to index
      %parallel_loop3A_1282 = tpu.vector_load %arg8[%parallel_loop3A_1280, %parallel_loop3A_1281] {strides = array<i32>} : memref<26x512xi32, #tpu.memory_space<vmem>>, vector<16xi32>,
      %parallel_loop3A_1283 = arith.constant 25 : i32
      %parallel_loop3A_1284 = arith.index_cast %parallel_loop3A_1283 : i32 to index
      %parallel_loop3A_1285 = arith.index_cast %parallel_loop3A_22 : i32 to index
      %parallel_loop3A_1286 = tpu.vector_load %arg8[%parallel_loop3A_1284, %parallel_loop3A_1285] {strides = array<i32>} : memref<26x512xi32, #tpu.memory_space<vmem>>, vector<16xi32>,
      %parallel_loop3A_1287 = arith.constant 1.280000e+02 : f32
      %parallel_loop3A_1288 = vector.broadcast %parallel_loop3A_1287 : f32 to vector<16xf32>
      %parallel_loop3A_1289 = arith.mulf %parallel_loop3A_1274, %parallel_loop3A_1288 : vector<16xf32>
      %parallel_loop3A_1290 = arith.constant 5.000000e-01 : f32
      %parallel_loop3A_1291 = vector.broadcast %parallel_loop3A_1290 : f32 to vector<16xf32>
      %parallel_loop3A_1292 = arith.addf %parallel_loop3A_1289, %parallel_loop3A_1291 : vector<16xf32>
      %parallel_loop3A_1293 = arith.fptosi %parallel_loop3A_1292 : vector<16xf32> to vector<16xi32>
      %parallel_loop3A_1294 = arith.constant 1.280000e+02 : f32
      %parallel_loop3A_1295 = vector.broadcast %parallel_loop3A_1294 : f32 to vector<16xf32>
      %parallel_loop3A_1296 = arith.mulf %parallel_loop3A_1278, %parallel_loop3A_1295 : vector<16xf32>
      %parallel_loop3A_1297 = arith.constant 5.000000e-01 : f32
      %parallel_loop3A_1298 = vector.broadcast %parallel_loop3A_1297 : f32 to vector<16xf32>
      %parallel_loop3A_1299 = arith.addf %parallel_loop3A_1296, %parallel_loop3A_1298 : vector<16xf32>
      %parallel_loop3A_1300 = arith.fptosi %parallel_loop3A_1299 : vector<16xf32> to vector<16xi32>
      %parallel_loop3A_1301 = arith.constant 127 : i32
      %parallel_loop3A_1302 = vector.broadcast %parallel_loop3A_1301 : i32 to vector<16xi32>
      %parallel_loop3A_1303 = arith.minsi %parallel_loop3A_1293, %parallel_loop3A_1302 : vector<16xi32>
      %parallel_loop3A_1304 = arith.constant 3072 : i32
      %parallel_loop3A_1305 = vector.broadcast %parallel_loop3A_1304 : i32 to vector<16xi32>
      %parallel_loop3A_1306 = arith.addi %parallel_loop3A_1303, %parallel_loop3A_1305 : vector<16xi32>
      %parallel_loop3A_1307 = arith.constant 127 : i32
      %parallel_loop3A_1308 = vector.broadcast %parallel_loop3A_1307 : i32 to vector<16xi32>
      %parallel_loop3A_1309 = arith.minsi %parallel_loop3A_1300, %parallel_loop3A_1308 : vector<16xi32>
      %parallel_loop3A_1310 = arith.constant 3200 : i32
      %parallel_loop3A_1311 = vector.broadcast %parallel_loop3A_1310 : i32 to vector<16xi32>
      %parallel_loop3A_1312 = arith.addi %parallel_loop3A_1309, %parallel_loop3A_1311 : vector<16xi32>
      %parallel_loop3A_1313 = tpu.vector_load_idx %arg9[%parallel_loop3A_1306] : memref<4096xf32, #tpu.memory_space<vmem>>[vector<16xi32>], vector<16xf32>,
      %parallel_loop3A_1314 = tpu.vector_load_idx %arg9[%parallel_loop3A_1312] : memref<4096xf32, #tpu.memory_space<vmem>>[vector<16xi32>], vector<16xf32>,
      %parallel_loop3A_1315 = tpu.vector_load_idx %arg10[%parallel_loop3A_1306] : memref<4096xf32, #tpu.memory_space<vmem>>[vector<16xi32>], vector<16xf32>,
      %parallel_loop3A_1316 = tpu.vector_load_idx %arg10[%parallel_loop3A_1312] : memref<4096xf32, #tpu.memory_space<vmem>>[vector<16xi32>], vector<16xf32>,
      %parallel_loop3A_1317 = arith.mulf %parallel_loop3A_1315, %parallel_loop3A_1274 : vector<16xf32>
      %parallel_loop3A_1318 = arith.addf %parallel_loop3A_1313, %parallel_loop3A_1317 : vector<16xf32>
      %parallel_loop3A_1319 = arith.constant 0.99609375 : f32
      %parallel_loop3A_1320 = vector.broadcast %parallel_loop3A_1319 : f32 to vector<16xf32>
      %parallel_loop3A_1321 = arith.mulf %parallel_loop3A_1315, %parallel_loop3A_1320 : vector<16xf32>
      %parallel_loop3A_1322 = arith.addf %parallel_loop3A_1313, %parallel_loop3A_1321 : vector<16xf32>
      %parallel_loop3A_1323 = arith.constant 1.000000e+00 : f32
      %parallel_loop3A_1324 = vector.broadcast %parallel_loop3A_1323 : f32 to vector<16xf32>
      %parallel_loop3A_1325 = arith.subf %parallel_loop3A_1324, %parallel_loop3A_1322 : vector<16xf32>
      %parallel_loop3A_1326 = arith.constant 2.560000e+02 : f32
      %parallel_loop3A_1327 = vector.broadcast %parallel_loop3A_1326 : f32 to vector<16xf32>
      %parallel_loop3A_1328 = arith.mulf %parallel_loop3A_1327, %parallel_loop3A_1274 : vector<16xf32>
      %parallel_loop3A_1329 = arith.constant 2.550000e+02 : f32
      %parallel_loop3A_1330 = vector.broadcast %parallel_loop3A_1329 : f32 to vector<16xf32>
      %parallel_loop3A_1331 = arith.subf %parallel_loop3A_1328, %parallel_loop3A_1330 : vector<16xf32>
      %parallel_loop3A_1332 = arith.mulf %parallel_loop3A_1325, %parallel_loop3A_1331 : vector<16xf32>
      %parallel_loop3A_1333 = arith.addf %parallel_loop3A_1322, %parallel_loop3A_1332 : vector<16xf32>
      %parallel_loop3A_1334 = arith.constant 128 : i32
      %parallel_loop3A_1335 = vector.broadcast %parallel_loop3A_1334 : i32 to vector<16xi32>
      %parallel_loop3A_1336 = arith.cmpi sge, %parallel_loop3A_1293, %parallel_loop3A_1335 : vector<16xi32>
      %parallel_loop3A_1337 = arith.select %parallel_loop3A_1336, %parallel_loop3A_1333, %parallel_loop3A_1318 : vector<16xi1>, vector<16xf32>
      %parallel_loop3A_1338 = arith.constant 1 : i32
      %parallel_loop3A_1339 = vector.broadcast %parallel_loop3A_1338 : i32 to vector<16xi32>
      %parallel_loop3A_1340 = arith.cmpi eq, %parallel_loop3A_1282, %parallel_loop3A_1339 : vector<16xi32>
      %parallel_loop3A_1341 = arith.select %parallel_loop3A_1340, %parallel_loop3A_1337, %broadcast_in_dim3A_17 : vector<16xi1>, vector<16xf32>
      %parallel_loop3A_1342 = arith.constant 24 : i32
      %parallel_loop3A_1343 = arith.index_cast %parallel_loop3A_1342 : i32 to index
      %parallel_loop3A_1344 = arith.index_cast %parallel_loop3A_22 : i32 to index
      %parallel_loop3A_1345 = tpu.vector_load %arg11[%parallel_loop3A_1343, %parallel_loop3A_1344] {strides = array<i32>} : memref<26x512xf32, #tpu.memory_space<vmem>>, vector<16xf32>,
      tpu.vector_store %arg11[%parallel_loop3A_1343, %parallel_loop3A_1344], %parallel_loop3A_1341 {strides = array<i32>} : memref<26x512xf32, #tpu.memory_space<vmem>>, vector<16xf32>,
      %parallel_loop3A_1346 = arith.mulf %parallel_loop3A_1316, %parallel_loop3A_1278 : vector<16xf32>
      %parallel_loop3A_1347 = arith.addf %parallel_loop3A_1314, %parallel_loop3A_1346 : vector<16xf32>
      %parallel_loop3A_1348 = arith.constant 0.99609375 : f32
      %parallel_loop3A_1349 = vector.broadcast %parallel_loop3A_1348 : f32 to vector<16xf32>
      %parallel_loop3A_1350 = arith.mulf %parallel_loop3A_1316, %parallel_loop3A_1349 : vector<16xf32>
      %parallel_loop3A_1351 = arith.addf %parallel_loop3A_1314, %parallel_loop3A_1350 : vector<16xf32>
      %parallel_loop3A_1352 = arith.constant 1.000000e+00 : f32
      %parallel_loop3A_1353 = vector.broadcast %parallel_loop3A_1352 : f32 to vector<16xf32>
      %parallel_loop3A_1354 = arith.subf %parallel_loop3A_1353, %parallel_loop3A_1351 : vector<16xf32>
      %parallel_loop3A_1355 = arith.constant 2.560000e+02 : f32
      %parallel_loop3A_1356 = vector.broadcast %parallel_loop3A_1355 : f32 to vector<16xf32>
      %parallel_loop3A_1357 = arith.mulf %parallel_loop3A_1356, %parallel_loop3A_1278 : vector<16xf32>
      %parallel_loop3A_1358 = arith.constant 2.550000e+02 : f32
      %parallel_loop3A_1359 = vector.broadcast %parallel_loop3A_1358 : f32 to vector<16xf32>
      %parallel_loop3A_1360 = arith.subf %parallel_loop3A_1357, %parallel_loop3A_1359 : vector<16xf32>
      %parallel_loop3A_1361 = arith.mulf %parallel_loop3A_1354, %parallel_loop3A_1360 : vector<16xf32>
      %parallel_loop3A_1362 = arith.addf %parallel_loop3A_1351, %parallel_loop3A_1361 : vector<16xf32>
      %parallel_loop3A_1363 = arith.constant 128 : i32
      %parallel_loop3A_1364 = vector.broadcast %parallel_loop3A_1363 : i32 to vector<16xi32>
      %parallel_loop3A_1365 = arith.cmpi sge, %parallel_loop3A_1300, %parallel_loop3A_1364 : vector<16xi32>
      %parallel_loop3A_1366 = arith.select %parallel_loop3A_1365, %parallel_loop3A_1362, %parallel_loop3A_1347 : vector<16xi1>, vector<16xf32>
      %parallel_loop3A_1367 = arith.constant 1 : i32
      %parallel_loop3A_1368 = vector.broadcast %parallel_loop3A_1367 : i32 to vector<16xi32>
      %parallel_loop3A_1369 = arith.cmpi eq, %parallel_loop3A_1286, %parallel_loop3A_1368 : vector<16xi32>
      %parallel_loop3A_1370 = arith.select %parallel_loop3A_1369, %parallel_loop3A_1366, %broadcast_in_dim3A_17 : vector<16xi1>, vector<16xf32>
      %parallel_loop3A_1371 = arith.constant 25 : i32
      %parallel_loop3A_1372 = arith.index_cast %parallel_loop3A_1371 : i32 to index
      %parallel_loop3A_1373 = arith.index_cast %parallel_loop3A_22 : i32 to index
      %parallel_loop3A_1374 = tpu.vector_load %arg11[%parallel_loop3A_1372, %parallel_loop3A_1373] {strides = array<i32>} : memref<26x512xf32, #tpu.memory_space<vmem>>, vector<16xf32>,
      tpu.vector_store %arg11[%parallel_loop3A_1372, %parallel_loop3A_1373], %parallel_loop3A_1370 {strides = array<i32>} : memref<26x512xf32, #tpu.memory_space<vmem>>, vector<16xf32>,
    } {sc.loop_unroll_factor = 4 : i64, sc.parallel_access}
    "tpu.region"() ({
      %run_scoped3A = tpu.sem_alloc : memref<!tpu.dma_semaphore, #tpu.memory_space<semaphore_mem>>
      %dma_start3A_20 = arith.constant 0 : i32
      %dma_start3A_21 = tpu.memref_slice %arg6[%dma_start3A_20, %mul3A_2] : memref<26x16384xf32, #tpu.memory_space<hbm>> -> memref<26x512xf32, #tpu.memory_space<hbm>>
      %dma_start3A_22 = arith.constant 0 : i32
      %dma_start3A_23 = tpu.memref_slice %arg6[%dma_start3A_22, %mul3A_2] : memref<26x16384xf32, #tpu.memory_space<hbm>> -> memref<26x512xf32, #tpu.memory_space<hbm>>
      tpu.enqueue_dma source(%arg11 : memref<26x512xf32, #tpu.memory_space<vmem>>) target(%dma_start3A_23 : memref<26x512xf32, #tpu.memory_space<hbm>>) target_semaphore(%run_scoped3A : memref<!tpu.dma_semaphore, #tpu.memory_space<semaphore_mem>>)
      %dma_wait3A_24 = arith.constant 0 : i32
      %dma_wait3A_25 = tpu.memref_slice %arg6[%dma_wait3A_24, %mul3A_2] : memref<26x16384xf32, #tpu.memory_space<hbm>> -> memref<26x512xf32, #tpu.memory_space<hbm>>
      %dma_wait3A_26 = arith.constant 0 : i32
      %dma_wait3A_27 = tpu.memref_slice %arg6[%dma_wait3A_26, %mul3A_2] : memref<26x16384xf32, #tpu.memory_space<hbm>> -> memref<26x512xf32, #tpu.memory_space<hbm>>
      tpu.wait_dma2 semaphore(%run_scoped3A : memref<!tpu.dma_semaphore, #tpu.memory_space<semaphore_mem>>) src(%arg11 : memref<26x512xf32, #tpu.memory_space<vmem>>) dst(%dma_wait3A_27 : memref<26x512xf32, #tpu.memory_space<hbm>>)
      tpu.yield
    }) : () -> ()
    return
  }
}

#map = affine_map<(d0, d1) -> (0, 0)>
#map1 = affine_map<(d0, d1) -> (0)>
module attributes {stable_mosaic.version = 14 : i64} {
  func.func @_hist_call(%arg0: i32, %arg1: i32, %arg2: memref<26x16384xf32, #tpu.memory_space<hbm>>, %arg3: memref<26x16384xi32, #tpu.memory_space<hbm>>, %arg4: memref<6656xf32, #tpu.memory_space<hbm>>, %arg5: memref<26x512xf32, #tpu.memory_space<vmem>>, %arg6: memref<26x512xi32, #tpu.memory_space<vmem>>, %arg7: memref<26880xf32, #tpu.memory_space<vmem>>, %arg8: memref<3328xf32, #tpu.memory_space<vmem>>, %arg9: memref<53248xf32, #tpu.memory_space<vmem_shared>>, %arg10: memref<3328xf32, #tpu.memory_space<vmem>>, %arg11: memref<208xf32, #tpu.memory_space<vmem>>, %arg12: memref<!tpu.dma_semaphore, #tpu.memory_space<semaphore_mem>>) attributes {dimension_semantics = [#tpu.dimension_semantics<core_parallel>, #tpu.dimension_semantics<subcore_parallel>], iteration_bounds = array<i64: 2, 16>, scalar_prefetch = 0 : i64, scratch_operands = 8 : i64, tpu.core_type = #tpu.core_type<sc_vector_subcore>, window_params = [{transform_indices = #map}, {transform_indices = #map}, {transform_indices = #map1}]} {
    %mul3A = arith.constant 16 : i32
    %mul3A_0 = arith.muli %arg0, %mul3A : i32
    %add3A = arith.addi %mul3A_0, %arg1 : i32
    %mul3A_1 = arith.constant 512 : i32
    %mul3A_2 = arith.muli %add3A, %mul3A_1 : i32
    %dma_start3A = arith.constant 0 : i32
    %dma_start3A_3 = tpu.memref_slice %arg2[%dma_start3A, %mul3A_2] : memref<26x16384xf32, #tpu.memory_space<hbm>> -> memref<26x512xf32, #tpu.memory_space<hbm>>
    %dma_start3A_4 = arith.constant 0 : i32
    %dma_start3A_5 = tpu.memref_slice %arg2[%dma_start3A_4, %mul3A_2] : memref<26x16384xf32, #tpu.memory_space<hbm>> -> memref<26x512xf32, #tpu.memory_space<hbm>>
    tpu.enqueue_dma source(%dma_start3A_5 : memref<26x512xf32, #tpu.memory_space<hbm>>) target(%arg5 : memref<26x512xf32, #tpu.memory_space<vmem>>) target_semaphore(%arg12 : memref<!tpu.dma_semaphore, #tpu.memory_space<semaphore_mem>>)
    %dma_start3A_6 = arith.constant 0 : i32
    %dma_start3A_7 = tpu.memref_slice %arg3[%dma_start3A_6, %mul3A_2] : memref<26x16384xi32, #tpu.memory_space<hbm>> -> memref<26x512xi32, #tpu.memory_space<hbm>>
    %dma_start3A_8 = arith.constant 0 : i32
    %dma_start3A_9 = tpu.memref_slice %arg3[%dma_start3A_8, %mul3A_2] : memref<26x16384xi32, #tpu.memory_space<hbm>> -> memref<26x512xi32, #tpu.memory_space<hbm>>
    tpu.enqueue_dma source(%dma_start3A_9 : memref<26x512xi32, #tpu.memory_space<hbm>>) target(%arg6 : memref<26x512xi32, #tpu.memory_space<vmem>>) target_semaphore(%arg12 : memref<!tpu.dma_semaphore, #tpu.memory_space<semaphore_mem>>)
    %broadcast_in_dim3A = arith.constant 0.000000e+00 : f32
    %broadcast_in_dim3A_10 = vector.broadcast %broadcast_in_dim3A : f32 to vector<16xf32>
    %parallel_loop3A = arith.constant 0 : i32
    %parallel_loop3A_11 = arith.constant 105 : i32
    %parallel_loop3A_12 = arith.constant 1 : i32
    scf.for %parallel_loop3A_314 = %parallel_loop3A to %parallel_loop3A_11 step %parallel_loop3A_12  : i32 {
      %parallel_loop3A_315 = arith.constant 256 : i32
      %parallel_loop3A_316 = arith.muli %parallel_loop3A_314, %parallel_loop3A_315 : i32
      %parallel_loop3A_317 = arith.constant 0 : i32
      %parallel_loop3A_318 = arith.addi %parallel_loop3A_316, %parallel_loop3A_317 : i32
      %parallel_loop3A_319 = arith.index_cast %parallel_loop3A_318 : i32 to index
      %parallel_loop3A_320 = tpu.vector_load %arg7[%parallel_loop3A_319] {strides = array<i32>} : memref<26880xf32, #tpu.memory_space<vmem>>, vector<16xf32>,
      tpu.vector_store %arg7[%parallel_loop3A_319], %broadcast_in_dim3A_10 {strides = array<i32>} : memref<26880xf32, #tpu.memory_space<vmem>>, vector<16xf32>,
      %parallel_loop3A_321 = arith.constant 16 : i32
      %parallel_loop3A_322 = arith.addi %parallel_loop3A_316, %parallel_loop3A_321 : i32
      %parallel_loop3A_323 = arith.index_cast %parallel_loop3A_322 : i32 to index
      %parallel_loop3A_324 = tpu.vector_load %arg7[%parallel_loop3A_323] {strides = array<i32>} : memref<26880xf32, #tpu.memory_space<vmem>>, vector<16xf32>,
      tpu.vector_store %arg7[%parallel_loop3A_323], %broadcast_in_dim3A_10 {strides = array<i32>} : memref<26880xf32, #tpu.memory_space<vmem>>, vector<16xf32>,
      %parallel_loop3A_325 = arith.constant 32 : i32
      %parallel_loop3A_326 = arith.addi %parallel_loop3A_316, %parallel_loop3A_325 : i32
      %parallel_loop3A_327 = arith.index_cast %parallel_loop3A_326 : i32 to index
      %parallel_loop3A_328 = tpu.vector_load %arg7[%parallel_loop3A_327] {strides = array<i32>} : memref<26880xf32, #tpu.memory_space<vmem>>, vector<16xf32>,
      tpu.vector_store %arg7[%parallel_loop3A_327], %broadcast_in_dim3A_10 {strides = array<i32>} : memref<26880xf32, #tpu.memory_space<vmem>>, vector<16xf32>,
      %parallel_loop3A_329 = arith.constant 48 : i32
      %parallel_loop3A_330 = arith.addi %parallel_loop3A_316, %parallel_loop3A_329 : i32
      %parallel_loop3A_331 = arith.index_cast %parallel_loop3A_330 : i32 to index
      %parallel_loop3A_332 = tpu.vector_load %arg7[%parallel_loop3A_331] {strides = array<i32>} : memref<26880xf32, #tpu.memory_space<vmem>>, vector<16xf32>,
      tpu.vector_store %arg7[%parallel_loop3A_331], %broadcast_in_dim3A_10 {strides = array<i32>} : memref<26880xf32, #tpu.memory_space<vmem>>, vector<16xf32>,
      %parallel_loop3A_333 = arith.constant 64 : i32
      %parallel_loop3A_334 = arith.addi %parallel_loop3A_316, %parallel_loop3A_333 : i32
      %parallel_loop3A_335 = arith.index_cast %parallel_loop3A_334 : i32 to index
      %parallel_loop3A_336 = tpu.vector_load %arg7[%parallel_loop3A_335] {strides = array<i32>} : memref<26880xf32, #tpu.memory_space<vmem>>, vector<16xf32>,
      tpu.vector_store %arg7[%parallel_loop3A_335], %broadcast_in_dim3A_10 {strides = array<i32>} : memref<26880xf32, #tpu.memory_space<vmem>>, vector<16xf32>,
      %parallel_loop3A_337 = arith.constant 80 : i32
      %parallel_loop3A_338 = arith.addi %parallel_loop3A_316, %parallel_loop3A_337 : i32
      %parallel_loop3A_339 = arith.index_cast %parallel_loop3A_338 : i32 to index
      %parallel_loop3A_340 = tpu.vector_load %arg7[%parallel_loop3A_339] {strides = array<i32>} : memref<26880xf32, #tpu.memory_space<vmem>>, vector<16xf32>,
      tpu.vector_store %arg7[%parallel_loop3A_339], %broadcast_in_dim3A_10 {strides = array<i32>} : memref<26880xf32, #tpu.memory_space<vmem>>, vector<16xf32>,
      %parallel_loop3A_341 = arith.constant 96 : i32
      %parallel_loop3A_342 = arith.addi %parallel_loop3A_316, %parallel_loop3A_341 : i32
      %parallel_loop3A_343 = arith.index_cast %parallel_loop3A_342 : i32 to index
      %parallel_loop3A_344 = tpu.vector_load %arg7[%parallel_loop3A_343] {strides = array<i32>} : memref<26880xf32, #tpu.memory_space<vmem>>, vector<16xf32>,
      tpu.vector_store %arg7[%parallel_loop3A_343], %broadcast_in_dim3A_10 {strides = array<i32>} : memref<26880xf32, #tpu.memory_space<vmem>>, vector<16xf32>,
      %parallel_loop3A_345 = arith.constant 112 : i32
      %parallel_loop3A_346 = arith.addi %parallel_loop3A_316, %parallel_loop3A_345 : i32
      %parallel_loop3A_347 = arith.index_cast %parallel_loop3A_346 : i32 to index
      %parallel_loop3A_348 = tpu.vector_load %arg7[%parallel_loop3A_347] {strides = array<i32>} : memref<26880xf32, #tpu.memory_space<vmem>>, vector<16xf32>,
      tpu.vector_store %arg7[%parallel_loop3A_347], %broadcast_in_dim3A_10 {strides = array<i32>} : memref<26880xf32, #tpu.memory_space<vmem>>, vector<16xf32>,
      %parallel_loop3A_349 = arith.constant 128 : i32
      %parallel_loop3A_350 = arith.addi %parallel_loop3A_316, %parallel_loop3A_349 : i32
      %parallel_loop3A_351 = arith.index_cast %parallel_loop3A_350 : i32 to index
      %parallel_loop3A_352 = tpu.vector_load %arg7[%parallel_loop3A_351] {strides = array<i32>} : memref<26880xf32, #tpu.memory_space<vmem>>, vector<16xf32>,
      tpu.vector_store %arg7[%parallel_loop3A_351], %broadcast_in_dim3A_10 {strides = array<i32>} : memref<26880xf32, #tpu.memory_space<vmem>>, vector<16xf32>,
      %parallel_loop3A_353 = arith.constant 144 : i32
      %parallel_loop3A_354 = arith.addi %parallel_loop3A_316, %parallel_loop3A_353 : i32
      %parallel_loop3A_355 = arith.index_cast %parallel_loop3A_354 : i32 to index
      %parallel_loop3A_356 = tpu.vector_load %arg7[%parallel_loop3A_355] {strides = array<i32>} : memref<26880xf32, #tpu.memory_space<vmem>>, vector<16xf32>,
      tpu.vector_store %arg7[%parallel_loop3A_355], %broadcast_in_dim3A_10 {strides = array<i32>} : memref<26880xf32, #tpu.memory_space<vmem>>, vector<16xf32>,
      %parallel_loop3A_357 = arith.constant 160 : i32
      %parallel_loop3A_358 = arith.addi %parallel_loop3A_316, %parallel_loop3A_357 : i32
      %parallel_loop3A_359 = arith.index_cast %parallel_loop3A_358 : i32 to index
      %parallel_loop3A_360 = tpu.vector_load %arg7[%parallel_loop3A_359] {strides = array<i32>} : memref<26880xf32, #tpu.memory_space<vmem>>, vector<16xf32>,
      tpu.vector_store %arg7[%parallel_loop3A_359], %broadcast_in_dim3A_10 {strides = array<i32>} : memref<26880xf32, #tpu.memory_space<vmem>>, vector<16xf32>,
      %parallel_loop3A_361 = arith.constant 176 : i32
      %parallel_loop3A_362 = arith.addi %parallel_loop3A_316, %parallel_loop3A_361 : i32
      %parallel_loop3A_363 = arith.index_cast %parallel_loop3A_362 : i32 to index
      %parallel_loop3A_364 = tpu.vector_load %arg7[%parallel_loop3A_363] {strides = array<i32>} : memref<26880xf32, #tpu.memory_space<vmem>>, vector<16xf32>,
      tpu.vector_store %arg7[%parallel_loop3A_363], %broadcast_in_dim3A_10 {strides = array<i32>} : memref<26880xf32, #tpu.memory_space<vmem>>, vector<16xf32>,
      %parallel_loop3A_365 = arith.constant 192 : i32
      %parallel_loop3A_366 = arith.addi %parallel_loop3A_316, %parallel_loop3A_365 : i32
      %parallel_loop3A_367 = arith.index_cast %parallel_loop3A_366 : i32 to index
      %parallel_loop3A_368 = tpu.vector_load %arg7[%parallel_loop3A_367] {strides = array<i32>} : memref<26880xf32, #tpu.memory_space<vmem>>, vector<16xf32>,
      tpu.vector_store %arg7[%parallel_loop3A_367], %broadcast_in_dim3A_10 {strides = array<i32>} : memref<26880xf32, #tpu.memory_space<vmem>>, vector<16xf32>,
      %parallel_loop3A_369 = arith.constant 208 : i32
      %parallel_loop3A_370 = arith.addi %parallel_loop3A_316, %parallel_loop3A_369 : i32
      %parallel_loop3A_371 = arith.index_cast %parallel_loop3A_370 : i32 to index
      %parallel_loop3A_372 = tpu.vector_load %arg7[%parallel_loop3A_371] {strides = array<i32>} : memref<26880xf32, #tpu.memory_space<vmem>>, vector<16xf32>,
      tpu.vector_store %arg7[%parallel_loop3A_371], %broadcast_in_dim3A_10 {strides = array<i32>} : memref<26880xf32, #tpu.memory_space<vmem>>, vector<16xf32>,
      %parallel_loop3A_373 = arith.constant 224 : i32
      %parallel_loop3A_374 = arith.addi %parallel_loop3A_316, %parallel_loop3A_373 : i32
      %parallel_loop3A_375 = arith.index_cast %parallel_loop3A_374 : i32 to index
      %parallel_loop3A_376 = tpu.vector_load %arg7[%parallel_loop3A_375] {strides = array<i32>} : memref<26880xf32, #tpu.memory_space<vmem>>, vector<16xf32>,
      tpu.vector_store %arg7[%parallel_loop3A_375], %broadcast_in_dim3A_10 {strides = array<i32>} : memref<26880xf32, #tpu.memory_space<vmem>>, vector<16xf32>,
      %parallel_loop3A_377 = arith.constant 240 : i32
      %parallel_loop3A_378 = arith.addi %parallel_loop3A_316, %parallel_loop3A_377 : i32
      %parallel_loop3A_379 = arith.index_cast %parallel_loop3A_378 : i32 to index
      %parallel_loop3A_380 = tpu.vector_load %arg7[%parallel_loop3A_379] {strides = array<i32>} : memref<26880xf32, #tpu.memory_space<vmem>>, vector<16xf32>,
      tpu.vector_store %arg7[%parallel_loop3A_379], %broadcast_in_dim3A_10 {strides = array<i32>} : memref<26880xf32, #tpu.memory_space<vmem>>, vector<16xf32>,
    } {sc.loop_unroll_factor = 2 : i64, sc.parallel_access}
    %dma_wait3A = arith.constant 0 : i32
    %dma_wait3A_13 = tpu.memref_slice %arg2[%dma_wait3A, %mul3A_2] : memref<26x16384xf32, #tpu.memory_space<hbm>> -> memref<26x512xf32, #tpu.memory_space<hbm>>
    %dma_wait3A_14 = arith.constant 0 : i32
    %dma_wait3A_15 = tpu.memref_slice %arg2[%dma_wait3A_14, %mul3A_2] : memref<26x16384xf32, #tpu.memory_space<hbm>> -> memref<26x512xf32, #tpu.memory_space<hbm>>
    tpu.wait_dma2 semaphore(%arg12 : memref<!tpu.dma_semaphore, #tpu.memory_space<semaphore_mem>>) src(%dma_wait3A_15 : memref<26x512xf32, #tpu.memory_space<hbm>>) dst(%arg5 : memref<26x512xf32, #tpu.memory_space<vmem>>)
    %dma_wait3A_16 = arith.constant 0 : i32
    %dma_wait3A_17 = tpu.memref_slice %arg3[%dma_wait3A_16, %mul3A_2] : memref<26x16384xi32, #tpu.memory_space<hbm>> -> memref<26x512xi32, #tpu.memory_space<hbm>>
    %dma_wait3A_18 = arith.constant 0 : i32
    %dma_wait3A_19 = tpu.memref_slice %arg3[%dma_wait3A_18, %mul3A_2] : memref<26x16384xi32, #tpu.memory_space<hbm>> -> memref<26x512xi32, #tpu.memory_space<hbm>>
    tpu.wait_dma2 semaphore(%arg12 : memref<!tpu.dma_semaphore, #tpu.memory_space<semaphore_mem>>) src(%dma_wait3A_19 : memref<26x512xi32, #tpu.memory_space<hbm>>) dst(%arg6 : memref<26x512xi32, #tpu.memory_space<vmem>>)
    %iota3A = tpu.iota {dimensions = array<i32: 0>} : vector<16xi32>
    %jit3A = arith.constant 8 : i32
    %eq3A = arith.constant 0 : i32
    %eq3A_20 = arith.cmpi eq, %jit3A, %eq3A : i32
    %jit3A_21 = arith.constant 1 : i32
    %select_n3A = arith.select %eq3A_20, %jit3A_21, %jit3A : i32
    %rem3A = vector.broadcast %select_n3A : i32 to vector<16xi32>
    %rem3A_22 = arith.remsi %iota3A, %rem3A : vector<16xi32>
    %ne3A = arith.constant 0 : i32
    %ne3A_23 = vector.broadcast %ne3A : i32 to vector<16xi32>
    %ne3A_24 = arith.cmpi ne, %rem3A_22, %ne3A_23 : vector<16xi32>
    %lt3A = arith.constant 0 : i32
    %lt3A_25 = vector.broadcast %lt3A : i32 to vector<16xi32>
    %lt3A_26 = arith.cmpi slt, %rem3A_22, %lt3A_25 : vector<16xi32>
    %lt3A_27 = arith.constant 0 : i32
    %lt3A_28 = arith.cmpi slt, %select_n3A, %lt3A_27 : i32
    %ne3A_29 = vector.broadcast %lt3A_28 : i1 to vector<16xi1>
    %ne3A_30 = vector.broadcast %ne3A_29 : vector<16xi1> to vector<16xi1>
    %ne3A_31 = arith.xori %lt3A_26, %ne3A_30 : vector<16xi1>
    %and3A = arith.andi %ne3A_31, %ne3A_24 : vector<16xi1>
    %add3A_32 = vector.broadcast %select_n3A : i32 to vector<16xi32>
    %add3A_33 = arith.addi %rem3A_22, %add3A_32 : vector<16xi32>
    %select_n3A_34 = arith.select %and3A, %add3A_33, %rem3A_22 : vector<16xi1>, vector<16xi32>
    %mul3A_35 = arith.constant 3329 : i32
    %mul3A_36 = vector.broadcast %mul3A_35 : i32 to vector<16xi32>
    %mul3A_37 = arith.muli %select_n3A_34, %mul3A_36 : vector<16xi32>
    %lt3A_38 = arith.constant 8 : i32
    %lt3A_39 = vector.broadcast %lt3A_38 : i32 to vector<16xi32>
    %lt3A_40 = arith.cmpi slt, %iota3A, %lt3A_39 : vector<16xi32>
    %not3A = arith.constant dense<true> : vector<16xi1>
    %not3A_41 = arith.xori %lt3A_40, %not3A : vector<16xi1>
    %parallel_loop3A_42 = arith.constant 0 : i32
    %parallel_loop3A_43 = arith.constant 32 : i32
    %parallel_loop3A_44 = arith.constant 1 : i32
    scf.for %parallel_loop3A_314 = %parallel_loop3A_42 to %parallel_loop3A_43 step %parallel_loop3A_44  : i32 {
      %parallel_loop3A_315 = arith.constant 16 : i32
      %parallel_loop3A_316 = arith.muli %parallel_loop3A_314, %parallel_loop3A_315 : i32
      %parallel_loop3A_317 = arith.constant 0 : i32
      %parallel_loop3A_318 = arith.index_cast %parallel_loop3A_317 : i32 to index
      %parallel_loop3A_319 = arith.index_cast %parallel_loop3A_316 : i32 to index
      %parallel_loop3A_320 = tpu.vector_load %arg5[%parallel_loop3A_318, %parallel_loop3A_319] {strides = array<i32>} : memref<26x512xf32, #tpu.memory_space<vmem>>, vector<16xf32>,
      %parallel_loop3A_321 = arith.constant 1 : i32
      %parallel_loop3A_322 = arith.index_cast %parallel_loop3A_321 : i32 to index
      %parallel_loop3A_323 = arith.index_cast %parallel_loop3A_316 : i32 to index
      %parallel_loop3A_324 = tpu.vector_load %arg5[%parallel_loop3A_322, %parallel_loop3A_323] {strides = array<i32>} : memref<26x512xf32, #tpu.memory_space<vmem>>, vector<16xf32>,
      %parallel_loop3A_325 = arith.constant 2 : i32
      %parallel_loop3A_326 = arith.index_cast %parallel_loop3A_325 : i32 to index
      %parallel_loop3A_327 = arith.index_cast %parallel_loop3A_316 : i32 to index
      %parallel_loop3A_328 = tpu.vector_load %arg5[%parallel_loop3A_326, %parallel_loop3A_327] {strides = array<i32>} : memref<26x512xf32, #tpu.memory_space<vmem>>, vector<16xf32>,
      %parallel_loop3A_329 = arith.constant 3 : i32
      %parallel_loop3A_330 = arith.index_cast %parallel_loop3A_329 : i32 to index
      %parallel_loop3A_331 = arith.index_cast %parallel_loop3A_316 : i32 to index
      %parallel_loop3A_332 = tpu.vector_load %arg5[%parallel_loop3A_330, %parallel_loop3A_331] {strides = array<i32>} : memref<26x512xf32, #tpu.memory_space<vmem>>, vector<16xf32>,
      %parallel_loop3A_333 = arith.constant 0 : i32
      %parallel_loop3A_334 = arith.index_cast %parallel_loop3A_333 : i32 to index
      %parallel_loop3A_335 = arith.index_cast %parallel_loop3A_316 : i32 to index
      %parallel_loop3A_336 = tpu.vector_load %arg6[%parallel_loop3A_334, %parallel_loop3A_335] {strides = array<i32>} : memref<26x512xi32, #tpu.memory_space<vmem>>, vector<16xi32>,
      %parallel_loop3A_337 = arith.constant 1 : i32
      %parallel_loop3A_338 = arith.index_cast %parallel_loop3A_337 : i32 to index
      %parallel_loop3A_339 = arith.index_cast %parallel_loop3A_316 : i32 to index
      %parallel_loop3A_340 = tpu.vector_load %arg6[%parallel_loop3A_338, %parallel_loop3A_339] {strides = array<i32>} : memref<26x512xi32, #tpu.memory_space<vmem>>, vector<16xi32>,
      %parallel_loop3A_341 = arith.constant 2 : i32
      %parallel_loop3A_342 = arith.index_cast %parallel_loop3A_341 : i32 to index
      %parallel_loop3A_343 = arith.index_cast %parallel_loop3A_316 : i32 to index
      %parallel_loop3A_344 = tpu.vector_load %arg6[%parallel_loop3A_342, %parallel_loop3A_343] {strides = array<i32>} : memref<26x512xi32, #tpu.memory_space<vmem>>, vector<16xi32>,
      %parallel_loop3A_345 = arith.constant 3 : i32
      %parallel_loop3A_346 = arith.index_cast %parallel_loop3A_345 : i32 to index
      %parallel_loop3A_347 = arith.index_cast %parallel_loop3A_316 : i32 to index
      %parallel_loop3A_348 = tpu.vector_load %arg6[%parallel_loop3A_346, %parallel_loop3A_347] {strides = array<i32>} : memref<26x512xi32, #tpu.memory_space<vmem>>, vector<16xi32>,
      %parallel_loop3A_349 = arith.constant 1.280000e+02 : f32
      %parallel_loop3A_350 = vector.broadcast %parallel_loop3A_349 : f32 to vector<16xf32>
      %parallel_loop3A_351 = arith.mulf %parallel_loop3A_320, %parallel_loop3A_350 : vector<16xf32>
      %parallel_loop3A_352 = arith.fptosi %parallel_loop3A_351 : vector<16xf32> to vector<16xi32>
      %parallel_loop3A_353 = arith.constant 127 : i32
      %parallel_loop3A_354 = vector.broadcast %parallel_loop3A_353 : i32 to vector<16xi32>
      %parallel_loop3A_355 = arith.minsi %parallel_loop3A_352, %parallel_loop3A_354 : vector<16xi32>
      %parallel_loop3A_356 = arith.constant 0 : i32
      %parallel_loop3A_357 = vector.broadcast %parallel_loop3A_356 : i32 to vector<16xi32>
      %parallel_loop3A_358 = arith.addi %parallel_loop3A_355, %parallel_loop3A_357 : vector<16xi32>
      %parallel_loop3A_359 = arith.addi %mul3A_37, %parallel_loop3A_358 : vector<16xi32>
      %parallel_loop3A_360 = arith.constant 1.280000e+02 : f32
      %parallel_loop3A_361 = vector.broadcast %parallel_loop3A_360 : f32 to vector<16xf32>
      %parallel_loop3A_362 = arith.mulf %parallel_loop3A_324, %parallel_loop3A_361 : vector<16xf32>
      %parallel_loop3A_363 = arith.fptosi %parallel_loop3A_362 : vector<16xf32> to vector<16xi32>
      %parallel_loop3A_364 = arith.constant 127 : i32
      %parallel_loop3A_365 = vector.broadcast %parallel_loop3A_364 : i32 to vector<16xi32>
      %parallel_loop3A_366 = arith.minsi %parallel_loop3A_363, %parallel_loop3A_365 : vector<16xi32>
      %parallel_loop3A_367 = arith.constant 128 : i32
      %parallel_loop3A_368 = vector.broadcast %parallel_loop3A_367 : i32 to vector<16xi32>
      %parallel_loop3A_369 = arith.addi %parallel_loop3A_366, %parallel_loop3A_368 : vector<16xi32>
      %parallel_loop3A_370 = arith.addi %mul3A_37, %parallel_loop3A_369 : vector<16xi32>
      %parallel_loop3A_371 = arith.constant 1.280000e+02 : f32
      %parallel_loop3A_372 = vector.broadcast %parallel_loop3A_371 : f32 to vector<16xf32>
      %parallel_loop3A_373 = arith.mulf %parallel_loop3A_328, %parallel_loop3A_372 : vector<16xf32>
      %parallel_loop3A_374 = arith.fptosi %parallel_loop3A_373 : vector<16xf32> to vector<16xi32>
      %parallel_loop3A_375 = arith.constant 127 : i32
      %parallel_loop3A_376 = vector.broadcast %parallel_loop3A_375 : i32 to vector<16xi32>
      %parallel_loop3A_377 = arith.minsi %parallel_loop3A_374, %parallel_loop3A_376 : vector<16xi32>
      %parallel_loop3A_378 = arith.constant 256 : i32
      %parallel_loop3A_379 = vector.broadcast %parallel_loop3A_378 : i32 to vector<16xi32>
      %parallel_loop3A_380 = arith.addi %parallel_loop3A_377, %parallel_loop3A_379 : vector<16xi32>
      %parallel_loop3A_381 = arith.addi %mul3A_37, %parallel_loop3A_380 : vector<16xi32>
      %parallel_loop3A_382 = arith.constant 1.280000e+02 : f32
      %parallel_loop3A_383 = vector.broadcast %parallel_loop3A_382 : f32 to vector<16xf32>
      %parallel_loop3A_384 = arith.mulf %parallel_loop3A_332, %parallel_loop3A_383 : vector<16xf32>
      %parallel_loop3A_385 = arith.fptosi %parallel_loop3A_384 : vector<16xf32> to vector<16xi32>
      %parallel_loop3A_386 = arith.constant 127 : i32
      %parallel_loop3A_387 = vector.broadcast %parallel_loop3A_386 : i32 to vector<16xi32>
      %parallel_loop3A_388 = arith.minsi %parallel_loop3A_385, %parallel_loop3A_387 : vector<16xi32>
      %parallel_loop3A_389 = arith.constant 384 : i32
      %parallel_loop3A_390 = vector.broadcast %parallel_loop3A_389 : i32 to vector<16xi32>
      %parallel_loop3A_391 = arith.addi %parallel_loop3A_388, %parallel_loop3A_390 : vector<16xi32>
      %parallel_loop3A_392 = arith.addi %mul3A_37, %parallel_loop3A_391 : vector<16xi32>
      %parallel_loop3A_393 = arith.sitofp %parallel_loop3A_336 : vector<16xi32> to vector<16xf32>
      %parallel_loop3A_394 = arith.sitofp %parallel_loop3A_340 : vector<16xi32> to vector<16xf32>
      %parallel_loop3A_395 = arith.sitofp %parallel_loop3A_344 : vector<16xi32> to vector<16xf32>
      %parallel_loop3A_396 = arith.sitofp %parallel_loop3A_348 : vector<16xi32> to vector<16xf32>
      tpu.vector_store_idx %arg7[%parallel_loop3A_359], %parallel_loop3A_393 masked %lt3A_40 {add = true} : memref<26880xf32, #tpu.memory_space<vmem>>[vector<16xi32>], vector<16xf32>, vector<16xi1>
      tpu.vector_store_idx %arg7[%parallel_loop3A_359], %parallel_loop3A_393 masked %not3A_41 {add = true} : memref<26880xf32, #tpu.memory_space<vmem>>[vector<16xi32>], vector<16xf32>, vector<16xi1>
      tpu.vector_store_idx %arg7[%parallel_loop3A_370], %parallel_loop3A_394 masked %lt3A_40 {add = true} : memref<26880xf32, #tpu.memory_space<vmem>>[vector<16xi32>], vector<16xf32>, vector<16xi1>
      tpu.vector_store_idx %arg7[%parallel_loop3A_370], %parallel_loop3A_394 masked %not3A_41 {add = true} : memref<26880xf32, #tpu.memory_space<vmem>>[vector<16xi32>], vector<16xf32>, vector<16xi1>
      tpu.vector_store_idx %arg7[%parallel_loop3A_381], %parallel_loop3A_395 masked %lt3A_40 {add = true} : memref<26880xf32, #tpu.memory_space<vmem>>[vector<16xi32>], vector<16xf32>, vector<16xi1>
      tpu.vector_store_idx %arg7[%parallel_loop3A_381], %parallel_loop3A_395 masked %not3A_41 {add = true} : memref<26880xf32, #tpu.memory_space<vmem>>[vector<16xi32>], vector<16xf32>, vector<16xi1>
      tpu.vector_store_idx %arg7[%parallel_loop3A_392], %parallel_loop3A_396 masked %lt3A_40 {add = true} : memref<26880xf32, #tpu.memory_space<vmem>>[vector<16xi32>], vector<16xf32>, vector<16xi1>
      tpu.vector_store_idx %arg7[%parallel_loop3A_392], %parallel_loop3A_396 masked %not3A_41 {add = true} : memref<26880xf32, #tpu.memory_space<vmem>>[vector<16xi32>], vector<16xf32>, vector<16xi1>
      %parallel_loop3A_397 = arith.constant 4 : i32
      %parallel_loop3A_398 = arith.index_cast %parallel_loop3A_397 : i32 to index
      %parallel_loop3A_399 = arith.index_cast %parallel_loop3A_316 : i32 to index
      %parallel_loop3A_400 = tpu.vector_load %arg5[%parallel_loop3A_398, %parallel_loop3A_399] {strides = array<i32>} : memref<26x512xf32, #tpu.memory_space<vmem>>, vector<16xf32>,
      %parallel_loop3A_401 = arith.constant 5 : i32
      %parallel_loop3A_402 = arith.index_cast %parallel_loop3A_401 : i32 to index
      %parallel_loop3A_403 = arith.index_cast %parallel_loop3A_316 : i32 to index
      %parallel_loop3A_404 = tpu.vector_load %arg5[%parallel_loop3A_402, %parallel_loop3A_403] {strides = array<i32>} : memref<26x512xf32, #tpu.memory_space<vmem>>, vector<16xf32>,
      %parallel_loop3A_405 = arith.constant 6 : i32
      %parallel_loop3A_406 = arith.index_cast %parallel_loop3A_405 : i32 to index
      %parallel_loop3A_407 = arith.index_cast %parallel_loop3A_316 : i32 to index
      %parallel_loop3A_408 = tpu.vector_load %arg5[%parallel_loop3A_406, %parallel_loop3A_407] {strides = array<i32>} : memref<26x512xf32, #tpu.memory_space<vmem>>, vector<16xf32>,
      %parallel_loop3A_409 = arith.constant 7 : i32
      %parallel_loop3A_410 = arith.index_cast %parallel_loop3A_409 : i32 to index
      %parallel_loop3A_411 = arith.index_cast %parallel_loop3A_316 : i32 to index
      %parallel_loop3A_412 = tpu.vector_load %arg5[%parallel_loop3A_410, %parallel_loop3A_411] {strides = array<i32>} : memref<26x512xf32, #tpu.memory_space<vmem>>, vector<16xf32>,
      %parallel_loop3A_413 = arith.constant 4 : i32
      %parallel_loop3A_414 = arith.index_cast %parallel_loop3A_413 : i32 to index
      %parallel_loop3A_415 = arith.index_cast %parallel_loop3A_316 : i32 to index
      %parallel_loop3A_416 = tpu.vector_load %arg6[%parallel_loop3A_414, %parallel_loop3A_415] {strides = array<i32>} : memref<26x512xi32, #tpu.memory_space<vmem>>, vector<16xi32>,
      %parallel_loop3A_417 = arith.constant 5 : i32
      %parallel_loop3A_418 = arith.index_cast %parallel_loop3A_417 : i32 to index
      %parallel_loop3A_419 = arith.index_cast %parallel_loop3A_316 : i32 to index
      %parallel_loop3A_420 = tpu.vector_load %arg6[%parallel_loop3A_418, %parallel_loop3A_419] {strides = array<i32>} : memref<26x512xi32, #tpu.memory_space<vmem>>, vector<16xi32>,
      %parallel_loop3A_421 = arith.constant 6 : i32
      %parallel_loop3A_422 = arith.index_cast %parallel_loop3A_421 : i32 to index
      %parallel_loop3A_423 = arith.index_cast %parallel_loop3A_316 : i32 to index
      %parallel_loop3A_424 = tpu.vector_load %arg6[%parallel_loop3A_422, %parallel_loop3A_423] {strides = array<i32>} : memref<26x512xi32, #tpu.memory_space<vmem>>, vector<16xi32>,
      %parallel_loop3A_425 = arith.constant 7 : i32
      %parallel_loop3A_426 = arith.index_cast %parallel_loop3A_425 : i32 to index
      %parallel_loop3A_427 = arith.index_cast %parallel_loop3A_316 : i32 to index
      %parallel_loop3A_428 = tpu.vector_load %arg6[%parallel_loop3A_426, %parallel_loop3A_427] {strides = array<i32>} : memref<26x512xi32, #tpu.memory_space<vmem>>, vector<16xi32>,
      %parallel_loop3A_429 = arith.constant 1.280000e+02 : f32
      %parallel_loop3A_430 = vector.broadcast %parallel_loop3A_429 : f32 to vector<16xf32>
      %parallel_loop3A_431 = arith.mulf %parallel_loop3A_400, %parallel_loop3A_430 : vector<16xf32>
      %parallel_loop3A_432 = arith.fptosi %parallel_loop3A_431 : vector<16xf32> to vector<16xi32>
      %parallel_loop3A_433 = arith.constant 127 : i32
      %parallel_loop3A_434 = vector.broadcast %parallel_loop3A_433 : i32 to vector<16xi32>
      %parallel_loop3A_435 = arith.minsi %parallel_loop3A_432, %parallel_loop3A_434 : vector<16xi32>
      %parallel_loop3A_436 = arith.constant 512 : i32
      %parallel_loop3A_437 = vector.broadcast %parallel_loop3A_436 : i32 to vector<16xi32>
      %parallel_loop3A_438 = arith.addi %parallel_loop3A_435, %parallel_loop3A_437 : vector<16xi32>
      %parallel_loop3A_439 = arith.addi %mul3A_37, %parallel_loop3A_438 : vector<16xi32>
      %parallel_loop3A_440 = arith.constant 1.280000e+02 : f32
      %parallel_loop3A_441 = vector.broadcast %parallel_loop3A_440 : f32 to vector<16xf32>
      %parallel_loop3A_442 = arith.mulf %parallel_loop3A_404, %parallel_loop3A_441 : vector<16xf32>
      %parallel_loop3A_443 = arith.fptosi %parallel_loop3A_442 : vector<16xf32> to vector<16xi32>
      %parallel_loop3A_444 = arith.constant 127 : i32
      %parallel_loop3A_445 = vector.broadcast %parallel_loop3A_444 : i32 to vector<16xi32>
      %parallel_loop3A_446 = arith.minsi %parallel_loop3A_443, %parallel_loop3A_445 : vector<16xi32>
      %parallel_loop3A_447 = arith.constant 640 : i32
      %parallel_loop3A_448 = vector.broadcast %parallel_loop3A_447 : i32 to vector<16xi32>
      %parallel_loop3A_449 = arith.addi %parallel_loop3A_446, %parallel_loop3A_448 : vector<16xi32>
      %parallel_loop3A_450 = arith.addi %mul3A_37, %parallel_loop3A_449 : vector<16xi32>
      %parallel_loop3A_451 = arith.constant 1.280000e+02 : f32
      %parallel_loop3A_452 = vector.broadcast %parallel_loop3A_451 : f32 to vector<16xf32>
      %parallel_loop3A_453 = arith.mulf %parallel_loop3A_408, %parallel_loop3A_452 : vector<16xf32>
      %parallel_loop3A_454 = arith.fptosi %parallel_loop3A_453 : vector<16xf32> to vector<16xi32>
      %parallel_loop3A_455 = arith.constant 127 : i32
      %parallel_loop3A_456 = vector.broadcast %parallel_loop3A_455 : i32 to vector<16xi32>
      %parallel_loop3A_457 = arith.minsi %parallel_loop3A_454, %parallel_loop3A_456 : vector<16xi32>
      %parallel_loop3A_458 = arith.constant 768 : i32
      %parallel_loop3A_459 = vector.broadcast %parallel_loop3A_458 : i32 to vector<16xi32>
      %parallel_loop3A_460 = arith.addi %parallel_loop3A_457, %parallel_loop3A_459 : vector<16xi32>
      %parallel_loop3A_461 = arith.addi %mul3A_37, %parallel_loop3A_460 : vector<16xi32>
      %parallel_loop3A_462 = arith.constant 1.280000e+02 : f32
      %parallel_loop3A_463 = vector.broadcast %parallel_loop3A_462 : f32 to vector<16xf32>
      %parallel_loop3A_464 = arith.mulf %parallel_loop3A_412, %parallel_loop3A_463 : vector<16xf32>
      %parallel_loop3A_465 = arith.fptosi %parallel_loop3A_464 : vector<16xf32> to vector<16xi32>
      %parallel_loop3A_466 = arith.constant 127 : i32
      %parallel_loop3A_467 = vector.broadcast %parallel_loop3A_466 : i32 to vector<16xi32>
      %parallel_loop3A_468 = arith.minsi %parallel_loop3A_465, %parallel_loop3A_467 : vector<16xi32>
      %parallel_loop3A_469 = arith.constant 896 : i32
      %parallel_loop3A_470 = vector.broadcast %parallel_loop3A_469 : i32 to vector<16xi32>
      %parallel_loop3A_471 = arith.addi %parallel_loop3A_468, %parallel_loop3A_470 : vector<16xi32>
      %parallel_loop3A_472 = arith.addi %mul3A_37, %parallel_loop3A_471 : vector<16xi32>
      %parallel_loop3A_473 = arith.sitofp %parallel_loop3A_416 : vector<16xi32> to vector<16xf32>
      %parallel_loop3A_474 = arith.sitofp %parallel_loop3A_420 : vector<16xi32> to vector<16xf32>
      %parallel_loop3A_475 = arith.sitofp %parallel_loop3A_424 : vector<16xi32> to vector<16xf32>
      %parallel_loop3A_476 = arith.sitofp %parallel_loop3A_428 : vector<16xi32> to vector<16xf32>
      tpu.vector_store_idx %arg7[%parallel_loop3A_439], %parallel_loop3A_473 masked %lt3A_40 {add = true} : memref<26880xf32, #tpu.memory_space<vmem>>[vector<16xi32>], vector<16xf32>, vector<16xi1>
      tpu.vector_store_idx %arg7[%parallel_loop3A_439], %parallel_loop3A_473 masked %not3A_41 {add = true} : memref<26880xf32, #tpu.memory_space<vmem>>[vector<16xi32>], vector<16xf32>, vector<16xi1>
      tpu.vector_store_idx %arg7[%parallel_loop3A_450], %parallel_loop3A_474 masked %lt3A_40 {add = true} : memref<26880xf32, #tpu.memory_space<vmem>>[vector<16xi32>], vector<16xf32>, vector<16xi1>
      tpu.vector_store_idx %arg7[%parallel_loop3A_450], %parallel_loop3A_474 masked %not3A_41 {add = true} : memref<26880xf32, #tpu.memory_space<vmem>>[vector<16xi32>], vector<16xf32>, vector<16xi1>
      tpu.vector_store_idx %arg7[%parallel_loop3A_461], %parallel_loop3A_475 masked %lt3A_40 {add = true} : memref<26880xf32, #tpu.memory_space<vmem>>[vector<16xi32>], vector<16xf32>, vector<16xi1>
      tpu.vector_store_idx %arg7[%parallel_loop3A_461], %parallel_loop3A_475 masked %not3A_41 {add = true} : memref<26880xf32, #tpu.memory_space<vmem>>[vector<16xi32>], vector<16xf32>, vector<16xi1>
      tpu.vector_store_idx %arg7[%parallel_loop3A_472], %parallel_loop3A_476 masked %lt3A_40 {add = true} : memref<26880xf32, #tpu.memory_space<vmem>>[vector<16xi32>], vector<16xf32>, vector<16xi1>
      tpu.vector_store_idx %arg7[%parallel_loop3A_472], %parallel_loop3A_476 masked %not3A_41 {add = true} : memref<26880xf32, #tpu.memory_space<vmem>>[vector<16xi32>], vector<16xf32>, vector<16xi1>
      %parallel_loop3A_477 = arith.constant 8 : i32
      %parallel_loop3A_478 = arith.index_cast %parallel_loop3A_477 : i32 to index
      %parallel_loop3A_479 = arith.index_cast %parallel_loop3A_316 : i32 to index
      %parallel_loop3A_480 = tpu.vector_load %arg5[%parallel_loop3A_478, %parallel_loop3A_479] {strides = array<i32>} : memref<26x512xf32, #tpu.memory_space<vmem>>, vector<16xf32>,
      %parallel_loop3A_481 = arith.constant 9 : i32
      %parallel_loop3A_482 = arith.index_cast %parallel_loop3A_481 : i32 to index
      %parallel_loop3A_483 = arith.index_cast %parallel_loop3A_316 : i32 to index
      %parallel_loop3A_484 = tpu.vector_load %arg5[%parallel_loop3A_482, %parallel_loop3A_483] {strides = array<i32>} : memref<26x512xf32, #tpu.memory_space<vmem>>, vector<16xf32>,
      %parallel_loop3A_485 = arith.constant 10 : i32
      %parallel_loop3A_486 = arith.index_cast %parallel_loop3A_485 : i32 to index
      %parallel_loop3A_487 = arith.index_cast %parallel_loop3A_316 : i32 to index
      %parallel_loop3A_488 = tpu.vector_load %arg5[%parallel_loop3A_486, %parallel_loop3A_487] {strides = array<i32>} : memref<26x512xf32, #tpu.memory_space<vmem>>, vector<16xf32>,
      %parallel_loop3A_489 = arith.constant 11 : i32
      %parallel_loop3A_490 = arith.index_cast %parallel_loop3A_489 : i32 to index
      %parallel_loop3A_491 = arith.index_cast %parallel_loop3A_316 : i32 to index
      %parallel_loop3A_492 = tpu.vector_load %arg5[%parallel_loop3A_490, %parallel_loop3A_491] {strides = array<i32>} : memref<26x512xf32, #tpu.memory_space<vmem>>, vector<16xf32>,
      %parallel_loop3A_493 = arith.constant 8 : i32
      %parallel_loop3A_494 = arith.index_cast %parallel_loop3A_493 : i32 to index
      %parallel_loop3A_495 = arith.index_cast %parallel_loop3A_316 : i32 to index
      %parallel_loop3A_496 = tpu.vector_load %arg6[%parallel_loop3A_494, %parallel_loop3A_495] {strides = array<i32>} : memref<26x512xi32, #tpu.memory_space<vmem>>, vector<16xi32>,
      %parallel_loop3A_497 = arith.constant 9 : i32
      %parallel_loop3A_498 = arith.index_cast %parallel_loop3A_497 : i32 to index
      %parallel_loop3A_499 = arith.index_cast %parallel_loop3A_316 : i32 to index
      %parallel_loop3A_500 = tpu.vector_load %arg6[%parallel_loop3A_498, %parallel_loop3A_499] {strides = array<i32>} : memref<26x512xi32, #tpu.memory_space<vmem>>, vector<16xi32>,
      %parallel_loop3A_501 = arith.constant 10 : i32
      %parallel_loop3A_502 = arith.index_cast %parallel_loop3A_501 : i32 to index
      %parallel_loop3A_503 = arith.index_cast %parallel_loop3A_316 : i32 to index
      %parallel_loop3A_504 = tpu.vector_load %arg6[%parallel_loop3A_502, %parallel_loop3A_503] {strides = array<i32>} : memref<26x512xi32, #tpu.memory_space<vmem>>, vector<16xi32>,
      %parallel_loop3A_505 = arith.constant 11 : i32
      %parallel_loop3A_506 = arith.index_cast %parallel_loop3A_505 : i32 to index
      %parallel_loop3A_507 = arith.index_cast %parallel_loop3A_316 : i32 to index
      %parallel_loop3A_508 = tpu.vector_load %arg6[%parallel_loop3A_506, %parallel_loop3A_507] {strides = array<i32>} : memref<26x512xi32, #tpu.memory_space<vmem>>, vector<16xi32>,
      %parallel_loop3A_509 = arith.constant 1.280000e+02 : f32
      %parallel_loop3A_510 = vector.broadcast %parallel_loop3A_509 : f32 to vector<16xf32>
      %parallel_loop3A_511 = arith.mulf %parallel_loop3A_480, %parallel_loop3A_510 : vector<16xf32>
      %parallel_loop3A_512 = arith.fptosi %parallel_loop3A_511 : vector<16xf32> to vector<16xi32>
      %parallel_loop3A_513 = arith.constant 127 : i32
      %parallel_loop3A_514 = vector.broadcast %parallel_loop3A_513 : i32 to vector<16xi32>
      %parallel_loop3A_515 = arith.minsi %parallel_loop3A_512, %parallel_loop3A_514 : vector<16xi32>
      %parallel_loop3A_516 = arith.constant 1024 : i32
      %parallel_loop3A_517 = vector.broadcast %parallel_loop3A_516 : i32 to vector<16xi32>
      %parallel_loop3A_518 = arith.addi %parallel_loop3A_515, %parallel_loop3A_517 : vector<16xi32>
      %parallel_loop3A_519 = arith.addi %mul3A_37, %parallel_loop3A_518 : vector<16xi32>
      %parallel_loop3A_520 = arith.constant 1.280000e+02 : f32
      %parallel_loop3A_521 = vector.broadcast %parallel_loop3A_520 : f32 to vector<16xf32>
      %parallel_loop3A_522 = arith.mulf %parallel_loop3A_484, %parallel_loop3A_521 : vector<16xf32>
      %parallel_loop3A_523 = arith.fptosi %parallel_loop3A_522 : vector<16xf32> to vector<16xi32>
      %parallel_loop3A_524 = arith.constant 127 : i32
      %parallel_loop3A_525 = vector.broadcast %parallel_loop3A_524 : i32 to vector<16xi32>
      %parallel_loop3A_526 = arith.minsi %parallel_loop3A_523, %parallel_loop3A_525 : vector<16xi32>
      %parallel_loop3A_527 = arith.constant 1152 : i32
      %parallel_loop3A_528 = vector.broadcast %parallel_loop3A_527 : i32 to vector<16xi32>
      %parallel_loop3A_529 = arith.addi %parallel_loop3A_526, %parallel_loop3A_528 : vector<16xi32>
      %parallel_loop3A_530 = arith.addi %mul3A_37, %parallel_loop3A_529 : vector<16xi32>
      %parallel_loop3A_531 = arith.constant 1.280000e+02 : f32
      %parallel_loop3A_532 = vector.broadcast %parallel_loop3A_531 : f32 to vector<16xf32>
      %parallel_loop3A_533 = arith.mulf %parallel_loop3A_488, %parallel_loop3A_532 : vector<16xf32>
      %parallel_loop3A_534 = arith.fptosi %parallel_loop3A_533 : vector<16xf32> to vector<16xi32>
      %parallel_loop3A_535 = arith.constant 127 : i32
      %parallel_loop3A_536 = vector.broadcast %parallel_loop3A_535 : i32 to vector<16xi32>
      %parallel_loop3A_537 = arith.minsi %parallel_loop3A_534, %parallel_loop3A_536 : vector<16xi32>
      %parallel_loop3A_538 = arith.constant 1280 : i32
      %parallel_loop3A_539 = vector.broadcast %parallel_loop3A_538 : i32 to vector<16xi32>
      %parallel_loop3A_540 = arith.addi %parallel_loop3A_537, %parallel_loop3A_539 : vector<16xi32>
      %parallel_loop3A_541 = arith.addi %mul3A_37, %parallel_loop3A_540 : vector<16xi32>
      %parallel_loop3A_542 = arith.constant 1.280000e+02 : f32
      %parallel_loop3A_543 = vector.broadcast %parallel_loop3A_542 : f32 to vector<16xf32>
      %parallel_loop3A_544 = arith.mulf %parallel_loop3A_492, %parallel_loop3A_543 : vector<16xf32>
      %parallel_loop3A_545 = arith.fptosi %parallel_loop3A_544 : vector<16xf32> to vector<16xi32>
      %parallel_loop3A_546 = arith.constant 127 : i32
      %parallel_loop3A_547 = vector.broadcast %parallel_loop3A_546 : i32 to vector<16xi32>
      %parallel_loop3A_548 = arith.minsi %parallel_loop3A_545, %parallel_loop3A_547 : vector<16xi32>
      %parallel_loop3A_549 = arith.constant 1408 : i32
      %parallel_loop3A_550 = vector.broadcast %parallel_loop3A_549 : i32 to vector<16xi32>
      %parallel_loop3A_551 = arith.addi %parallel_loop3A_548, %parallel_loop3A_550 : vector<16xi32>
      %parallel_loop3A_552 = arith.addi %mul3A_37, %parallel_loop3A_551 : vector<16xi32>
      %parallel_loop3A_553 = arith.sitofp %parallel_loop3A_496 : vector<16xi32> to vector<16xf32>
      %parallel_loop3A_554 = arith.sitofp %parallel_loop3A_500 : vector<16xi32> to vector<16xf32>
      %parallel_loop3A_555 = arith.sitofp %parallel_loop3A_504 : vector<16xi32> to vector<16xf32>
      %parallel_loop3A_556 = arith.sitofp %parallel_loop3A_508 : vector<16xi32> to vector<16xf32>
      tpu.vector_store_idx %arg7[%parallel_loop3A_519], %parallel_loop3A_553 masked %lt3A_40 {add = true} : memref<26880xf32, #tpu.memory_space<vmem>>[vector<16xi32>], vector<16xf32>, vector<16xi1>
      tpu.vector_store_idx %arg7[%parallel_loop3A_519], %parallel_loop3A_553 masked %not3A_41 {add = true} : memref<26880xf32, #tpu.memory_space<vmem>>[vector<16xi32>], vector<16xf32>, vector<16xi1>
      tpu.vector_store_idx %arg7[%parallel_loop3A_530], %parallel_loop3A_554 masked %lt3A_40 {add = true} : memref<26880xf32, #tpu.memory_space<vmem>>[vector<16xi32>], vector<16xf32>, vector<16xi1>
      tpu.vector_store_idx %arg7[%parallel_loop3A_530], %parallel_loop3A_554 masked %not3A_41 {add = true} : memref<26880xf32, #tpu.memory_space<vmem>>[vector<16xi32>], vector<16xf32>, vector<16xi1>
      tpu.vector_store_idx %arg7[%parallel_loop3A_541], %parallel_loop3A_555 masked %lt3A_40 {add = true} : memref<26880xf32, #tpu.memory_space<vmem>>[vector<16xi32>], vector<16xf32>, vector<16xi1>
      tpu.vector_store_idx %arg7[%parallel_loop3A_541], %parallel_loop3A_555 masked %not3A_41 {add = true} : memref<26880xf32, #tpu.memory_space<vmem>>[vector<16xi32>], vector<16xf32>, vector<16xi1>
      tpu.vector_store_idx %arg7[%parallel_loop3A_552], %parallel_loop3A_556 masked %lt3A_40 {add = true} : memref<26880xf32, #tpu.memory_space<vmem>>[vector<16xi32>], vector<16xf32>, vector<16xi1>
      tpu.vector_store_idx %arg7[%parallel_loop3A_552], %parallel_loop3A_556 masked %not3A_41 {add = true} : memref<26880xf32, #tpu.memory_space<vmem>>[vector<16xi32>], vector<16xf32>, vector<16xi1>
      %parallel_loop3A_557 = arith.constant 12 : i32
      %parallel_loop3A_558 = arith.index_cast %parallel_loop3A_557 : i32 to index
      %parallel_loop3A_559 = arith.index_cast %parallel_loop3A_316 : i32 to index
      %parallel_loop3A_560 = tpu.vector_load %arg5[%parallel_loop3A_558, %parallel_loop3A_559] {strides = array<i32>} : memref<26x512xf32, #tpu.memory_space<vmem>>, vector<16xf32>,
      %parallel_loop3A_561 = arith.constant 13 : i32
      %parallel_loop3A_562 = arith.index_cast %parallel_loop3A_561 : i32 to index
      %parallel_loop3A_563 = arith.index_cast %parallel_loop3A_316 : i32 to index
      %parallel_loop3A_564 = tpu.vector_load %arg5[%parallel_loop3A_562, %parallel_loop3A_563] {strides = array<i32>} : memref<26x512xf32, #tpu.memory_space<vmem>>, vector<16xf32>,
      %parallel_loop3A_565 = arith.constant 14 : i32
      %parallel_loop3A_566 = arith.index_cast %parallel_loop3A_565 : i32 to index
      %parallel_loop3A_567 = arith.index_cast %parallel_loop3A_316 : i32 to index
      %parallel_loop3A_568 = tpu.vector_load %arg5[%parallel_loop3A_566, %parallel_loop3A_567] {strides = array<i32>} : memref<26x512xf32, #tpu.memory_space<vmem>>, vector<16xf32>,
      %parallel_loop3A_569 = arith.constant 15 : i32
      %parallel_loop3A_570 = arith.index_cast %parallel_loop3A_569 : i32 to index
      %parallel_loop3A_571 = arith.index_cast %parallel_loop3A_316 : i32 to index
      %parallel_loop3A_572 = tpu.vector_load %arg5[%parallel_loop3A_570, %parallel_loop3A_571] {strides = array<i32>} : memref<26x512xf32, #tpu.memory_space<vmem>>, vector<16xf32>,
      %parallel_loop3A_573 = arith.constant 12 : i32
      %parallel_loop3A_574 = arith.index_cast %parallel_loop3A_573 : i32 to index
      %parallel_loop3A_575 = arith.index_cast %parallel_loop3A_316 : i32 to index
      %parallel_loop3A_576 = tpu.vector_load %arg6[%parallel_loop3A_574, %parallel_loop3A_575] {strides = array<i32>} : memref<26x512xi32, #tpu.memory_space<vmem>>, vector<16xi32>,
      %parallel_loop3A_577 = arith.constant 13 : i32
      %parallel_loop3A_578 = arith.index_cast %parallel_loop3A_577 : i32 to index
      %parallel_loop3A_579 = arith.index_cast %parallel_loop3A_316 : i32 to index
      %parallel_loop3A_580 = tpu.vector_load %arg6[%parallel_loop3A_578, %parallel_loop3A_579] {strides = array<i32>} : memref<26x512xi32, #tpu.memory_space<vmem>>, vector<16xi32>,
      %parallel_loop3A_581 = arith.constant 14 : i32
      %parallel_loop3A_582 = arith.index_cast %parallel_loop3A_581 : i32 to index
      %parallel_loop3A_583 = arith.index_cast %parallel_loop3A_316 : i32 to index
      %parallel_loop3A_584 = tpu.vector_load %arg6[%parallel_loop3A_582, %parallel_loop3A_583] {strides = array<i32>} : memref<26x512xi32, #tpu.memory_space<vmem>>, vector<16xi32>,
      %parallel_loop3A_585 = arith.constant 15 : i32
      %parallel_loop3A_586 = arith.index_cast %parallel_loop3A_585 : i32 to index
      %parallel_loop3A_587 = arith.index_cast %parallel_loop3A_316 : i32 to index
      %parallel_loop3A_588 = tpu.vector_load %arg6[%parallel_loop3A_586, %parallel_loop3A_587] {strides = array<i32>} : memref<26x512xi32, #tpu.memory_space<vmem>>, vector<16xi32>,
      %parallel_loop3A_589 = arith.constant 1.280000e+02 : f32
      %parallel_loop3A_590 = vector.broadcast %parallel_loop3A_589 : f32 to vector<16xf32>
      %parallel_loop3A_591 = arith.mulf %parallel_loop3A_560, %parallel_loop3A_590 : vector<16xf32>
      %parallel_loop3A_592 = arith.fptosi %parallel_loop3A_591 : vector<16xf32> to vector<16xi32>
      %parallel_loop3A_593 = arith.constant 127 : i32
      %parallel_loop3A_594 = vector.broadcast %parallel_loop3A_593 : i32 to vector<16xi32>
      %parallel_loop3A_595 = arith.minsi %parallel_loop3A_592, %parallel_loop3A_594 : vector<16xi32>
      %parallel_loop3A_596 = arith.constant 1536 : i32
      %parallel_loop3A_597 = vector.broadcast %parallel_loop3A_596 : i32 to vector<16xi32>
      %parallel_loop3A_598 = arith.addi %parallel_loop3A_595, %parallel_loop3A_597 : vector<16xi32>
      %parallel_loop3A_599 = arith.addi %mul3A_37, %parallel_loop3A_598 : vector<16xi32>
      %parallel_loop3A_600 = arith.constant 1.280000e+02 : f32
      %parallel_loop3A_601 = vector.broadcast %parallel_loop3A_600 : f32 to vector<16xf32>
      %parallel_loop3A_602 = arith.mulf %parallel_loop3A_564, %parallel_loop3A_601 : vector<16xf32>
      %parallel_loop3A_603 = arith.fptosi %parallel_loop3A_602 : vector<16xf32> to vector<16xi32>
      %parallel_loop3A_604 = arith.constant 127 : i32
      %parallel_loop3A_605 = vector.broadcast %parallel_loop3A_604 : i32 to vector<16xi32>
      %parallel_loop3A_606 = arith.minsi %parallel_loop3A_603, %parallel_loop3A_605 : vector<16xi32>
      %parallel_loop3A_607 = arith.constant 1664 : i32
      %parallel_loop3A_608 = vector.broadcast %parallel_loop3A_607 : i32 to vector<16xi32>
      %parallel_loop3A_609 = arith.addi %parallel_loop3A_606, %parallel_loop3A_608 : vector<16xi32>
      %parallel_loop3A_610 = arith.addi %mul3A_37, %parallel_loop3A_609 : vector<16xi32>
      %parallel_loop3A_611 = arith.constant 1.280000e+02 : f32
      %parallel_loop3A_612 = vector.broadcast %parallel_loop3A_611 : f32 to vector<16xf32>
      %parallel_loop3A_613 = arith.mulf %parallel_loop3A_568, %parallel_loop3A_612 : vector<16xf32>
      %parallel_loop3A_614 = arith.fptosi %parallel_loop3A_613 : vector<16xf32> to vector<16xi32>
      %parallel_loop3A_615 = arith.constant 127 : i32
      %parallel_loop3A_616 = vector.broadcast %parallel_loop3A_615 : i32 to vector<16xi32>
      %parallel_loop3A_617 = arith.minsi %parallel_loop3A_614, %parallel_loop3A_616 : vector<16xi32>
      %parallel_loop3A_618 = arith.constant 1792 : i32
      %parallel_loop3A_619 = vector.broadcast %parallel_loop3A_618 : i32 to vector<16xi32>
      %parallel_loop3A_620 = arith.addi %parallel_loop3A_617, %parallel_loop3A_619 : vector<16xi32>
      %parallel_loop3A_621 = arith.addi %mul3A_37, %parallel_loop3A_620 : vector<16xi32>
      %parallel_loop3A_622 = arith.constant 1.280000e+02 : f32
      %parallel_loop3A_623 = vector.broadcast %parallel_loop3A_622 : f32 to vector<16xf32>
      %parallel_loop3A_624 = arith.mulf %parallel_loop3A_572, %parallel_loop3A_623 : vector<16xf32>
      %parallel_loop3A_625 = arith.fptosi %parallel_loop3A_624 : vector<16xf32> to vector<16xi32>
      %parallel_loop3A_626 = arith.constant 127 : i32
      %parallel_loop3A_627 = vector.broadcast %parallel_loop3A_626 : i32 to vector<16xi32>
      %parallel_loop3A_628 = arith.minsi %parallel_loop3A_625, %parallel_loop3A_627 : vector<16xi32>
      %parallel_loop3A_629 = arith.constant 1920 : i32
      %parallel_loop3A_630 = vector.broadcast %parallel_loop3A_629 : i32 to vector<16xi32>
      %parallel_loop3A_631 = arith.addi %parallel_loop3A_628, %parallel_loop3A_630 : vector<16xi32>
      %parallel_loop3A_632 = arith.addi %mul3A_37, %parallel_loop3A_631 : vector<16xi32>
      %parallel_loop3A_633 = arith.sitofp %parallel_loop3A_576 : vector<16xi32> to vector<16xf32>
      %parallel_loop3A_634 = arith.sitofp %parallel_loop3A_580 : vector<16xi32> to vector<16xf32>
      %parallel_loop3A_635 = arith.sitofp %parallel_loop3A_584 : vector<16xi32> to vector<16xf32>
      %parallel_loop3A_636 = arith.sitofp %parallel_loop3A_588 : vector<16xi32> to vector<16xf32>
      tpu.vector_store_idx %arg7[%parallel_loop3A_599], %parallel_loop3A_633 masked %lt3A_40 {add = true} : memref<26880xf32, #tpu.memory_space<vmem>>[vector<16xi32>], vector<16xf32>, vector<16xi1>
      tpu.vector_store_idx %arg7[%parallel_loop3A_599], %parallel_loop3A_633 masked %not3A_41 {add = true} : memref<26880xf32, #tpu.memory_space<vmem>>[vector<16xi32>], vector<16xf32>, vector<16xi1>
      tpu.vector_store_idx %arg7[%parallel_loop3A_610], %parallel_loop3A_634 masked %lt3A_40 {add = true} : memref<26880xf32, #tpu.memory_space<vmem>>[vector<16xi32>], vector<16xf32>, vector<16xi1>
      tpu.vector_store_idx %arg7[%parallel_loop3A_610], %parallel_loop3A_634 masked %not3A_41 {add = true} : memref<26880xf32, #tpu.memory_space<vmem>>[vector<16xi32>], vector<16xf32>, vector<16xi1>
      tpu.vector_store_idx %arg7[%parallel_loop3A_621], %parallel_loop3A_635 masked %lt3A_40 {add = true} : memref<26880xf32, #tpu.memory_space<vmem>>[vector<16xi32>], vector<16xf32>, vector<16xi1>
      tpu.vector_store_idx %arg7[%parallel_loop3A_621], %parallel_loop3A_635 masked %not3A_41 {add = true} : memref<26880xf32, #tpu.memory_space<vmem>>[vector<16xi32>], vector<16xf32>, vector<16xi1>
      tpu.vector_store_idx %arg7[%parallel_loop3A_632], %parallel_loop3A_636 masked %lt3A_40 {add = true} : memref<26880xf32, #tpu.memory_space<vmem>>[vector<16xi32>], vector<16xf32>, vector<16xi1>
      tpu.vector_store_idx %arg7[%parallel_loop3A_632], %parallel_loop3A_636 masked %not3A_41 {add = true} : memref<26880xf32, #tpu.memory_space<vmem>>[vector<16xi32>], vector<16xf32>, vector<16xi1>
      %parallel_loop3A_637 = arith.constant 16 : i32
      %parallel_loop3A_638 = arith.index_cast %parallel_loop3A_637 : i32 to index
      %parallel_loop3A_639 = arith.index_cast %parallel_loop3A_316 : i32 to index
      %parallel_loop3A_640 = tpu.vector_load %arg5[%parallel_loop3A_638, %parallel_loop3A_639] {strides = array<i32>} : memref<26x512xf32, #tpu.memory_space<vmem>>, vector<16xf32>,
      %parallel_loop3A_641 = arith.constant 17 : i32
      %parallel_loop3A_642 = arith.index_cast %parallel_loop3A_641 : i32 to index
      %parallel_loop3A_643 = arith.index_cast %parallel_loop3A_316 : i32 to index
      %parallel_loop3A_644 = tpu.vector_load %arg5[%parallel_loop3A_642, %parallel_loop3A_643] {strides = array<i32>} : memref<26x512xf32, #tpu.memory_space<vmem>>, vector<16xf32>,
      %parallel_loop3A_645 = arith.constant 18 : i32
      %parallel_loop3A_646 = arith.index_cast %parallel_loop3A_645 : i32 to index
      %parallel_loop3A_647 = arith.index_cast %parallel_loop3A_316 : i32 to index
      %parallel_loop3A_648 = tpu.vector_load %arg5[%parallel_loop3A_646, %parallel_loop3A_647] {strides = array<i32>} : memref<26x512xf32, #tpu.memory_space<vmem>>, vector<16xf32>,
      %parallel_loop3A_649 = arith.constant 19 : i32
      %parallel_loop3A_650 = arith.index_cast %parallel_loop3A_649 : i32 to index
      %parallel_loop3A_651 = arith.index_cast %parallel_loop3A_316 : i32 to index
      %parallel_loop3A_652 = tpu.vector_load %arg5[%parallel_loop3A_650, %parallel_loop3A_651] {strides = array<i32>} : memref<26x512xf32, #tpu.memory_space<vmem>>, vector<16xf32>,
      %parallel_loop3A_653 = arith.constant 16 : i32
      %parallel_loop3A_654 = arith.index_cast %parallel_loop3A_653 : i32 to index
      %parallel_loop3A_655 = arith.index_cast %parallel_loop3A_316 : i32 to index
      %parallel_loop3A_656 = tpu.vector_load %arg6[%parallel_loop3A_654, %parallel_loop3A_655] {strides = array<i32>} : memref<26x512xi32, #tpu.memory_space<vmem>>, vector<16xi32>,
      %parallel_loop3A_657 = arith.constant 17 : i32
      %parallel_loop3A_658 = arith.index_cast %parallel_loop3A_657 : i32 to index
      %parallel_loop3A_659 = arith.index_cast %parallel_loop3A_316 : i32 to index
      %parallel_loop3A_660 = tpu.vector_load %arg6[%parallel_loop3A_658, %parallel_loop3A_659] {strides = array<i32>} : memref<26x512xi32, #tpu.memory_space<vmem>>, vector<16xi32>,
      %parallel_loop3A_661 = arith.constant 18 : i32
      %parallel_loop3A_662 = arith.index_cast %parallel_loop3A_661 : i32 to index
      %parallel_loop3A_663 = arith.index_cast %parallel_loop3A_316 : i32 to index
      %parallel_loop3A_664 = tpu.vector_load %arg6[%parallel_loop3A_662, %parallel_loop3A_663] {strides = array<i32>} : memref<26x512xi32, #tpu.memory_space<vmem>>, vector<16xi32>,
      %parallel_loop3A_665 = arith.constant 19 : i32
      %parallel_loop3A_666 = arith.index_cast %parallel_loop3A_665 : i32 to index
      %parallel_loop3A_667 = arith.index_cast %parallel_loop3A_316 : i32 to index
      %parallel_loop3A_668 = tpu.vector_load %arg6[%parallel_loop3A_666, %parallel_loop3A_667] {strides = array<i32>} : memref<26x512xi32, #tpu.memory_space<vmem>>, vector<16xi32>,
      %parallel_loop3A_669 = arith.constant 1.280000e+02 : f32
      %parallel_loop3A_670 = vector.broadcast %parallel_loop3A_669 : f32 to vector<16xf32>
      %parallel_loop3A_671 = arith.mulf %parallel_loop3A_640, %parallel_loop3A_670 : vector<16xf32>
      %parallel_loop3A_672 = arith.fptosi %parallel_loop3A_671 : vector<16xf32> to vector<16xi32>
      %parallel_loop3A_673 = arith.constant 127 : i32
      %parallel_loop3A_674 = vector.broadcast %parallel_loop3A_673 : i32 to vector<16xi32>
      %parallel_loop3A_675 = arith.minsi %parallel_loop3A_672, %parallel_loop3A_674 : vector<16xi32>
      %parallel_loop3A_676 = arith.constant 2048 : i32
      %parallel_loop3A_677 = vector.broadcast %parallel_loop3A_676 : i32 to vector<16xi32>
      %parallel_loop3A_678 = arith.addi %parallel_loop3A_675, %parallel_loop3A_677 : vector<16xi32>
      %parallel_loop3A_679 = arith.addi %mul3A_37, %parallel_loop3A_678 : vector<16xi32>
      %parallel_loop3A_680 = arith.constant 1.280000e+02 : f32
      %parallel_loop3A_681 = vector.broadcast %parallel_loop3A_680 : f32 to vector<16xf32>
      %parallel_loop3A_682 = arith.mulf %parallel_loop3A_644, %parallel_loop3A_681 : vector<16xf32>
      %parallel_loop3A_683 = arith.fptosi %parallel_loop3A_682 : vector<16xf32> to vector<16xi32>
      %parallel_loop3A_684 = arith.constant 127 : i32
      %parallel_loop3A_685 = vector.broadcast %parallel_loop3A_684 : i32 to vector<16xi32>
      %parallel_loop3A_686 = arith.minsi %parallel_loop3A_683, %parallel_loop3A_685 : vector<16xi32>
      %parallel_loop3A_687 = arith.constant 2176 : i32
      %parallel_loop3A_688 = vector.broadcast %parallel_loop3A_687 : i32 to vector<16xi32>
      %parallel_loop3A_689 = arith.addi %parallel_loop3A_686, %parallel_loop3A_688 : vector<16xi32>
      %parallel_loop3A_690 = arith.addi %mul3A_37, %parallel_loop3A_689 : vector<16xi32>
      %parallel_loop3A_691 = arith.constant 1.280000e+02 : f32
      %parallel_loop3A_692 = vector.broadcast %parallel_loop3A_691 : f32 to vector<16xf32>
      %parallel_loop3A_693 = arith.mulf %parallel_loop3A_648, %parallel_loop3A_692 : vector<16xf32>
      %parallel_loop3A_694 = arith.fptosi %parallel_loop3A_693 : vector<16xf32> to vector<16xi32>
      %parallel_loop3A_695 = arith.constant 127 : i32
      %parallel_loop3A_696 = vector.broadcast %parallel_loop3A_695 : i32 to vector<16xi32>
      %parallel_loop3A_697 = arith.minsi %parallel_loop3A_694, %parallel_loop3A_696 : vector<16xi32>
      %parallel_loop3A_698 = arith.constant 2304 : i32
      %parallel_loop3A_699 = vector.broadcast %parallel_loop3A_698 : i32 to vector<16xi32>
      %parallel_loop3A_700 = arith.addi %parallel_loop3A_697, %parallel_loop3A_699 : vector<16xi32>
      %parallel_loop3A_701 = arith.addi %mul3A_37, %parallel_loop3A_700 : vector<16xi32>
      %parallel_loop3A_702 = arith.constant 1.280000e+02 : f32
      %parallel_loop3A_703 = vector.broadcast %parallel_loop3A_702 : f32 to vector<16xf32>
      %parallel_loop3A_704 = arith.mulf %parallel_loop3A_652, %parallel_loop3A_703 : vector<16xf32>
      %parallel_loop3A_705 = arith.fptosi %parallel_loop3A_704 : vector<16xf32> to vector<16xi32>
      %parallel_loop3A_706 = arith.constant 127 : i32
      %parallel_loop3A_707 = vector.broadcast %parallel_loop3A_706 : i32 to vector<16xi32>
      %parallel_loop3A_708 = arith.minsi %parallel_loop3A_705, %parallel_loop3A_707 : vector<16xi32>
      %parallel_loop3A_709 = arith.constant 2432 : i32
      %parallel_loop3A_710 = vector.broadcast %parallel_loop3A_709 : i32 to vector<16xi32>
      %parallel_loop3A_711 = arith.addi %parallel_loop3A_708, %parallel_loop3A_710 : vector<16xi32>
      %parallel_loop3A_712 = arith.addi %mul3A_37, %parallel_loop3A_711 : vector<16xi32>
      %parallel_loop3A_713 = arith.sitofp %parallel_loop3A_656 : vector<16xi32> to vector<16xf32>
      %parallel_loop3A_714 = arith.sitofp %parallel_loop3A_660 : vector<16xi32> to vector<16xf32>
      %parallel_loop3A_715 = arith.sitofp %parallel_loop3A_664 : vector<16xi32> to vector<16xf32>
      %parallel_loop3A_716 = arith.sitofp %parallel_loop3A_668 : vector<16xi32> to vector<16xf32>
      tpu.vector_store_idx %arg7[%parallel_loop3A_679], %parallel_loop3A_713 masked %lt3A_40 {add = true} : memref<26880xf32, #tpu.memory_space<vmem>>[vector<16xi32>], vector<16xf32>, vector<16xi1>
      tpu.vector_store_idx %arg7[%parallel_loop3A_679], %parallel_loop3A_713 masked %not3A_41 {add = true} : memref<26880xf32, #tpu.memory_space<vmem>>[vector<16xi32>], vector<16xf32>, vector<16xi1>
      tpu.vector_store_idx %arg7[%parallel_loop3A_690], %parallel_loop3A_714 masked %lt3A_40 {add = true} : memref<26880xf32, #tpu.memory_space<vmem>>[vector<16xi32>], vector<16xf32>, vector<16xi1>
      tpu.vector_store_idx %arg7[%parallel_loop3A_690], %parallel_loop3A_714 masked %not3A_41 {add = true} : memref<26880xf32, #tpu.memory_space<vmem>>[vector<16xi32>], vector<16xf32>, vector<16xi1>
      tpu.vector_store_idx %arg7[%parallel_loop3A_701], %parallel_loop3A_715 masked %lt3A_40 {add = true} : memref<26880xf32, #tpu.memory_space<vmem>>[vector<16xi32>], vector<16xf32>, vector<16xi1>
      tpu.vector_store_idx %arg7[%parallel_loop3A_701], %parallel_loop3A_715 masked %not3A_41 {add = true} : memref<26880xf32, #tpu.memory_space<vmem>>[vector<16xi32>], vector<16xf32>, vector<16xi1>
      tpu.vector_store_idx %arg7[%parallel_loop3A_712], %parallel_loop3A_716 masked %lt3A_40 {add = true} : memref<26880xf32, #tpu.memory_space<vmem>>[vector<16xi32>], vector<16xf32>, vector<16xi1>
      tpu.vector_store_idx %arg7[%parallel_loop3A_712], %parallel_loop3A_716 masked %not3A_41 {add = true} : memref<26880xf32, #tpu.memory_space<vmem>>[vector<16xi32>], vector<16xf32>, vector<16xi1>
      %parallel_loop3A_717 = arith.constant 20 : i32
      %parallel_loop3A_718 = arith.index_cast %parallel_loop3A_717 : i32 to index
      %parallel_loop3A_719 = arith.index_cast %parallel_loop3A_316 : i32 to index
      %parallel_loop3A_720 = tpu.vector_load %arg5[%parallel_loop3A_718, %parallel_loop3A_719] {strides = array<i32>} : memref<26x512xf32, #tpu.memory_space<vmem>>, vector<16xf32>,
      %parallel_loop3A_721 = arith.constant 21 : i32
      %parallel_loop3A_722 = arith.index_cast %parallel_loop3A_721 : i32 to index
      %parallel_loop3A_723 = arith.index_cast %parallel_loop3A_316 : i32 to index
      %parallel_loop3A_724 = tpu.vector_load %arg5[%parallel_loop3A_722, %parallel_loop3A_723] {strides = array<i32>} : memref<26x512xf32, #tpu.memory_space<vmem>>, vector<16xf32>,
      %parallel_loop3A_725 = arith.constant 22 : i32
      %parallel_loop3A_726 = arith.index_cast %parallel_loop3A_725 : i32 to index
      %parallel_loop3A_727 = arith.index_cast %parallel_loop3A_316 : i32 to index
      %parallel_loop3A_728 = tpu.vector_load %arg5[%parallel_loop3A_726, %parallel_loop3A_727] {strides = array<i32>} : memref<26x512xf32, #tpu.memory_space<vmem>>, vector<16xf32>,
      %parallel_loop3A_729 = arith.constant 23 : i32
      %parallel_loop3A_730 = arith.index_cast %parallel_loop3A_729 : i32 to index
      %parallel_loop3A_731 = arith.index_cast %parallel_loop3A_316 : i32 to index
      %parallel_loop3A_732 = tpu.vector_load %arg5[%parallel_loop3A_730, %parallel_loop3A_731] {strides = array<i32>} : memref<26x512xf32, #tpu.memory_space<vmem>>, vector<16xf32>,
      %parallel_loop3A_733 = arith.constant 20 : i32
      %parallel_loop3A_734 = arith.index_cast %parallel_loop3A_733 : i32 to index
      %parallel_loop3A_735 = arith.index_cast %parallel_loop3A_316 : i32 to index
      %parallel_loop3A_736 = tpu.vector_load %arg6[%parallel_loop3A_734, %parallel_loop3A_735] {strides = array<i32>} : memref<26x512xi32, #tpu.memory_space<vmem>>, vector<16xi32>,
      %parallel_loop3A_737 = arith.constant 21 : i32
      %parallel_loop3A_738 = arith.index_cast %parallel_loop3A_737 : i32 to index
      %parallel_loop3A_739 = arith.index_cast %parallel_loop3A_316 : i32 to index
      %parallel_loop3A_740 = tpu.vector_load %arg6[%parallel_loop3A_738, %parallel_loop3A_739] {strides = array<i32>} : memref<26x512xi32, #tpu.memory_space<vmem>>, vector<16xi32>,
      %parallel_loop3A_741 = arith.constant 22 : i32
      %parallel_loop3A_742 = arith.index_cast %parallel_loop3A_741 : i32 to index
      %parallel_loop3A_743 = arith.index_cast %parallel_loop3A_316 : i32 to index
      %parallel_loop3A_744 = tpu.vector_load %arg6[%parallel_loop3A_742, %parallel_loop3A_743] {strides = array<i32>} : memref<26x512xi32, #tpu.memory_space<vmem>>, vector<16xi32>,
      %parallel_loop3A_745 = arith.constant 23 : i32
      %parallel_loop3A_746 = arith.index_cast %parallel_loop3A_745 : i32 to index
      %parallel_loop3A_747 = arith.index_cast %parallel_loop3A_316 : i32 to index
      %parallel_loop3A_748 = tpu.vector_load %arg6[%parallel_loop3A_746, %parallel_loop3A_747] {strides = array<i32>} : memref<26x512xi32, #tpu.memory_space<vmem>>, vector<16xi32>,
      %parallel_loop3A_749 = arith.constant 1.280000e+02 : f32
      %parallel_loop3A_750 = vector.broadcast %parallel_loop3A_749 : f32 to vector<16xf32>
      %parallel_loop3A_751 = arith.mulf %parallel_loop3A_720, %parallel_loop3A_750 : vector<16xf32>
      %parallel_loop3A_752 = arith.fptosi %parallel_loop3A_751 : vector<16xf32> to vector<16xi32>
      %parallel_loop3A_753 = arith.constant 127 : i32
      %parallel_loop3A_754 = vector.broadcast %parallel_loop3A_753 : i32 to vector<16xi32>
      %parallel_loop3A_755 = arith.minsi %parallel_loop3A_752, %parallel_loop3A_754 : vector<16xi32>
      %parallel_loop3A_756 = arith.constant 2560 : i32
      %parallel_loop3A_757 = vector.broadcast %parallel_loop3A_756 : i32 to vector<16xi32>
      %parallel_loop3A_758 = arith.addi %parallel_loop3A_755, %parallel_loop3A_757 : vector<16xi32>
      %parallel_loop3A_759 = arith.addi %mul3A_37, %parallel_loop3A_758 : vector<16xi32>
      %parallel_loop3A_760 = arith.constant 1.280000e+02 : f32
      %parallel_loop3A_761 = vector.broadcast %parallel_loop3A_760 : f32 to vector<16xf32>
      %parallel_loop3A_762 = arith.mulf %parallel_loop3A_724, %parallel_loop3A_761 : vector<16xf32>
      %parallel_loop3A_763 = arith.fptosi %parallel_loop3A_762 : vector<16xf32> to vector<16xi32>
      %parallel_loop3A_764 = arith.constant 127 : i32
      %parallel_loop3A_765 = vector.broadcast %parallel_loop3A_764 : i32 to vector<16xi32>
      %parallel_loop3A_766 = arith.minsi %parallel_loop3A_763, %parallel_loop3A_765 : vector<16xi32>
      %parallel_loop3A_767 = arith.constant 2688 : i32
      %parallel_loop3A_768 = vector.broadcast %parallel_loop3A_767 : i32 to vector<16xi32>
      %parallel_loop3A_769 = arith.addi %parallel_loop3A_766, %parallel_loop3A_768 : vector<16xi32>
      %parallel_loop3A_770 = arith.addi %mul3A_37, %parallel_loop3A_769 : vector<16xi32>
      %parallel_loop3A_771 = arith.constant 1.280000e+02 : f32
      %parallel_loop3A_772 = vector.broadcast %parallel_loop3A_771 : f32 to vector<16xf32>
      %parallel_loop3A_773 = arith.mulf %parallel_loop3A_728, %parallel_loop3A_772 : vector<16xf32>
      %parallel_loop3A_774 = arith.fptosi %parallel_loop3A_773 : vector<16xf32> to vector<16xi32>
      %parallel_loop3A_775 = arith.constant 127 : i32
      %parallel_loop3A_776 = vector.broadcast %parallel_loop3A_775 : i32 to vector<16xi32>
      %parallel_loop3A_777 = arith.minsi %parallel_loop3A_774, %parallel_loop3A_776 : vector<16xi32>
      %parallel_loop3A_778 = arith.constant 2816 : i32
      %parallel_loop3A_779 = vector.broadcast %parallel_loop3A_778 : i32 to vector<16xi32>
      %parallel_loop3A_780 = arith.addi %parallel_loop3A_777, %parallel_loop3A_779 : vector<16xi32>
      %parallel_loop3A_781 = arith.addi %mul3A_37, %parallel_loop3A_780 : vector<16xi32>
      %parallel_loop3A_782 = arith.constant 1.280000e+02 : f32
      %parallel_loop3A_783 = vector.broadcast %parallel_loop3A_782 : f32 to vector<16xf32>
      %parallel_loop3A_784 = arith.mulf %parallel_loop3A_732, %parallel_loop3A_783 : vector<16xf32>
      %parallel_loop3A_785 = arith.fptosi %parallel_loop3A_784 : vector<16xf32> to vector<16xi32>
      %parallel_loop3A_786 = arith.constant 127 : i32
      %parallel_loop3A_787 = vector.broadcast %parallel_loop3A_786 : i32 to vector<16xi32>
      %parallel_loop3A_788 = arith.minsi %parallel_loop3A_785, %parallel_loop3A_787 : vector<16xi32>
      %parallel_loop3A_789 = arith.constant 2944 : i32
      %parallel_loop3A_790 = vector.broadcast %parallel_loop3A_789 : i32 to vector<16xi32>
      %parallel_loop3A_791 = arith.addi %parallel_loop3A_788, %parallel_loop3A_790 : vector<16xi32>
      %parallel_loop3A_792 = arith.addi %mul3A_37, %parallel_loop3A_791 : vector<16xi32>
      %parallel_loop3A_793 = arith.sitofp %parallel_loop3A_736 : vector<16xi32> to vector<16xf32>
      %parallel_loop3A_794 = arith.sitofp %parallel_loop3A_740 : vector<16xi32> to vector<16xf32>
      %parallel_loop3A_795 = arith.sitofp %parallel_loop3A_744 : vector<16xi32> to vector<16xf32>
      %parallel_loop3A_796 = arith.sitofp %parallel_loop3A_748 : vector<16xi32> to vector<16xf32>
      tpu.vector_store_idx %arg7[%parallel_loop3A_759], %parallel_loop3A_793 masked %lt3A_40 {add = true} : memref<26880xf32, #tpu.memory_space<vmem>>[vector<16xi32>], vector<16xf32>, vector<16xi1>
      tpu.vector_store_idx %arg7[%parallel_loop3A_759], %parallel_loop3A_793 masked %not3A_41 {add = true} : memref<26880xf32, #tpu.memory_space<vmem>>[vector<16xi32>], vector<16xf32>, vector<16xi1>
      tpu.vector_store_idx %arg7[%parallel_loop3A_770], %parallel_loop3A_794 masked %lt3A_40 {add = true} : memref<26880xf32, #tpu.memory_space<vmem>>[vector<16xi32>], vector<16xf32>, vector<16xi1>
      tpu.vector_store_idx %arg7[%parallel_loop3A_770], %parallel_loop3A_794 masked %not3A_41 {add = true} : memref<26880xf32, #tpu.memory_space<vmem>>[vector<16xi32>], vector<16xf32>, vector<16xi1>
      tpu.vector_store_idx %arg7[%parallel_loop3A_781], %parallel_loop3A_795 masked %lt3A_40 {add = true} : memref<26880xf32, #tpu.memory_space<vmem>>[vector<16xi32>], vector<16xf32>, vector<16xi1>
      tpu.vector_store_idx %arg7[%parallel_loop3A_781], %parallel_loop3A_795 masked %not3A_41 {add = true} : memref<26880xf32, #tpu.memory_space<vmem>>[vector<16xi32>], vector<16xf32>, vector<16xi1>
      tpu.vector_store_idx %arg7[%parallel_loop3A_792], %parallel_loop3A_796 masked %lt3A_40 {add = true} : memref<26880xf32, #tpu.memory_space<vmem>>[vector<16xi32>], vector<16xf32>, vector<16xi1>
      tpu.vector_store_idx %arg7[%parallel_loop3A_792], %parallel_loop3A_796 masked %not3A_41 {add = true} : memref<26880xf32, #tpu.memory_space<vmem>>[vector<16xi32>], vector<16xf32>, vector<16xi1>
      %parallel_loop3A_797 = arith.constant 24 : i32
      %parallel_loop3A_798 = arith.index_cast %parallel_loop3A_797 : i32 to index
      %parallel_loop3A_799 = arith.index_cast %parallel_loop3A_316 : i32 to index
      %parallel_loop3A_800 = tpu.vector_load %arg5[%parallel_loop3A_798, %parallel_loop3A_799] {strides = array<i32>} : memref<26x512xf32, #tpu.memory_space<vmem>>, vector<16xf32>,
      %parallel_loop3A_801 = arith.constant 25 : i32
      %parallel_loop3A_802 = arith.index_cast %parallel_loop3A_801 : i32 to index
      %parallel_loop3A_803 = arith.index_cast %parallel_loop3A_316 : i32 to index
      %parallel_loop3A_804 = tpu.vector_load %arg5[%parallel_loop3A_802, %parallel_loop3A_803] {strides = array<i32>} : memref<26x512xf32, #tpu.memory_space<vmem>>, vector<16xf32>,
      %parallel_loop3A_805 = arith.constant 24 : i32
      %parallel_loop3A_806 = arith.index_cast %parallel_loop3A_805 : i32 to index
      %parallel_loop3A_807 = arith.index_cast %parallel_loop3A_316 : i32 to index
      %parallel_loop3A_808 = tpu.vector_load %arg6[%parallel_loop3A_806, %parallel_loop3A_807] {strides = array<i32>} : memref<26x512xi32, #tpu.memory_space<vmem>>, vector<16xi32>,
      %parallel_loop3A_809 = arith.constant 25 : i32
      %parallel_loop3A_810 = arith.index_cast %parallel_loop3A_809 : i32 to index
      %parallel_loop3A_811 = arith.index_cast %parallel_loop3A_316 : i32 to index
      %parallel_loop3A_812 = tpu.vector_load %arg6[%parallel_loop3A_810, %parallel_loop3A_811] {strides = array<i32>} : memref<26x512xi32, #tpu.memory_space<vmem>>, vector<16xi32>,
      %parallel_loop3A_813 = arith.constant 1.280000e+02 : f32
      %parallel_loop3A_814 = vector.broadcast %parallel_loop3A_813 : f32 to vector<16xf32>
      %parallel_loop3A_815 = arith.mulf %parallel_loop3A_800, %parallel_loop3A_814 : vector<16xf32>
      %parallel_loop3A_816 = arith.fptosi %parallel_loop3A_815 : vector<16xf32> to vector<16xi32>
      %parallel_loop3A_817 = arith.constant 127 : i32
      %parallel_loop3A_818 = vector.broadcast %parallel_loop3A_817 : i32 to vector<16xi32>
      %parallel_loop3A_819 = arith.minsi %parallel_loop3A_816, %parallel_loop3A_818 : vector<16xi32>
      %parallel_loop3A_820 = arith.constant 3072 : i32
      %parallel_loop3A_821 = vector.broadcast %parallel_loop3A_820 : i32 to vector<16xi32>
      %parallel_loop3A_822 = arith.addi %parallel_loop3A_819, %parallel_loop3A_821 : vector<16xi32>
      %parallel_loop3A_823 = arith.addi %mul3A_37, %parallel_loop3A_822 : vector<16xi32>
      %parallel_loop3A_824 = arith.constant 1.280000e+02 : f32
      %parallel_loop3A_825 = vector.broadcast %parallel_loop3A_824 : f32 to vector<16xf32>
      %parallel_loop3A_826 = arith.mulf %parallel_loop3A_804, %parallel_loop3A_825 : vector<16xf32>
      %parallel_loop3A_827 = arith.fptosi %parallel_loop3A_826 : vector<16xf32> to vector<16xi32>
      %parallel_loop3A_828 = arith.constant 127 : i32
      %parallel_loop3A_829 = vector.broadcast %parallel_loop3A_828 : i32 to vector<16xi32>
      %parallel_loop3A_830 = arith.minsi %parallel_loop3A_827, %parallel_loop3A_829 : vector<16xi32>
      %parallel_loop3A_831 = arith.constant 3200 : i32
      %parallel_loop3A_832 = vector.broadcast %parallel_loop3A_831 : i32 to vector<16xi32>
      %parallel_loop3A_833 = arith.addi %parallel_loop3A_830, %parallel_loop3A_832 : vector<16xi32>
      %parallel_loop3A_834 = arith.addi %mul3A_37, %parallel_loop3A_833 : vector<16xi32>
      %parallel_loop3A_835 = arith.sitofp %parallel_loop3A_808 : vector<16xi32> to vector<16xf32>
      %parallel_loop3A_836 = arith.sitofp %parallel_loop3A_812 : vector<16xi32> to vector<16xf32>
      tpu.vector_store_idx %arg7[%parallel_loop3A_823], %parallel_loop3A_835 masked %lt3A_40 {add = true} : memref<26880xf32, #tpu.memory_space<vmem>>[vector<16xi32>], vector<16xf32>, vector<16xi1>
      tpu.vector_store_idx %arg7[%parallel_loop3A_823], %parallel_loop3A_835 masked %not3A_41 {add = true} : memref<26880xf32, #tpu.memory_space<vmem>>[vector<16xi32>], vector<16xf32>, vector<16xi1>
      tpu.vector_store_idx %arg7[%parallel_loop3A_834], %parallel_loop3A_836 masked %lt3A_40 {add = true} : memref<26880xf32, #tpu.memory_space<vmem>>[vector<16xi32>], vector<16xf32>, vector<16xi1>
      tpu.vector_store_idx %arg7[%parallel_loop3A_834], %parallel_loop3A_836 masked %not3A_41 {add = true} : memref<26880xf32, #tpu.memory_space<vmem>>[vector<16xi32>], vector<16xf32>, vector<16xi1>
    } {sc.loop_unroll_factor = 4 : i64, sc.parallel_access}
    %parallel_loop3A_45 = arith.constant 0 : i32
    %parallel_loop3A_46 = arith.constant 208 : i32
    %parallel_loop3A_47 = arith.constant 1 : i32
    scf.for %parallel_loop3A_314 = %parallel_loop3A_45 to %parallel_loop3A_46 step %parallel_loop3A_47  : i32 {
      %parallel_loop3A_315 = arith.constant 16 : i32
      %parallel_loop3A_316 = arith.muli %parallel_loop3A_314, %parallel_loop3A_315 : i32
      %parallel_loop3A_317 = arith.index_cast %parallel_loop3A_316 : i32 to index
      %parallel_loop3A_318 = tpu.vector_load %arg7[%parallel_loop3A_317] {strides = array<i32>} : memref<26880xf32, #tpu.memory_space<vmem>>, vector<16xf32>,
      %parallel_loop3A_319 = arith.constant 3329 : i32
      %parallel_loop3A_320 = arith.addi %parallel_loop3A_319, %parallel_loop3A_316 : i32
      %parallel_loop3A_321 = arith.index_cast %parallel_loop3A_320 : i32 to index
      %parallel_loop3A_322 = tpu.vector_load %arg7[%parallel_loop3A_321] {strides = array<i32>} : memref<26880xf32, #tpu.memory_space<vmem>>, vector<16xf32>,
      %parallel_loop3A_323 = arith.addf %parallel_loop3A_318, %parallel_loop3A_322 : vector<16xf32>
      %parallel_loop3A_324 = arith.constant 6658 : i32
      %parallel_loop3A_325 = arith.addi %parallel_loop3A_324, %parallel_loop3A_316 : i32
      %parallel_loop3A_326 = arith.index_cast %parallel_loop3A_325 : i32 to index
      %parallel_loop3A_327 = tpu.vector_load %arg7[%parallel_loop3A_326] {strides = array<i32>} : memref<26880xf32, #tpu.memory_space<vmem>>, vector<16xf32>,
      %parallel_loop3A_328 = arith.addf %parallel_loop3A_323, %parallel_loop3A_327 : vector<16xf32>
      %parallel_loop3A_329 = arith.constant 9987 : i32
      %parallel_loop3A_330 = arith.addi %parallel_loop3A_329, %parallel_loop3A_316 : i32
      %parallel_loop3A_331 = arith.index_cast %parallel_loop3A_330 : i32 to index
      %parallel_loop3A_332 = tpu.vector_load %arg7[%parallel_loop3A_331] {strides = array<i32>} : memref<26880xf32, #tpu.memory_space<vmem>>, vector<16xf32>,
      %parallel_loop3A_333 = arith.addf %parallel_loop3A_328, %parallel_loop3A_332 : vector<16xf32>
      %parallel_loop3A_334 = arith.constant 13316 : i32
      %parallel_loop3A_335 = arith.addi %parallel_loop3A_334, %parallel_loop3A_316 : i32
      %parallel_loop3A_336 = arith.index_cast %parallel_loop3A_335 : i32 to index
      %parallel_loop3A_337 = tpu.vector_load %arg7[%parallel_loop3A_336] {strides = array<i32>} : memref<26880xf32, #tpu.memory_space<vmem>>, vector<16xf32>,
      %parallel_loop3A_338 = arith.addf %parallel_loop3A_333, %parallel_loop3A_337 : vector<16xf32>
      %parallel_loop3A_339 = arith.constant 16645 : i32
      %parallel_loop3A_340 = arith.addi %parallel_loop3A_339, %parallel_loop3A_316 : i32
      %parallel_loop3A_341 = arith.index_cast %parallel_loop3A_340 : i32 to index
      %parallel_loop3A_342 = tpu.vector_load %arg7[%parallel_loop3A_341] {strides = array<i32>} : memref<26880xf32, #tpu.memory_space<vmem>>, vector<16xf32>,
      %parallel_loop3A_343 = arith.addf %parallel_loop3A_338, %parallel_loop3A_342 : vector<16xf32>
      %parallel_loop3A_344 = arith.constant 19974 : i32
      %parallel_loop3A_345 = arith.addi %parallel_loop3A_344, %parallel_loop3A_316 : i32
      %parallel_loop3A_346 = arith.index_cast %parallel_loop3A_345 : i32 to index
      %parallel_loop3A_347 = tpu.vector_load %arg7[%parallel_loop3A_346] {strides = array<i32>} : memref<26880xf32, #tpu.memory_space<vmem>>, vector<16xf32>,
      %parallel_loop3A_348 = arith.addf %parallel_loop3A_343, %parallel_loop3A_347 : vector<16xf32>
      %parallel_loop3A_349 = arith.constant 23303 : i32
      %parallel_loop3A_350 = arith.addi %parallel_loop3A_349, %parallel_loop3A_316 : i32
      %parallel_loop3A_351 = arith.index_cast %parallel_loop3A_350 : i32 to index
      %parallel_loop3A_352 = tpu.vector_load %arg7[%parallel_loop3A_351] {strides = array<i32>} : memref<26880xf32, #tpu.memory_space<vmem>>, vector<16xf32>,
      %parallel_loop3A_353 = arith.addf %parallel_loop3A_348, %parallel_loop3A_352 : vector<16xf32>
      %parallel_loop3A_354 = arith.index_cast %parallel_loop3A_316 : i32 to index
      %parallel_loop3A_355 = tpu.vector_load %arg8[%parallel_loop3A_354] {strides = array<i32>} : memref<3328xf32, #tpu.memory_space<vmem>>, vector<16xf32>,
      tpu.vector_store %arg8[%parallel_loop3A_354], %parallel_loop3A_353 {strides = array<i32>} : memref<3328xf32, #tpu.memory_space<vmem>>, vector<16xf32>,
    } {sc.loop_unroll_factor = 4 : i64, sc.parallel_access}
    %mul3A_48 = arith.constant 3328 : i32
    %mul3A_49 = arith.muli %arg1, %mul3A_48 : i32
    "tpu.region"() ({
      %run_scoped3A = tpu.sem_alloc : memref<!tpu.dma_semaphore, #tpu.memory_space<semaphore_mem>>
      %dma_start3A_314 = tpu.memref_slice %arg9[%mul3A_49] : memref<53248xf32, #tpu.memory_space<vmem_shared>> -> memref<3328xf32, #tpu.memory_space<vmem_shared>>
      %dma_start3A_315 = tpu.memref_slice %arg9[%mul3A_49] : memref<53248xf32, #tpu.memory_space<vmem_shared>> -> memref<3328xf32, #tpu.memory_space<vmem_shared>>
      tpu.enqueue_dma source(%arg8 : memref<3328xf32, #tpu.memory_space<vmem>>) target(%dma_start3A_315 : memref<3328xf32, #tpu.memory_space<vmem_shared>>) target_semaphore(%run_scoped3A : memref<!tpu.dma_semaphore, #tpu.memory_space<semaphore_mem>>)
      %dma_wait3A_316 = tpu.memref_slice %arg9[%mul3A_49] : memref<53248xf32, #tpu.memory_space<vmem_shared>> -> memref<3328xf32, #tpu.memory_space<vmem_shared>>
      %dma_wait3A_317 = tpu.memref_slice %arg9[%mul3A_49] : memref<53248xf32, #tpu.memory_space<vmem_shared>> -> memref<3328xf32, #tpu.memory_space<vmem_shared>>
      tpu.wait_dma2 semaphore(%run_scoped3A : memref<!tpu.dma_semaphore, #tpu.memory_space<semaphore_mem>>) src(%arg8 : memref<3328xf32, #tpu.memory_space<vmem>>) dst(%dma_wait3A_317 : memref<3328xf32, #tpu.memory_space<vmem_shared>>)
      tpu.yield
    }) : () -> ()
    %barrier3A = arith.constant 0 : index
    tpu.barrier barrier_id(%barrier3A)
    %mul3A_50 = arith.constant 208 : i32
    %mul3A_51 = arith.muli %arg1, %mul3A_50 : i32
    %add3A_52 = arith.constant 0 : i32
    %add3A_53 = arith.addi %add3A_52, %mul3A_51 : i32
    %dma_start3A_54 = arith.constant 0 : i32
    %dma_start3A_55 = tpu.memref_slice %arg10[%dma_start3A_54] : memref<3328xf32, #tpu.memory_space<vmem>> -> memref<208xf32, #tpu.memory_space<vmem>>
    %dma_start3A_56 = tpu.memref_slice %arg9[%add3A_53] : memref<53248xf32, #tpu.memory_space<vmem_shared>> -> memref<208xf32, #tpu.memory_space<vmem_shared>>
    %dma_start3A_57 = arith.constant 0 : i32
    %dma_start3A_58 = tpu.memref_slice %arg10[%dma_start3A_57] : memref<3328xf32, #tpu.memory_space<vmem>> -> memref<208xf32, #tpu.memory_space<vmem>>
    %dma_start3A_59 = tpu.memref_slice %arg9[%add3A_53] : memref<53248xf32, #tpu.memory_space<vmem_shared>> -> memref<208xf32, #tpu.memory_space<vmem_shared>>
    tpu.enqueue_dma source(%dma_start3A_59 : memref<208xf32, #tpu.memory_space<vmem_shared>>) target(%dma_start3A_58 : memref<208xf32, #tpu.memory_space<vmem>>) target_semaphore(%arg12 : memref<!tpu.dma_semaphore, #tpu.memory_space<semaphore_mem>>)
    %mul3A_60 = arith.constant 208 : i32
    %mul3A_61 = arith.muli %arg1, %mul3A_60 : i32
    %add3A_62 = arith.constant 3328 : i32
    %add3A_63 = arith.addi %add3A_62, %mul3A_61 : i32
    %dma_start3A_64 = arith.constant 208 : i32
    %dma_start3A_65 = tpu.memref_slice %arg10[%dma_start3A_64] : memref<3328xf32, #tpu.memory_space<vmem>> -> memref<208xf32, #tpu.memory_space<vmem>>
    %dma_start3A_66 = tpu.memref_slice %arg9[%add3A_63] : memref<53248xf32, #tpu.memory_space<vmem_shared>> -> memref<208xf32, #tpu.memory_space<vmem_shared>>
    %dma_start3A_67 = arith.constant 208 : i32
    %dma_start3A_68 = tpu.memref_slice %arg10[%dma_start3A_67] : memref<3328xf32, #tpu.memory_space<vmem>> -> memref<208xf32, #tpu.memory_space<vmem>>
    %dma_start3A_69 = tpu.memref_slice %arg9[%add3A_63] : memref<53248xf32, #tpu.memory_space<vmem_shared>> -> memref<208xf32, #tpu.memory_space<vmem_shared>>
    tpu.enqueue_dma source(%dma_start3A_69 : memref<208xf32, #tpu.memory_space<vmem_shared>>) target(%dma_start3A_68 : memref<208xf32, #tpu.memory_space<vmem>>) target_semaphore(%arg12 : memref<!tpu.dma_semaphore, #tpu.memory_space<semaphore_mem>>)
    %mul3A_70 = arith.constant 208 : i32
    %mul3A_71 = arith.muli %arg1, %mul3A_70 : i32
    %add3A_72 = arith.constant 6656 : i32
    %add3A_73 = arith.addi %add3A_72, %mul3A_71 : i32
    %dma_start3A_74 = arith.constant 416 : i32
    %dma_start3A_75 = tpu.memref_slice %arg10[%dma_start3A_74] : memref<3328xf32, #tpu.memory_space<vmem>> -> memref<208xf32, #tpu.memory_space<vmem>>
    %dma_start3A_76 = tpu.memref_slice %arg9[%add3A_73] : memref<53248xf32, #tpu.memory_space<vmem_shared>> -> memref<208xf32, #tpu.memory_space<vmem_shared>>
    %dma_start3A_77 = arith.constant 416 : i32
    %dma_start3A_78 = tpu.memref_slice %arg10[%dma_start3A_77] : memref<3328xf32, #tpu.memory_space<vmem>> -> memref<208xf32, #tpu.memory_space<vmem>>
    %dma_start3A_79 = tpu.memref_slice %arg9[%add3A_73] : memref<53248xf32, #tpu.memory_space<vmem_shared>> -> memref<208xf32, #tpu.memory_space<vmem_shared>>
    tpu.enqueue_dma source(%dma_start3A_79 : memref<208xf32, #tpu.memory_space<vmem_shared>>) target(%dma_start3A_78 : memref<208xf32, #tpu.memory_space<vmem>>) target_semaphore(%arg12 : memref<!tpu.dma_semaphore, #tpu.memory_space<semaphore_mem>>)
    %mul3A_80 = arith.constant 208 : i32
    %mul3A_81 = arith.muli %arg1, %mul3A_80 : i32
    %add3A_82 = arith.constant 9984 : i32
    %add3A_83 = arith.addi %add3A_82, %mul3A_81 : i32
    %dma_start3A_84 = arith.constant 624 : i32
    %dma_start3A_85 = tpu.memref_slice %arg10[%dma_start3A_84] : memref<3328xf32, #tpu.memory_space<vmem>> -> memref<208xf32, #tpu.memory_space<vmem>>
    %dma_start3A_86 = tpu.memref_slice %arg9[%add3A_83] : memref<53248xf32, #tpu.memory_space<vmem_shared>> -> memref<208xf32, #tpu.memory_space<vmem_shared>>
    %dma_start3A_87 = arith.constant 624 : i32
    %dma_start3A_88 = tpu.memref_slice %arg10[%dma_start3A_87] : memref<3328xf32, #tpu.memory_space<vmem>> -> memref<208xf32, #tpu.memory_space<vmem>>
    %dma_start3A_89 = tpu.memref_slice %arg9[%add3A_83] : memref<53248xf32, #tpu.memory_space<vmem_shared>> -> memref<208xf32, #tpu.memory_space<vmem_shared>>
    tpu.enqueue_dma source(%dma_start3A_89 : memref<208xf32, #tpu.memory_space<vmem_shared>>) target(%dma_start3A_88 : memref<208xf32, #tpu.memory_space<vmem>>) target_semaphore(%arg12 : memref<!tpu.dma_semaphore, #tpu.memory_space<semaphore_mem>>)
    %mul3A_90 = arith.constant 208 : i32
    %mul3A_91 = arith.muli %arg1, %mul3A_90 : i32
    %add3A_92 = arith.constant 13312 : i32
    %add3A_93 = arith.addi %add3A_92, %mul3A_91 : i32
    %dma_start3A_94 = arith.constant 832 : i32
    %dma_start3A_95 = tpu.memref_slice %arg10[%dma_start3A_94] : memref<3328xf32, #tpu.memory_space<vmem>> -> memref<208xf32, #tpu.memory_space<vmem>>
    %dma_start3A_96 = tpu.memref_slice %arg9[%add3A_93] : memref<53248xf32, #tpu.memory_space<vmem_shared>> -> memref<208xf32, #tpu.memory_space<vmem_shared>>
    %dma_start3A_97 = arith.constant 832 : i32
    %dma_start3A_98 = tpu.memref_slice %arg10[%dma_start3A_97] : memref<3328xf32, #tpu.memory_space<vmem>> -> memref<208xf32, #tpu.memory_space<vmem>>
    %dma_start3A_99 = tpu.memref_slice %arg9[%add3A_93] : memref<53248xf32, #tpu.memory_space<vmem_shared>> -> memref<208xf32, #tpu.memory_space<vmem_shared>>
    tpu.enqueue_dma source(%dma_start3A_99 : memref<208xf32, #tpu.memory_space<vmem_shared>>) target(%dma_start3A_98 : memref<208xf32, #tpu.memory_space<vmem>>) target_semaphore(%arg12 : memref<!tpu.dma_semaphore, #tpu.memory_space<semaphore_mem>>)
    %mul3A_100 = arith.constant 208 : i32
    %mul3A_101 = arith.muli %arg1, %mul3A_100 : i32
    %add3A_102 = arith.constant 16640 : i32
    %add3A_103 = arith.addi %add3A_102, %mul3A_101 : i32
    %dma_start3A_104 = arith.constant 1040 : i32
    %dma_start3A_105 = tpu.memref_slice %arg10[%dma_start3A_104] : memref<3328xf32, #tpu.memory_space<vmem>> -> memref<208xf32, #tpu.memory_space<vmem>>
    %dma_start3A_106 = tpu.memref_slice %arg9[%add3A_103] : memref<53248xf32, #tpu.memory_space<vmem_shared>> -> memref<208xf32, #tpu.memory_space<vmem_shared>>
    %dma_start3A_107 = arith.constant 1040 : i32
    %dma_start3A_108 = tpu.memref_slice %arg10[%dma_start3A_107] : memref<3328xf32, #tpu.memory_space<vmem>> -> memref<208xf32, #tpu.memory_space<vmem>>
    %dma_start3A_109 = tpu.memref_slice %arg9[%add3A_103] : memref<53248xf32, #tpu.memory_space<vmem_shared>> -> memref<208xf32, #tpu.memory_space<vmem_shared>>
    tpu.enqueue_dma source(%dma_start3A_109 : memref<208xf32, #tpu.memory_space<vmem_shared>>) target(%dma_start3A_108 : memref<208xf32, #tpu.memory_space<vmem>>) target_semaphore(%arg12 : memref<!tpu.dma_semaphore, #tpu.memory_space<semaphore_mem>>)
    %mul3A_110 = arith.constant 208 : i32
    %mul3A_111 = arith.muli %arg1, %mul3A_110 : i32
    %add3A_112 = arith.constant 19968 : i32
    %add3A_113 = arith.addi %add3A_112, %mul3A_111 : i32
    %dma_start3A_114 = arith.constant 1248 : i32
    %dma_start3A_115 = tpu.memref_slice %arg10[%dma_start3A_114] : memref<3328xf32, #tpu.memory_space<vmem>> -> memref<208xf32, #tpu.memory_space<vmem>>
    %dma_start3A_116 = tpu.memref_slice %arg9[%add3A_113] : memref<53248xf32, #tpu.memory_space<vmem_shared>> -> memref<208xf32, #tpu.memory_space<vmem_shared>>
    %dma_start3A_117 = arith.constant 1248 : i32
    %dma_start3A_118 = tpu.memref_slice %arg10[%dma_start3A_117] : memref<3328xf32, #tpu.memory_space<vmem>> -> memref<208xf32, #tpu.memory_space<vmem>>
    %dma_start3A_119 = tpu.memref_slice %arg9[%add3A_113] : memref<53248xf32, #tpu.memory_space<vmem_shared>> -> memref<208xf32, #tpu.memory_space<vmem_shared>>
    tpu.enqueue_dma source(%dma_start3A_119 : memref<208xf32, #tpu.memory_space<vmem_shared>>) target(%dma_start3A_118 : memref<208xf32, #tpu.memory_space<vmem>>) target_semaphore(%arg12 : memref<!tpu.dma_semaphore, #tpu.memory_space<semaphore_mem>>)
    %mul3A_120 = arith.constant 208 : i32
    %mul3A_121 = arith.muli %arg1, %mul3A_120 : i32
    %add3A_122 = arith.constant 23296 : i32
    %add3A_123 = arith.addi %add3A_122, %mul3A_121 : i32
    %dma_start3A_124 = arith.constant 1456 : i32
    %dma_start3A_125 = tpu.memref_slice %arg10[%dma_start3A_124] : memref<3328xf32, #tpu.memory_space<vmem>> -> memref<208xf32, #tpu.memory_space<vmem>>
    %dma_start3A_126 = tpu.memref_slice %arg9[%add3A_123] : memref<53248xf32, #tpu.memory_space<vmem_shared>> -> memref<208xf32, #tpu.memory_space<vmem_shared>>
    %dma_start3A_127 = arith.constant 1456 : i32
    %dma_start3A_128 = tpu.memref_slice %arg10[%dma_start3A_127] : memref<3328xf32, #tpu.memory_space<vmem>> -> memref<208xf32, #tpu.memory_space<vmem>>
    %dma_start3A_129 = tpu.memref_slice %arg9[%add3A_123] : memref<53248xf32, #tpu.memory_space<vmem_shared>> -> memref<208xf32, #tpu.memory_space<vmem_shared>>
    tpu.enqueue_dma source(%dma_start3A_129 : memref<208xf32, #tpu.memory_space<vmem_shared>>) target(%dma_start3A_128 : memref<208xf32, #tpu.memory_space<vmem>>) target_semaphore(%arg12 : memref<!tpu.dma_semaphore, #tpu.memory_space<semaphore_mem>>)
    %mul3A_130 = arith.constant 208 : i32
    %mul3A_131 = arith.muli %arg1, %mul3A_130 : i32
    %add3A_132 = arith.constant 26624 : i32
    %add3A_133 = arith.addi %add3A_132, %mul3A_131 : i32
    %dma_start3A_134 = arith.constant 1664 : i32
    %dma_start3A_135 = tpu.memref_slice %arg10[%dma_start3A_134] : memref<3328xf32, #tpu.memory_space<vmem>> -> memref<208xf32, #tpu.memory_space<vmem>>
    %dma_start3A_136 = tpu.memref_slice %arg9[%add3A_133] : memref<53248xf32, #tpu.memory_space<vmem_shared>> -> memref<208xf32, #tpu.memory_space<vmem_shared>>
    %dma_start3A_137 = arith.constant 1664 : i32
    %dma_start3A_138 = tpu.memref_slice %arg10[%dma_start3A_137] : memref<3328xf32, #tpu.memory_space<vmem>> -> memref<208xf32, #tpu.memory_space<vmem>>
    %dma_start3A_139 = tpu.memref_slice %arg9[%add3A_133] : memref<53248xf32, #tpu.memory_space<vmem_shared>> -> memref<208xf32, #tpu.memory_space<vmem_shared>>
    tpu.enqueue_dma source(%dma_start3A_139 : memref<208xf32, #tpu.memory_space<vmem_shared>>) target(%dma_start3A_138 : memref<208xf32, #tpu.memory_space<vmem>>) target_semaphore(%arg12 : memref<!tpu.dma_semaphore, #tpu.memory_space<semaphore_mem>>)
    %mul3A_140 = arith.constant 208 : i32
    %mul3A_141 = arith.muli %arg1, %mul3A_140 : i32
    %add3A_142 = arith.constant 29952 : i32
    %add3A_143 = arith.addi %add3A_142, %mul3A_141 : i32
    %dma_start3A_144 = arith.constant 1872 : i32
    %dma_start3A_145 = tpu.memref_slice %arg10[%dma_start3A_144] : memref<3328xf32, #tpu.memory_space<vmem>> -> memref<208xf32, #tpu.memory_space<vmem>>
    %dma_start3A_146 = tpu.memref_slice %arg9[%add3A_143] : memref<53248xf32, #tpu.memory_space<vmem_shared>> -> memref<208xf32, #tpu.memory_space<vmem_shared>>
    %dma_start3A_147 = arith.constant 1872 : i32
    %dma_start3A_148 = tpu.memref_slice %arg10[%dma_start3A_147] : memref<3328xf32, #tpu.memory_space<vmem>> -> memref<208xf32, #tpu.memory_space<vmem>>
    %dma_start3A_149 = tpu.memref_slice %arg9[%add3A_143] : memref<53248xf32, #tpu.memory_space<vmem_shared>> -> memref<208xf32, #tpu.memory_space<vmem_shared>>
    tpu.enqueue_dma source(%dma_start3A_149 : memref<208xf32, #tpu.memory_space<vmem_shared>>) target(%dma_start3A_148 : memref<208xf32, #tpu.memory_space<vmem>>) target_semaphore(%arg12 : memref<!tpu.dma_semaphore, #tpu.memory_space<semaphore_mem>>)
    %mul3A_150 = arith.constant 208 : i32
    %mul3A_151 = arith.muli %arg1, %mul3A_150 : i32
    %add3A_152 = arith.constant 33280 : i32
    %add3A_153 = arith.addi %add3A_152, %mul3A_151 : i32
    %dma_start3A_154 = arith.constant 2080 : i32
    %dma_start3A_155 = tpu.memref_slice %arg10[%dma_start3A_154] : memref<3328xf32, #tpu.memory_space<vmem>> -> memref<208xf32, #tpu.memory_space<vmem>>
    %dma_start3A_156 = tpu.memref_slice %arg9[%add3A_153] : memref<53248xf32, #tpu.memory_space<vmem_shared>> -> memref<208xf32, #tpu.memory_space<vmem_shared>>
    %dma_start3A_157 = arith.constant 2080 : i32
    %dma_start3A_158 = tpu.memref_slice %arg10[%dma_start3A_157] : memref<3328xf32, #tpu.memory_space<vmem>> -> memref<208xf32, #tpu.memory_space<vmem>>
    %dma_start3A_159 = tpu.memref_slice %arg9[%add3A_153] : memref<53248xf32, #tpu.memory_space<vmem_shared>> -> memref<208xf32, #tpu.memory_space<vmem_shared>>
    tpu.enqueue_dma source(%dma_start3A_159 : memref<208xf32, #tpu.memory_space<vmem_shared>>) target(%dma_start3A_158 : memref<208xf32, #tpu.memory_space<vmem>>) target_semaphore(%arg12 : memref<!tpu.dma_semaphore, #tpu.memory_space<semaphore_mem>>)
    %mul3A_160 = arith.constant 208 : i32
    %mul3A_161 = arith.muli %arg1, %mul3A_160 : i32
    %add3A_162 = arith.constant 36608 : i32
    %add3A_163 = arith.addi %add3A_162, %mul3A_161 : i32
    %dma_start3A_164 = arith.constant 2288 : i32
    %dma_start3A_165 = tpu.memref_slice %arg10[%dma_start3A_164] : memref<3328xf32, #tpu.memory_space<vmem>> -> memref<208xf32, #tpu.memory_space<vmem>>
    %dma_start3A_166 = tpu.memref_slice %arg9[%add3A_163] : memref<53248xf32, #tpu.memory_space<vmem_shared>> -> memref<208xf32, #tpu.memory_space<vmem_shared>>
    %dma_start3A_167 = arith.constant 2288 : i32
    %dma_start3A_168 = tpu.memref_slice %arg10[%dma_start3A_167] : memref<3328xf32, #tpu.memory_space<vmem>> -> memref<208xf32, #tpu.memory_space<vmem>>
    %dma_start3A_169 = tpu.memref_slice %arg9[%add3A_163] : memref<53248xf32, #tpu.memory_space<vmem_shared>> -> memref<208xf32, #tpu.memory_space<vmem_shared>>
    tpu.enqueue_dma source(%dma_start3A_169 : memref<208xf32, #tpu.memory_space<vmem_shared>>) target(%dma_start3A_168 : memref<208xf32, #tpu.memory_space<vmem>>) target_semaphore(%arg12 : memref<!tpu.dma_semaphore, #tpu.memory_space<semaphore_mem>>)
    %mul3A_170 = arith.constant 208 : i32
    %mul3A_171 = arith.muli %arg1, %mul3A_170 : i32
    %add3A_172 = arith.constant 39936 : i32
    %add3A_173 = arith.addi %add3A_172, %mul3A_171 : i32
    %dma_start3A_174 = arith.constant 2496 : i32
    %dma_start3A_175 = tpu.memref_slice %arg10[%dma_start3A_174] : memref<3328xf32, #tpu.memory_space<vmem>> -> memref<208xf32, #tpu.memory_space<vmem>>
    %dma_start3A_176 = tpu.memref_slice %arg9[%add3A_173] : memref<53248xf32, #tpu.memory_space<vmem_shared>> -> memref<208xf32, #tpu.memory_space<vmem_shared>>
    %dma_start3A_177 = arith.constant 2496 : i32
    %dma_start3A_178 = tpu.memref_slice %arg10[%dma_start3A_177] : memref<3328xf32, #tpu.memory_space<vmem>> -> memref<208xf32, #tpu.memory_space<vmem>>
    %dma_start3A_179 = tpu.memref_slice %arg9[%add3A_173] : memref<53248xf32, #tpu.memory_space<vmem_shared>> -> memref<208xf32, #tpu.memory_space<vmem_shared>>
    tpu.enqueue_dma source(%dma_start3A_179 : memref<208xf32, #tpu.memory_space<vmem_shared>>) target(%dma_start3A_178 : memref<208xf32, #tpu.memory_space<vmem>>) target_semaphore(%arg12 : memref<!tpu.dma_semaphore, #tpu.memory_space<semaphore_mem>>)
    %mul3A_180 = arith.constant 208 : i32
    %mul3A_181 = arith.muli %arg1, %mul3A_180 : i32
    %add3A_182 = arith.constant 43264 : i32
    %add3A_183 = arith.addi %add3A_182, %mul3A_181 : i32
    %dma_start3A_184 = arith.constant 2704 : i32
    %dma_start3A_185 = tpu.memref_slice %arg10[%dma_start3A_184] : memref<3328xf32, #tpu.memory_space<vmem>> -> memref<208xf32, #tpu.memory_space<vmem>>
    %dma_start3A_186 = tpu.memref_slice %arg9[%add3A_183] : memref<53248xf32, #tpu.memory_space<vmem_shared>> -> memref<208xf32, #tpu.memory_space<vmem_shared>>
    %dma_start3A_187 = arith.constant 2704 : i32
    %dma_start3A_188 = tpu.memref_slice %arg10[%dma_start3A_187] : memref<3328xf32, #tpu.memory_space<vmem>> -> memref<208xf32, #tpu.memory_space<vmem>>
    %dma_start3A_189 = tpu.memref_slice %arg9[%add3A_183] : memref<53248xf32, #tpu.memory_space<vmem_shared>> -> memref<208xf32, #tpu.memory_space<vmem_shared>>
    tpu.enqueue_dma source(%dma_start3A_189 : memref<208xf32, #tpu.memory_space<vmem_shared>>) target(%dma_start3A_188 : memref<208xf32, #tpu.memory_space<vmem>>) target_semaphore(%arg12 : memref<!tpu.dma_semaphore, #tpu.memory_space<semaphore_mem>>)
    %mul3A_190 = arith.constant 208 : i32
    %mul3A_191 = arith.muli %arg1, %mul3A_190 : i32
    %add3A_192 = arith.constant 46592 : i32
    %add3A_193 = arith.addi %add3A_192, %mul3A_191 : i32
    %dma_start3A_194 = arith.constant 2912 : i32
    %dma_start3A_195 = tpu.memref_slice %arg10[%dma_start3A_194] : memref<3328xf32, #tpu.memory_space<vmem>> -> memref<208xf32, #tpu.memory_space<vmem>>
    %dma_start3A_196 = tpu.memref_slice %arg9[%add3A_193] : memref<53248xf32, #tpu.memory_space<vmem_shared>> -> memref<208xf32, #tpu.memory_space<vmem_shared>>
    %dma_start3A_197 = arith.constant 2912 : i32
    %dma_start3A_198 = tpu.memref_slice %arg10[%dma_start3A_197] : memref<3328xf32, #tpu.memory_space<vmem>> -> memref<208xf32, #tpu.memory_space<vmem>>
    %dma_start3A_199 = tpu.memref_slice %arg9[%add3A_193] : memref<53248xf32, #tpu.memory_space<vmem_shared>> -> memref<208xf32, #tpu.memory_space<vmem_shared>>
    tpu.enqueue_dma source(%dma_start3A_199 : memref<208xf32, #tpu.memory_space<vmem_shared>>) target(%dma_start3A_198 : memref<208xf32, #tpu.memory_space<vmem>>) target_semaphore(%arg12 : memref<!tpu.dma_semaphore, #tpu.memory_space<semaphore_mem>>)
    %mul3A_200 = arith.constant 208 : i32
    %mul3A_201 = arith.muli %arg1, %mul3A_200 : i32
    %add3A_202 = arith.constant 49920 : i32
    %add3A_203 = arith.addi %add3A_202, %mul3A_201 : i32
    %dma_start3A_204 = arith.constant 3120 : i32
    %dma_start3A_205 = tpu.memref_slice %arg10[%dma_start3A_204] : memref<3328xf32, #tpu.memory_space<vmem>> -> memref<208xf32, #tpu.memory_space<vmem>>
    %dma_start3A_206 = tpu.memref_slice %arg9[%add3A_203] : memref<53248xf32, #tpu.memory_space<vmem_shared>> -> memref<208xf32, #tpu.memory_space<vmem_shared>>
    %dma_start3A_207 = arith.constant 3120 : i32
    %dma_start3A_208 = tpu.memref_slice %arg10[%dma_start3A_207] : memref<3328xf32, #tpu.memory_space<vmem>> -> memref<208xf32, #tpu.memory_space<vmem>>
    %dma_start3A_209 = tpu.memref_slice %arg9[%add3A_203] : memref<53248xf32, #tpu.memory_space<vmem_shared>> -> memref<208xf32, #tpu.memory_space<vmem_shared>>
    tpu.enqueue_dma source(%dma_start3A_209 : memref<208xf32, #tpu.memory_space<vmem_shared>>) target(%dma_start3A_208 : memref<208xf32, #tpu.memory_space<vmem>>) target_semaphore(%arg12 : memref<!tpu.dma_semaphore, #tpu.memory_space<semaphore_mem>>)
    %dma_wait3A_210 = arith.constant 0 : i32
    %dma_wait3A_211 = tpu.memref_slice %arg10[%dma_wait3A_210] : memref<3328xf32, #tpu.memory_space<vmem>> -> memref<208xf32, #tpu.memory_space<vmem>>
    %dma_wait3A_212 = tpu.memref_slice %arg9[%add3A_53] : memref<53248xf32, #tpu.memory_space<vmem_shared>> -> memref<208xf32, #tpu.memory_space<vmem_shared>>
    %dma_wait3A_213 = arith.constant 0 : i32
    %dma_wait3A_214 = tpu.memref_slice %arg10[%dma_wait3A_213] : memref<3328xf32, #tpu.memory_space<vmem>> -> memref<208xf32, #tpu.memory_space<vmem>>
    %dma_wait3A_215 = tpu.memref_slice %arg9[%add3A_53] : memref<53248xf32, #tpu.memory_space<vmem_shared>> -> memref<208xf32, #tpu.memory_space<vmem_shared>>
    tpu.wait_dma2 semaphore(%arg12 : memref<!tpu.dma_semaphore, #tpu.memory_space<semaphore_mem>>) src(%dma_wait3A_215 : memref<208xf32, #tpu.memory_space<vmem_shared>>) dst(%dma_wait3A_214 : memref<208xf32, #tpu.memory_space<vmem>>)
    %dma_wait3A_216 = arith.constant 208 : i32
    %dma_wait3A_217 = tpu.memref_slice %arg10[%dma_wait3A_216] : memref<3328xf32, #tpu.memory_space<vmem>> -> memref<208xf32, #tpu.memory_space<vmem>>
    %dma_wait3A_218 = tpu.memref_slice %arg9[%add3A_63] : memref<53248xf32, #tpu.memory_space<vmem_shared>> -> memref<208xf32, #tpu.memory_space<vmem_shared>>
    %dma_wait3A_219 = arith.constant 208 : i32
    %dma_wait3A_220 = tpu.memref_slice %arg10[%dma_wait3A_219] : memref<3328xf32, #tpu.memory_space<vmem>> -> memref<208xf32, #tpu.memory_space<vmem>>
    %dma_wait3A_221 = tpu.memref_slice %arg9[%add3A_63] : memref<53248xf32, #tpu.memory_space<vmem_shared>> -> memref<208xf32, #tpu.memory_space<vmem_shared>>
    tpu.wait_dma2 semaphore(%arg12 : memref<!tpu.dma_semaphore, #tpu.memory_space<semaphore_mem>>) src(%dma_wait3A_221 : memref<208xf32, #tpu.memory_space<vmem_shared>>) dst(%dma_wait3A_220 : memref<208xf32, #tpu.memory_space<vmem>>)
    %dma_wait3A_222 = arith.constant 416 : i32
    %dma_wait3A_223 = tpu.memref_slice %arg10[%dma_wait3A_222] : memref<3328xf32, #tpu.memory_space<vmem>> -> memref<208xf32, #tpu.memory_space<vmem>>
    %dma_wait3A_224 = tpu.memref_slice %arg9[%add3A_73] : memref<53248xf32, #tpu.memory_space<vmem_shared>> -> memref<208xf32, #tpu.memory_space<vmem_shared>>
    %dma_wait3A_225 = arith.constant 416 : i32
    %dma_wait3A_226 = tpu.memref_slice %arg10[%dma_wait3A_225] : memref<3328xf32, #tpu.memory_space<vmem>> -> memref<208xf32, #tpu.memory_space<vmem>>
    %dma_wait3A_227 = tpu.memref_slice %arg9[%add3A_73] : memref<53248xf32, #tpu.memory_space<vmem_shared>> -> memref<208xf32, #tpu.memory_space<vmem_shared>>
    tpu.wait_dma2 semaphore(%arg12 : memref<!tpu.dma_semaphore, #tpu.memory_space<semaphore_mem>>) src(%dma_wait3A_227 : memref<208xf32, #tpu.memory_space<vmem_shared>>) dst(%dma_wait3A_226 : memref<208xf32, #tpu.memory_space<vmem>>)
    %dma_wait3A_228 = arith.constant 624 : i32
    %dma_wait3A_229 = tpu.memref_slice %arg10[%dma_wait3A_228] : memref<3328xf32, #tpu.memory_space<vmem>> -> memref<208xf32, #tpu.memory_space<vmem>>
    %dma_wait3A_230 = tpu.memref_slice %arg9[%add3A_83] : memref<53248xf32, #tpu.memory_space<vmem_shared>> -> memref<208xf32, #tpu.memory_space<vmem_shared>>
    %dma_wait3A_231 = arith.constant 624 : i32
    %dma_wait3A_232 = tpu.memref_slice %arg10[%dma_wait3A_231] : memref<3328xf32, #tpu.memory_space<vmem>> -> memref<208xf32, #tpu.memory_space<vmem>>
    %dma_wait3A_233 = tpu.memref_slice %arg9[%add3A_83] : memref<53248xf32, #tpu.memory_space<vmem_shared>> -> memref<208xf32, #tpu.memory_space<vmem_shared>>
    tpu.wait_dma2 semaphore(%arg12 : memref<!tpu.dma_semaphore, #tpu.memory_space<semaphore_mem>>) src(%dma_wait3A_233 : memref<208xf32, #tpu.memory_space<vmem_shared>>) dst(%dma_wait3A_232 : memref<208xf32, #tpu.memory_space<vmem>>)
    %dma_wait3A_234 = arith.constant 832 : i32
    %dma_wait3A_235 = tpu.memref_slice %arg10[%dma_wait3A_234] : memref<3328xf32, #tpu.memory_space<vmem>> -> memref<208xf32, #tpu.memory_space<vmem>>
    %dma_wait3A_236 = tpu.memref_slice %arg9[%add3A_93] : memref<53248xf32, #tpu.memory_space<vmem_shared>> -> memref<208xf32, #tpu.memory_space<vmem_shared>>
    %dma_wait3A_237 = arith.constant 832 : i32
    %dma_wait3A_238 = tpu.memref_slice %arg10[%dma_wait3A_237] : memref<3328xf32, #tpu.memory_space<vmem>> -> memref<208xf32, #tpu.memory_space<vmem>>
    %dma_wait3A_239 = tpu.memref_slice %arg9[%add3A_93] : memref<53248xf32, #tpu.memory_space<vmem_shared>> -> memref<208xf32, #tpu.memory_space<vmem_shared>>
    tpu.wait_dma2 semaphore(%arg12 : memref<!tpu.dma_semaphore, #tpu.memory_space<semaphore_mem>>) src(%dma_wait3A_239 : memref<208xf32, #tpu.memory_space<vmem_shared>>) dst(%dma_wait3A_238 : memref<208xf32, #tpu.memory_space<vmem>>)
    %dma_wait3A_240 = arith.constant 1040 : i32
    %dma_wait3A_241 = tpu.memref_slice %arg10[%dma_wait3A_240] : memref<3328xf32, #tpu.memory_space<vmem>> -> memref<208xf32, #tpu.memory_space<vmem>>
    %dma_wait3A_242 = tpu.memref_slice %arg9[%add3A_103] : memref<53248xf32, #tpu.memory_space<vmem_shared>> -> memref<208xf32, #tpu.memory_space<vmem_shared>>
    %dma_wait3A_243 = arith.constant 1040 : i32
    %dma_wait3A_244 = tpu.memref_slice %arg10[%dma_wait3A_243] : memref<3328xf32, #tpu.memory_space<vmem>> -> memref<208xf32, #tpu.memory_space<vmem>>
    %dma_wait3A_245 = tpu.memref_slice %arg9[%add3A_103] : memref<53248xf32, #tpu.memory_space<vmem_shared>> -> memref<208xf32, #tpu.memory_space<vmem_shared>>
    tpu.wait_dma2 semaphore(%arg12 : memref<!tpu.dma_semaphore, #tpu.memory_space<semaphore_mem>>) src(%dma_wait3A_245 : memref<208xf32, #tpu.memory_space<vmem_shared>>) dst(%dma_wait3A_244 : memref<208xf32, #tpu.memory_space<vmem>>)
    %dma_wait3A_246 = arith.constant 1248 : i32
    %dma_wait3A_247 = tpu.memref_slice %arg10[%dma_wait3A_246] : memref<3328xf32, #tpu.memory_space<vmem>> -> memref<208xf32, #tpu.memory_space<vmem>>
    %dma_wait3A_248 = tpu.memref_slice %arg9[%add3A_113] : memref<53248xf32, #tpu.memory_space<vmem_shared>> -> memref<208xf32, #tpu.memory_space<vmem_shared>>
    %dma_wait3A_249 = arith.constant 1248 : i32
    %dma_wait3A_250 = tpu.memref_slice %arg10[%dma_wait3A_249] : memref<3328xf32, #tpu.memory_space<vmem>> -> memref<208xf32, #tpu.memory_space<vmem>>
    %dma_wait3A_251 = tpu.memref_slice %arg9[%add3A_113] : memref<53248xf32, #tpu.memory_space<vmem_shared>> -> memref<208xf32, #tpu.memory_space<vmem_shared>>
    tpu.wait_dma2 semaphore(%arg12 : memref<!tpu.dma_semaphore, #tpu.memory_space<semaphore_mem>>) src(%dma_wait3A_251 : memref<208xf32, #tpu.memory_space<vmem_shared>>) dst(%dma_wait3A_250 : memref<208xf32, #tpu.memory_space<vmem>>)
    %dma_wait3A_252 = arith.constant 1456 : i32
    %dma_wait3A_253 = tpu.memref_slice %arg10[%dma_wait3A_252] : memref<3328xf32, #tpu.memory_space<vmem>> -> memref<208xf32, #tpu.memory_space<vmem>>
    %dma_wait3A_254 = tpu.memref_slice %arg9[%add3A_123] : memref<53248xf32, #tpu.memory_space<vmem_shared>> -> memref<208xf32, #tpu.memory_space<vmem_shared>>
    %dma_wait3A_255 = arith.constant 1456 : i32
    %dma_wait3A_256 = tpu.memref_slice %arg10[%dma_wait3A_255] : memref<3328xf32, #tpu.memory_space<vmem>> -> memref<208xf32, #tpu.memory_space<vmem>>
    %dma_wait3A_257 = tpu.memref_slice %arg9[%add3A_123] : memref<53248xf32, #tpu.memory_space<vmem_shared>> -> memref<208xf32, #tpu.memory_space<vmem_shared>>
    tpu.wait_dma2 semaphore(%arg12 : memref<!tpu.dma_semaphore, #tpu.memory_space<semaphore_mem>>) src(%dma_wait3A_257 : memref<208xf32, #tpu.memory_space<vmem_shared>>) dst(%dma_wait3A_256 : memref<208xf32, #tpu.memory_space<vmem>>)
    %dma_wait3A_258 = arith.constant 1664 : i32
    %dma_wait3A_259 = tpu.memref_slice %arg10[%dma_wait3A_258] : memref<3328xf32, #tpu.memory_space<vmem>> -> memref<208xf32, #tpu.memory_space<vmem>>
    %dma_wait3A_260 = tpu.memref_slice %arg9[%add3A_133] : memref<53248xf32, #tpu.memory_space<vmem_shared>> -> memref<208xf32, #tpu.memory_space<vmem_shared>>
    %dma_wait3A_261 = arith.constant 1664 : i32
    %dma_wait3A_262 = tpu.memref_slice %arg10[%dma_wait3A_261] : memref<3328xf32, #tpu.memory_space<vmem>> -> memref<208xf32, #tpu.memory_space<vmem>>
    %dma_wait3A_263 = tpu.memref_slice %arg9[%add3A_133] : memref<53248xf32, #tpu.memory_space<vmem_shared>> -> memref<208xf32, #tpu.memory_space<vmem_shared>>
    tpu.wait_dma2 semaphore(%arg12 : memref<!tpu.dma_semaphore, #tpu.memory_space<semaphore_mem>>) src(%dma_wait3A_263 : memref<208xf32, #tpu.memory_space<vmem_shared>>) dst(%dma_wait3A_262 : memref<208xf32, #tpu.memory_space<vmem>>)
    %dma_wait3A_264 = arith.constant 1872 : i32
    %dma_wait3A_265 = tpu.memref_slice %arg10[%dma_wait3A_264] : memref<3328xf32, #tpu.memory_space<vmem>> -> memref<208xf32, #tpu.memory_space<vmem>>
    %dma_wait3A_266 = tpu.memref_slice %arg9[%add3A_143] : memref<53248xf32, #tpu.memory_space<vmem_shared>> -> memref<208xf32, #tpu.memory_space<vmem_shared>>
    %dma_wait3A_267 = arith.constant 1872 : i32
    %dma_wait3A_268 = tpu.memref_slice %arg10[%dma_wait3A_267] : memref<3328xf32, #tpu.memory_space<vmem>> -> memref<208xf32, #tpu.memory_space<vmem>>
    %dma_wait3A_269 = tpu.memref_slice %arg9[%add3A_143] : memref<53248xf32, #tpu.memory_space<vmem_shared>> -> memref<208xf32, #tpu.memory_space<vmem_shared>>
    tpu.wait_dma2 semaphore(%arg12 : memref<!tpu.dma_semaphore, #tpu.memory_space<semaphore_mem>>) src(%dma_wait3A_269 : memref<208xf32, #tpu.memory_space<vmem_shared>>) dst(%dma_wait3A_268 : memref<208xf32, #tpu.memory_space<vmem>>)
    %dma_wait3A_270 = arith.constant 2080 : i32
    %dma_wait3A_271 = tpu.memref_slice %arg10[%dma_wait3A_270] : memref<3328xf32, #tpu.memory_space<vmem>> -> memref<208xf32, #tpu.memory_space<vmem>>
    %dma_wait3A_272 = tpu.memref_slice %arg9[%add3A_153] : memref<53248xf32, #tpu.memory_space<vmem_shared>> -> memref<208xf32, #tpu.memory_space<vmem_shared>>
    %dma_wait3A_273 = arith.constant 2080 : i32
    %dma_wait3A_274 = tpu.memref_slice %arg10[%dma_wait3A_273] : memref<3328xf32, #tpu.memory_space<vmem>> -> memref<208xf32, #tpu.memory_space<vmem>>
    %dma_wait3A_275 = tpu.memref_slice %arg9[%add3A_153] : memref<53248xf32, #tpu.memory_space<vmem_shared>> -> memref<208xf32, #tpu.memory_space<vmem_shared>>
    tpu.wait_dma2 semaphore(%arg12 : memref<!tpu.dma_semaphore, #tpu.memory_space<semaphore_mem>>) src(%dma_wait3A_275 : memref<208xf32, #tpu.memory_space<vmem_shared>>) dst(%dma_wait3A_274 : memref<208xf32, #tpu.memory_space<vmem>>)
    %dma_wait3A_276 = arith.constant 2288 : i32
    %dma_wait3A_277 = tpu.memref_slice %arg10[%dma_wait3A_276] : memref<3328xf32, #tpu.memory_space<vmem>> -> memref<208xf32, #tpu.memory_space<vmem>>
    %dma_wait3A_278 = tpu.memref_slice %arg9[%add3A_163] : memref<53248xf32, #tpu.memory_space<vmem_shared>> -> memref<208xf32, #tpu.memory_space<vmem_shared>>
    %dma_wait3A_279 = arith.constant 2288 : i32
    %dma_wait3A_280 = tpu.memref_slice %arg10[%dma_wait3A_279] : memref<3328xf32, #tpu.memory_space<vmem>> -> memref<208xf32, #tpu.memory_space<vmem>>
    %dma_wait3A_281 = tpu.memref_slice %arg9[%add3A_163] : memref<53248xf32, #tpu.memory_space<vmem_shared>> -> memref<208xf32, #tpu.memory_space<vmem_shared>>
    tpu.wait_dma2 semaphore(%arg12 : memref<!tpu.dma_semaphore, #tpu.memory_space<semaphore_mem>>) src(%dma_wait3A_281 : memref<208xf32, #tpu.memory_space<vmem_shared>>) dst(%dma_wait3A_280 : memref<208xf32, #tpu.memory_space<vmem>>)
    %dma_wait3A_282 = arith.constant 2496 : i32
    %dma_wait3A_283 = tpu.memref_slice %arg10[%dma_wait3A_282] : memref<3328xf32, #tpu.memory_space<vmem>> -> memref<208xf32, #tpu.memory_space<vmem>>
    %dma_wait3A_284 = tpu.memref_slice %arg9[%add3A_173] : memref<53248xf32, #tpu.memory_space<vmem_shared>> -> memref<208xf32, #tpu.memory_space<vmem_shared>>
    %dma_wait3A_285 = arith.constant 2496 : i32
    %dma_wait3A_286 = tpu.memref_slice %arg10[%dma_wait3A_285] : memref<3328xf32, #tpu.memory_space<vmem>> -> memref<208xf32, #tpu.memory_space<vmem>>
    %dma_wait3A_287 = tpu.memref_slice %arg9[%add3A_173] : memref<53248xf32, #tpu.memory_space<vmem_shared>> -> memref<208xf32, #tpu.memory_space<vmem_shared>>
    tpu.wait_dma2 semaphore(%arg12 : memref<!tpu.dma_semaphore, #tpu.memory_space<semaphore_mem>>) src(%dma_wait3A_287 : memref<208xf32, #tpu.memory_space<vmem_shared>>) dst(%dma_wait3A_286 : memref<208xf32, #tpu.memory_space<vmem>>)
    %dma_wait3A_288 = arith.constant 2704 : i32
    %dma_wait3A_289 = tpu.memref_slice %arg10[%dma_wait3A_288] : memref<3328xf32, #tpu.memory_space<vmem>> -> memref<208xf32, #tpu.memory_space<vmem>>
    %dma_wait3A_290 = tpu.memref_slice %arg9[%add3A_183] : memref<53248xf32, #tpu.memory_space<vmem_shared>> -> memref<208xf32, #tpu.memory_space<vmem_shared>>
    %dma_wait3A_291 = arith.constant 2704 : i32
    %dma_wait3A_292 = tpu.memref_slice %arg10[%dma_wait3A_291] : memref<3328xf32, #tpu.memory_space<vmem>> -> memref<208xf32, #tpu.memory_space<vmem>>
    %dma_wait3A_293 = tpu.memref_slice %arg9[%add3A_183] : memref<53248xf32, #tpu.memory_space<vmem_shared>> -> memref<208xf32, #tpu.memory_space<vmem_shared>>
    tpu.wait_dma2 semaphore(%arg12 : memref<!tpu.dma_semaphore, #tpu.memory_space<semaphore_mem>>) src(%dma_wait3A_293 : memref<208xf32, #tpu.memory_space<vmem_shared>>) dst(%dma_wait3A_292 : memref<208xf32, #tpu.memory_space<vmem>>)
    %dma_wait3A_294 = arith.constant 2912 : i32
    %dma_wait3A_295 = tpu.memref_slice %arg10[%dma_wait3A_294] : memref<3328xf32, #tpu.memory_space<vmem>> -> memref<208xf32, #tpu.memory_space<vmem>>
    %dma_wait3A_296 = tpu.memref_slice %arg9[%add3A_193] : memref<53248xf32, #tpu.memory_space<vmem_shared>> -> memref<208xf32, #tpu.memory_space<vmem_shared>>
    %dma_wait3A_297 = arith.constant 2912 : i32
    %dma_wait3A_298 = tpu.memref_slice %arg10[%dma_wait3A_297] : memref<3328xf32, #tpu.memory_space<vmem>> -> memref<208xf32, #tpu.memory_space<vmem>>
    %dma_wait3A_299 = tpu.memref_slice %arg9[%add3A_193] : memref<53248xf32, #tpu.memory_space<vmem_shared>> -> memref<208xf32, #tpu.memory_space<vmem_shared>>
    tpu.wait_dma2 semaphore(%arg12 : memref<!tpu.dma_semaphore, #tpu.memory_space<semaphore_mem>>) src(%dma_wait3A_299 : memref<208xf32, #tpu.memory_space<vmem_shared>>) dst(%dma_wait3A_298 : memref<208xf32, #tpu.memory_space<vmem>>)
    %dma_wait3A_300 = arith.constant 3120 : i32
    %dma_wait3A_301 = tpu.memref_slice %arg10[%dma_wait3A_300] : memref<3328xf32, #tpu.memory_space<vmem>> -> memref<208xf32, #tpu.memory_space<vmem>>
    %dma_wait3A_302 = tpu.memref_slice %arg9[%add3A_203] : memref<53248xf32, #tpu.memory_space<vmem_shared>> -> memref<208xf32, #tpu.memory_space<vmem_shared>>
    %dma_wait3A_303 = arith.constant 3120 : i32
    %dma_wait3A_304 = tpu.memref_slice %arg10[%dma_wait3A_303] : memref<3328xf32, #tpu.memory_space<vmem>> -> memref<208xf32, #tpu.memory_space<vmem>>
    %dma_wait3A_305 = tpu.memref_slice %arg9[%add3A_203] : memref<53248xf32, #tpu.memory_space<vmem_shared>> -> memref<208xf32, #tpu.memory_space<vmem_shared>>
    tpu.wait_dma2 semaphore(%arg12 : memref<!tpu.dma_semaphore, #tpu.memory_space<semaphore_mem>>) src(%dma_wait3A_305 : memref<208xf32, #tpu.memory_space<vmem_shared>>) dst(%dma_wait3A_304 : memref<208xf32, #tpu.memory_space<vmem>>)
    %parallel_loop3A_306 = arith.constant 0 : i32
    %parallel_loop3A_307 = arith.constant 13 : i32
    %parallel_loop3A_308 = arith.constant 1 : i32
    scf.for %parallel_loop3A_314 = %parallel_loop3A_306 to %parallel_loop3A_307 step %parallel_loop3A_308  : i32 {
      %parallel_loop3A_315 = arith.constant 16 : i32
      %parallel_loop3A_316 = arith.muli %parallel_loop3A_314, %parallel_loop3A_315 : i32
      %parallel_loop3A_317 = arith.index_cast %parallel_loop3A_316 : i32 to index
      %parallel_loop3A_318 = tpu.vector_load %arg10[%parallel_loop3A_317] {strides = array<i32>} : memref<3328xf32, #tpu.memory_space<vmem>>, vector<16xf32>,
      %parallel_loop3A_319 = arith.constant 208 : i32
      %parallel_loop3A_320 = arith.addi %parallel_loop3A_319, %parallel_loop3A_316 : i32
      %parallel_loop3A_321 = arith.index_cast %parallel_loop3A_320 : i32 to index
      %parallel_loop3A_322 = tpu.vector_load %arg10[%parallel_loop3A_321] {strides = array<i32>} : memref<3328xf32, #tpu.memory_space<vmem>>, vector<16xf32>,
      %parallel_loop3A_323 = arith.addf %parallel_loop3A_318, %parallel_loop3A_322 : vector<16xf32>
      %parallel_loop3A_324 = arith.constant 416 : i32
      %parallel_loop3A_325 = arith.addi %parallel_loop3A_324, %parallel_loop3A_316 : i32
      %parallel_loop3A_326 = arith.index_cast %parallel_loop3A_325 : i32 to index
      %parallel_loop3A_327 = tpu.vector_load %arg10[%parallel_loop3A_326] {strides = array<i32>} : memref<3328xf32, #tpu.memory_space<vmem>>, vector<16xf32>,
      %parallel_loop3A_328 = arith.addf %parallel_loop3A_323, %parallel_loop3A_327 : vector<16xf32>
      %parallel_loop3A_329 = arith.constant 624 : i32
      %parallel_loop3A_330 = arith.addi %parallel_loop3A_329, %parallel_loop3A_316 : i32
      %parallel_loop3A_331 = arith.index_cast %parallel_loop3A_330 : i32 to index
      %parallel_loop3A_332 = tpu.vector_load %arg10[%parallel_loop3A_331] {strides = array<i32>} : memref<3328xf32, #tpu.memory_space<vmem>>, vector<16xf32>,
      %parallel_loop3A_333 = arith.addf %parallel_loop3A_328, %parallel_loop3A_332 : vector<16xf32>
      %parallel_loop3A_334 = arith.constant 832 : i32
      %parallel_loop3A_335 = arith.addi %parallel_loop3A_334, %parallel_loop3A_316 : i32
      %parallel_loop3A_336 = arith.index_cast %parallel_loop3A_335 : i32 to index
      %parallel_loop3A_337 = tpu.vector_load %arg10[%parallel_loop3A_336] {strides = array<i32>} : memref<3328xf32, #tpu.memory_space<vmem>>, vector<16xf32>,
      %parallel_loop3A_338 = arith.addf %parallel_loop3A_333, %parallel_loop3A_337 : vector<16xf32>
      %parallel_loop3A_339 = arith.constant 1040 : i32
      %parallel_loop3A_340 = arith.addi %parallel_loop3A_339, %parallel_loop3A_316 : i32
      %parallel_loop3A_341 = arith.index_cast %parallel_loop3A_340 : i32 to index
      %parallel_loop3A_342 = tpu.vector_load %arg10[%parallel_loop3A_341] {strides = array<i32>} : memref<3328xf32, #tpu.memory_space<vmem>>, vector<16xf32>,
      %parallel_loop3A_343 = arith.addf %parallel_loop3A_338, %parallel_loop3A_342 : vector<16xf32>
      %parallel_loop3A_344 = arith.constant 1248 : i32
      %parallel_loop3A_345 = arith.addi %parallel_loop3A_344, %parallel_loop3A_316 : i32
      %parallel_loop3A_346 = arith.index_cast %parallel_loop3A_345 : i32 to index
      %parallel_loop3A_347 = tpu.vector_load %arg10[%parallel_loop3A_346] {strides = array<i32>} : memref<3328xf32, #tpu.memory_space<vmem>>, vector<16xf32>,
      %parallel_loop3A_348 = arith.addf %parallel_loop3A_343, %parallel_loop3A_347 : vector<16xf32>
      %parallel_loop3A_349 = arith.constant 1456 : i32
      %parallel_loop3A_350 = arith.addi %parallel_loop3A_349, %parallel_loop3A_316 : i32
      %parallel_loop3A_351 = arith.index_cast %parallel_loop3A_350 : i32 to index
      %parallel_loop3A_352 = tpu.vector_load %arg10[%parallel_loop3A_351] {strides = array<i32>} : memref<3328xf32, #tpu.memory_space<vmem>>, vector<16xf32>,
      %parallel_loop3A_353 = arith.addf %parallel_loop3A_348, %parallel_loop3A_352 : vector<16xf32>
      %parallel_loop3A_354 = arith.constant 1664 : i32
      %parallel_loop3A_355 = arith.addi %parallel_loop3A_354, %parallel_loop3A_316 : i32
      %parallel_loop3A_356 = arith.index_cast %parallel_loop3A_355 : i32 to index
      %parallel_loop3A_357 = tpu.vector_load %arg10[%parallel_loop3A_356] {strides = array<i32>} : memref<3328xf32, #tpu.memory_space<vmem>>, vector<16xf32>,
      %parallel_loop3A_358 = arith.addf %parallel_loop3A_353, %parallel_loop3A_357 : vector<16xf32>
      %parallel_loop3A_359 = arith.constant 1872 : i32
      %parallel_loop3A_360 = arith.addi %parallel_loop3A_359, %parallel_loop3A_316 : i32
      %parallel_loop3A_361 = arith.index_cast %parallel_loop3A_360 : i32 to index
      %parallel_loop3A_362 = tpu.vector_load %arg10[%parallel_loop3A_361] {strides = array<i32>} : memref<3328xf32, #tpu.memory_space<vmem>>, vector<16xf32>,
      %parallel_loop3A_363 = arith.addf %parallel_loop3A_358, %parallel_loop3A_362 : vector<16xf32>
      %parallel_loop3A_364 = arith.constant 2080 : i32
      %parallel_loop3A_365 = arith.addi %parallel_loop3A_364, %parallel_loop3A_316 : i32
      %parallel_loop3A_366 = arith.index_cast %parallel_loop3A_365 : i32 to index
      %parallel_loop3A_367 = tpu.vector_load %arg10[%parallel_loop3A_366] {strides = array<i32>} : memref<3328xf32, #tpu.memory_space<vmem>>, vector<16xf32>,
      %parallel_loop3A_368 = arith.addf %parallel_loop3A_363, %parallel_loop3A_367 : vector<16xf32>
      %parallel_loop3A_369 = arith.constant 2288 : i32
      %parallel_loop3A_370 = arith.addi %parallel_loop3A_369, %parallel_loop3A_316 : i32
      %parallel_loop3A_371 = arith.index_cast %parallel_loop3A_370 : i32 to index
      %parallel_loop3A_372 = tpu.vector_load %arg10[%parallel_loop3A_371] {strides = array<i32>} : memref<3328xf32, #tpu.memory_space<vmem>>, vector<16xf32>,
      %parallel_loop3A_373 = arith.addf %parallel_loop3A_368, %parallel_loop3A_372 : vector<16xf32>
      %parallel_loop3A_374 = arith.constant 2496 : i32
      %parallel_loop3A_375 = arith.addi %parallel_loop3A_374, %parallel_loop3A_316 : i32
      %parallel_loop3A_376 = arith.index_cast %parallel_loop3A_375 : i32 to index
      %parallel_loop3A_377 = tpu.vector_load %arg10[%parallel_loop3A_376] {strides = array<i32>} : memref<3328xf32, #tpu.memory_space<vmem>>, vector<16xf32>,
      %parallel_loop3A_378 = arith.addf %parallel_loop3A_373, %parallel_loop3A_377 : vector<16xf32>
      %parallel_loop3A_379 = arith.constant 2704 : i32
      %parallel_loop3A_380 = arith.addi %parallel_loop3A_379, %parallel_loop3A_316 : i32
      %parallel_loop3A_381 = arith.index_cast %parallel_loop3A_380 : i32 to index
      %parallel_loop3A_382 = tpu.vector_load %arg10[%parallel_loop3A_381] {strides = array<i32>} : memref<3328xf32, #tpu.memory_space<vmem>>, vector<16xf32>,
      %parallel_loop3A_383 = arith.addf %parallel_loop3A_378, %parallel_loop3A_382 : vector<16xf32>
      %parallel_loop3A_384 = arith.constant 2912 : i32
      %parallel_loop3A_385 = arith.addi %parallel_loop3A_384, %parallel_loop3A_316 : i32
      %parallel_loop3A_386 = arith.index_cast %parallel_loop3A_385 : i32 to index
      %parallel_loop3A_387 = tpu.vector_load %arg10[%parallel_loop3A_386] {strides = array<i32>} : memref<3328xf32, #tpu.memory_space<vmem>>, vector<16xf32>,
      %parallel_loop3A_388 = arith.addf %parallel_loop3A_383, %parallel_loop3A_387 : vector<16xf32>
      %parallel_loop3A_389 = arith.constant 3120 : i32
      %parallel_loop3A_390 = arith.addi %parallel_loop3A_389, %parallel_loop3A_316 : i32
      %parallel_loop3A_391 = arith.index_cast %parallel_loop3A_390 : i32 to index
      %parallel_loop3A_392 = tpu.vector_load %arg10[%parallel_loop3A_391] {strides = array<i32>} : memref<3328xf32, #tpu.memory_space<vmem>>, vector<16xf32>,
      %parallel_loop3A_393 = arith.addf %parallel_loop3A_388, %parallel_loop3A_392 : vector<16xf32>
      %parallel_loop3A_394 = arith.index_cast %parallel_loop3A_316 : i32 to index
      %parallel_loop3A_395 = tpu.vector_load %arg11[%parallel_loop3A_394] {strides = array<i32>} : memref<208xf32, #tpu.memory_space<vmem>>, vector<16xf32>,
      tpu.vector_store %arg11[%parallel_loop3A_394], %parallel_loop3A_393 {strides = array<i32>} : memref<208xf32, #tpu.memory_space<vmem>>, vector<16xf32>,
    } {sc.loop_unroll_factor = 2 : i64, sc.parallel_access}
    %mul3A_309 = arith.constant 3328 : i32
    %mul3A_310 = arith.muli %arg0, %mul3A_309 : i32
    %mul3A_311 = arith.constant 208 : i32
    %mul3A_312 = arith.muli %arg1, %mul3A_311 : i32
    %add3A_313 = arith.addi %mul3A_310, %mul3A_312 : i32
    "tpu.region"() ({
      %run_scoped3A = tpu.sem_alloc : memref<!tpu.dma_semaphore, #tpu.memory_space<semaphore_mem>>
      %dma_start3A_314 = tpu.memref_slice %arg4[%add3A_313] : memref<6656xf32, #tpu.memory_space<hbm>> -> memref<208xf32, #tpu.memory_space<hbm>>
      %dma_start3A_315 = tpu.memref_slice %arg4[%add3A_313] : memref<6656xf32, #tpu.memory_space<hbm>> -> memref<208xf32, #tpu.memory_space<hbm>>
      tpu.enqueue_dma source(%arg11 : memref<208xf32, #tpu.memory_space<vmem>>) target(%dma_start3A_315 : memref<208xf32, #tpu.memory_space<hbm>>) target_semaphore(%run_scoped3A : memref<!tpu.dma_semaphore, #tpu.memory_space<semaphore_mem>>)
      %dma_wait3A_316 = tpu.memref_slice %arg4[%add3A_313] : memref<6656xf32, #tpu.memory_space<hbm>> -> memref<208xf32, #tpu.memory_space<hbm>>
      %dma_wait3A_317 = tpu.memref_slice %arg4[%add3A_313] : memref<6656xf32, #tpu.memory_space<hbm>> -> memref<208xf32, #tpu.memory_space<hbm>>
      tpu.wait_dma2 semaphore(%run_scoped3A : memref<!tpu.dma_semaphore, #tpu.memory_space<semaphore_mem>>) src(%arg11 : memref<208xf32, #tpu.memory_space<vmem>>) dst(%dma_wait3A_317 : memref<208xf32, #tpu.memory_space<hbm>>)
      tpu.yield
    }) : () -> ()
    return
  }
}

module attributes {stable_mosaic.version = 14 : i64} {
  func.func @_fit_kernel(%arg0: memref<6656xf32, #tpu.memory_space<vmem>>, %arg1: memref<128x128xf32, #tpu.memory_space<vmem>>, %arg2: memref<128xf32, #tpu.memory_space<vmem>>, %arg3: memref<128x128xf32, #tpu.memory_space<vmem>>, %arg4: memref<128xf32, #tpu.memory_space<vmem>>, %arg5: memref<32x128xf32, #tpu.memory_space<vmem>>, %arg6: memref<32x128xf32, #tpu.memory_space<vmem>>) attributes {dimension_semantics = [], scalar_prefetch = 0 : i64, scratch_operands = 0 : i64, tpu.core_type = #tpu.core_type<tc>} {
    %get3A = arith.constant 0 : index
    %get3A_0 = vector.load %arg0[%get3A] : memref<6656xf32, #tpu.memory_space<vmem>>, vector<6656xf32>
    %reshape3A = vector.shape_cast %get3A_0 : vector<6656xf32> to vector<52x128xf32>
    %slice3A = vector.extract_strided_slice %reshape3A {offsets = [0, 0], sizes = [26, 128], strides = [1, 1]} : vector<52x128xf32> to vector<26x128xf32>
    %slice3A_1 = vector.extract_strided_slice %reshape3A {offsets = [26, 0], sizes = [26, 128], strides = [1, 1]} : vector<52x128xf32> to vector<26x128xf32>
    %add3A = arith.addf %slice3A, %slice3A_1 : vector<26x128xf32>
    %reduce_sum3A = arith.constant dense<0.000000e+00> : vector<26xf32>
    %reduce_sum3A_2 = vector.multi_reduction <add>, %add3A, %reduce_sum3A [1] : vector<26x128xf32> to vector<26xf32>
    %broadcast_in_dim3A = vector.shape_cast %reduce_sum3A_2 : vector<26xf32> to vector<26x1xf32>
    %div3A = vector.broadcast %broadcast_in_dim3A : vector<26x1xf32> to vector<26x128xf32>
    %div3A_3 = arith.divf %add3A, %div3A : vector<26x128xf32>
    %jit3A = arith.constant 9.99999997E-7 : f32
    %jit3A_4 = arith.constant 0.999998986 : f32
    %max3A = vector.broadcast %jit3A : f32 to vector<26x128xf32>
    %max3A_5 = arith.maximumf %max3A, %div3A_3 : vector<26x128xf32>
    %min3A = vector.broadcast %jit3A_4 : f32 to vector<26x128xf32>
    %min3A_6 = arith.minimumf %min3A, %max3A_5 : vector<26x128xf32>
    %sub3A = arith.constant 1.000000e+00 : f32
    %sub3A_7 = vector.broadcast %sub3A : f32 to vector<26x128xf32>
    %sub3A_8 = arith.subf %sub3A_7, %min3A_6 : vector<26x128xf32>
    %div3A_9 = arith.divf %min3A_6, %sub3A_8 : vector<26x128xf32>
    %log3A = math.log %div3A_9 : vector<26x128xf32>
    %get3A_10 = arith.constant 0 : index
    %get3A_11 = arith.constant 0 : index
    %get3A_12 = vector.load %arg1[%get3A_10, %get3A_11] : memref<128x128xf32, #tpu.memory_space<vmem>>, vector<128x128xf32>
    %dot_general3A = arith.constant dense<0.000000e+00> : vector<26x128xf32>
    %dot_general3A_13 = tpu.matmul %log3A, %get3A_12, %dot_general3A {dimension_numbers = #tpu.dot_dimension_numbers<[1], [1], [0], [0], [0, 0, 1, 0], [], []>, precision = #tpu.contract_precision<fp32>, transpose_lhs_hint = false} : vector<26x128xf32>, vector<128x128xf32>, vector<26x128xf32> -> vector<26x128xf32>
    %get3A_14 = arith.constant 0 : index
    %get3A_15 = vector.load %arg2[%get3A_14] : memref<128xf32, #tpu.memory_space<vmem>>, vector<128xf32>
    %reshape3A_16 = vector.shape_cast %get3A_15 : vector<128xf32> to vector<1x128xf32>
    %add3A_17 = vector.broadcast %reshape3A_16 : vector<1x128xf32> to vector<26x128xf32>
    %add3A_18 = arith.addf %dot_general3A_13, %add3A_17 : vector<26x128xf32>
    %ge3A = arith.constant 0.000000e+00 : f32
    %ge3A_19 = vector.broadcast %ge3A : f32 to vector<26x128xf32>
    %ge3A_20 = arith.cmpf oge, %add3A_18, %ge3A_19 : vector<26x128xf32>
    %mul3A = arith.constant 0.00999999977 : f32
    %mul3A_21 = vector.broadcast %mul3A : f32 to vector<26x128xf32>
    %mul3A_22 = arith.mulf %mul3A_21, %add3A_18 : vector<26x128xf32>
    %select_n3A = arith.select %ge3A_20, %add3A_18, %mul3A_22 : vector<26x128xi1>, vector<26x128xf32>
    %get3A_23 = arith.constant 0 : index
    %get3A_24 = arith.constant 0 : index
    %get3A_25 = vector.load %arg3[%get3A_23, %get3A_24] : memref<128x128xf32, #tpu.memory_space<vmem>>, vector<128x128xf32>
    %dot_general3A_26 = arith.constant dense<0.000000e+00> : vector<26x128xf32>
    %dot_general3A_27 = tpu.matmul %select_n3A, %get3A_25, %dot_general3A_26 {dimension_numbers = #tpu.dot_dimension_numbers<[1], [1], [0], [0], [0, 0, 1, 0], [], []>, precision = #tpu.contract_precision<fp32>, transpose_lhs_hint = false} : vector<26x128xf32>, vector<128x128xf32>, vector<26x128xf32> -> vector<26x128xf32>
    %get3A_28 = arith.constant 0 : index
    %get3A_29 = vector.load %arg4[%get3A_28] : memref<128xf32, #tpu.memory_space<vmem>>, vector<128xf32>
    %reshape3A_30 = vector.shape_cast %get3A_29 : vector<128xf32> to vector<1x128xf32>
    %add3A_31 = vector.broadcast %reshape3A_30 : vector<1x128xf32> to vector<26x128xf32>
    %add3A_32 = arith.addf %dot_general3A_27, %add3A_31 : vector<26x128xf32>
    %reduce_max3A = arith.constant dense<0xFF800000> : vector<26xf32>
    %reduce_max3A_33 = vector.multi_reduction <maximumf>, %add3A_32, %reduce_max3A [1] : vector<26x128xf32> to vector<26xf32>
    %broadcast_in_dim3A_34 = vector.shape_cast %reduce_max3A_33 : vector<26xf32> to vector<26x1xf32>
    %sub3A_35 = vector.broadcast %broadcast_in_dim3A_34 : vector<26x1xf32> to vector<26x128xf32>
    %sub3A_36 = arith.subf %add3A_32, %sub3A_35 : vector<26x128xf32>
    %exp3A = math.exp %sub3A_36 : vector<26x128xf32>
    %reduce_sum3A_37 = arith.constant dense<0.000000e+00> : vector<26xf32>
    %reduce_sum3A_38 = vector.multi_reduction <add>, %exp3A, %reduce_sum3A_37 [1] : vector<26x128xf32> to vector<26xf32>
    %broadcast_in_dim3A_39 = vector.shape_cast %reduce_sum3A_38 : vector<26xf32> to vector<26x1xf32>
    %div3A_40 = vector.broadcast %broadcast_in_dim3A_39 : vector<26x1xf32> to vector<26x128xf32>
    %div3A_41 = arith.divf %exp3A, %div3A_40 : vector<26x128xf32>
    %iota3A = tpu.iota {dimensions = array<i32: 0>} : vector<128x128xi32>
    %iota3A_42 = tpu.iota {dimensions = array<i32: 1>} : vector<128x128xi32>
    %le3A = arith.cmpi sle, %iota3A, %iota3A_42 : vector<128x128xi32>
    %convert_element_type3A = arith.extui %le3A : vector<128x128xi1> to vector<128x128xi32>
    %convert_element_type3A_43 = arith.sitofp %convert_element_type3A : vector<128x128xi32> to vector<128x128xf32>
    %dot_general3A_44 = arith.constant dense<0.000000e+00> : vector<26x128xf32>
    %dot_general3A_45 = tpu.matmul %div3A_41, %convert_element_type3A_43, %dot_general3A_44 {dimension_numbers = #tpu.dot_dimension_numbers<[1], [0], [0], [1], [0, 0, 1, 1], [], []>, precision = #tpu.contract_precision<fp32>, transpose_lhs_hint = false} : vector<26x128xf32>, vector<128x128xf32>, vector<26x128xf32> -> vector<26x128xf32>
    %sub3A_46 = arith.subf %dot_general3A_45, %div3A_41 : vector<26x128xf32>
    %iota3A_47 = tpu.iota {dimensions = array<i32: 1>} : vector<1x128xi32>
    %convert_element_type3A_48 = arith.sitofp %iota3A_47 : vector<1x128xi32> to vector<1x128xf32>
    %eq3A = arith.constant 0 : i32
    %eq3A_49 = vector.broadcast %eq3A : i32 to vector<1x128xi32>
    %eq3A_50 = arith.cmpi eq, %iota3A_47, %eq3A_49 : vector<1x128xi32>
    %jit3A_51 = arith.constant 2.560000e+02 : f32
    %jit3A_52 = arith.constant 1.280000e+02 : f32
    %broadcast_in_dim3A_53 = vector.broadcast %jit3A_51 : f32 to vector<1x128xf32>
    %broadcast_in_dim3A_54 = vector.broadcast %jit3A_52 : f32 to vector<1x128xf32>
    %select_n3A_55 = arith.select %eq3A_50, %broadcast_in_dim3A_53, %broadcast_in_dim3A_54 : vector<1x128xi1>, vector<1x128xf32>
    %eq3A_56 = arith.constant 0 : i32
    %eq3A_57 = vector.broadcast %eq3A_56 : i32 to vector<1x128xi32>
    %eq3A_58 = arith.cmpi eq, %iota3A_47, %eq3A_57 : vector<1x128xi32>
    %mul3A_59 = arith.constant 2.000000e+00 : f32
    %mul3A_60 = vector.broadcast %mul3A_59 : f32 to vector<1x128xf32>
    %mul3A_61 = arith.mulf %mul3A_60, %convert_element_type3A_48 : vector<1x128xf32>
    %sub3A_62 = arith.constant 1.000000e+00 : f32
    %sub3A_63 = vector.broadcast %sub3A_62 : f32 to vector<1x128xf32>
    %sub3A_64 = arith.subf %mul3A_61, %sub3A_63 : vector<1x128xf32>
    %div3A_65 = arith.constant 2.560000e+02 : f32
    %div3A_66 = vector.broadcast %div3A_65 : f32 to vector<1x128xf32>
    %div3A_67 = arith.divf %sub3A_64, %div3A_66 : vector<1x128xf32>
    %jit3A_68 = arith.constant 0.000000e+00 : f32
    %broadcast_in_dim3A_69 = vector.broadcast %jit3A_68 : f32 to vector<1x128xf32>
    %select_n3A_70 = arith.select %eq3A_58, %broadcast_in_dim3A_69, %div3A_67 : vector<1x128xi1>, vector<1x128xf32>
    %mul3A_71 = vector.broadcast %select_n3A_55 : vector<1x128xf32> to vector<26x128xf32>
    %mul3A_72 = arith.mulf %div3A_41, %mul3A_71 : vector<26x128xf32>
    %mul3A_73 = vector.broadcast %select_n3A_70 : vector<1x128xf32> to vector<26x128xf32>
    %mul3A_74 = arith.mulf %mul3A_72, %mul3A_73 : vector<26x128xf32>
    %sub3A_75 = arith.subf %sub3A_46, %mul3A_74 : vector<26x128xf32>
    %broadcast_in_dim3A_76 = arith.constant 0.000000e+00 : f32
    %broadcast_in_dim3A_77 = vector.broadcast %broadcast_in_dim3A_76 : f32 to vector<6x128xf32>
    %swap3A = arith.constant 0 : index
    %swap3A_78 = arith.constant 0 : index
    %swap3A_79 = vector.load %arg5[%swap3A, %swap3A_78] : memref<32x128xf32, #tpu.memory_space<vmem>>, vector<26x128xf32>
    tpu.vector_store %arg5[%swap3A, %swap3A_78], %sub3A_75 {strides = array<i32>} : memref<32x128xf32, #tpu.memory_space<vmem>>, vector<26x128xf32>,
    %swap3A_80 = arith.constant 26 : index
    %swap3A_81 = arith.constant 0 : index
    %swap3A_82 = vector.load %arg5[%swap3A_80, %swap3A_81] : memref<32x128xf32, #tpu.memory_space<vmem>>, vector<6x128xf32>
    tpu.vector_store %arg5[%swap3A_80, %swap3A_81], %broadcast_in_dim3A_77 {strides = array<i32>} : memref<32x128xf32, #tpu.memory_space<vmem>>, vector<6x128xf32>,
    %swap3A_83 = arith.constant 0 : index
    %swap3A_84 = arith.constant 0 : index
    %swap3A_85 = vector.load %arg6[%swap3A_83, %swap3A_84] : memref<32x128xf32, #tpu.memory_space<vmem>>, vector<26x128xf32>
    tpu.vector_store %arg6[%swap3A_83, %swap3A_84], %mul3A_72 {strides = array<i32>} : memref<32x128xf32, #tpu.memory_space<vmem>>, vector<26x128xf32>,
    %swap3A_86 = arith.constant 26 : index
    %swap3A_87 = arith.constant 0 : index
    %swap3A_88 = vector.load %arg6[%swap3A_86, %swap3A_87] : memref<32x128xf32, #tpu.memory_space<vmem>>, vector<6x128xf32>
    tpu.vector_store %arg6[%swap3A_86, %swap3A_87], %broadcast_in_dim3A_77 {strides = array<i32>} : memref<32x128xf32, #tpu.memory_space<vmem>>, vector<6x128xf32>,
    return
  }
}

</mosaic_0001>

<sc_bundles>
// kernel: kernel.5.cloned.1.call-start
scs
__scs_entry_jumppad:
0x0: {  	(pc) =	sbr.rel $0x88, $3  }
0x1: {  	(tag) =	ssettag $0x0;
	lr =	simm.s32 $0x1  }
0x2: {  	[smem:$0x3F9B] =	sst lr;
	_ =	strace $0xD0000000  }
0x3: {  	_ = 	snop  }
0x4: {  	_ = 	snop  }
0x5: {  	_ = 	snop  }
0x6: {  	_ = 	snop  }
0x7: {  	_ = 	snop  }
__scs_overlays_trampoline_lowered:
0x8: {  	[smem:$0x3FAA] =	sst s0  }
0x9: {  	[smem:$0x3FAB] =	sst s1  }
0xa: {  	[smem:$0x3FAC] =	sst s2  }
0xb: {  	[smem:$0x3FAD] =	sst s3  }
0xc: {  	[smem:$0x3FAE] =	sst s4  }
0xd: {  	[smem:$0x3FAF] =	sst s5  }
0xe: {  	[smem:$0x3FB0] =	sst s6  }
0xf: {  	[smem:$0x3FB1] =	sst s7  }
0x10: {  	[smem:$0x3FB2] =	sst s8  }
0x11: {  	[smem:$0x3FB3] =	sst s9;
	s0 =	simm.s32 @!p0 $0x0  }
0x12: {  	s1 =	sld [smem:$0x3F99];
	s0 =	simm.s32 @p0 $0x1  }
0x13: {  	[smem:$0x3FB4] =	sst s0;
	s0 =	simm.s32 @!p1 $0x0  }
0x14: {  	s2 =	sld [smem:$0x3F98];
	s0 =	simm.s32 @p1 $0x1  }
0x15: {  	[smem:$0x3FB5] =	sst s0;
	s0 =	simm.s32 @!p2 $0x0  }
0x16: {  	s3 =	sld [smem:$0x3FDB];
	s0 =	simm.s32 @p2 $0x1  }
0x17: {  	s4 =	simm.s32 $0x1BF5;
	[smem:$0x3FB7] =	sst s0  }
0x18: {  	s0 =	sld [smem:$0x3F9A];
	_ =	swait.ge [sflag:s4], $0x0  }
0x19: {  	s7 =	sld [smem:$0x3F9B]  }
0x1a: {  	s8 =	sadd.s32 $0xFFFFE003, lr  }
0x1b: {  	s9 =	sadd.s32 $0xFFFFFEF7, lr;
	s5 =	simm.s32 $0xFFFFFFFF;
	p2 =	slt.u32 s8, $0xFFFFF086  }
0x1c: {  	p1 =	slt.u32 s9, $0xF7A;
	s5 =	simm.s32 @!p2 $0x0  }
0x1d: {  	s5 =	simm.s32 @p1 $0x1;
	p0 =	seq.s32 s7, s2  }
0x1e: {  	s7 =	smul.u32 @!p0 $0xF7A, s2;
	p2 =	seq.s32 @!p0 s5, $0x0  }
0x1f: {  	s9 =	smul.u32 $0xF7A, s1;
	s8 =	simm.s32 @!p0 $0x1BF5;
	p2 =	por !p2, p0  }
0x20: {  	[sflag:s8] =	ssyncset.s32 @!p0 $0xFFFFF086;
	s6 =	sadd.s32 @!p0 s3, s7;
	s7 =	simm.s32 @!p0 $0x108  }
0x21: {  	s3 =	sadd.s32 s3, s9;
	s6 =	sadd.s32 @!p0 $0x88, s6;
	s7 =	simm.s32 @p2 $0x1082  }
0x22: {  	[simem:s7], [sflag:s8] =	dma.local @!p0 [hbm:s6], $0xF7A  }
0x23: {  	s9 =	sor.u32 $0xD0000000, s2;
	s6 =	simm.s32 $0x108;
	_ =	swait.ge @!p0 [sflag:s8], $0x0  }
0x24: {  	s3 =	sadd.s32 $0x88, s3;
	s6 =	simm.s32 @!p1 $0x1082;
	[sflag:s4] =	ssyncset.s32 $0xFFFFF086  }
0x25: {  	[simem:s6], [sflag:s4] =	dma.local [hbm:s3], $0xF7A  }
0x26: {  	[smem:$0x3F9B] =	sst s1;
	(tag) =	ssettag s2;
	_ =	strace s9  }
0x27: {  	s1 =	sld [smem:$0x3FAB]  }
0x28: {  	s2 =	sld [smem:$0x3FAC]  }
0x29: {  	s4 =	sld [smem:$0x3FAE]  }
0x2a: {  	p0 =	seq.s32 s5, $0x0;
	s5 =	sld [smem:$0x3FAF]  }
0x2b: {  	s6 =	sld [smem:$0x3FB0]  }
0x2c: {  	s7 =	sld [smem:$0x3FB1]  }
0x2d: {  	s3 =	simm.s32 $0x108;
	s8 =	sld [smem:$0x3FB2]  }
0x2e: {  	s3 =	simm.s32 @!p0 $0x1082;
	s9 =	sld [smem:$0x3FB3]  }
0x2f: {  	lr =	sadd.s32 s0, s3;
	s0 =	sld [smem:$0x3FAA]  }
0x30: {  	s3 =	sld [smem:$0x3FAD]  }
0x31: {  	[smem:$0x3FB6] =	sst s10  }
0x32: {  	s10 =	sld [smem:$0x3FB4];
	_ =	sdelay $0x3  }
0x33: {  	p0 =	seq.s32 s10, $0x1;
	s10 =	sld [smem:$0x3FB6];
	_ =	sdelay $0x3  }
0x34: {  	[smem:$0x3FB6] =	sst s10  }
0x35: {  	s10 =	sld [smem:$0x3FB5];
	_ =	sdelay $0x3  }
0x36: {  	p1 =	seq.s32 s10, $0x1;
	s10 =	sld [smem:$0x3FB6];
	_ =	sdelay $0x3  }
0x37: {  	[smem:$0x3FB6] =	sst s10  }
0x38: {  	s10 =	sld [smem:$0x3FB7]  }
0x39: {  	_ = 	snop;
	(pc) =	sbr.ind lr, $3  }
0x3a: {  	_ = 	snop  }
0x3b: {  	_ = 	snop  }
0x3c: {  	p2 =	seq.s32 s10, $0x1;
	s10 =	sld [smem:$0x3FB6]  }
0x3d: {  	_ =	shalt  }
0x3e: {  	_ =	shalt  }
0x3f: {  	_ =	shalt  }
0x40: {  	_ =	shalt  }
0x41: {  	_ =	shalt  }
0x42: {  	_ =	shalt  }
0x43: {  	_ =	shalt  }
0x44: {  	_ =	shalt  }
0x45: {  	_ =	shalt  }
0x46: {  	_ =	shalt  }
0x47: {  	_ =	shalt  }
0x48: {  	_ =	shalt  }
0x49: {  	_ =	shalt  }
0x4a: {  	_ =	shalt  }
0x4b: {  	_ =	shalt  }
0x4c: {  	_ =	shalt  }
0x4d: {  	_ =	shalt  }
0x4e: {  	_ =	shalt  }
0x4f: {  	_ =	shalt  }
0x50: {  	_ =	shalt  }
0x51: {  	_ =	shalt  }
0x52: {  	_ =	shalt  }
0x53: {  	_ =	shalt  }
0x54: {  	_ =	shalt  }
0x55: {  	_ =	shalt  }
0x56: {  	_ =	shalt  }
0x57: {  	_ =	shalt  }
0x58: {  	_ =	shalt  }
0x59: {  	_ =	shalt  }
0x5a: {  	_ =	shalt  }
0x5b: {  	_ =	shalt  }
0x5c: {  	_ =	shalt  }
0x5d: {  	_ =	shalt  }
0x5e: {  	_ =	shalt  }
0x5f: {  	_ =	shalt  }
0x60: {  	_ =	shalt  }
0x61: {  	_ =	shalt  }
0x62: {  	_ =	shalt  }
0x63: {  	_ =	shalt  }
0x64: {  	_ =	shalt  }
0x65: {  	_ =	shalt  }
0x66: {  	_ =	shalt  }
0x67: {  	_ =	shalt  }
0x68: {  	_ =	shalt  }
0x69: {  	_ =	shalt  }
0x6a: {  	_ =	shalt  }
0x6b: {  	_ =	shalt  }
0x6c: {  	_ =	shalt  }
0x6d: {  	_ =	shalt  }
0x6e: {  	_ =	shalt  }
0x6f: {  	_ =	shalt  }
0x70: {  	_ =	shalt  }
0x71: {  	_ =	shalt  }
0x72: {  	_ =	shalt  }
0x73: {  	_ =	shalt  }
0x74: {  	_ =	shalt  }
0x75: {  	_ =	shalt  }
0x76: {  	_ =	shalt  }
0x77: {  	_ =	shalt  }
0x78: {  	_ =	shalt  }
0x79: {  	_ =	shalt  }
0x7a: {  	_ =	shalt  }
0x7b: {  	_ =	shalt  }
0x7c: {  	_ =	shalt  }
0x7d: {  	_ =	shalt  }
0x7e: {  	_ =	shalt  }
0x7f: {  	_ =	shalt  }
0x80: {  	_ =	shalt  }
0x81: {  	_ =	shalt  }
0x82: {  	_ =	shalt  }
0x83: {  	_ =	shalt  }
0x84: {  	_ =	shalt  }
0x85: {  	_ =	shalt  }
0x86: {  	_ =	shalt  }
0x87: {  	_ =	shalt  }
.Lfunc_end0:
.L_simem_size_0:
called_computation_lowered:
.L_overlay_start_0:
0x88: {  	s2 =	sld [smem:$0x3FD9]  }
0x89: {  	s3 =	sld [smem:$0x3FFE];
	_ =	sdelay $0x1  }
0x8a: {  	s1 =	srdreg.scid  }
0x8b: {  	s0 =	sand.u32 $0x1, s1  }
0x8c: {  	s18 =	sshll.u32 s0, $0xA;
	s2 =	sadd.s32 s3, s2  }
0x8d: {  	s2 =	sadd.s32 s2, s18  }
0x8e: {  	[smem:$0x3FC2] =	sst s2  }
0x8f: {  	_ = 	snop  }
0x90: {  	s2 =	sld [smem:$0x3FC9]  }
0x91: {  	s19 =	sld [smem:$0x3FC8]  }
0x92: {  	s4 =	sld [smem:$0x3FD0];
	(tm) =	ssettm $0x1  }
0x93: {  	s5 =	sld [smem:$0x3FFB];
	_ =	sdelay $0x3  }
0x94: {  	_ =	strace s5  }
0x95: {  	s5 =	sld [smem:$0x3FFC];
	_ =	sdelay $0x3  }
0x96: {  	_ =	strace s5  }
0x97: {  	s5 =	sld [smem:$0x3FFD];
	_ =	sdelay $0x3  }
0x98: {  	_ =	strace s5  }
0x99: {  	_ =	strace $0x8FFFFFFF  }
0x9a: {  	s20 =	sld [smem:$0x3FDB];
	_ =	sdelay $0x1  }
0x9b: {  	s6 =	simm.s32 $_scs_section_size  }
0x9c: {  	s7 =	simm.s32 $_size__tile_overlayer_lowered;
	s8 =	simm.s32 $_tile_overlayer_lowered  }
0x9d: {  	s23 =	simm.s32 $0x1BFF;
	s22 =	sshll.u32 s8, $0x1;
	s5 =	sadd.s32 s6, s20  }
0x9e: {  	s9 =	simm.s32 $0x0;
	s21 =	sshll.u32 s7, $0x1;
	s7 =	sadd.s32 s22, s5  }
0x9f: {  	[timem:s9], [sflag:s23] =	dma.local [hbm:s7], s21  }
0xa0: {  	_ =	swait.ge [sflag:s23], s21  }
0xa1: {  	s6 =	ssub.s32 $0x0, s21;
	[sflag:s23] =	ssyncset.done $0x0  }
0xa2: {  	[sflag:s23] =	ssyncadd.s32 s6;
	_ =	sdelay $0x1  }
0xa3: {  	s24 =	simm.s32 $0x1B8B  }
0xa4: {  	_ =	swait.ge [sflag:s24], $0x1  }
0xa5: {  	[sflag:s24] =	ssyncset.done $0x0  }
0xa6: {  	s25 =	simm.s32 $0x1B8E;
	[sflag:s24] =	ssyncadd.s32 $0xFFFFFFFF  }
0xa7: {  	s26 =	simm.s32 $execute0_lowered;
	[smem:$0x3FD2] =	sst s25  }
0xa8: {  	s6 =	sshll.u32 s26, $0x1;
	_ =	strace $0x80000046;
	[dreg:$0x1] =	wrdreg $0xFFFFFFFF  }
0xa9: {  	s28 =	simm.s32 $_size_execute0_lowered;
	s5 =	sadd.s32 s5, s6;
	[dreg:$0x0] =	wrdreg $0x0  }
0xaa: {  	s6 =	sshll.u32 s28, $0x1;
	[dreg:$0x2] =	wrdreg s5  }
0xab: {  	[dreg:$0x3] =	wrdreg s6  }
0xac: {  	[dreg:$0x4] =	wrdreg $0xC0  }
0xad: {  	_ =	task [dreg:s9], $0x5FFFF  }
0xae: {  	[dreg:$0x1] =	wrdreg $0xFFFFFFFF  }
0xaf: {  	[dreg:$0x0] =	wrdreg $0x60  }
0xb0: {  	[dreg:$0x2] =	wrdreg s2  }
0xb1: {  	[dreg:$0x3] =	wrdreg s19  }
0xb2: {  	[dreg:$0x4] =	wrdreg s4  }
0xb3: {  	[dreg:$0x5] =	wrdreg $0xF6000  }
0xb4: {  	[dreg:$0x6] =	wrdreg $0x9  }
0xb5: {  	_ =	task.clear_ibuf [dreg:s9], $0x7FFFF;
	_ =	strace $0x90000046  }
0xb6: {  	s29 =	simm.s32 $0x9;
	_ =	strace $0x80000048  }
0xb7: {  	_ =	swait.ge [sflag:s29], $0x1  }
0xb8: {  	[sflag:s29] =	ssyncadd.s32 $0xFFFFFFFF  }
0xb9: {  	_ =	strace $0x90000048  }
0xba: {  	_ =	sfence  }
0xbb: {  	s30 =	sld [smem:$0x0];
	_ =	sdelay $0x2  }
0xbc: {  	s31 =	sshll.u32 s1, $0xD;
	s1 =	sshrl.u32 s1, $0x2  }
0xbd: {  	s3 =	sand.u32 $0x4000, s31;
	s1 =	sadd.s32 s1, s30  }
0xbe: {  	s0 =	sor.u32 s3, s0;
	s1 =	sshll.u32 s1, $0x11  }
0xbf: {  	s0 =	sor.u32 s1, s0  }
0xc0: {  	s0 =	sadd.s32 $0x8F2B, s0  }
0xc1: {  	[sflag:s0] =	ssyncadd.remote.s32 $0x1  }
0xc2: {  	_ =	sfence.sel $0xFFFF  }
0xc3: {  	[dreg:$0x0] =	wrdreg $0xFFFFFFFF;
	(pc) =	sbr.abs _section_cstart, $3  }
0xc4: {  	[dreg:$0x1] =	wrdreg $0xFFFFFFFF  }
0xc5: {  	_ =	task.clear_ibuf [dreg:s9], $0x2FFFF;
	_ =	strace $0x9FFFFFFF  }
0xc6: {  	(tm) =	ssettm $0x7FFFFFFF  }
0xc7: {  	_ =	shalt  }
tec
execute0_lowered:
.L_overlay_start_1:
0x0: {  	(tag) =	ssettag $0x1  }
0x1: {  	s0 =	rddreg [dreg:$0x0]  }
0x2: {  	s1 =	rddreg [dreg:$0x1]  }
0x3: {  	s2 =	rddreg [dreg:$0x2]  }
0x4: {  	s3 =	rddreg [dreg:$0x3]  }
0x5: {  	s24 =	simm.s32 $0x0;
	s4 =	srdreg.scid;
	s10 =	stileid.u32  }
0x6: {  	s28 =	simm.s32 $0x1;
	s29 =	simm.s32 $0x8000;
	s31 =	simm.s32 $0x2  }
0x7: {  	[smem:$0x7FF] =	sst s24;
	s4 =	sand.u32 $0x1, s4;
	s8 =	smul.u32 $0x3400, s10  }
0x8: {  	v0 =	vlaneseq.u32;
	s7 =	sshll.u32 s10, $0x9;
	s20 =	smul.u32 $0xD0, s10;
	s6 =	sshll.u32 s4, $0xD  }
0x9: {  	v0 =	vand.u32 $0x7, v0;
	_ =	strace $0x80000047;
	s5 =	ssub.s32 $0x2, s4;
	s6 =	sor.u32 s7, s6  }
0xa: {  	s30 =	smul.u32 $0xD00, s4;
	v0 =	vmul.u32 $0xD01, v0;
	s9 =	sshrl.u32 s5, $0x1;
	s0 =	sadd.s32 s0, s6  }
0xb: {  	s22 =	sshrl.u32 s8, $0x2;
	s1 =	sadd.s32 s1, s6;
	[dreg:$0x5] =	wrdreg s0  }
0xc: {  	v1 =	vimm.f32 $0.0e+00;
	vm0 =	vcmask $0x3F20;
	s23 =	ssub.s32 s5, s9;
	s6 =	sadd.s32 s20, s3;
	v2 =	vadd.s32 $0x80, v0;
	[dreg:$0x6] =	wrdreg s1  }
0xd: {  	v3 =	vadd.s32 $0x100, v0;
	v4 =	vadd.s32 $0x180, v0;
	v5 =	vadd.s32 $0x200, v0;
	s0 =	sadd.s32 s22, s3;
	s25 =	sadd.s32 $0xD00, s6;
	s26 =	sadd.s32 $0x1A00, s6  }
0xe: {  	v6 =	vadd.s32 $0x280, v0;
	v7 =	vadd.s32 $0x300, v0;
	v8 =	vadd.s32 $0x380, v0;
	s9 =	sadd.s32 $0x2700, s6;
	s10 =	sadd.s32 $0x3400, s6;
	s11 =	sadd.s32 $0x4100, s6  }
0xf: {  	v9 =	vadd.s32 $0x400, v0;
	v10 =	vadd.s32 $0x480, v0;
	v11 =	vadd.s32 $0x500, v0;
	s12 =	sadd.s32 $0x4E00, s6;
	s13 =	sadd.s32 $0x5B00, s6;
	s14 =	sadd.s32 $0x6800, s6  }
0x10: {  	v12 =	vadd.s32 $0x580, v0;
	v13 =	vadd.s32 $0x600, v0;
	v14 =	vadd.s32 $0x680, v0;
	s15 =	sadd.s32 $0x7500, s6;
	s16 =	sadd.s32 $0x8200, s6;
	s17 =	sadd.s32 $0x8F00, s6  }
0x11: {  	v15 =	vadd.s32 $0x700, v0;
	v16 =	vadd.s32 $0x780, v0;
	v17 =	vadd.s32 $0x800, v0;
	s18 =	sadd.s32 $0x9C00, s6;
	s19 =	sadd.s32 $0xA900, s6;
	[dreg:$0x7] =	wrdreg s0  }
0x12: {  	v18 =	vadd.s32 $0x880, v0;
	v19 =	vadd.s32 $0x900, v0;
	v20 =	vadd.s32 $0x980, v0;
	s21 =	sadd.s32 $0xC300, s6;
	[dreg:$0x8] =	wrdreg s25;
	s0 =	sadd.s32 s20, s30  }
0x13: {  	v21 =	vadd.s32 $0xA00, v0;
	v22 =	vadd.s32 $0xA80, v0;
	v23 =	vadd.s32 $0xB00, v0;
	s23 =	smax.u32 s23, $0x1;
	[dreg:$0x9] =	wrdreg s26;
	s0 =	sshrl.u32 s0, $0x3  }
0x14: {  	v24 =	vadd.s32 $0xB80, v0;
	v25 =	vadd.s32 $0xC00, v0;
	v26 =	vadd.s32 $0xC80, v0;
	s20 =	sadd.s32 $0xB600, s6;
	s22 =	sadd.s32 s2, s0;
	s2 =	simm.s32 $0x0  }
.LBB2_1:
0x15: {  	s0 =	rddreg [dreg:$0x5];
	s1 =	simm.s32 $0x1000;
	s3 =	simm.s32 $0x20000  }
0x16: {  	[tilespmem:s24], [sflag:$0x1] =	stream.strided.gather [hbm4b:s0+s1], $0x4000, s3, s1, $0x38;
	[tilespmem:$0x11100] =	vst v63  }
0x17: {  	s30 =	rddreg [dreg:$0x6];
	s4 =	simm.s32 $0x4000;
	s0 =	simm.s32 $0x8100  }
0x18: {  	[tilespmem:s4], [sflag:$0x1] =	stream.strided.gather [hbm4b:s30+s1], $0x4000, s3, s1, $0x38;
	[tilespmem:$0x11100] =	vst v63  }
0x19: {  	[tilespmem:s0+$0xFFFFFF00] =	vst v1  }
0x1a: {  	[tilespmem:s0+$0xF0] =	vst v1  }
0x1b: {  	[tilespmem:s0+$0xE0] =	vst v1  }
0x1c: {  	[tilespmem:s0+$0xD0] =	vst v1  }
0x1d: {  	[tilespmem:s0+$0xC0] =	vst v1  }
0x1e: {  	[tilespmem:s0+$0xB0] =	vst v1  }
0x1f: {  	[tilespmem:s0+$0xA0] =	vst v1  }
0x20: {  	[tilespmem:s0+$0x90] =	vst v1  }
0x21: {  	[tilespmem:s0+$0x80] =	vst v1  }
0x22: {  	[tilespmem:s0+$0x70] =	vst v1  }
0x23: {  	[tilespmem:s0+$0x60] =	vst v1  }
0x24: {  	[tilespmem:s0+$0x50] =	vst v1  }
0x25: {  	[tilespmem:s0+$0x40] =	vst v1  }
0x26: {  	[tilespmem:s0+$0x30] =	vst v1  }
0x27: {  	[tilespmem:s0+$0x20] =	vst v1  }
0x28: {  	[tilespmem:s0+$0x10] =	vst v1  }
0x29: {  	[tilespmem:s0+$0x0] =	vst v1  }
0x2a: {  	[tilespmem:s0+$0xFFFFFFF0] =	vst v1  }
0x2b: {  	[tilespmem:s0+$0xFFFFFFE0] =	vst v1  }
0x2c: {  	[tilespmem:s0+$0xFFFFFFD0] =	vst v1  }
0x2d: {  	[tilespmem:s0+$0xFFFFFFC0] =	vst v1  }
0x2e: {  	[tilespmem:s0+$0xFFFFFFB0] =	vst v1  }
0x2f: {  	[tilespmem:s0+$0xFFFFFFA0] =	vst v1  }
0x30: {  	[tilespmem:s0+$0xFFFFFF90] =	vst v1  }
0x31: {  	[tilespmem:s0+$0xFFFFFF80] =	vst v1  }
0x32: {  	[tilespmem:s0+$0xFFFFFF70] =	vst v1  }
0x33: {  	[tilespmem:s0+$0xFFFFFF60] =	vst v1  }
0x34: {  	[tilespmem:s0+$0xFFFFFF50] =	vst v1  }
0x35: {  	[tilespmem:s0+$0xFFFFFF40] =	vst v1  }
0x36: {  	[tilespmem:s0+$0xFFFFFF30] =	vst v1  }
0x37: {  	s1 =	simm.s32 $0x0;
	[tilespmem:s0+$0xFFFFFF20] =	vst v1  }
.LBB2_2:
0x38: {  	s1 =	sadd.s32 $0x2, s1;
	[tilespmem:s0+$0xFFFFFF10] =	vst v1;
	s0 =	sadd.s32 $0x200, s0  }
0x39: {  	[tilespmem:s0+$0xFFFFFF00] =	vst v1;
	p0 =	slt.u32 s1, $0x66  }
0x3a: {  	[tilespmem:s0+$0xF0] =	vst v1  }
0x3b: {  	[tilespmem:s0+$0xE0] =	vst v1  }
0x3c: {  	[tilespmem:s0+$0xD0] =	vst v1  }
0x3d: {  	[tilespmem:s0+$0xC0] =	vst v1  }
0x3e: {  	[tilespmem:s0+$0xB0] =	vst v1  }
0x3f: {  	[tilespmem:s0+$0xA0] =	vst v1  }
0x40: {  	[tilespmem:s0+$0x90] =	vst v1  }
0x41: {  	[tilespmem:s0+$0x80] =	vst v1  }
0x42: {  	[tilespmem:s0+$0x70] =	vst v1  }
0x43: {  	[tilespmem:s0+$0x60] =	vst v1  }
0x44: {  	[tilespmem:s0+$0x50] =	vst v1  }
0x45: {  	[tilespmem:s0+$0x40] =	vst v1  }
0x46: {  	[tilespmem:s0+$0x30] =	vst v1  }
0x47: {  	[tilespmem:s0+$0x20] =	vst v1  }
0x48: {  	[tilespmem:s0+$0x10] =	vst v1  }
0x49: {  	[tilespmem:s0+$0x0] =	vst v1  }
0x4a: {  	[tilespmem:s0+$0xFFFFFFF0] =	vst v1  }
0x4b: {  	[tilespmem:s0+$0xFFFFFFE0] =	vst v1  }
0x4c: {  	[tilespmem:s0+$0xFFFFFFD0] =	vst v1  }
0x4d: {  	[tilespmem:s0+$0xFFFFFFC0] =	vst v1  }
0x4e: {  	[tilespmem:s0+$0xFFFFFFB0] =	vst v1  }
0x4f: {  	[tilespmem:s0+$0xFFFFFFA0] =	vst v1  }
0x50: {  	[tilespmem:s0+$0xFFFFFF90] =	vst v1  }
0x51: {  	[tilespmem:s0+$0xFFFFFF80] =	vst v1  }
0x52: {  	[tilespmem:s0+$0xFFFFFF70] =	vst v1  }
.Ltmp0:
0x53: {  	[tilespmem:s0+$0xFFFFFF60] =	vst v1;
	(pc) =	sbr.rel @p0 .LBB2_2-.Ltmp0, $4  }
0x54: {  	[tilespmem:s0+$0xFFFFFF50] =	vst v1  }
0x55: {  	[tilespmem:s0+$0xFFFFFF40] =	vst v1  }
0x56: {  	[tilespmem:s0+$0xFFFFFF30] =	vst v1  }
0x57: {  	[tilespmem:s0+$0xFFFFFF20] =	vst v1  }
0x58: {  	[tilespmem:s0+$0xFFFFFF10] =	vst v1  }
0x59: {  	[tilespmem:$0xE800] =	vst v1  }
0x5a: {  	[tilespmem:$0xE810] =	vst v1  }
0x5b: {  	[tilespmem:$0xE820] =	vst v1  }
0x5c: {  	[tilespmem:$0xE830] =	vst v1  }
0x5d: {  	[tilespmem:$0xE840] =	vst v1  }
0x5e: {  	[tilespmem:$0xE850] =	vst v1  }
0x5f: {  	[tilespmem:$0xE860] =	vst v1  }
0x60: {  	[tilespmem:$0xE870] =	vst v1  }
0x61: {  	[tilespmem:$0xE880] =	vst v1  }
0x62: {  	[tilespmem:$0xE890] =	vst v1  }
0x63: {  	[tilespmem:$0xE8A0] =	vst v1  }
0x64: {  	[tilespmem:$0xE8B0] =	vst v1  }
0x65: {  	[tilespmem:$0xE8C0] =	vst v1  }
0x66: {  	[tilespmem:$0xE8D0] =	vst v1  }
0x67: {  	[tilespmem:$0xE8E0] =	vst v1  }
0x68: {  	[tilespmem:$0xE8F0] =	vst v1  }
0x69: {  	_ =	swait.ge [sflag:s28], $0x4000  }
0x6a: {  	[sflag:s28] =	ssyncset.done $0x0  }
0x6b: {  	[sflag:s28] =	ssyncadd.s32 $0xFFFFC000  }
0x6c: {  	s26 =	simm.s32 $0xFFFFFFFC;
	_ =	swait.ge [sflag:s28], $0x4000  }
0x6d: {  	p0 =	por $0x0, $0x0;
	s30 =	simm.s32 $0x0;
	[sflag:s28] =	ssyncset.done $0x0  }
0x6e: {  	s0 =	simm.s32 $0x0;
	s1 =	simm.s32 $0x0;
	[sflag:s28] =	ssyncadd.s32 $0xFFFFC000  }
.LBB2_4:
0x6f: {  	s3 =	sand.u32 $0x40, s30;
	s4 =	sand.u32 $0xC00, s1  }
0x70: {  	s24 =	sor.u32 s3, s4  }
0x71: {  	v27 =	vld [tilespmem:s24+$0x0];
	_ =	sdelay $0x1  }
0x72: {  	v28 =	vld [tilespmem:s24+$0x80]  }
0x73: {  	s7 =	sand.u32 $0xFFFFFC00, s1  }
0x74: {  	s4 =	sadd.s32 s7, s30;
	v29 =	vld [tilespmem:s24+$0x100]  }
0x75: {  	s3 =	sor.u32 $0x180, s4;
	v27 =	vmul.f32 $1.280000000e+02, v27  }
0x76: {  	v30 =	vld [tilespmem:s3+$0x0]  }
0x77: {  	v28 =	vmul.f32 $1.280000000e+02, v28;
	v27 =	vtrunc.f32 v27  }
0x78: {  	v27 =	vcvt.f32.s32 v27  }
0x79: {  	v29 =	vmul.f32 $1.280000000e+02, v29;
	v28 =	vtrunc.f32 v28  }
0x7a: {  	v31 =	vld [tilespmem:s24+$0x4000];
	v28 =	vcvt.f32.s32 v28;
	vm1 =	vlt.s32 v27, $0x7F  }
0x7b: {  	v30 =	vmul.f32 $1.280000000e+02, v30;
	v29 =	vtrunc.f32 v29;
	v27 =	vnsel vm1, $0x7F, v27  }
0x7c: {  	v32 =	vld [tilespmem:s24+$0x4080];
	v29 =	vcvt.f32.s32 v29;
	vm1 =	vlt.s32 v28, $0x7F;
	v27 =	vadd.s32 v0, v27  }
0x7d: {  	v30 =	vtrunc.f32 v30;
	v28 =	vnsel vm1, $0x7F, v28  }
0x7e: {  	v33 =	vld [tilespmem:s24+$0x4100];
	v30 =	vcvt.f32.s32 v30;
	vm1 =	vlt.s32 v29, $0x7F;
	v28 =	vadd.s32 v2, v28  }
0x7f: {  	v31 =	vcvt.s32.f32 v31;
	v29 =	vnsel vm1, $0x7F, v29  }
0x80: {  	v34 =	vld [tilespmem:s3+$0x4000];
	vm1 =	vlt.s32 v30, $0x7F;
	v29 =	vadd.s32 v3, v29  }
0x81: {  	v32 =	vcvt.s32.f32 v32;
	v30 =	vnsel vm1, $0x7F, v30;
	[tilespmem:v27+s29+$0x0] =	vst.idx.add.f32.msk $0xff, v31  }
0x82: {  	v30 =	vadd.s32 v4, v30;
	[tilespmem:v27+s29+$0x0] =	vst.idx.add.f32.msk vm0, v31  }
0x83: {  	v27 =	vcvt.s32.f32 v33;
	[tilespmem:v28+s29+$0x0] =	vst.idx.add.f32.msk $0xff, v32  }
0x84: {  	s3 =	simm.s32 $0x1;
	[tilespmem:v28+s29+$0x0] =	vst.idx.add.f32.msk vm0, v32  }
0x85: {  	s3 =	simm.s32 @!p0 $0x0;
	v41 =	vcvt.s32.f32 v34;
	[tilespmem:v29+s29+$0x0] =	vst.idx.add.f32.msk $0xff, v27  }
0x86: {  	s3 =	sshll.u32 s3, $0x6;
	[tilespmem:v29+s29+$0x0] =	vst.idx.add.f32.msk vm0, v27  }
0x87: {  	s3 =	sadd.s32 s3, s1;
	[tilespmem:v30+s29+$0x0] =	vst.idx.add.f32.msk $0xff, v41  }
0x88: {  	s25 =	sor.u32 $0x200, s3;
	[tilespmem:v30+s29+$0x0] =	vst.idx.add.f32.msk vm0, v41  }
0x89: {  	v27 =	vld [tilespmem:s25+$0x0]  }
0x8a: {  	s5 =	sor.u32 $0x280, s3  }
0x8b: {  	v28 =	vld [tilespmem:s5+$0x0]  }
0x8c: {  	s7 =	sor.u32 $0x300, s3  }
0x8d: {  	v29 =	vld [tilespmem:s7+$0x0]  }
0x8e: {  	s8 =	sor.u32 $0x380, s0;
	v27 =	vmul.f32 $1.280000000e+02, v27  }
0x8f: {  	v30 =	vld [tilespmem:s8+$0x0]  }
0x90: {  	v28 =	vmul.f32 $1.280000000e+02, v28;
	v27 =	vtrunc.f32 v27  }
0x91: {  	v27 =	vcvt.f32.s32 v27  }
0x92: {  	v29 =	vmul.f32 $1.280000000e+02, v29;
	v28 =	vtrunc.f32 v28  }
0x93: {  	v31 =	vld [tilespmem:s25+$0x4000];
	v28 =	vcvt.f32.s32 v28;
	vm1 =	vlt.s32 v27, $0x7F  }
0x94: {  	v30 =	vmul.f32 $1.280000000e+02, v30;
	v29 =	vtrunc.f32 v29;
	v27 =	vnsel vm1, $0x7F, v27  }
0x95: {  	v32 =	vld [tilespmem:s5+$0x4000];
	v29 =	vcvt.f32.s32 v29;
	vm1 =	vlt.s32 v28, $0x7F;
	v27 =	vadd.s32 v5, v27  }
0x96: {  	v30 =	vtrunc.f32 v30;
	v28 =	vnsel vm1, $0x7F, v28  }
0x97: {  	v42 =	vld [tilespmem:s7+$0x4000];
	v30 =	vcvt.f32.s32 v30;
	vm1 =	vlt.s32 v29, $0x7F;
	v28 =	vadd.s32 v6, v28  }
0x98: {  	v31 =	vcvt.s32.f32 v31;
	v29 =	vnsel vm1, $0x7F, v29  }
0x99: {  	v43 =	vld [tilespmem:s8+$0x4000];
	vm1 =	vlt.s32 v30, $0x7F;
	v29 =	vadd.s32 v7, v29  }
0x9a: {  	v32 =	vcvt.s32.f32 v32;
	v30 =	vnsel vm1, $0x7F, v30;
	[tilespmem:v27+s29+$0x0] =	vst.idx.add.f32.msk $0xff, v31  }
0x9b: {  	v30 =	vadd.s32 v8, v30;
	[tilespmem:v27+s29+$0x0] =	vst.idx.add.f32.msk vm0, v31  }
0x9c: {  	v27 =	vcvt.s32.f32 v42;
	[tilespmem:v28+s29+$0x0] =	vst.idx.add.f32.msk $0xff, v32  }
0x9d: {  	[tilespmem:v28+s29+$0x0] =	vst.idx.add.f32.msk vm0, v32  }
0x9e: {  	v44 =	vcvt.s32.f32 v43;
	[tilespmem:v29+s29+$0x0] =	vst.idx.add.f32.msk $0xff, v27  }
0x9f: {  	[tilespmem:v29+s29+$0x0] =	vst.idx.add.f32.msk vm0, v27  }
0xa0: {  	[tilespmem:v30+s29+$0x0] =	vst.idx.add.f32.msk $0xff, v44  }
0xa1: {  	[tilespmem:v30+s29+$0x0] =	vst.idx.add.f32.msk vm0, v44  }
0xa2: {  	v27 =	vld [tilespmem:s24+$0x1000];
	_ =	sdelay $0x1  }
0xa3: {  	v28 =	vld [tilespmem:s24+$0x1080];
	_ =	sdelay $0x1  }
0xa4: {  	v29 =	vld [tilespmem:s24+$0x1100]  }
0xa5: {  	s8 =	sor.u32 $0x1180, s4;
	v27 =	vmul.f32 $1.280000000e+02, v27  }
0xa6: {  	v30 =	vld [tilespmem:s8+$0x0]  }
0xa7: {  	v28 =	vmul.f32 $1.280000000e+02, v28;
	v27 =	vtrunc.f32 v27  }
0xa8: {  	v27 =	vcvt.f32.s32 v27  }
0xa9: {  	v29 =	vmul.f32 $1.280000000e+02, v29;
	v28 =	vtrunc.f32 v28  }
0xaa: {  	v31 =	vld [tilespmem:s24+$0x5000];
	v28 =	vcvt.f32.s32 v28;
	vm1 =	vlt.s32 v27, $0x7F  }
0xab: {  	v30 =	vmul.f32 $1.280000000e+02, v30;
	v29 =	vtrunc.f32 v29;
	v27 =	vnsel vm1, $0x7F, v27  }
0xac: {  	v32 =	vld [tilespmem:s24+$0x5080];
	v29 =	vcvt.f32.s32 v29;
	vm1 =	vlt.s32 v28, $0x7F;
	v27 =	vadd.s32 v9, v27  }
0xad: {  	v30 =	vtrunc.f32 v30;
	v28 =	vnsel vm1, $0x7F, v28  }
0xae: {  	v45 =	vld [tilespmem:s24+$0x5100];
	v30 =	vcvt.f32.s32 v30;
	vm1 =	vlt.s32 v29, $0x7F;
	v28 =	vadd.s32 v10, v28  }
0xaf: {  	v31 =	vcvt.s32.f32 v31;
	v29 =	vnsel vm1, $0x7F, v29  }
0xb0: {  	v46 =	vld [tilespmem:s8+$0x4000];
	vm1 =	vlt.s32 v30, $0x7F;
	v29 =	vadd.s32 v11, v29  }
0xb1: {  	v32 =	vcvt.s32.f32 v32;
	v30 =	vnsel vm1, $0x7F, v30;
	[tilespmem:v27+s29+$0x0] =	vst.idx.add.f32.msk $0xff, v31  }
0xb2: {  	v30 =	vadd.s32 v12, v30;
	[tilespmem:v27+s29+$0x0] =	vst.idx.add.f32.msk vm0, v31  }
0xb3: {  	v27 =	vcvt.s32.f32 v45;
	[tilespmem:v28+s29+$0x0] =	vst.idx.add.f32.msk $0xff, v32  }
0xb4: {  	[tilespmem:v28+s29+$0x0] =	vst.idx.add.f32.msk vm0, v32  }
0xb5: {  	v47 =	vcvt.s32.f32 v46;
	[tilespmem:v29+s29+$0x0] =	vst.idx.add.f32.msk $0xff, v27  }
0xb6: {  	[tilespmem:v29+s29+$0x0] =	vst.idx.add.f32.msk vm0, v27  }
0xb7: {  	[tilespmem:v30+s29+$0x0] =	vst.idx.add.f32.msk $0xff, v47  }
0xb8: {  	s5 =	sor.u32 $0x1200, s3;
	[tilespmem:v30+s29+$0x0] =	vst.idx.add.f32.msk vm0, v47  }
0xb9: {  	v27 =	vld [tilespmem:s5+$0x0];
	_ =	sdelay $0x1  }
0xba: {  	s7 =	sor.u32 $0x1280, s3  }
0xbb: {  	v28 =	vld [tilespmem:s7+$0x0]  }
0xbc: {  	s8 =	sor.u32 $0x1300, s3  }
0xbd: {  	v29 =	vld [tilespmem:s8+$0x0];
	v27 =	vmul.f32 $1.280000000e+02, v27  }
0xbe: {  	s25 =	sor.u32 $0x1380, s0  }
0xbf: {  	v30 =	vld [tilespmem:s25+$0x0];
	v27 =	vtrunc.f32 v27  }
0xc0: {  	v28 =	vmul.f32 $1.280000000e+02, v28;
	v27 =	vcvt.f32.s32 v27  }
0xc1: {  	v31 =	vld [tilespmem:s5+$0x4000]  }
0xc2: {  	v51 =	vld [tilespmem:s24+$0x10];
	v29 =	vmul.f32 $1.280000000e+02, v29;
	v28 =	vtrunc.f32 v28;
	vm1 =	vlt.s32 v27, $0x7F  }
0xc3: {  	v53 =	vld [tilespmem:s24+$0x90];
	v28 =	vcvt.f32.s32 v28;
	v27 =	vnsel vm1, $0x7F, v27  }
0xc4: {  	v54 =	vld [tilespmem:s24+$0x110];
	v30 =	vmul.f32 $1.280000000e+02, v30;
	v29 =	vtrunc.f32 v29;
	v27 =	vadd.s32 v13, v27  }
0xc5: {  	v32 =	vld [tilespmem:s7+$0x4000];
	v29 =	vcvt.f32.s32 v29;
	vm1 =	vlt.s32 v28, $0x7F  }
0xc6: {  	v55 =	vld [tilespmem:s24+$0x190];
	v31 =	vcvt.s32.f32 v31;
	v30 =	vtrunc.f32 v30;
	v28 =	vnsel vm1, $0x7F, v28  }
0xc7: {  	v48 =	vld [tilespmem:s8+$0x4000];
	v30 =	vcvt.f32.s32 v30;
	vm1 =	vlt.s32 v29, $0x7F;
	v28 =	vadd.s32 v14, v28  }
0xc8: {  	v49 =	vld [tilespmem:s25+$0x4000];
	v29 =	vnsel vm1, $0x7F, v29  }
0xc9: {  	vm1 =	vlt.s32 v30, $0x7F;
	v29 =	vadd.s32 v15, v29;
	[tilespmem:v27+s29+$0x0] =	vst.idx.add.f32.msk $0xff, v31  }
0xca: {  	v32 =	vcvt.s32.f32 v32;
	[tilespmem:v27+s29+$0x0] =	vst.idx.add.f32.msk vm0, v31;
	v27 =	vnsel vm1, $0x7F, v30  }
0xcb: {  	v57 =	vld [tilespmem:s24+$0x4010];
	v27 =	vadd.s32 v16, v27  }
0xcc: {  	v50 =	vcvt.s32.f32 v48;
	[tilespmem:v28+s29+$0x0] =	vst.idx.add.f32.msk $0xff, v32  }
0xcd: {  	[tilespmem:v28+s29+$0x0] =	vst.idx.add.f32.msk vm0, v32  }
0xce: {  	v52 =	vcvt.s32.f32 v49;
	[tilespmem:v29+s29+$0x0] =	vst.idx.add.f32.msk $0xff, v50  }
0xcf: {  	[tilespmem:v29+s29+$0x0] =	vst.idx.add.f32.msk vm0, v50  }
0xd0: {  	[tilespmem:v27+s29+$0x0] =	vst.idx.add.f32.msk $0xff, v52  }
0xd1: {  	[tilespmem:v27+s29+$0x0] =	vst.idx.add.f32.msk vm0, v52;
	v27 =	vmul.f32 $1.280000000e+02, v51  }
0xd2: {  	v36 =	vld [tilespmem:s24+$0x4090]  }
0xd3: {  	v38 =	vld [tilespmem:s24+$0x4110];
	v29 =	vmul.f32 $1.280000000e+02, v53;
	v27 =	vtrunc.f32 v27  }
0xd4: {  	v40 =	vld [tilespmem:s24+$0x4190];
	v27 =	vcvt.f32.s32 v27  }
0xd5: {  	v30 =	vmul.f32 $1.280000000e+02, v54;
	v29 =	vtrunc.f32 v29;
	v31 =	vld [tilespmem:s24+$0x2000]  }
0xd6: {  	v29 =	vcvt.f32.s32 v29;
	v32 =	vld [tilespmem:s24+$0x2080];
	vm1 =	vlt.s32 v27, $0x7F  }
0xd7: {  	s25 =	sor.u32 $0x2180, s4;
	v30 =	vtrunc.f32 v30;
	v28 =	vmul.f32 $1.280000000e+02, v55;
	v56 =	vld [tilespmem:s24+$0x2100];
	v27 =	vnsel vm1, $0x7F, v27  }
0xd8: {  	v30 =	vcvt.f32.s32 v30;
	v35 =	vld [tilespmem:s25+$0x0];
	vm1 =	vlt.s32 v29, $0x7F;
	v27 =	vadd.s32 v0, v27  }
0xd9: {  	v28 =	vtrunc.f32 v28;
	v37 =	vld [tilespmem:s24+$0x6000];
	v29 =	vnsel vm1, $0x7F, v29  }
0xda: {  	v28 =	vcvt.f32.s32 v28;
	v39 =	vld [tilespmem:s24+$0x6080];
	vm1 =	vlt.s32 v30, $0x7F;
	v29 =	vadd.s32 v2, v29  }
0xdb: {  	v34 =	vcvt.s32.f32 v57;
	v62 =	vld [tilespmem:s24+$0x6100];
	v30 =	vnsel vm1, $0x7F, v30  }
0xdc: {  	v63 =	vld [tilespmem:s25+$0x4000];
	vm1 =	vlt.s32 v28, $0x7F;
	v30 =	vadd.s32 v3, v30  }
0xdd: {  	v36 =	vcvt.s32.f32 v36;
	v28 =	vnsel vm1, $0x7F, v28;
	[tilespmem:v27+s29+$0x0] =	vst.idx.add.f32.msk $0xff, v34  }
0xde: {  	v28 =	vadd.s32 v4, v28;
	[tilespmem:v27+s29+$0x0] =	vst.idx.add.f32.msk vm0, v34  }
0xdf: {  	v58 =	vcvt.s32.f32 v38;
	v31 =	vmul.f32 $1.280000000e+02, v31;
	[tilespmem:v29+s29+$0x0] =	vst.idx.add.f32.msk $0xff, v36  }
0xe0: {  	[tilespmem:v29+s29+$0x0] =	vst.idx.add.f32.msk vm0, v36  }
0xe1: {  	v60 =	vcvt.s32.f32 v40;
	v27 =	vtrunc.f32 v31;
	[tilespmem:v30+s29+$0x0] =	vst.idx.add.f32.msk $0xff, v58  }
0xe2: {  	v27 =	vcvt.f32.s32 v27;
	[tilespmem:v30+s29+$0x0] =	vst.idx.add.f32.msk vm0, v58  }
0xe3: {  	s4 =	sadd.s32 $0x10, s3;
	v59 =	vmul.f32 $1.280000000e+02, v32;
	[tilespmem:v28+s29+$0x0] =	vst.idx.add.f32.msk $0xff, v60  }
0xe4: {  	s7 =	sor.u32 $0x200, s4;
	vm1 =	vlt.s32 v27, $0x7F;
	[tilespmem:v28+s29+$0x0] =	vst.idx.add.f32.msk vm0, v60  }
0xe5: {  	s8 =	sor.u32 $0x280, s4;
	v61 =	vmul.f32 $1.280000000e+02, v56;
	v29 =	vtrunc.f32 v59;
	v27 =	vnsel vm1, $0x7F, v27;
	v28 =	vld [tilespmem:s7+$0x0]  }
0xe6: {  	s5 =	sor.u32 $0x300, s4;
	v40 =	vmul.f32 $1.280000000e+02, v35;
	v29 =	vcvt.f32.s32 v29;
	v27 =	vadd.s32 v17, v27;
	v32 =	vld [tilespmem:s8+$0x0]  }
0xe7: {  	s25 =	sor.u32 $0x380, s4;
	v30 =	vtrunc.f32 v61;
	v36 =	vld [tilespmem:s5+$0x0]  }
0xe8: {  	v34 =	vtrunc.f32 v40;
	vm1 =	vlt.s32 v29, $0x7F;
	v30 =	vcvt.f32.s32 v30;
	v43 =	vld [tilespmem:s25+$0x0]  }
0xe9: {  	v41 =	vcvt.s32.f32 v37;
	v34 =	vcvt.f32.s32 v34;
	v29 =	vnsel vm1, $0x7F, v29;
	v47 =	vld [tilespmem:s7+$0x4000]  }
0xea: {  	v29 =	vadd.s32 v18, v29;
	vm1 =	vlt.s32 v30, $0x7F;
	v49 =	vld [tilespmem:s8+$0x4000];
	v28 =	vmul.f32 $1.280000000e+02, v28  }
0xeb: {  	v42 =	vcvt.s32.f32 v39;
	v30 =	vnsel vm1, $0x7F, v30;
	vm1 =	vlt.s32 v34, $0x7F;
	[tilespmem:v27+s29+$0x0] =	vst.idx.add.f32.msk $0xff, v41  }
0xec: {  	v30 =	vadd.s32 v19, v30;
	[tilespmem:v27+s29+$0x0] =	vst.idx.add.f32.msk vm0, v41;
	v44 =	vmul.f32 $1.280000000e+02, v32;
	v27 =	vtrunc.f32 v28  }
0xed: {  	v33 =	vcvt.s32.f32 v63;
	v51 =	vld [tilespmem:s5+$0x4000];
	v45 =	vnsel vm1, $0x7F, v34;
	v27 =	vcvt.f32.s32 v27  }
0xee: {  	v52 =	vld [tilespmem:s25+$0x4000];
	v46 =	vmul.f32 $1.280000000e+02, v36;
	v32 =	vadd.s32 v20, v45;
	v28 =	vtrunc.f32 v44  }
0xef: {  	v31 =	vcvt.s32.f32 v62;
	[tilespmem:v29+s29+$0x0] =	vst.idx.add.f32.msk $0xff, v42;
	v28 =	vcvt.f32.s32 v28;
	vm1 =	vlt.s32 v27, $0x7F  }
0xf0: {  	v48 =	vmul.f32 $1.280000000e+02, v43;
	[tilespmem:v29+s29+$0x0] =	vst.idx.add.f32.msk vm0, v42;
	v29 =	vtrunc.f32 v46;
	v27 =	vnsel vm1, $0x7F, v27  }
0xf1: {  	[tilespmem:v30+s29+$0x0] =	vst.idx.add.f32.msk $0xff, v31;
	v29 =	vcvt.f32.s32 v29;
	vm1 =	vlt.s32 v28, $0x7F;
	v27 =	vadd.s32 v5, v27  }
0xf2: {  	v50 =	vtrunc.f32 v48;
	[tilespmem:v30+s29+$0x0] =	vst.idx.add.f32.msk vm0, v31;
	v28 =	vnsel vm1, $0x7F, v28  }
0xf3: {  	v30 =	vcvt.f32.s32 v50;
	[tilespmem:v32+s29+$0x0] =	vst.idx.add.f32.msk $0xff, v33;
	vm1 =	vlt.s32 v29, $0x7F;
	v28 =	vadd.s32 v6, v28  }
0xf4: {  	s5 =	sor.u32 $0x2200, s3;
	v34 =	vcvt.s32.f32 v47;
	[tilespmem:v32+s29+$0x0] =	vst.idx.add.f32.msk vm0, v33;
	v29 =	vnsel vm1, $0x7F, v29  }
0xf5: {  	v54 =	vld [tilespmem:s5+$0x0];
	vm1 =	vlt.s32 v30, $0x7F;
	v29 =	vadd.s32 v7, v29  }
0xf6: {  	v36 =	vcvt.s32.f32 v49;
	v30 =	vnsel vm1, $0x7F, v30;
	[tilespmem:v27+s29+$0x0] =	vst.idx.add.f32.msk $0xff, v34  }
0xf7: {  	v30 =	vadd.s32 v8, v30;
	[tilespmem:v27+s29+$0x0] =	vst.idx.add.f32.msk vm0, v34  }
0xf8: {  	v27 =	vcvt.s32.f32 v51;
	[tilespmem:v28+s29+$0x0] =	vst.idx.add.f32.msk $0xff, v36  }
0xf9: {  	[tilespmem:v28+s29+$0x0] =	vst.idx.add.f32.msk vm0, v36  }
0xfa: {  	v53 =	vcvt.s32.f32 v52;
	[tilespmem:v29+s29+$0x0] =	vst.idx.add.f32.msk $0xff, v27  }
0xfb: {  	[tilespmem:v29+s29+$0x0] =	vst.idx.add.f32.msk vm0, v27  }
0xfc: {  	[tilespmem:v30+s29+$0x0] =	vst.idx.add.f32.msk $0xff, v53  }
0xfd: {  	[tilespmem:v30+s29+$0x0] =	vst.idx.add.f32.msk vm0, v53  }
0xfe: {  	s7 =	sor.u32 $0x2280, s3;
	v27 =	vld [tilespmem:s24+$0x1010]  }
0xff: {  	v55 =	vld [tilespmem:s7+$0x0]  }
0x100: {  	v28 =	vld [tilespmem:s24+$0x1090]  }
0x101: {  	v30 =	vld [tilespmem:s24+$0x1110]  }
0x102: {  	v29 =	vmul.f32 $1.280000000e+02, v54;
	v56 =	vld [tilespmem:s24+$0x1190]  }
0x103: {  	v27 =	vmul.f32 $1.280000000e+02, v27  }
0x104: {  	s8 =	sor.u32 $0x2300, s3;
	v31 =	vmul.f32 $1.280000000e+02, v55;
	v29 =	vtrunc.f32 v29  }
0x105: {  	s25 =	sor.u32 $0x2380, s0;
	v33 =	vld [tilespmem:s8+$0x0];
	v28 =	vmul.f32 $1.280000000e+02, v28;
	v27 =	vtrunc.f32 v27  }
0x106: {  	v57 =	vld [tilespmem:s25+$0x0];
	v30 =	vmul.f32 $1.280000000e+02, v30;
	v27 =	vcvt.f32.s32 v27  }
0x107: {  	v58 =	vld [tilespmem:s5+$0x4000];
	v32 =	vmul.f32 $1.280000000e+02, v56;
	v28 =	vtrunc.f32 v28  }
0x108: {  	v36 =	vld [tilespmem:s24+$0x5010];
	v30 =	vtrunc.f32 v30;
	v28 =	vcvt.f32.s32 v28;
	vm1 =	vlt.s32 v27, $0x7F  }
0x109: {  	v37 =	vld [tilespmem:s7+$0x4000];
	v32 =	vtrunc.f32 v32;
	v30 =	vcvt.f32.s32 v30;
	v27 =	vnsel vm1, $0x7F, v27  }
0x10a: {  	v59 =	vld [tilespmem:s24+$0x5090];
	v32 =	vcvt.f32.s32 v32;
	vm1 =	vlt.s32 v28, $0x7F;
	v27 =	vadd.s32 v9, v27  }
0x10b: {  	v60 =	vld [tilespmem:s8+$0x4000];
	v29 =	vcvt.f32.s32 v29;
	v28 =	vnsel vm1, $0x7F, v28;
	vm1 =	vlt.s32 v30, $0x7F  }
0x10c: {  	v61 =	vld [tilespmem:s24+$0x5110];
	v28 =	vadd.s32 v10, v28;
	v30 =	vnsel vm1, $0x7F, v30;
	vm1 =	vlt.s32 v32, $0x7F  }
0x10d: {  	v41 =	vld [tilespmem:s25+$0x4000];
	v36 =	vcvt.s32.f32 v36;
	v32 =	vnsel vm1, $0x7F, v32;
	vm1 =	vlt.s32 v29, $0x7F  }
0x10e: {  	v31 =	vtrunc.f32 v31;
	v42 =	vld [tilespmem:s24+$0x5190];
	v30 =	vadd.s32 v11, v30;
	v29 =	vnsel vm1, $0x7F, v29  }
0x10f: {  	v63 =	vcvt.f32.s32 v31;
	v38 =	vcvt.s32.f32 v59;
	v62 =	vadd.s32 v21, v29;
	[tilespmem:v27+s29+$0x0] =	vst.idx.add.f32.msk $0xff, v36  }
0x110: {  	[tilespmem:v27+s29+$0x0] =	vst.idx.add.f32.msk vm0, v36  }
0x111: {  	vm1 =	vlt.s32 v63, $0x7F;
	v27 =	vcvt.s32.f32 v61;
	[tilespmem:v28+s29+$0x0] =	vst.idx.add.f32.msk $0xff, v38  }
0x112: {  	v40 =	vcvt.s32.f32 v58;
	v32 =	vadd.s32 v12, v32;
	v29 =	vnsel vm1, $0x7F, v63;
	[tilespmem:v28+s29+$0x0] =	vst.idx.add.f32.msk vm0, v38  }
0x113: {  	v29 =	vadd.s32 v22, v29;
	[tilespmem:v30+s29+$0x0] =	vst.idx.add.f32.msk $0xff, v27  }
0x114: {  	[tilespmem:v62+s29+$0x0] =	vst.idx.add.f32.msk $0xff, v40  }
0x115: {  	v36 =	vcvt.s32.f32 v42;
	[tilespmem:v30+s29+$0x0] =	vst.idx.add.f32.msk vm0, v27  }
0x116: {  	v42 =	vcvt.s32.f32 v37;
	[tilespmem:v62+s29+$0x0] =	vst.idx.add.f32.msk vm0, v40  }
0x117: {  	v33 =	vmul.f32 $1.280000000e+02, v33;
	[tilespmem:v32+s29+$0x0] =	vst.idx.add.f32.msk $0xff, v36  }
0x118: {  	[tilespmem:v29+s29+$0x0] =	vst.idx.add.f32.msk $0xff, v42  }
0x119: {  	v33 =	vtrunc.f32 v33;
	[tilespmem:v32+s29+$0x0] =	vst.idx.add.f32.msk vm0, v36  }
0x11a: {  	s5 =	sor.u32 $0x1200, s4;
	v27 =	vcvt.f32.s32 v33;
	[tilespmem:v29+s29+$0x0] =	vst.idx.add.f32.msk vm0, v42  }
0x11b: {  	s7 =	sor.u32 $0x1280, s4;
	v31 =	vld [tilespmem:s5+$0x0]  }
0x11c: {  	s8 =	sor.u32 $0x1300, s4;
	v38 =	vmul.f32 $1.280000000e+02, v57;
	vm1 =	vlt.s32 v27, $0x7F;
	v32 =	vld [tilespmem:s7+$0x0]  }
0x11d: {  	s25 =	sor.u32 $0x1380, s4;
	v27 =	vnsel vm1, $0x7F, v27;
	v43 =	vld [tilespmem:s8+$0x0]  }
0x11e: {  	v30 =	vtrunc.f32 v38;
	v45 =	vld [tilespmem:s25+$0x0];
	v27 =	vadd.s32 v23, v27  }
0x11f: {  	v30 =	vcvt.f32.s32 v30;
	v49 =	vld [tilespmem:s5+$0x4000]  }
0x120: {  	v51 =	vld [tilespmem:s7+$0x4000];
	v31 =	vmul.f32 $1.280000000e+02, v31  }
0x121: {  	v44 =	vcvt.s32.f32 v60;
	vm1 =	vlt.s32 v30, $0x7F;
	v53 =	vld [tilespmem:s8+$0x4000]  }
0x122: {  	v55 =	vld [tilespmem:s25+$0x4000];
	v30 =	vnsel vm1, $0x7F, v30;
	v47 =	vmul.f32 $1.280000000e+02, v32;
	v46 =	vtrunc.f32 v31  }
0x123: {  	v30 =	vadd.s32 v24, v30;
	v28 =	vmul.f32 $1.280000000e+02, v43;
	[tilespmem:v27+s29+$0x0] =	vst.idx.add.f32.msk $0xff, v44;
	v29 =	vcvt.f32.s32 v46  }
0x124: {  	v50 =	vmul.f32 $1.280000000e+02, v45;
	[tilespmem:v27+s29+$0x0] =	vst.idx.add.f32.msk vm0, v44;
	v27 =	vtrunc.f32 v47  }
0x125: {  	v48 =	vcvt.s32.f32 v41;
	v43 =	vld [tilespmem:s24+$0x20];
	v27 =	vcvt.f32.s32 v27;
	vm1 =	vlt.s32 v29, $0x7F  }
0x126: {  	v28 =	vtrunc.f32 v28;
	v52 =	vtrunc.f32 v50;
	v44 =	vld [tilespmem:s24+$0xA0];
	v29 =	vnsel vm1, $0x7F, v29  }
0x127: {  	v50 =	vld [tilespmem:s24+$0x4020];
	v28 =	vcvt.f32.s32 v28;
	vm1 =	vlt.s32 v27, $0x7F;
	v29 =	vadd.s32 v13, v29  }
0x128: {  	[tilespmem:v30+s29+$0x0] =	vst.idx.add.f32.msk $0xff, v48;
	v27 =	vnsel vm1, $0x7F, v27  }
0x129: {  	[tilespmem:v30+s29+$0x0] =	vst.idx.add.f32.msk vm0, v48;
	v30 =	vcvt.f32.s32 v52;
	vm1 =	vlt.s32 v28, $0x7F;
	v27 =	vadd.s32 v14, v27  }
0x12a: {  	v31 =	vcvt.s32.f32 v49;
	v46 =	vld [tilespmem:s24+$0x120];
	v28 =	vnsel vm1, $0x7F, v28  }
0x12b: {  	v54 =	vld [tilespmem:s24+$0x3000];
	vm1 =	vlt.s32 v30, $0x7F;
	v28 =	vadd.s32 v15, v28  }
0x12c: {  	v34 =	vcvt.s32.f32 v51;
	v30 =	vnsel vm1, $0x7F, v30;
	[tilespmem:v29+s29+$0x0] =	vst.idx.add.f32.msk $0xff, v31  }
0x12d: {  	v30 =	vadd.s32 v16, v30;
	[tilespmem:v29+s29+$0x0] =	vst.idx.add.f32.msk vm0, v31  }
0x12e: {  	v56 =	vcvt.s32.f32 v53;
	[tilespmem:v27+s29+$0x0] =	vst.idx.add.f32.msk $0xff, v34  }
0x12f: {  	[tilespmem:v27+s29+$0x0] =	vst.idx.add.f32.msk vm0, v34  }
0x130: {  	v27 =	vcvt.s32.f32 v55;
	[tilespmem:v28+s29+$0x0] =	vst.idx.add.f32.msk $0xff, v56  }
0x131: {  	[tilespmem:v28+s29+$0x0] =	vst.idx.add.f32.msk vm0, v56  }
0x132: {  	[tilespmem:v30+s29+$0x0] =	vst.idx.add.f32.msk $0xff, v27  }
0x133: {  	[tilespmem:v30+s29+$0x0] =	vst.idx.add.f32.msk vm0, v27  }
0x134: {  	v27 =	vld [tilespmem:s24+$0x2010]  }
0x135: {  	v48 =	vld [tilespmem:s24+$0x1A0]  }
0x136: {  	v57 =	vmul.f32 $1.280000000e+02, v54;
	v29 =	vld [tilespmem:s24+$0x2090]  }
0x137: {  	v52 =	vld [tilespmem:s24+$0x40A0]  }
0x138: {  	v58 =	vld [tilespmem:s24+$0x7000];
	v28 =	vtrunc.f32 v57  }
0x139: {  	v28 =	vcvt.f32.s32 v28;
	v30 =	vld [tilespmem:s24+$0x2110];
	v27 =	vmul.f32 $1.280000000e+02, v27  }
0x13a: {  	v45 =	vmul.f32 $1.280000000e+02, v43;
	v59 =	vld [tilespmem:s24+$0x2190]  }
0x13b: {  	v43 =	vld [tilespmem:s24+$0x41A0];
	vm1 =	vlt.s32 v28, $0x7F;
	v29 =	vmul.f32 $1.280000000e+02, v29;
	v27 =	vtrunc.f32 v27  }
0x13c: {  	v54 =	vld [tilespmem:s24+$0x4120];
	v28 =	vnsel vm1, $0x7F, v28;
	v27 =	vcvt.f32.s32 v27  }
0x13d: {  	v34 =	vld [tilespmem:s24+$0x6010];
	v60 =	vadd.s32 v25, v28;
	v29 =	vtrunc.f32 v29  }
0x13e: {  	v36 =	vld [tilespmem:s24+$0x6090];
	v30 =	vmul.f32 $1.280000000e+02, v30;
	v29 =	vcvt.f32.s32 v29;
	vm1 =	vlt.s32 v27, $0x7F  }
0x13f: {  	v62 =	vld [tilespmem:s24+$0x6110];
	v32 =	vmul.f32 $1.280000000e+02, v59;
	v61 =	vnsel vm1, $0x7F, v27  }
0x140: {  	v39 =	vld [tilespmem:s24+$0x6190];
	v30 =	vtrunc.f32 v30;
	vm1 =	vlt.s32 v29, $0x7F;
	v35 =	vadd.s32 v17, v61  }
0x141: {  	v31 =	vcvt.s32.f32 v58;
	v28 =	vld [tilespmem:s24+$0x3080];
	v30 =	vcvt.f32.s32 v30;
	v29 =	vnsel vm1, $0x7F, v29  }
0x142: {  	v32 =	vtrunc.f32 v32;
	v27 =	vld [tilespmem:s24+$0x7080];
	v29 =	vadd.s32 v18, v29  }
0x143: {  	v38 =	vcvt.s32.f32 v34;
	v63 =	vcvt.f32.s32 v32;
	[tilespmem:v60+s29+$0x0] =	vst.idx.add.f32.msk $0xff, v31;
	vm1 =	vlt.s32 v30, $0x7F  }
0x144: {  	[tilespmem:v60+s29+$0x0] =	vst.idx.add.f32.msk vm0, v31;
	v30 =	vnsel vm1, $0x7F, v30  }
0x145: {  	v40 =	vcvt.s32.f32 v36;
	vm1 =	vlt.s32 v63, $0x7F;
	v30 =	vadd.s32 v19, v30;
	[tilespmem:v35+s29+$0x0] =	vst.idx.add.f32.msk $0xff, v38  }
0x146: {  	v31 =	vnsel vm1, $0x7F, v63;
	[tilespmem:v35+s29+$0x0] =	vst.idx.add.f32.msk vm0, v38  }
0x147: {  	v31 =	vadd.s32 v20, v31;
	[tilespmem:v29+s29+$0x0] =	vst.idx.add.f32.msk $0xff, v40  }
0x148: {  	v41 =	vcvt.s32.f32 v62;
	[tilespmem:v29+s29+$0x0] =	vst.idx.add.f32.msk vm0, v40  }
0x149: {  	v40 =	vcvt.s32.f32 v52;
	v52 =	vld [tilespmem:s24+$0xB0]  }
0x14a: {  	v42 =	vcvt.s32.f32 v39;
	[tilespmem:v30+s29+$0x0] =	vst.idx.add.f32.msk $0xff, v41  }
0x14b: {  	[tilespmem:v30+s29+$0x0] =	vst.idx.add.f32.msk vm0, v41  }
0x14c: {  	[tilespmem:v31+s29+$0x0] =	vst.idx.add.f32.msk $0xff, v42  }
0x14d: {  	s7 =	sor.u32 $0x2200, s4;
	[tilespmem:v31+s29+$0x0] =	vst.idx.add.f32.msk vm0, v42  }
0x14e: {  	s8 =	sor.u32 $0x2280, s4;
	v31 =	vtrunc.f32 v45;
	v29 =	vld [tilespmem:s7+$0x0]  }
0x14f: {  	s25 =	sor.u32 $0x2300, s4;
	v30 =	vmul.f32 $1.280000000e+02, v44;
	v47 =	vld [tilespmem:s8+$0x0];
	v31 =	vcvt.f32.s32 v31  }
0x150: {  	v37 =	vcvt.s32.f32 v50;
	v32 =	vmul.f32 $1.280000000e+02, v46;
	v35 =	vld [tilespmem:s25+$0x0]  }
0x151: {  	v34 =	vmul.f32 $1.280000000e+02, v48;
	v30 =	vtrunc.f32 v30;
	v51 =	vld [tilespmem:s8+$0x4000];
	vm1 =	vlt.s32 v31, $0x7F  }
0x152: {  	s4 =	sor.u32 $0x2380, s4;
	v32 =	vtrunc.f32 v32;
	v30 =	vcvt.f32.s32 v30;
	v53 =	vld [tilespmem:s25+$0x4000];
	v31 =	vnsel vm1, $0x7F, v31  }
0x153: {  	v34 =	vtrunc.f32 v34;
	v32 =	vcvt.f32.s32 v32;
	v49 =	vld [tilespmem:s4+$0x0];
	v31 =	vadd.s32 v0, v31  }
0x154: {  	v56 =	vcvt.s32.f32 v54;
	v34 =	vcvt.f32.s32 v34;
	v38 =	vld [tilespmem:s7+$0x4000];
	vm1 =	vlt.s32 v30, $0x7F  }
0x155: {  	v55 =	vld [tilespmem:s4+$0x4000];
	v30 =	vnsel vm1, $0x7F, v30;
	vm1 =	vlt.s32 v32, $0x7F;
	v29 =	vmul.f32 $1.280000000e+02, v29  }
0x156: {  	v30 =	vadd.s32 v2, v30;
	v33 =	vmul.f32 $1.280000000e+02, v47;
	v63 =	vcvt.s32.f32 v51;
	v51 =	vld [tilespmem:s24+$0x30]  }
0x157: {  	v32 =	vnsel vm1, $0x7F, v32;
	v35 =	vmul.f32 $1.280000000e+02, v35;
	v42 =	vcvt.s32.f32 v53;
	v53 =	vld [tilespmem:s24+$0x130]  }
0x158: {  	v32 =	vadd.s32 v3, v32;
	v29 =	vtrunc.f32 v29;
	v33 =	vtrunc.f32 v33;
	[tilespmem:v31+s29+$0x0] =	vst.idx.add.f32.msk $0xff, v37  }
0x159: {  	vm1 =	vlt.s32 v34, $0x7F;
	v35 =	vtrunc.f32 v35;
	v29 =	vcvt.f32.s32 v29;
	[tilespmem:v31+s29+$0x0] =	vst.idx.add.f32.msk vm0, v37  }
0x15a: {  	v34 =	vnsel vm1, $0x7F, v34;
	v33 =	vcvt.f32.s32 v33;
	v31 =	vcvt.s32.f32 v55;
	v55 =	vld [tilespmem:s24+$0x1B0]  }
0x15b: {  	v34 =	vadd.s32 v4, v34;
	v59 =	vcvt.f32.s32 v35;
	vm1 =	vlt.s32 v29, $0x7F;
	[tilespmem:v30+s29+$0x0] =	vst.idx.add.f32.msk $0xff, v40  }
0x15c: {  	v29 =	vnsel vm1, $0x7F, v29;
	vm1 =	vlt.s32 v33, $0x7F;
	[tilespmem:v30+s29+$0x0] =	vst.idx.add.f32.msk vm0, v40  }
0x15d: {  	v57 =	vcvt.s32.f32 v43;
	v33 =	vnsel vm1, $0x7F, v33;
	vm1 =	vlt.s32 v59, $0x7F;
	[tilespmem:v32+s29+$0x0] =	vst.idx.add.f32.msk $0xff, v56  }
0x15e: {  	v29 =	vadd.s32 v21, v29;
	v58 =	vadd.s32 v22, v33;
	v33 =	vnsel vm1, $0x7F, v59;
	v59 =	vld [tilespmem:s24+$0x4030]  }
0x15f: {  	[tilespmem:v32+s29+$0x0] =	vst.idx.add.f32.msk vm0, v56  }
0x160: {  	s4 =	sadd.s32 $0x20, s3;
	[tilespmem:v34+s29+$0x0] =	vst.idx.add.f32.msk $0xff, v57  }
0x161: {  	s5 =	sor.u32 $0x200, s4;
	v61 =	vcvt.s32.f32 v38;
	[tilespmem:v34+s29+$0x0] =	vst.idx.add.f32.msk vm0, v57  }
0x162: {  	v30 =	vld [tilespmem:s5+$0x0]  }
0x163: {  	s7 =	sor.u32 $0x280, s4;
	[tilespmem:v29+s29+$0x0] =	vst.idx.add.f32.msk $0xff, v61  }
0x164: {  	s8 =	sor.u32 $0x300, s4;
	v40 =	vld [tilespmem:s7+$0x0]  }
0x165: {  	s25 =	sor.u32 $0x380, s4;
	v60 =	vmul.f32 $1.280000000e+02, v49;
	v44 =	vld [tilespmem:s8+$0x0]  }
0x166: {  	v45 =	vld [tilespmem:s25+$0x0]  }
0x167: {  	v62 =	vtrunc.f32 v60;
	v46 =	vld [tilespmem:s5+$0x4000]  }
0x168: {  	v33 =	vadd.s32 v23, v33;
	v34 =	vcvt.f32.s32 v62;
	v47 =	vld [tilespmem:s7+$0x4000];
	v30 =	vmul.f32 $1.280000000e+02, v30  }
0x169: {  	v49 =	vld [tilespmem:s8+$0x4000]  }
0x16a: {  	[tilespmem:v29+s29+$0x0] =	vst.idx.add.f32.msk vm0, v61;
	vm1 =	vlt.s32 v34, $0x7F;
	v29 =	vmul.f32 $1.280000000e+02, v40;
	v30 =	vtrunc.f32 v30  }
0x16b: {  	[tilespmem:v58+s29+$0x0] =	vst.idx.add.f32.msk $0xff, v63;
	v34 =	vnsel vm1, $0x7F, v34;
	v30 =	vcvt.f32.s32 v30  }
0x16c: {  	[tilespmem:v58+s29+$0x0] =	vst.idx.add.f32.msk vm0, v63;
	v43 =	vadd.s32 v24, v34;
	v29 =	vtrunc.f32 v29  }
0x16d: {  	[tilespmem:v33+s29+$0x0] =	vst.idx.add.f32.msk $0xff, v42;
	v34 =	vmul.f32 $1.280000000e+02, v44;
	v29 =	vcvt.f32.s32 v29;
	vm1 =	vlt.s32 v30, $0x7F  }
0x16e: {  	[tilespmem:v33+s29+$0x0] =	vst.idx.add.f32.msk vm0, v42;
	v33 =	vmul.f32 $1.280000000e+02, v45;
	v30 =	vnsel vm1, $0x7F, v30  }
0x16f: {  	v50 =	vld [tilespmem:s25+$0x4000];
	v48 =	vtrunc.f32 v34;
	vm1 =	vlt.s32 v29, $0x7F;
	v30 =	vadd.s32 v5, v30  }
0x170: {  	v61 =	vld [tilespmem:s24+$0x40B0];
	v32 =	vcvt.f32.s32 v48;
	v29 =	vnsel vm1, $0x7F, v29  }
0x171: {  	v63 =	vld [tilespmem:s24+$0x4130];
	v33 =	vtrunc.f32 v33;
	v29 =	vadd.s32 v6, v29  }
0x172: {  	v35 =	vcvt.s32.f32 v46;
	[tilespmem:v43+s29+$0x0] =	vst.idx.add.f32.msk $0xff, v31;
	v33 =	vcvt.f32.s32 v33;
	vm1 =	vlt.s32 v32, $0x7F  }
0x173: {  	v54 =	vmul.f32 $1.280000000e+02, v51;
	[tilespmem:v43+s29+$0x0] =	vst.idx.add.f32.msk vm0, v31;
	v32 =	vnsel vm1, $0x7F, v32  }
0x174: {  	v31 =	vcvt.s32.f32 v47;
	vm1 =	vlt.s32 v33, $0x7F;
	v32 =	vadd.s32 v7, v32;
	[tilespmem:v30+s29+$0x0] =	vst.idx.add.f32.msk $0xff, v35  }
0x175: {  	v33 =	vnsel vm1, $0x7F, v33;
	[tilespmem:v30+s29+$0x0] =	vst.idx.add.f32.msk vm0, v35  }
0x176: {  	v56 =	vtrunc.f32 v54;
	v57 =	vmul.f32 $1.280000000e+02, v52;
	v33 =	vadd.s32 v8, v33;
	[tilespmem:v29+s29+$0x0] =	vst.idx.add.f32.msk $0xff, v31  }
0x177: {  	v34 =	vcvt.s32.f32 v49;
	[tilespmem:v29+s29+$0x0] =	vst.idx.add.f32.msk vm0, v31;
	v29 =	vcvt.f32.s32 v56  }
0x178: {  	v40 =	vld [tilespmem:s24+$0x41B0];
	v30 =	vmul.f32 $1.280000000e+02, v53;
	v31 =	vtrunc.f32 v57  }
0x179: {  	v58 =	vcvt.s32.f32 v50;
	[tilespmem:v32+s29+$0x0] =	vst.idx.add.f32.msk $0xff, v34;
	v31 =	vcvt.f32.s32 v31;
	vm1 =	vlt.s32 v29, $0x7F  }
0x17a: {  	v60 =	vmul.f32 $1.280000000e+02, v55;
	v30 =	vtrunc.f32 v30;
	[tilespmem:v32+s29+$0x0] =	vst.idx.add.f32.msk vm0, v34;
	v29 =	vnsel vm1, $0x7F, v29  }
0x17b: {  	v30 =	vcvt.f32.s32 v30;
	[tilespmem:v33+s29+$0x0] =	vst.idx.add.f32.msk $0xff, v58;
	vm1 =	vlt.s32 v31, $0x7F;
	v29 =	vadd.s32 v0, v29  }
0x17c: {  	v62 =	vtrunc.f32 v60;
	[tilespmem:v33+s29+$0x0] =	vst.idx.add.f32.msk vm0, v58;
	v31 =	vnsel vm1, $0x7F, v31  }
0x17d: {  	vm1 =	vlt.s32 v30, $0x7F;
	v33 =	vcvt.f32.s32 v62;
	v31 =	vadd.s32 v2, v31;
	v35 =	vld [tilespmem:s24+$0x1020]  }
0x17e: {  	v32 =	vcvt.s32.f32 v59;
	v30 =	vnsel vm1, $0x7F, v30;
	v43 =	vld [tilespmem:s24+$0x10A0]  }
0x17f: {  	v47 =	vld [tilespmem:s24+$0x5020];
	v30 =	vadd.s32 v3, v30;
	vm1 =	vlt.s32 v33, $0x7F  }
0x180: {  	v36 =	vcvt.s32.f32 v61;
	v33 =	vnsel vm1, $0x7F, v33;
	[tilespmem:v29+s29+$0x0] =	vst.idx.add.f32.msk $0xff, v32  }
0x181: {  	v33 =	vadd.s32 v4, v33;
	[tilespmem:v29+s29+$0x0] =	vst.idx.add.f32.msk vm0, v32  }
0x182: {  	v41 =	vcvt.s32.f32 v63;
	[tilespmem:v31+s29+$0x0] =	vst.idx.add.f32.msk $0xff, v36  }
0x183: {  	[tilespmem:v31+s29+$0x0] =	vst.idx.add.f32.msk vm0, v36  }
0x184: {  	v42 =	vcvt.s32.f32 v40;
	[tilespmem:v30+s29+$0x0] =	vst.idx.add.f32.msk $0xff, v41  }
0x185: {  	[tilespmem:v30+s29+$0x0] =	vst.idx.add.f32.msk vm0, v41  }
0x186: {  	s3 =	sadd.s32 $0x30, s3;
	[tilespmem:v33+s29+$0x0] =	vst.idx.add.f32.msk $0xff, v42  }
0x187: {  	s5 =	sor.u32 $0x200, s3;
	[tilespmem:v33+s29+$0x0] =	vst.idx.add.f32.msk vm0, v42  }
0x188: {  	v29 =	vld [tilespmem:s5+$0x0]  }
0x189: {  	s7 =	sor.u32 $0x280, s3;
	v45 =	vld [tilespmem:s24+$0x1120]  }
0x18a: {  	s8 =	sor.u32 $0x300, s3;
	v44 =	vmul.f32 $1.280000000e+02, v35;
	v32 =	vld [tilespmem:s7+$0x0]  }
0x18b: {  	s25 =	sor.u32 $0x380, s3;
	v35 =	vcvt.s32.f32 v47;
	v46 =	vld [tilespmem:s8+$0x0]  }
0x18c: {  	v31 =	vtrunc.f32 v44;
	v30 =	vmul.f32 $1.280000000e+02, v43;
	v36 =	vld [tilespmem:s25+$0x0]  }
0x18d: {  	v31 =	vcvt.f32.s32 v31;
	v29 =	vmul.f32 $1.280000000e+02, v29  }
0x18e: {  	v55 =	vmul.f32 $1.280000000e+02, v45;
	v30 =	vtrunc.f32 v30  }
0x18f: {  	v48 =	vld [tilespmem:s24+$0x11A0];
	vm1 =	vlt.s32 v31, $0x7F;
	v32 =	vmul.f32 $1.280000000e+02, v32;
	v29 =	vtrunc.f32 v29  }
0x190: {  	v49 =	vld [tilespmem:s24+$0x50A0];
	v31 =	vnsel vm1, $0x7F, v31;
	v34 =	vmul.f32 $1.280000000e+02, v46;
	v29 =	vcvt.f32.s32 v29  }
0x191: {  	v50 =	vld [tilespmem:s24+$0x5120];
	v31 =	vadd.s32 v9, v31;
	v36 =	vmul.f32 $1.280000000e+02, v36;
	v32 =	vtrunc.f32 v32  }
0x192: {  	v51 =	vld [tilespmem:s5+$0x4000];
	v34 =	vtrunc.f32 v34;
	v32 =	vcvt.f32.s32 v32;
	vm1 =	vlt.s32 v29, $0x7F  }
0x193: {  	v52 =	vld [tilespmem:s24+$0x51A0];
	v36 =	vtrunc.f32 v36;
	v34 =	vcvt.f32.s32 v34;
	v29 =	vnsel vm1, $0x7F, v29  }
0x194: {  	v53 =	vld [tilespmem:s7+$0x4000];
	v36 =	vcvt.f32.s32 v36;
	vm1 =	vlt.s32 v32, $0x7F;
	v29 =	vadd.s32 v5, v29  }
0x195: {  	v54 =	vld [tilespmem:s8+$0x4000];
	v30 =	vcvt.f32.s32 v30;
	v32 =	vnsel vm1, $0x7F, v32;
	vm1 =	vlt.s32 v34, $0x7F  }
0x196: {  	v58 =	vld [tilespmem:s25+$0x4000];
	v32 =	vadd.s32 v6, v32;
	v56 =	vnsel vm1, $0x7F, v34;
	vm1 =	vlt.s32 v36, $0x7F  }
0x197: {  	[tilespmem:v31+s29+$0x0] =	vst.idx.add.f32.msk $0xff, v35;
	v57 =	vcvt.s32.f32 v51;
	v36 =	vnsel vm1, $0x7F, v36;
	vm1 =	vlt.s32 v30, $0x7F  }
0x198: {  	[tilespmem:v31+s29+$0x0] =	vst.idx.add.f32.msk vm0, v35;
	v33 =	vadd.s32 v7, v56;
	v30 =	vnsel vm1, $0x7F, v30  }
0x199: {  	v59 =	vcvt.s32.f32 v53;
	v31 =	vtrunc.f32 v55;
	v30 =	vadd.s32 v10, v30;
	[tilespmem:v29+s29+$0x0] =	vst.idx.add.f32.msk $0xff, v57  }
0x19a: {  	v60 =	vcvt.f32.s32 v31;
	[tilespmem:v29+s29+$0x0] =	vst.idx.add.f32.msk vm0, v57  }
0x19b: {  	v63 =	vcvt.s32.f32 v54;
	[tilespmem:v32+s29+$0x0] =	vst.idx.add.f32.msk $0xff, v59  }
0x19c: {  	v44 =	vcvt.s32.f32 v49;
	v61 =	vadd.s32 v8, v36;
	vm1 =	vlt.s32 v60, $0x7F;
	[tilespmem:v32+s29+$0x0] =	vst.idx.add.f32.msk vm0, v59  }
0x19d: {  	v29 =	vnsel vm1, $0x7F, v60;
	[tilespmem:v33+s29+$0x0] =	vst.idx.add.f32.msk $0xff, v63  }
0x19e: {  	v62 =	vmul.f32 $1.280000000e+02, v48;
	v29 =	vadd.s32 v11, v29;
	[tilespmem:v30+s29+$0x0] =	vst.idx.add.f32.msk $0xff, v44  }
0x19f: {  	v43 =	vcvt.s32.f32 v58;
	[tilespmem:v33+s29+$0x0] =	vst.idx.add.f32.msk vm0, v63  }
0x1a0: {  	v42 =	vtrunc.f32 v62;
	[tilespmem:v30+s29+$0x0] =	vst.idx.add.f32.msk vm0, v44  }
0x1a1: {  	v47 =	vcvt.s32.f32 v50;
	v32 =	vcvt.f32.s32 v42;
	[tilespmem:v61+s29+$0x0] =	vst.idx.add.f32.msk $0xff, v43  }
0x1a2: {  	[tilespmem:v61+s29+$0x0] =	vst.idx.add.f32.msk vm0, v43  }
0x1a3: {  	vm1 =	vlt.s32 v32, $0x7F;
	[tilespmem:v29+s29+$0x0] =	vst.idx.add.f32.msk $0xff, v47  }
0x1a4: {  	v45 =	vnsel vm1, $0x7F, v32;
	v46 =	vld [tilespmem:s24+$0x1030]  }
0x1a5: {  	v31 =	vadd.s32 v12, v45;
	v49 =	vld [tilespmem:s24+$0x10B0]  }
0x1a6: {  	[tilespmem:v29+s29+$0x0] =	vst.idx.add.f32.msk vm0, v47  }
0x1a7: {  	v51 =	vld [tilespmem:s24+$0x1130]  }
0x1a8: {  	v48 =	vcvt.s32.f32 v52;
	v53 =	vld [tilespmem:s24+$0x5030]  }
0x1a9: {  	v54 =	vld [tilespmem:s24+$0x11B0];
	v50 =	vmul.f32 $1.280000000e+02, v46  }
0x1aa: {  	[tilespmem:v31+s29+$0x0] =	vst.idx.add.f32.msk $0xff, v48  }
0x1ab: {  	s5 =	sor.u32 $0x1200, s4;
	[tilespmem:v31+s29+$0x0] =	vst.idx.add.f32.msk vm0, v48;
	v29 =	vtrunc.f32 v50  }
0x1ac: {  	v30 =	vld [tilespmem:s5+$0x0];
	v29 =	vcvt.f32.s32 v29  }
0x1ad: {  	v56 =	vld [tilespmem:s24+$0x50B0];
	v52 =	vmul.f32 $1.280000000e+02, v49  }
0x1ae: {  	v57 =	vld [tilespmem:s24+$0x5130];
	vm1 =	vlt.s32 v29, $0x7F  }
0x1af: {  	s7 =	sor.u32 $0x1280, s4;
	v58 =	vld [tilespmem:s24+$0x51B0];
	v32 =	vmul.f32 $1.280000000e+02, v51;
	v31 =	vtrunc.f32 v52;
	v29 =	vnsel vm1, $0x7F, v29  }
0x1b0: {  	s8 =	sor.u32 $0x1300, s4;
	v34 =	vld [tilespmem:s7+$0x0];
	v31 =	vcvt.f32.s32 v31;
	v29 =	vadd.s32 v9, v29  }
0x1b1: {  	s25 =	sor.u32 $0x1380, s4;
	v55 =	vld [tilespmem:s8+$0x0];
	v32 =	vtrunc.f32 v32;
	v30 =	vmul.f32 $1.280000000e+02, v30  }
0x1b2: {  	v33 =	vcvt.s32.f32 v53;
	v59 =	vld [tilespmem:s25+$0x0];
	v32 =	vcvt.f32.s32 v32;
	vm1 =	vlt.s32 v31, $0x7F  }
0x1b3: {  	v35 =	vmul.f32 $1.280000000e+02, v54;
	v62 =	vld [tilespmem:s5+$0x4000];
	v31 =	vnsel vm1, $0x7F, v31;
	v30 =	vtrunc.f32 v30  }
0x1b4: {  	v40 =	vld [tilespmem:s7+$0x4000];
	vm1 =	vlt.s32 v32, $0x7F;
	v31 =	vadd.s32 v10, v31;
	v30 =	vcvt.f32.s32 v30  }
0x1b5: {  	v60 =	vtrunc.f32 v35;
	v34 =	vmul.f32 $1.280000000e+02, v34;
	v32 =	vnsel vm1, $0x7F, v32;
	[tilespmem:v29+s29+$0x0] =	vst.idx.add.f32.msk $0xff, v33  }
0x1b6: {  	v32 =	vadd.s32 v11, v32;
	vm1 =	vlt.s32 v30, $0x7F;
	[tilespmem:v29+s29+$0x0] =	vst.idx.add.f32.msk vm0, v33;
	v33 =	vcvt.f32.s32 v60  }
0x1b7: {  	v61 =	vcvt.s32.f32 v56;
	v41 =	vld [tilespmem:s8+$0x4000];
	v34 =	vtrunc.f32 v34;
	v30 =	vnsel vm1, $0x7F, v30  }
0x1b8: {  	v43 =	vld [tilespmem:s25+$0x4000];
	v34 =	vcvt.f32.s32 v34;
	v30 =	vadd.s32 v13, v30;
	vm1 =	vlt.s32 v33, $0x7F  }
0x1b9: {  	v63 =	vcvt.s32.f32 v57;
	[tilespmem:v31+s29+$0x0] =	vst.idx.add.f32.msk $0xff, v61;
	v33 =	vnsel vm1, $0x7F, v33  }
0x1ba: {  	[tilespmem:v31+s29+$0x0] =	vst.idx.add.f32.msk vm0, v61;
	vm1 =	vlt.s32 v34, $0x7F;
	v33 =	vadd.s32 v12, v33  }
0x1bb: {  	v36 =	vmul.f32 $1.280000000e+02, v55;
	v42 =	vcvt.s32.f32 v62;
	[tilespmem:v32+s29+$0x0] =	vst.idx.add.f32.msk $0xff, v63;
	v34 =	vnsel vm1, $0x7F, v34  }
0x1bc: {  	[tilespmem:v32+s29+$0x0] =	vst.idx.add.f32.msk vm0, v63;
	v34 =	vadd.s32 v14, v34  }
0x1bd: {  	v44 =	vcvt.s32.f32 v58;
	v36 =	vtrunc.f32 v36;
	[tilespmem:v30+s29+$0x0] =	vst.idx.add.f32.msk $0xff, v42  }
0x1be: {  	v36 =	vcvt.f32.s32 v36;
	v29 =	vmul.f32 $1.280000000e+02, v59;
	[tilespmem:v30+s29+$0x0] =	vst.idx.add.f32.msk vm0, v42  }
0x1bf: {  	v35 =	vcvt.s32.f32 v40;
	[tilespmem:v33+s29+$0x0] =	vst.idx.add.f32.msk $0xff, v44  }
0x1c0: {  	v29 =	vtrunc.f32 v29;
	vm1 =	vlt.s32 v36, $0x7F;
	[tilespmem:v33+s29+$0x0] =	vst.idx.add.f32.msk vm0, v44  }
0x1c1: {  	s25 =	sor.u32 $0x1200, s3;
	v29 =	vcvt.f32.s32 v29;
	v36 =	vnsel vm1, $0x7F, v36;
	[tilespmem:v34+s29+$0x0] =	vst.idx.add.f32.msk $0xff, v35  }
0x1c2: {  	v45 =	vadd.s32 v15, v36;
	v46 =	vld [tilespmem:s25+$0x0]  }
0x1c3: {  	s7 =	sor.u32 $0x1280, s3;
	vm1 =	vlt.s32 v29, $0x7F;
	[tilespmem:v34+s29+$0x0] =	vst.idx.add.f32.msk vm0, v35  }
0x1c4: {  	s8 =	sor.u32 $0x1300, s3;
	v29 =	vnsel vm1, $0x7F, v29;
	v48 =	vld [tilespmem:s7+$0x0]  }
0x1c5: {  	v47 =	vcvt.s32.f32 v41;
	v29 =	vadd.s32 v16, v29;
	v52 =	vld [tilespmem:s8+$0x0]  }
0x1c6: {  	v54 =	vld [tilespmem:s25+$0x4000]  }
0x1c7: {  	s25 =	sor.u32 $0x1380, s3;
	[tilespmem:v45+s29+$0x0] =	vst.idx.add.f32.msk $0xff, v47  }
0x1c8: {  	v49 =	vcvt.s32.f32 v43;
	v56 =	vld [tilespmem:s25+$0x0]  }
0x1c9: {  	[tilespmem:v45+s29+$0x0] =	vst.idx.add.f32.msk vm0, v47  }
0x1ca: {  	[tilespmem:v29+s29+$0x0] =	vst.idx.add.f32.msk $0xff, v49;
	v50 =	vmul.f32 $1.280000000e+02, v46  }
0x1cb: {  	[tilespmem:v29+s29+$0x0] =	vst.idx.add.f32.msk vm0, v49  }
0x1cc: {  	v32 =	vld [tilespmem:s24+$0x2020];
	v51 =	vtrunc.f32 v50  }
0x1cd: {  	v57 =	vld [tilespmem:s7+$0x4000];
	v53 =	vmul.f32 $1.280000000e+02, v48;
	v30 =	vcvt.f32.s32 v51  }
0x1ce: {  	v58 =	vld [tilespmem:s8+$0x4000]  }
0x1cf: {  	v38 =	vld [tilespmem:s25+$0x4000];
	v33 =	vmul.f32 $1.280000000e+02, v52;
	v29 =	vtrunc.f32 v53;
	vm1 =	vlt.s32 v30, $0x7F  }
0x1d0: {  	v55 =	vld [tilespmem:s24+$0x20A0];
	v35 =	vmul.f32 $1.280000000e+02, v56;
	v29 =	vcvt.f32.s32 v29;
	v30 =	vnsel vm1, $0x7F, v30  }
0x1d1: {  	v59 =	vld [tilespmem:s24+$0x2120];
	v33 =	vtrunc.f32 v33;
	v32 =	vmul.f32 $1.280000000e+02, v32;
	v30 =	vadd.s32 v13, v30  }
0x1d2: {  	v31 =	vcvt.s32.f32 v54;
	v63 =	vld [tilespmem:s24+$0x6020];
	v33 =	vcvt.f32.s32 v33;
	vm1 =	vlt.s32 v29, $0x7F  }
0x1d3: {  	v40 =	vld [tilespmem:s24+$0x21A0];
	v35 =	vtrunc.f32 v35;
	v29 =	vnsel vm1, $0x7F, v29;
	v32 =	vtrunc.f32 v32  }
0x1d4: {  	v42 =	vld [tilespmem:s24+$0x60A0];
	vm1 =	vlt.s32 v33, $0x7F;
	v29 =	vadd.s32 v14, v29;
	v60 =	vcvt.f32.s32 v32  }
0x1d5: {  	v43 =	vld [tilespmem:s24+$0x6120];
	v35 =	vcvt.f32.s32 v35;
	v34 =	vmul.f32 $1.280000000e+02, v55;
	v61 =	vnsel vm1, $0x7F, v33  }
0x1d6: {  	v62 =	vcvt.s32.f32 v57;
	v32 =	vadd.s32 v15, v61;
	vm1 =	vlt.s32 v60, $0x7F;
	[tilespmem:v30+s29+$0x0] =	vst.idx.add.f32.msk $0xff, v31  }
0x1d7: {  	v34 =	vtrunc.f32 v34;
	[tilespmem:v30+s29+$0x0] =	vst.idx.add.f32.msk vm0, v31;
	v31 =	vnsel vm1, $0x7F, v60;
	vm1 =	vlt.s32 v35, $0x7F  }
0x1d8: {  	v45 =	vld [tilespmem:s24+$0x61A0];
	v34 =	vcvt.f32.s32 v34;
	v31 =	vadd.s32 v17, v31;
	v35 =	vnsel vm1, $0x7F, v35  }
0x1d9: {  	v41 =	vcvt.s32.f32 v58;
	[tilespmem:v29+s29+$0x0] =	vst.idx.add.f32.msk $0xff, v62;
	v35 =	vadd.s32 v16, v35  }
0x1da: {  	vm1 =	vlt.s32 v34, $0x7F;
	[tilespmem:v29+s29+$0x0] =	vst.idx.add.f32.msk vm0, v62  }
0x1db: {  	v44 =	vcvt.s32.f32 v63;
	v34 =	vnsel vm1, $0x7F, v34;
	[tilespmem:v32+s29+$0x0] =	vst.idx.add.f32.msk $0xff, v41  }
0x1dc: {  	v38 =	vcvt.s32.f32 v38;
	v34 =	vadd.s32 v18, v34;
	[tilespmem:v32+s29+$0x0] =	vst.idx.add.f32.msk vm0, v41  }
0x1dd: {  	[tilespmem:v31+s29+$0x0] =	vst.idx.add.f32.msk $0xff, v44  }
0x1de: {  	[tilespmem:v35+s29+$0x0] =	vst.idx.add.f32.msk $0xff, v38  }
0x1df: {  	v46 =	vcvt.s32.f32 v42;
	v30 =	vmul.f32 $1.280000000e+02, v59;
	[tilespmem:v31+s29+$0x0] =	vst.idx.add.f32.msk vm0, v44  }
0x1e0: {  	[tilespmem:v35+s29+$0x0] =	vst.idx.add.f32.msk vm0, v38  }
0x1e1: {  	v30 =	vtrunc.f32 v30;
	v29 =	vmul.f32 $1.280000000e+02, v40;
	[tilespmem:v34+s29+$0x0] =	vst.idx.add.f32.msk $0xff, v46  }
0x1e2: {  	v30 =	vcvt.f32.s32 v30;
	v47 =	vld [tilespmem:s24+$0x2030]  }
0x1e3: {  	v29 =	vtrunc.f32 v29;
	v49 =	vld [tilespmem:s24+$0x20B0]  }
0x1e4: {  	vm1 =	vlt.s32 v30, $0x7F;
	v29 =	vcvt.f32.s32 v29;
	[tilespmem:v34+s29+$0x0] =	vst.idx.add.f32.msk vm0, v46  }
0x1e5: {  	v30 =	vnsel vm1, $0x7F, v30;
	v52 =	vld [tilespmem:s24+$0x2130]  }
0x1e6: {  	v30 =	vadd.s32 v19, v30;
	vm1 =	vlt.s32 v29, $0x7F;
	v54 =	vld [tilespmem:s24+$0x6030]  }
0x1e7: {  	v29 =	vnsel vm1, $0x7F, v29;
	v55 =	vld [tilespmem:s24+$0x21B0]  }
0x1e8: {  	v29 =	vadd.s32 v20, v29;
	v56 =	vld [tilespmem:s24+$0x60B0]  }
0x1e9: {  	v48 =	vcvt.s32.f32 v43;
	v58 =	vld [tilespmem:s24+$0x6130]  }
0x1ea: {  	v38 =	vld [tilespmem:s24+$0x61B0]  }
0x1eb: {  	v51 =	vcvt.s32.f32 v45;
	[tilespmem:v30+s29+$0x0] =	vst.idx.add.f32.msk $0xff, v48;
	v50 =	vmul.f32 $1.280000000e+02, v47  }
0x1ec: {  	[tilespmem:v30+s29+$0x0] =	vst.idx.add.f32.msk vm0, v48  }
0x1ed: {  	[tilespmem:v29+s29+$0x0] =	vst.idx.add.f32.msk $0xff, v51;
	v53 =	vtrunc.f32 v50  }
0x1ee: {  	v61 =	vcvt.s32.f32 v56;
	v56 =	vld [tilespmem:s24+$0x3010];
	v31 =	vcvt.f32.s32 v53  }
0x1ef: {  	s7 =	sor.u32 $0x2200, s4;
	v32 =	vmul.f32 $1.280000000e+02, v49;
	[tilespmem:v29+s29+$0x0] =	vst.idx.add.f32.msk vm0, v51  }
0x1f0: {  	s8 =	sor.u32 $0x2280, s4;
	v30 =	vmul.f32 $1.280000000e+02, v52;
	v34 =	vld [tilespmem:s7+$0x0];
	vm1 =	vlt.s32 v31, $0x7F  }
0x1f1: {  	s25 =	sor.u32 $0x2300, s4;
	v33 =	vmul.f32 $1.280000000e+02, v55;
	v32 =	vtrunc.f32 v32;
	v57 =	vld [tilespmem:s8+$0x0];
	v31 =	vnsel vm1, $0x7F, v31  }
0x1f2: {  	s4 =	sor.u32 $0x2380, s4;
	v30 =	vtrunc.f32 v30;
	v62 =	vld [tilespmem:s25+$0x0];
	v32 =	vcvt.f32.s32 v32;
	v31 =	vadd.s32 v17, v31  }
0x1f3: {  	v63 =	vld [tilespmem:s4+$0x0];
	v30 =	vcvt.f32.s32 v30  }
0x1f4: {  	v29 =	vcvt.s32.f32 v54;
	v60 =	vtrunc.f32 v33;
	v42 =	vld [tilespmem:s7+$0x4000];
	vm1 =	vlt.s32 v32, $0x7F  }
0x1f5: {  	v43 =	vld [tilespmem:s8+$0x4000];
	v32 =	vnsel vm1, $0x7F, v32;
	vm1 =	vlt.s32 v30, $0x7F;
	v34 =	vmul.f32 $1.280000000e+02, v34  }
0x1f6: {  	v45 =	vld [tilespmem:s25+$0x4000];
	v32 =	vadd.s32 v18, v32;
	v59 =	vnsel vm1, $0x7F, v30;
	v30 =	vcvt.f32.s32 v60  }
0x1f7: {  	[tilespmem:v31+s29+$0x0] =	vst.idx.add.f32.msk $0xff, v29  }
0x1f8: {  	v34 =	vtrunc.f32 v34;
	vm1 =	vlt.s32 v30, $0x7F;
	[tilespmem:v31+s29+$0x0] =	vst.idx.add.f32.msk vm0, v29;
	v29 =	vadd.s32 v19, v59  }
0x1f9: {  	v46 =	vld [tilespmem:s4+$0x4000];
	v34 =	vcvt.f32.s32 v34;
	v30 =	vnsel vm1, $0x7F, v30  }
0x1fa: {  	v47 =	vcvt.s32.f32 v42;
	v42 =	vld [tilespmem:s24+$0x7010];
	v30 =	vadd.s32 v20, v30  }
0x1fb: {  	v41 =	vcvt.s32.f32 v58;
	v40 =	vmul.f32 $1.280000000e+02, v57;
	vm1 =	vlt.s32 v34, $0x7F;
	[tilespmem:v32+s29+$0x0] =	vst.idx.add.f32.msk $0xff, v61  }
0x1fc: {  	v34 =	vnsel vm1, $0x7F, v34;
	[tilespmem:v32+s29+$0x0] =	vst.idx.add.f32.msk vm0, v61  }
0x1fd: {  	v44 =	vcvt.s32.f32 v38;
	v34 =	vadd.s32 v21, v34;
	v32 =	vtrunc.f32 v40;
	[tilespmem:v29+s29+$0x0] =	vst.idx.add.f32.msk $0xff, v41  }
0x1fe: {  	v32 =	vcvt.f32.s32 v32;
	[tilespmem:v29+s29+$0x0] =	vst.idx.add.f32.msk vm0, v41  }
0x1ff: {  	v33 =	vmul.f32 $1.280000000e+02, v62;
	[tilespmem:v30+s29+$0x0] =	vst.idx.add.f32.msk $0xff, v44  }
0x200: {  	s7 =	sor.u32 $0x2200, s3;
	vm1 =	vlt.s32 v32, $0x7F;
	[tilespmem:v30+s29+$0x0] =	vst.idx.add.f32.msk vm0, v44  }
0x201: {  	v33 =	vtrunc.f32 v33;
	v32 =	vnsel vm1, $0x7F, v32;
	v48 =	vld [tilespmem:s7+$0x0]  }
0x202: {  	v33 =	vcvt.f32.s32 v33;
	[tilespmem:v34+s29+$0x0] =	vst.idx.add.f32.msk $0xff, v47;
	v32 =	vadd.s32 v22, v32  }
0x203: {  	v41 =	vld [tilespmem:s24+$0x3090]  }
0x204: {  	s8 =	sor.u32 $0x2280, s3;
	v31 =	vmul.f32 $1.280000000e+02, v63;
	vm1 =	vlt.s32 v33, $0x7F;
	[tilespmem:v34+s29+$0x0] =	vst.idx.add.f32.msk vm0, v47  }
0x205: {  	s25 =	sor.u32 $0x2300, s3;
	v29 =	vcvt.s32.f32 v43;
	v33 =	vnsel vm1, $0x7F, v33;
	v49 =	vld [tilespmem:s8+$0x0]  }
0x206: {  	v31 =	vtrunc.f32 v31;
	v33 =	vadd.s32 v23, v33;
	v52 =	vld [tilespmem:s25+$0x0];
	v51 =	vmul.f32 $1.280000000e+02, v48  }
0x207: {  	v31 =	vcvt.f32.s32 v31;
	[tilespmem:v32+s29+$0x0] =	vst.idx.add.f32.msk $0xff, v29  }
0x208: {  	s3 =	sor.u32 $0x2380, s3;
	[tilespmem:v32+s29+$0x0] =	vst.idx.add.f32.msk vm0, v29;
	v29 =	vtrunc.f32 v51  }
0x209: {  	v50 =	vcvt.s32.f32 v45;
	vm1 =	vlt.s32 v31, $0x7F;
	v54 =	vld [tilespmem:s3+$0x0];
	v29 =	vcvt.f32.s32 v29  }
0x20a: {  	v31 =	vnsel vm1, $0x7F, v31;
	v55 =	vld [tilespmem:s7+$0x4000];
	v53 =	vmul.f32 $1.280000000e+02, v49  }
0x20b: {  	v31 =	vadd.s32 v24, v31;
	[tilespmem:v33+s29+$0x0] =	vst.idx.add.f32.msk $0xff, v50;
	vm1 =	vlt.s32 v29, $0x7F  }
0x20c: {  	v32 =	vmul.f32 $1.280000000e+02, v52;
	[tilespmem:v33+s29+$0x0] =	vst.idx.add.f32.msk vm0, v50;
	v33 =	vtrunc.f32 v53;
	v29 =	vnsel vm1, $0x7F, v29  }
0x20d: {  	v30 =	vcvt.s32.f32 v46;
	v57 =	vld [tilespmem:s8+$0x4000];
	v33 =	vcvt.f32.s32 v33;
	v29 =	vadd.s32 v21, v29  }
0x20e: {  	v60 =	vld [tilespmem:s25+$0x4000];
	v61 =	vmul.f32 $1.280000000e+02, v54;
	v32 =	vtrunc.f32 v32  }
0x20f: {  	v63 =	vld [tilespmem:s3+$0x4000];
	v59 =	vcvt.f32.s32 v32;
	vm1 =	vlt.s32 v33, $0x7F  }
0x210: {  	v62 =	vcvt.s32.f32 v55;
	[tilespmem:v31+s29+$0x0] =	vst.idx.add.f32.msk $0xff, v30;
	v58 =	vnsel vm1, $0x7F, v33;
	v33 =	vtrunc.f32 v61  }
0x211: {  	[tilespmem:v31+s29+$0x0] =	vst.idx.add.f32.msk vm0, v30;
	vm1 =	vlt.s32 v59, $0x7F;
	v30 =	vadd.s32 v22, v58;
	v39 =	vcvt.f32.s32 v33  }
0x212: {  	v38 =	vnsel vm1, $0x7F, v59;
	[tilespmem:v29+s29+$0x0] =	vst.idx.add.f32.msk $0xff, v62  }
0x213: {  	vm1 =	vlt.s32 v39, $0x7F;
	[tilespmem:v29+s29+$0x0] =	vst.idx.add.f32.msk vm0, v62;
	v29 =	vadd.s32 v23, v38  }
0x214: {  	v28 =	vmul.f32 $1.280000000e+02, v28;
	v40 =	vcvt.s32.f32 v57;
	v44 =	vld [tilespmem:s24+$0x3020];
	v31 =	vnsel vm1, $0x7F, v39  }
0x215: {  	v46 =	vld [tilespmem:s24+$0x30A0];
	v31 =	vadd.s32 v24, v31  }
0x216: {  	v28 =	vtrunc.f32 v28;
	v32 =	vcvt.s32.f32 v60;
	[tilespmem:v30+s29+$0x0] =	vst.idx.add.f32.msk $0xff, v40  }
0x217: {  	v28 =	vcvt.f32.s32 v28;
	v43 =	vmul.f32 $1.280000000e+02, v56;
	[tilespmem:v30+s29+$0x0] =	vst.idx.add.f32.msk vm0, v40  }
0x218: {  	v35 =	vcvt.s32.f32 v63;
	[tilespmem:v29+s29+$0x0] =	vst.idx.add.f32.msk $0xff, v32  }
0x219: {  	v33 =	vtrunc.f32 v43;
	vm1 =	vlt.s32 v28, $0x7F;
	[tilespmem:v29+s29+$0x0] =	vst.idx.add.f32.msk vm0, v32  }
0x21a: {  	v45 =	vmul.f32 $1.280000000e+02, v41;
	v33 =	vcvt.f32.s32 v33;
	v28 =	vnsel vm1, $0x7F, v28;
	[tilespmem:v31+s29+$0x0] =	vst.idx.add.f32.msk $0xff, v35  }
0x21b: {  	v28 =	vadd.s32 v26, v28;
	[tilespmem:v31+s29+$0x0] =	vst.idx.add.f32.msk vm0, v35  }
0x21c: {  	vm1 =	vlt.s32 v33, $0x7F;
	v29 =	vtrunc.f32 v45;
	v48 =	vld [tilespmem:s24+$0x3030]  }
0x21d: {  	v49 =	vld [tilespmem:s24+$0x7090];
	v50 =	vmul.f32 $1.280000000e+02, v44;
	v33 =	vnsel vm1, $0x7F, v33;
	v29 =	vcvt.f32.s32 v29  }
0x21e: {  	v27 =	vcvt.s32.f32 v27;
	v47 =	vadd.s32 v25, v33;
	v51 =	vld [tilespmem:s24+$0x30B0]  }
0x21f: {  	v56 =	vld [tilespmem:s24+$0x7020];
	v32 =	vmul.f32 $1.280000000e+02, v46;
	v35 =	vtrunc.f32 v50;
	vm1 =	vlt.s32 v29, $0x7F  }
0x220: {  	v30 =	vcvt.s32.f32 v42;
	[tilespmem:v28+s29+$0x0] =	vst.idx.add.f32.msk $0xff, v27;
	v52 =	vcvt.f32.s32 v35;
	v29 =	vnsel vm1, $0x7F, v29  }
0x221: {  	[tilespmem:v28+s29+$0x0] =	vst.idx.add.f32.msk vm0, v27;
	v53 =	vtrunc.f32 v32;
	v27 =	vadd.s32 v26, v29;
	v54 =	vmul.f32 $1.280000000e+02, v48  }
0x222: {  	v55 =	vcvt.s32.f32 v49;
	v59 =	vld [tilespmem:s24+$0x70A0];
	vm1 =	vlt.s32 v52, $0x7F;
	v29 =	vcvt.f32.s32 v53  }
0x223: {  	[tilespmem:v47+s29+$0x0] =	vst.idx.add.f32.msk $0xff, v30;
	v28 =	vnsel vm1, $0x7F, v52;
	v58 =	vmul.f32 $1.280000000e+02, v51;
	v57 =	vtrunc.f32 v54  }
0x224: {  	[tilespmem:v47+s29+$0x0] =	vst.idx.add.f32.msk vm0, v30;
	v28 =	vadd.s32 v25, v28;
	vm1 =	vlt.s32 v29, $0x7F;
	v30 =	vcvt.f32.s32 v57  }
0x225: {  	v60 =	vld [tilespmem:s24+$0x7030];
	v29 =	vnsel vm1, $0x7F, v29;
	v31 =	vtrunc.f32 v58  }
0x226: {  	v29 =	vadd.s32 v26, v29;
	[tilespmem:v27+s29+$0x0] =	vst.idx.add.f32.msk $0xff, v55;
	v31 =	vcvt.f32.s32 v31;
	vm1 =	vlt.s32 v30, $0x7F  }
0x227: {  	[tilespmem:v27+s29+$0x0] =	vst.idx.add.f32.msk vm0, v55;
	v27 =	vcvt.s32.f32 v56;
	v30 =	vnsel vm1, $0x7F, v30  }
0x228: {  	v61 =	vld [tilespmem:s24+$0x70B0];
	vm1 =	vlt.s32 v31, $0x7F;
	v30 =	vadd.s32 v25, v30  }
0x229: {  	v32 =	vcvt.s32.f32 v59;
	[tilespmem:v28+s29+$0x0] =	vst.idx.add.f32.msk $0xff, v27;
	v31 =	vnsel vm1, $0x7F, v31  }
0x22a: {  	s26 =	sadd.s32 $0x4, s26;
	[tilespmem:v28+s29+$0x0] =	vst.idx.add.f32.msk vm0, v27;
	v27 =	vadd.s32 v26, v31  }
0x22b: {  	p1 =	slt.u32 s26, $0x1C;
	v62 =	vcvt.s32.f32 v60;
	[tilespmem:v29+s29+$0x0] =	vst.idx.add.f32.msk $0xff, v32  }
.Ltmp1:
0x22c: {  	[tilespmem:v29+s29+$0x0] =	vst.idx.add.f32.msk vm0, v32;
	(pc) =	sbr.rel @p1 .LBB2_4-.Ltmp1, $4  }
0x22d: {  	v63 =	vcvt.s32.f32 v61;
	[tilespmem:v30+s29+$0x0] =	vst.idx.add.f32.msk $0xff, v62  }
0x22e: {  	[tilespmem:v30+s29+$0x0] =	vst.idx.add.f32.msk vm0, v62  }
0x22f: {  	s30 =	sadd.s32 $0x40, s30;
	[tilespmem:v27+s29+$0x0] =	vst.idx.add.f32.msk $0xff, v63  }
0x230: {  	p0 =	por !p0, !p0;
	s1 =	sadd.s32 $0x200, s1;
	s0 =	sadd.s32 $0x240, s0;
	[tilespmem:v27+s29+$0x0] =	vst.idx.add.f32.msk vm0, v63  }
0x231: {  	s0 =	simm.s32 $0x0  }
0x232: {  	v27 =	vld [tilespmem:s0+$0x8030]  }
0x233: {  	v28 =	vld [tilespmem:s0+$0x8D31]  }
0x234: {  	v29 =	vld [tilespmem:s0+$0x8000]  }
0x235: {  	v30 =	vld [tilespmem:s0+$0x9A32]  }
0x236: {  	v31 =	vld [tilespmem:s0+$0x8D01]  }
0x237: {  	v32 =	vld [tilespmem:s0+$0xA733]  }
0x238: {  	v33 =	vld [tilespmem:s0+$0x8010]  }
0x239: {  	v34 =	vld [tilespmem:s0+$0xB434]  }
0x23a: {  	v35 =	vld [tilespmem:s0+$0x8D11]  }
0x23b: {  	v36 =	vld [tilespmem:s0+$0xC135]  }
0x23c: {  	v37 =	vld [tilespmem:s0+$0x8020]  }
0x23d: {  	v38 =	vld [tilespmem:s0+$0xCE36]  }
0x23e: {  	v39 =	vld [tilespmem:s0+$0x8D21]  }
0x23f: {  	v40 =	vld [tilespmem:s0+$0xDB37]  }
0x240: {  	v41 =	vld [tilespmem:s0+$0x9A02]  }
0x241: {  	v42 =	vld [tilespmem:s0+$0x9A22]  }
0x242: {  	v43 =	vld [tilespmem:s0+$0xA713];
	v27 =	vadd.f32 v28, v27  }
0x243: {  	v54 =	vld [tilespmem:s0+$0xA723]  }
0x244: {  	v44 =	vld [tilespmem:s0+$0xB404];
	v27 =	vadd.f32 v30, v27  }
0x245: {  	v28 =	vld [tilespmem:s0+$0x9A12]  }
0x246: {  	v30 =	vld [tilespmem:s0+$0xA703];
	v27 =	vadd.f32 v32, v27  }
0x247: {  	v56 =	vld [tilespmem:s0+$0xB424];
	v29 =	vadd.f32 v31, v29;
	v55 =	vadd.f32 v39, v37  }
0x248: {  	v57 =	vld [tilespmem:s0+$0xC105];
	v33 =	vadd.f32 v35, v33;
	v27 =	vadd.f32 v34, v27  }
0x249: {  	v31 =	vld [tilespmem:s0+$0xB414];
	v29 =	vadd.f32 v41, v29;
	v58 =	vadd.f32 v42, v55  }
0x24a: {  	v59 =	vld [tilespmem:s0+$0xC115];
	v28 =	vadd.f32 v28, v33;
	v27 =	vadd.f32 v36, v27  }
0x24b: {  	v61 =	vld [tilespmem:s0+$0xC125];
	v32 =	vadd.f32 v54, v58;
	v29 =	vadd.f32 v30, v29  }
0x24c: {  	v30 =	vadd.f32 v43, v28;
	v60 =	vadd.f32 v38, v27;
	v27 =	vld [tilespmem:s0+$0xCE06]  }
0x24d: {  	v35 =	vadd.f32 v56, v32;
	v28 =	vld [tilespmem:s0+$0xCE16];
	v63 =	vadd.f32 v44, v29  }
0x24e: {  	v31 =	vadd.f32 v31, v30;
	v29 =	vld [tilespmem:s0+$0xCE26];
	v62 =	vadd.f32 v40, v60  }
0x24f: {  	v30 =	vld [tilespmem:s0+$0xDB07];
	v32 =	vadd.f32 v57, v63  }
0x250: {  	s1 =	simm.s32 $0x0;
	s3 =	simm.s32 $0x100;
	v34 =	vadd.f32 v61, v35;
	v33 =	vadd.f32 v59, v31;
	v31 =	vld [tilespmem:s0+$0xDB17];
	[tilespmem:s0+$0xE930] =	vst v62  }
.LBB2_6:
0x251: {  	s4 =	sshra.s32 s3, $0x2;
	v27 =	vadd.f32 v27, v32;
	v32 =	vld [tilespmem:s0+$0xDB27]  }
0x252: {  	s1 =	sadd.s32 $0x4, s1;
	v35 =	vld [tilespmem:s4+$0x8030];
	v28 =	vadd.f32 v28, v33  }
0x253: {  	p0 =	slt.u32 s1, $0xCC;
	v33 =	vld [tilespmem:s4+$0x8D31];
	v29 =	vadd.f32 v29, v34  }
0x254: {  	v34 =	vld [tilespmem:s4+$0x8000];
	v27 =	vadd.f32 v30, v27  }
0x255: {  	v30 =	vld [tilespmem:s4+$0x9A32];
	v28 =	vadd.f32 v31, v28  }
0x256: {  	v31 =	vld [tilespmem:s4+$0x8D01];
	[tilespmem:s0+$0xE900] =	vst v27;
	v27 =	vadd.f32 v32, v29  }
0x257: {  	v29 =	vld [tilespmem:s4+$0xA733];
	[tilespmem:s0+$0xE910] =	vst v28  }
0x258: {  	v28 =	vld [tilespmem:s4+$0x8010];
	v32 =	vadd.f32 v33, v35;
	[tilespmem:s0+$0xE920] =	vst v27;
	s0 =	smov.u32 s4  }
0x259: {  	v27 =	vld [tilespmem:s0+$0xB434]  }
0x25a: {  	v33 =	vld [tilespmem:s0+$0x8D11];
	v30 =	vadd.f32 v30, v32  }
0x25b: {  	v31 =	vadd.f32 v31, v34;
	v32 =	vld [tilespmem:s0+$0xC135]  }
0x25c: {  	v34 =	vld [tilespmem:s0+$0x8020];
	v29 =	vadd.f32 v29, v30  }
0x25d: {  	v30 =	vld [tilespmem:s0+$0xCE36]  }
0x25e: {  	v35 =	vld [tilespmem:s0+$0x8D21];
	v27 =	vadd.f32 v27, v29  }
0x25f: {  	v28 =	vadd.f32 v33, v28;
	v29 =	vld [tilespmem:s0+$0xDB37]  }
0x260: {  	v33 =	vld [tilespmem:s0+$0x9A02];
	v27 =	vadd.f32 v32, v27  }
0x261: {  	v32 =	vld [tilespmem:s0+$0x9A12]  }
0x262: {  	v36 =	vld [tilespmem:s0+$0x9A22];
	v27 =	vadd.f32 v30, v27  }
0x263: {  	v30 =	vld [tilespmem:s0+$0xA703];
	v34 =	vadd.f32 v35, v34  }
0x264: {  	v35 =	vld [tilespmem:s0+$0xA713];
	v27 =	vadd.f32 v29, v27  }
0x265: {  	v29 =	vadd.f32 v33, v31;
	v31 =	vld [tilespmem:s0+$0xA723]  }
0x266: {  	v33 =	vld [tilespmem:s0+$0xB404];
	v28 =	vadd.f32 v32, v28;
	[tilespmem:s0+$0xE930] =	vst v27  }
0x267: {  	v32 =	vld [tilespmem:s0+$0xB414];
	v27 =	vadd.f32 v36, v34  }
0x268: {  	v29 =	vadd.f32 v30, v29;
	v30 =	vld [tilespmem:s0+$0xB424]  }
0x269: {  	v34 =	vld [tilespmem:s0+$0xC105];
	v28 =	vadd.f32 v35, v28  }
0x26a: {  	v35 =	vld [tilespmem:s0+$0xC115];
	v31 =	vadd.f32 v31, v27  }
0x26b: {  	v29 =	vadd.f32 v33, v29;
	v36 =	vld [tilespmem:s0+$0xC125]  }
.Ltmp2:
0x26c: {  	v27 =	vld [tilespmem:s0+$0xCE06];
	v33 =	vadd.f32 v32, v28;
	(pc) =	sbr.rel @p0 .LBB2_6-.Ltmp2, $4  }
0x26d: {  	v28 =	vld [tilespmem:s0+$0xCE16];
	v37 =	vadd.f32 v30, v31  }
0x26e: {  	v32 =	vadd.f32 v34, v29;
	v29 =	vld [tilespmem:s0+$0xCE26]  }
0x26f: {  	v30 =	vld [tilespmem:s0+$0xDB07];
	v33 =	vadd.f32 v35, v33  }
0x270: {  	s3 =	sadd.s32 $0x100, s3;
	v31 =	vld [tilespmem:s0+$0xDB17];
	v34 =	vadd.f32 v36, v37  }
0x271: {  	v35 =	vld [tilespmem:s0+$0xDB27]  }
0x272: {  	v27 =	vadd.f32 v27, v32  }
0x273: {  	v28 =	vadd.f32 v28, v33  }
0x274: {  	v29 =	vadd.f32 v29, v34;
	v27 =	vadd.f32 v30, v27  }
0x275: {  	v28 =	vadd.f32 v31, v28  }
0x276: {  	[tilespmem:s0+$0xE900] =	vst v27;
	v27 =	vadd.f32 v35, v29  }
0x277: {  	[tilespmem:s0+$0xE910] =	vst v28  }
0x278: {  	[tilespmem:s0+$0xE920] =	vst v27  }
0x279: {  	s1 =	simm.s32 $0xE900;
	s0 =	rddreg [dreg:$0x7]  }
0x27a: {  	[spmem:s0] =	stream.linear.scatter [tilespmem:s1], [sflag:$0x2], $0xD00, $0x38;
	[tilespmem:$0x11100] =	vst v63  }
0x27b: {  	_ =	swait.ge [sflag:s31], $0xD00  }
0x27c: {  	[sflag:s31] =	ssyncset.done $0x0  }
0x27d: {  	[sflag:s31] =	ssyncadd.s32 $0xFFFFF300  }
0x27e: {  	s30 =	simm.s32 $0x10300;
	[bflag:$0x0] =	sbarrier.arrive $0xFFFF  }
0x27f: {  	[tilespmem:s30], [sflag:$0x1] =	stream.linear.gather [spmem:s6], $0xD0, $0x38;
	[tilespmem:$0x11100] =	vst v63  }
0x280: {  	s3 =	simm.s32 $0x103D0;
	s1 =	rddreg [dreg:$0x8]  }
0x281: {  	[tilespmem:s3], [sflag:$0x1] =	stream.linear.gather [spmem:s1], $0xD0, $0x38;
	[tilespmem:$0x11100] =	vst v63  }
0x282: {  	s5 =	simm.s32 $0x104A0;
	s4 =	rddreg [dreg:$0x9]  }
0x283: {  	[tilespmem:s5], [sflag:$0x1] =	stream.linear.gather [spmem:s4], $0xD0, $0x38;
	[tilespmem:$0x11100] =	vst v63  }
0x284: {  	s7 =	simm.s32 $0x10570  }
0x285: {  	[tilespmem:s7], [sflag:$0x1] =	stream.linear.gather [spmem:s9], $0xD0, $0x38;
	[tilespmem:$0x11100] =	vst v63  }
0x286: {  	s8 =	simm.s32 $0x10640  }
0x287: {  	[tilespmem:s8], [sflag:$0x1] =	stream.linear.gather [spmem:s10], $0xD0, $0x38;
	[tilespmem:$0x11100] =	vst v63  }
0x288: {  	s24 =	simm.s32 $0x10710  }
0x289: {  	[tilespmem:s24], [sflag:$0x1] =	stream.linear.gather [spmem:s11], $0xD0, $0x38;
	[tilespmem:$0x11100] =	vst v63  }
0x28a: {  	s25 =	simm.s32 $0x107E0  }
0x28b: {  	[tilespmem:s25], [sflag:$0x1] =	stream.linear.gather [spmem:s12], $0xD0, $0x38;
	[tilespmem:$0x11100] =	vst v63  }
0x28c: {  	s26 =	simm.s32 $0x108B0  }
0x28d: {  	[tilespmem:s26], [sflag:$0x1] =	stream.linear.gather [spmem:s13], $0xD0, $0x38;
	[tilespmem:$0x11100] =	vst v63  }
0x28e: {  	s30 =	simm.s32 $0x10980  }
0x28f: {  	[tilespmem:s30], [sflag:$0x1] =	stream.linear.gather [spmem:s14], $0xD0, $0x38;
	[tilespmem:$0x11100] =	vst v63  }
0x290: {  	s1 =	simm.s32 $0x10A50  }
0x291: {  	[tilespmem:s1], [sflag:$0x1] =	stream.linear.gather [spmem:s15], $0xD0, $0x38;
	[tilespmem:$0x11100] =	vst v63  }
0x292: {  	s3 =	simm.s32 $0x10B20  }
0x293: {  	[tilespmem:s3], [sflag:$0x1] =	stream.linear.gather [spmem:s16], $0xD0, $0x38;
	[tilespmem:$0x11100] =	vst v63  }
0x294: {  	s4 =	simm.s32 $0x10BF0  }
0x295: {  	[tilespmem:s4], [sflag:$0x1] =	stream.linear.gather [spmem:s17], $0xD0, $0x38;
	[tilespmem:$0x11100] =	vst v63  }
0x296: {  	s5 =	simm.s32 $0x10CC0  }
0x297: {  	[tilespmem:s5], [sflag:$0x1] =	stream.linear.gather [spmem:s18], $0xD0, $0x38;
	[tilespmem:$0x11100] =	vst v63  }
0x298: {  	s7 =	simm.s32 $0x10D90  }
0x299: {  	[tilespmem:s7], [sflag:$0x1] =	stream.linear.gather [spmem:s19], $0xD0, $0x38;
	[tilespmem:$0x11100] =	vst v63  }
0x29a: {  	s8 =	simm.s32 $0x10E60  }
0x29b: {  	[tilespmem:s8], [sflag:$0x1] =	stream.linear.gather [spmem:s20], $0xD0, $0x38;
	[tilespmem:$0x11100] =	vst v63  }
0x29c: {  	s24 =	simm.s32 $0x10F30  }
0x29d: {  	[tilespmem:s24], [sflag:$0x1] =	stream.linear.gather [spmem:s21], $0xD0, $0x38;
	[tilespmem:$0x11100] =	vst v63  }
0x29e: {  	_ =	swait.ge [sflag:s28], $0xD0  }
0x29f: {  	[sflag:s28] =	ssyncset.done $0x0  }
0x2a0: {  	[sflag:s28] =	ssyncadd.s32 $0xFFFFFF30  }
0x2a1: {  	_ =	swait.ge [sflag:s28], $0xD0  }
0x2a2: {  	[sflag:s28] =	ssyncset.done $0x0  }
0x2a3: {  	[sflag:s28] =	ssyncadd.s32 $0xFFFFFF30  }
0x2a4: {  	_ =	swait.ge [sflag:s28], $0xD0  }
0x2a5: {  	[sflag:s28] =	ssyncset.done $0x0  }
0x2a6: {  	[sflag:s28] =	ssyncadd.s32 $0xFFFFFF30  }
0x2a7: {  	_ =	swait.ge [sflag:s28], $0xD0  }
0x2a8: {  	[sflag:s28] =	ssyncset.done $0x0  }
0x2a9: {  	[sflag:s28] =	ssyncadd.s32 $0xFFFFFF30  }
0x2aa: {  	_ =	swait.ge [sflag:s28], $0xD0  }
0x2ab: {  	[sflag:s28] =	ssyncset.done $0x0  }
0x2ac: {  	[sflag:s28] =	ssyncadd.s32 $0xFFFFFF30  }
0x2ad: {  	_ =	swait.ge [sflag:s28], $0xD0  }
0x2ae: {  	[sflag:s28] =	ssyncset.done $0x0  }
0x2af: {  	[sflag:s28] =	ssyncadd.s32 $0xFFFFFF30  }
0x2b0: {  	_ =	swait.ge [sflag:s28], $0xD0  }
0x2b1: {  	[sflag:s28] =	ssyncset.done $0x0  }
0x2b2: {  	[sflag:s28] =	ssyncadd.s32 $0xFFFFFF30  }
0x2b3: {  	_ =	swait.ge [sflag:s28], $0xD0  }
0x2b4: {  	[sflag:s28] =	ssyncset.done $0x0  }
0x2b5: {  	[sflag:s28] =	ssyncadd.s32 $0xFFFFFF30  }
0x2b6: {  	_ =	swait.ge [sflag:s28], $0xD0  }
0x2b7: {  	[sflag:s28] =	ssyncset.done $0x0  }
0x2b8: {  	[sflag:s28] =	ssyncadd.s32 $0xFFFFFF30  }
0x2b9: {  	_ =	swait.ge [sflag:s28], $0xD0  }
0x2ba: {  	[sflag:s28] =	ssyncset.done $0x0  }
0x2bb: {  	[sflag:s28] =	ssyncadd.s32 $0xFFFFFF30  }
0x2bc: {  	_ =	swait.ge [sflag:s28], $0xD0  }
0x2bd: {  	[sflag:s28] =	ssyncset.done $0x0  }
0x2be: {  	[sflag:s28] =	ssyncadd.s32 $0xFFFFFF30  }
0x2bf: {  	_ =	swait.ge [sflag:s28], $0xD0  }
0x2c0: {  	[sflag:s28] =	ssyncset.done $0x0  }
0x2c1: {  	[sflag:s28] =	ssyncadd.s32 $0xFFFFFF30  }
0x2c2: {  	_ =	swait.ge [sflag:s28], $0xD0  }
0x2c3: {  	[sflag:s28] =	ssyncset.done $0x0  }
0x2c4: {  	[sflag:s28] =	ssyncadd.s32 $0xFFFFFF30  }
0x2c5: {  	_ =	swait.ge [sflag:s28], $0xD0  }
0x2c6: {  	[sflag:s28] =	ssyncset.done $0x0  }
0x2c7: {  	[sflag:s28] =	ssyncadd.s32 $0xFFFFFF30  }
0x2c8: {  	_ =	swait.ge [sflag:s28], $0xD0  }
0x2c9: {  	[sflag:s28] =	ssyncset.done $0x0  }
0x2ca: {  	[sflag:s28] =	ssyncadd.s32 $0xFFFFFF30  }
0x2cb: {  	_ =	swait.ge [sflag:s28], $0xD0  }
0x2cc: {  	[sflag:s28] =	ssyncset.done $0x0  }
0x2cd: {  	s25 =	simm.s32 $0x10990;
	[sflag:s28] =	ssyncadd.s32 $0xFFFFFF30  }
0x2ce: {  	v27 =	vld [tilespmem:s25+$0xFFFFF980]  }
0x2cf: {  	v28 =	vld [tilespmem:s25+$0xFFFFFA50]  }
0x2d0: {  	v29 =	vld [tilespmem:s25+$0xFFFFFA40]  }
0x2d1: {  	s26 =	simm.s32 $0x0;
	v30 =	vld [tilespmem:s25+$0xFFFFFB20]  }
0x2d2: {  	s1 =	sand.u32 $0xE0, s26;
	v31 =	vld [tilespmem:s25+$0xFFFFF970]  }
0x2d3: {  	v62 =	vld [tilespmem:s1+$0x10580]  }
0x2d4: {  	v63 =	vld [tilespmem:s25+$0xFFFFFB10]  }
0x2d5: {  	v34 =	vld [tilespmem:s25+$0xFFFFFCC0]  }
0x2d6: {  	v60 =	vld [tilespmem:s25+$0xFFFFFBE0]  }
0x2d7: {  	v36 =	vld [tilespmem:s25+$0xFFFFFD90]  }
0x2d8: {  	v37 =	vld [tilespmem:s25+$0xFFFFFCB0]  }
0x2d9: {  	v38 =	vld [tilespmem:s25+$0xFFFFFE60]  }
0x2da: {  	v39 =	vld [tilespmem:s25+$0xFFFFFD80]  }
0x2db: {  	v40 =	vld [tilespmem:s25+$0xFFFFFF30]  }
0x2dc: {  	v41 =	vld [tilespmem:s25+$0xFFFFFE50]  }
0x2dd: {  	v42 =	vld [tilespmem:s25+$0x0]  }
0x2de: {  	v43 =	vld [tilespmem:s25+$0xFFFFFF20]  }
0x2df: {  	v44 =	vld [tilespmem:s25+$0xD0]  }
0x2e0: {  	v45 =	vld [tilespmem:s1+$0x10980]  }
0x2e1: {  	v46 =	vld [tilespmem:s25+$0x1A0]  }
0x2e2: {  	v47 =	vld [tilespmem:s25+$0xC0]  }
0x2e3: {  	v48 =	vld [tilespmem:s1+$0x10C00]  }
0x2e4: {  	v49 =	vld [tilespmem:s25+$0x190]  }
0x2e5: {  	v50 =	vld [tilespmem:s25+$0x340]  }
0x2e6: {  	v51 =	vld [tilespmem:s25+$0x260]  }
0x2e7: {  	v52 =	vld [tilespmem:s25+$0x410]  }
0x2e8: {  	v53 =	vld [tilespmem:s25+$0x330]  }
0x2e9: {  	v54 =	vld [tilespmem:s25+$0x4E0]  }
0x2ea: {  	v55 =	vld [tilespmem:s25+$0x400]  }
0x2eb: {  	v56 =	vld [tilespmem:s25+$0x5B0]  }
0x2ec: {  	s4 =	simm.s32 $0x109B0;
	v57 =	vld [tilespmem:s25+$0x4D0]  }
0x2ed: {  	v27 =	vadd.f32 v28, v27;
	v28 =	vadd.f32 v29, v31;
	v29 =	vld [tilespmem:s4+$0xFFFFF980]  }
0x2ee: {  	v31 =	vld [tilespmem:s4+$0xFFFFFA50]  }
0x2ef: {  	s0 =	simm.s32 $0x20;
	v61 =	vld [tilespmem:s4+$0xFFFFFB20]  }
0x2f0: {  	s30 =	sand.u32 $0xE0, s0;
	v27 =	vadd.f32 v30, v27;
	v28 =	vadd.f32 v63, v28;
	v30 =	vld [tilespmem:s4+$0xFFFFFA40]  }
0x2f1: {  	v63 =	vld [tilespmem:s30+$0x10580]  }
0x2f2: {  	v27 =	vadd.f32 v62, v27;
	v28 =	vadd.f32 v60, v28;
	v62 =	vld [tilespmem:s4+$0xFFFFF970]  }
0x2f3: {  	v59 =	vld [tilespmem:s4+$0xFFFFFB10];
	v29 =	vadd.f32 v31, v29  }
0x2f4: {  	v31 =	vld [tilespmem:s4+$0xFFFFFCC0];
	v27 =	vadd.f32 v34, v27;
	v28 =	vadd.f32 v37, v28  }
0x2f5: {  	v60 =	vld [tilespmem:s4+$0xFFFFFBE0];
	v29 =	vadd.f32 v61, v29  }
0x2f6: {  	v61 =	vld [tilespmem:s4+$0xFFFFFD90];
	v27 =	vadd.f32 v36, v27;
	v28 =	vadd.f32 v39, v28  }
0x2f7: {  	v30 =	vadd.f32 v30, v62;
	v62 =	vld [tilespmem:s4+$0xFFFFFCB0];
	v29 =	vadd.f32 v63, v29  }
0x2f8: {  	v63 =	vld [tilespmem:s4+$0xFFFFFE60];
	v27 =	vadd.f32 v38, v27;
	v28 =	vadd.f32 v41, v28  }
0x2f9: {  	v41 =	vld [tilespmem:s4+$0xFFFFFD80];
	v30 =	vadd.f32 v59, v30;
	v29 =	vadd.f32 v31, v29  }
0x2fa: {  	v31 =	vld [tilespmem:s4+$0xFFFFFF30];
	v27 =	vadd.f32 v40, v27;
	v28 =	vadd.f32 v43, v28  }
0x2fb: {  	v43 =	vld [tilespmem:s4+$0x0];
	v30 =	vadd.f32 v60, v30;
	v29 =	vadd.f32 v61, v29  }
0x2fc: {  	v27 =	vadd.f32 v42, v27;
	v28 =	vadd.f32 v45, v28;
	v42 =	vld [tilespmem:s4+$0xFFFFFE50]  }
0x2fd: {  	v45 =	vld [tilespmem:s4+$0xD0];
	v30 =	vadd.f32 v62, v30;
	v29 =	vadd.f32 v63, v29  }
0x2fe: {  	v27 =	vadd.f32 v44, v27;
	v28 =	vadd.f32 v47, v28;
	v44 =	vld [tilespmem:s4+$0xFFFFFF20]  }
0x2ff: {  	v47 =	vld [tilespmem:s30+$0x10980];
	v30 =	vadd.f32 v41, v30;
	v29 =	vadd.f32 v31, v29  }
0x300: {  	v31 =	vld [tilespmem:s4+$0x1A0];
	v27 =	vadd.f32 v46, v27;
	v28 =	vadd.f32 v49, v28  }
0x301: {  	v49 =	vld [tilespmem:s4+$0xC0];
	v30 =	vadd.f32 v42, v30;
	v29 =	vadd.f32 v43, v29  }
0x302: {  	v27 =	vadd.f32 v48, v27;
	v28 =	vadd.f32 v51, v28;
	v51 =	vld [tilespmem:s30+$0x10C00]  }
0x303: {  	v59 =	vld [tilespmem:s4+$0x340];
	v30 =	vadd.f32 v44, v30;
	v29 =	vadd.f32 v45, v29  }
0x304: {  	v27 =	vadd.f32 v50, v27;
	v28 =	vadd.f32 v53, v28;
	v53 =	vld [tilespmem:s4+$0x190]  }
0x305: {  	v58 =	vld [tilespmem:s25+$0x5A0];
	v30 =	vadd.f32 v47, v30;
	v29 =	vadd.f32 v31, v29  }
0x306: {  	v60 =	vld [tilespmem:s4+$0x260];
	v27 =	vadd.f32 v52, v27;
	v28 =	vadd.f32 v55, v28  }
0x307: {  	v61 =	vld [tilespmem:s4+$0x410];
	v30 =	vadd.f32 v49, v30;
	v29 =	vadd.f32 v51, v29  }
0x308: {  	v62 =	vld [tilespmem:s4+$0x330];
	v31 =	vadd.f32 v54, v27;
	v28 =	vadd.f32 v57, v28  }
0x309: {  	v27 =	vld [tilespmem:s4+$0x4E0];
	v30 =	vadd.f32 v53, v30;
	v29 =	vadd.f32 v59, v29  }
0x30a: {  	v31 =	vadd.f32 v56, v31;
	v63 =	vadd.f32 v58, v28;
	v28 =	vld [tilespmem:s4+$0x400]  }
0x30b: {  	s1 =	simm.s32 $0x11010;
	v33 =	vadd.f32 v60, v30;
	v30 =	vld [tilespmem:s4+$0x5B0]  }
0x30c: {  	v32 =	vadd.f32 v61, v29;
	[tilespmem:s1+$0x0] =	vst v31;
	v31 =	vld [tilespmem:s4+$0x4D0]  }
0x30d: {  	s3 =	simm.s32 $0x2;
	s24 =	simm.s32 $0x0;
	v29 =	vld [tilespmem:s4+$0x5A0];
	[tilespmem:s1+$0xFFFFFFF0] =	vst v63;
	s4 =	simm.s32 $0x109D0;
	v33 =	vadd.f32 v62, v33  }
.LBB2_8:
0x30e: {  	v34 =	vld [tilespmem:s4+$0xFFFFF980];
	v27 =	vadd.f32 v27, v32  }
0x30f: {  	s3 =	sadd.s32 $0x2, s3;
	v32 =	vld [tilespmem:s4+$0xFFFFFA50];
	v28 =	vadd.f32 v28, v33  }
0x310: {  	p0 =	slt.u32 s3, $0xA;
	v33 =	vld [tilespmem:s4+$0xFFFFFA40];
	v27 =	vadd.f32 v30, v27  }
0x311: {  	s0 =	sadd.s32 $0x20, s0;
	s1 =	sadd.s32 $0x20, s1;
	v30 =	vld [tilespmem:s4+$0xFFFFFB20];
	v28 =	vadd.f32 v31, v28  }
0x312: {  	s5 =	sand.u32 $0xE0, s0;
	v31 =	vld [tilespmem:s4+$0xFFFFF970];
	[tilespmem:s1+$0x0] =	vst v27  }
0x313: {  	v27 =	vld [tilespmem:s5+$0x10580];
	v28 =	vadd.f32 v29, v28  }
0x314: {  	v29 =	vld [tilespmem:s4+$0xFFFFFB10];
	v32 =	vadd.f32 v32, v34  }
0x315: {  	v34 =	vld [tilespmem:s4+$0xFFFFFCC0];
	[tilespmem:s1+$0xFFFFFFF0] =	vst v28  }
0x316: {  	v28 =	vld [tilespmem:s4+$0xFFFFFBE0];
	v30 =	vadd.f32 v30, v32  }
0x317: {  	v31 =	vadd.f32 v33, v31;
	v32 =	vld [tilespmem:s4+$0xFFFFFD90]  }
0x318: {  	v33 =	vld [tilespmem:s4+$0xFFFFFCB0];
	v27 =	vadd.f32 v27, v30  }
0x319: {  	v29 =	vadd.f32 v29, v31;
	v30 =	vld [tilespmem:s4+$0xFFFFFE60]  }
0x31a: {  	v31 =	vld [tilespmem:s4+$0xFFFFFD80];
	v27 =	vadd.f32 v34, v27  }
0x31b: {  	v28 =	vadd.f32 v28, v29;
	v29 =	vld [tilespmem:s4+$0xFFFFFF30]  }
0x31c: {  	v34 =	vld [tilespmem:s4+$0xFFFFFE50];
	v27 =	vadd.f32 v32, v27  }
0x31d: {  	v28 =	vadd.f32 v33, v28;
	v32 =	vld [tilespmem:s4+$0x0]  }
0x31e: {  	v33 =	vld [tilespmem:s4+$0xFFFFFF20];
	v27 =	vadd.f32 v30, v27  }
0x31f: {  	v28 =	vadd.f32 v31, v28;
	v30 =	vld [tilespmem:s4+$0xD0]  }
0x320: {  	v31 =	vld [tilespmem:s5+$0x10980];
	v27 =	vadd.f32 v29, v27  }
0x321: {  	v28 =	vadd.f32 v34, v28;
	v29 =	vld [tilespmem:s4+$0x1A0]  }
0x322: {  	v34 =	vld [tilespmem:s4+$0xC0];
	v27 =	vadd.f32 v32, v27  }
0x323: {  	v28 =	vadd.f32 v33, v28;
	v32 =	vld [tilespmem:s5+$0x10C00]  }
0x324: {  	v33 =	vld [tilespmem:s4+$0x190];
	v27 =	vadd.f32 v30, v27  }
0x325: {  	v28 =	vadd.f32 v31, v28;
	v30 =	vld [tilespmem:s4+$0x340]  }
0x326: {  	v31 =	vld [tilespmem:s4+$0x260];
	v27 =	vadd.f32 v29, v27  }
0x327: {  	v28 =	vadd.f32 v34, v28;
	v29 =	vld [tilespmem:s4+$0x410]  }
0x328: {  	v34 =	vld [tilespmem:s4+$0x330];
	v32 =	vadd.f32 v32, v27  }
.Ltmp3:
0x329: {  	v33 =	vadd.f32 v33, v28;
	v27 =	vld [tilespmem:s4+$0x4E0];
	(pc) =	sbr.rel @p0 .LBB2_8-.Ltmp3, $4  }
0x32a: {  	v28 =	vld [tilespmem:s4+$0x400];
	v32 =	vadd.f32 v30, v32  }
0x32b: {  	v33 =	vadd.f32 v31, v33;
	v30 =	vld [tilespmem:s4+$0x5B0]  }
0x32c: {  	v31 =	vld [tilespmem:s4+$0x4D0];
	v32 =	vadd.f32 v29, v32  }
0x32d: {  	v33 =	vadd.f32 v34, v33;
	v29 =	vld [tilespmem:s4+$0x5A0];
	s4 =	sadd.s32 $0x20, s4  }
0x32e: {  	_ = 	snop  }
0x32f: {  	v28 =	vadd.f32 v28, v33  }
0x330: {  	v27 =	vadd.f32 v27, v32  }
0x331: {  	v28 =	vadd.f32 v31, v28  }
0x332: {  	v27 =	vadd.f32 v30, v27  }
0x333: {  	s0 =	sadd.s32 $0x20, s1;
	v28 =	vadd.f32 v29, v28  }
0x334: {  	[tilespmem:s0+$0x0] =	vst v27  }
0x335: {  	[tilespmem:s0+$0xFFFFFFF0] =	vst v28  }
0x336: {  	v27 =	vld [tilespmem:$0x103C0]  }
0x337: {  	v28 =	vld [tilespmem:$0x10490];
	_ =	sdelay $0x1  }
0x338: {  	v50 =	vld [tilespmem:$0x10560];
	_ =	sdelay $0x1  }
0x339: {  	v51 =	vld [tilespmem:$0x10630]  }
0x33a: {  	v27 =	vadd.f32 v28, v27  }
0x33b: {  	v52 =	vld [tilespmem:$0x10700]  }
0x33c: {  	v27 =	vadd.f32 v50, v27  }
0x33d: {  	v53 =	vld [tilespmem:$0x107D0]  }
0x33e: {  	v27 =	vadd.f32 v51, v27  }
0x33f: {  	v54 =	vld [tilespmem:$0x108A0]  }
0x340: {  	v27 =	vadd.f32 v52, v27  }
0x341: {  	v55 =	vld [tilespmem:$0x10970]  }
0x342: {  	v27 =	vadd.f32 v53, v27  }
0x343: {  	v56 =	vld [tilespmem:$0x10A40]  }
0x344: {  	v27 =	vadd.f32 v54, v27  }
0x345: {  	v57 =	vld [tilespmem:$0x10B10]  }
0x346: {  	v27 =	vadd.f32 v55, v27  }
0x347: {  	v58 =	vld [tilespmem:$0x10BE0]  }
0x348: {  	v27 =	vadd.f32 v56, v27  }
0x349: {  	v59 =	vld [tilespmem:$0x10CB0]  }
0x34a: {  	v27 =	vadd.f32 v57, v27  }
0x34b: {  	v60 =	vld [tilespmem:$0x10D80]  }
0x34c: {  	v27 =	vadd.f32 v58, v27  }
0x34d: {  	v61 =	vld [tilespmem:$0x10E50]  }
0x34e: {  	v27 =	vadd.f32 v59, v27  }
0x34f: {  	v62 =	vld [tilespmem:$0x10F20]  }
0x350: {  	v27 =	vadd.f32 v60, v27  }
0x351: {  	v63 =	vld [tilespmem:$0x10FF0]  }
0x352: {  	v27 =	vadd.f32 v61, v27;
	_ =	sdelay $0x1  }
0x353: {  	v27 =	vadd.f32 v62, v27;
	_ =	sdelay $0x1  }
0x354: {  	s2 =	sadd.s32 $0x1, s2;
	v27 =	vadd.f32 v63, v27  }
0x355: {  	p0 =	sne.s32 s2, s23  }
.Ltmp4:
0x356: {  	s30 =	simm.s32 $0x11000;
	[tilespmem:$0x110C0] =	vst v27;
	(pc) =	sbr.rel @p0 .LBB2_1-.Ltmp4, $4  }
0x357: {  	[hbm4b:s22+s24] =	stream.linear.scatter [tilespmem:s30], [sflag:$0x2], $0xD0, $0x38;
	[tilespmem:$0x11100] =	vst v63  }
0x358: {  	_ =	swait.ge [sflag:s31], $0xD0  }
0x359: {  	[sflag:s31] =	ssyncset.done $0x0  }
0x35a: {  	[sflag:s31] =	ssyncadd.s32 $0xFFFFFF30  }
0x35b: {  	_ =	sfence.sel $0x180000  }
0x35c: {  	[bflag:$0x0] =	sbarrier.arrive $0xFFFF  }
0x35d: {  	_ =	strace $0x90000047  }
0x35e: {  	s0 =	stileid.u32;
	[bflag:$0x2] =	sbarrier.arrive $0xFFFF  }
0x35f: {  	p0 =	sne.s32 s0, $0x0;
	s0 =	rddreg [dreg:$0x4]  }
0x360: {  	s0 =	sadd.s32 @!p0 $0x100000, s0  }
0x361: {  	[sflag:s0] =	ssyncadd.tile.s32 @!p0 $0x1;
	_ =	shalt  }
.Lfunc_end2:
_tile_overlayer_lowered:
.L_overlay_start_2:
0x362: {  	(tag) =	ssettag $0x2  }
0x363: {  	s0 =	rddreg [dreg:$0x0];
	s2 =	stileid.u32  }
0x364: {  	s1 =	rddreg [dreg:$0x1];
	p0 =	sne.s32 s2, $0x0  }
0x365: {  	s3 =	rddreg [dreg:$0x2];
	[bflag:$0x3] =	sbarrier.arrive $0xFFFF;
	s2 =	simm.s32 @!p0 $0x1C02  }
0x366: {  	[timem:s3], [sflag:s2] =	dma.local @!p0 [hbm:s0], s1  }
0x367: {  	s0 =	simm.s32 @!p0 $0x2  }
0x368: {  	_ =	swait.ge @!p0 [sflag:s0], s1  }
0x369: {  	s1 =	ssub.s32 @!p0 $0x0, s1;
	[sflag:s0] =	ssyncset.done @!p0 $0x0  }
0x36a: {  	[sflag:s0] =	ssyncadd.s32 @!p0 s1  }
0x36b: {  	[bflag:$0x3] =	sbarrier.arrive $0xFFFF  }
0x36c: {  	_ =	shalt  }

// kernel: kernel.8.cloned.1.call-start
scs
__scs_entry_jumppad:
0x0: {  	(pc) =	sbr.rel $0x88, $3  }
0x1: {  	(tag) =	ssettag $0x0;
	lr =	simm.s32 $0x1  }
0x2: {  	[smem:$0x3F9B] =	sst lr;
	_ =	strace $0xD0000000  }
0x3: {  	_ = 	snop  }
0x4: {  	_ = 	snop  }
0x5: {  	_ = 	snop  }
0x6: {  	_ = 	snop  }
0x7: {  	_ = 	snop  }
__scs_overlays_trampoline_lowered:
0x8: {  	[smem:$0x3FAA] =	sst s0  }
0x9: {  	[smem:$0x3FAB] =	sst s1  }
0xa: {  	[smem:$0x3FAC] =	sst s2  }
0xb: {  	[smem:$0x3FAD] =	sst s3  }
0xc: {  	[smem:$0x3FAE] =	sst s4  }
0xd: {  	[smem:$0x3FAF] =	sst s5  }
0xe: {  	[smem:$0x3FB0] =	sst s6  }
0xf: {  	[smem:$0x3FB1] =	sst s7  }
0x10: {  	[smem:$0x3FB2] =	sst s8  }
0x11: {  	[smem:$0x3FB3] =	sst s9;
	s0 =	simm.s32 @!p0 $0x0  }
0x12: {  	s1 =	sld [smem:$0x3F99];
	s0 =	simm.s32 @p0 $0x1  }
0x13: {  	[smem:$0x3FB4] =	sst s0;
	s0 =	simm.s32 @!p1 $0x0  }
0x14: {  	s2 =	sld [smem:$0x3F98];
	s0 =	simm.s32 @p1 $0x1  }
0x15: {  	[smem:$0x3FB5] =	sst s0;
	s0 =	simm.s32 @!p2 $0x0  }
0x16: {  	s3 =	sld [smem:$0x3FDB];
	s0 =	simm.s32 @p2 $0x1  }
0x17: {  	s4 =	simm.s32 $0x1BF5;
	[smem:$0x3FB7] =	sst s0  }
0x18: {  	s0 =	sld [smem:$0x3F9A];
	_ =	swait.ge [sflag:s4], $0x0  }
0x19: {  	s7 =	sld [smem:$0x3F9B]  }
0x1a: {  	s8 =	sadd.s32 $0xFFFFE003, lr  }
0x1b: {  	s9 =	sadd.s32 $0xFFFFFEF7, lr;
	s5 =	simm.s32 $0xFFFFFFFF;
	p2 =	slt.u32 s8, $0xFFFFF086  }
0x1c: {  	p1 =	slt.u32 s9, $0xF7A;
	s5 =	simm.s32 @!p2 $0x0  }
0x1d: {  	s5 =	simm.s32 @p1 $0x1;
	p0 =	seq.s32 s7, s2  }
0x1e: {  	s7 =	smul.u32 @!p0 $0xF7A, s2;
	p2 =	seq.s32 @!p0 s5, $0x0  }
0x1f: {  	s9 =	smul.u32 $0xF7A, s1;
	s8 =	simm.s32 @!p0 $0x1BF5;
	p2 =	por !p2, p0  }
0x20: {  	[sflag:s8] =	ssyncset.s32 @!p0 $0xFFFFF086;
	s6 =	sadd.s32 @!p0 s3, s7;
	s7 =	simm.s32 @!p0 $0x108  }
0x21: {  	s3 =	sadd.s32 s3, s9;
	s6 =	sadd.s32 @!p0 $0x88, s6;
	s7 =	simm.s32 @p2 $0x1082  }
0x22: {  	[simem:s7], [sflag:s8] =	dma.local @!p0 [hbm:s6], $0xF7A  }
0x23: {  	s9 =	sor.u32 $0xD0000000, s2;
	s6 =	simm.s32 $0x108;
	_ =	swait.ge @!p0 [sflag:s8], $0x0  }
0x24: {  	s3 =	sadd.s32 $0x88, s3;
	s6 =	simm.s32 @!p1 $0x1082;
	[sflag:s4] =	ssyncset.s32 $0xFFFFF086  }
0x25: {  	[simem:s6], [sflag:s4] =	dma.local [hbm:s3], $0xF7A  }
0x26: {  	[smem:$0x3F9B] =	sst s1;
	(tag) =	ssettag s2;
	_ =	strace s9  }
0x27: {  	s1 =	sld [smem:$0x3FAB]  }
0x28: {  	s2 =	sld [smem:$0x3FAC]  }
0x29: {  	s4 =	sld [smem:$0x3FAE]  }
0x2a: {  	p0 =	seq.s32 s5, $0x0;
	s5 =	sld [smem:$0x3FAF]  }
0x2b: {  	s6 =	sld [smem:$0x3FB0]  }
0x2c: {  	s7 =	sld [smem:$0x3FB1]  }
0x2d: {  	s3 =	simm.s32 $0x108;
	s8 =	sld [smem:$0x3FB2]  }
0x2e: {  	s3 =	simm.s32 @!p0 $0x1082;
	s9 =	sld [smem:$0x3FB3]  }
0x2f: {  	lr =	sadd.s32 s0, s3;
	s0 =	sld [smem:$0x3FAA]  }
0x30: {  	s3 =	sld [smem:$0x3FAD]  }
0x31: {  	[smem:$0x3FB6] =	sst s10  }
0x32: {  	s10 =	sld [smem:$0x3FB4];
	_ =	sdelay $0x3  }
0x33: {  	p0 =	seq.s32 s10, $0x1;
	s10 =	sld [smem:$0x3FB6];
	_ =	sdelay $0x3  }
0x34: {  	[smem:$0x3FB6] =	sst s10  }
0x35: {  	s10 =	sld [smem:$0x3FB5];
	_ =	sdelay $0x3  }
0x36: {  	p1 =	seq.s32 s10, $0x1;
	s10 =	sld [smem:$0x3FB6];
	_ =	sdelay $0x3  }
0x37: {  	[smem:$0x3FB6] =	sst s10  }
0x38: {  	s10 =	sld [smem:$0x3FB7]  }
0x39: {  	_ = 	snop;
	(pc) =	sbr.ind lr, $3  }
0x3a: {  	_ = 	snop  }
0x3b: {  	_ = 	snop  }
0x3c: {  	p2 =	seq.s32 s10, $0x1;
	s10 =	sld [smem:$0x3FB6]  }
0x3d: {  	_ =	shalt  }
0x3e: {  	_ =	shalt  }
0x3f: {  	_ =	shalt  }
0x40: {  	_ =	shalt  }
0x41: {  	_ =	shalt  }
0x42: {  	_ =	shalt  }
0x43: {  	_ =	shalt  }
0x44: {  	_ =	shalt  }
0x45: {  	_ =	shalt  }
0x46: {  	_ =	shalt  }
0x47: {  	_ =	shalt  }
0x48: {  	_ =	shalt  }
0x49: {  	_ =	shalt  }
0x4a: {  	_ =	shalt  }
0x4b: {  	_ =	shalt  }
0x4c: {  	_ =	shalt  }
0x4d: {  	_ =	shalt  }
0x4e: {  	_ =	shalt  }
0x4f: {  	_ =	shalt  }
0x50: {  	_ =	shalt  }
0x51: {  	_ =	shalt  }
0x52: {  	_ =	shalt  }
0x53: {  	_ =	shalt  }
0x54: {  	_ =	shalt  }
0x55: {  	_ =	shalt  }
0x56: {  	_ =	shalt  }
0x57: {  	_ =	shalt  }
0x58: {  	_ =	shalt  }
0x59: {  	_ =	shalt  }
0x5a: {  	_ =	shalt  }
0x5b: {  	_ =	shalt  }
0x5c: {  	_ =	shalt  }
0x5d: {  	_ =	shalt  }
0x5e: {  	_ =	shalt  }
0x5f: {  	_ =	shalt  }
0x60: {  	_ =	shalt  }
0x61: {  	_ =	shalt  }
0x62: {  	_ =	shalt  }
0x63: {  	_ =	shalt  }
0x64: {  	_ =	shalt  }
0x65: {  	_ =	shalt  }
0x66: {  	_ =	shalt  }
0x67: {  	_ =	shalt  }
0x68: {  	_ =	shalt  }
0x69: {  	_ =	shalt  }
0x6a: {  	_ =	shalt  }
0x6b: {  	_ =	shalt  }
0x6c: {  	_ =	shalt  }
0x6d: {  	_ =	shalt  }
0x6e: {  	_ =	shalt  }
0x6f: {  	_ =	shalt  }
0x70: {  	_ =	shalt  }
0x71: {  	_ =	shalt  }
0x72: {  	_ =	shalt  }
0x73: {  	_ =	shalt  }
0x74: {  	_ =	shalt  }
0x75: {  	_ =	shalt  }
0x76: {  	_ =	shalt  }
0x77: {  	_ =	shalt  }
0x78: {  	_ =	shalt  }
0x79: {  	_ =	shalt  }
0x7a: {  	_ =	shalt  }
0x7b: {  	_ =	shalt  }
0x7c: {  	_ =	shalt  }
0x7d: {  	_ =	shalt  }
0x7e: {  	_ =	shalt  }
0x7f: {  	_ =	shalt  }
0x80: {  	_ =	shalt  }
0x81: {  	_ =	shalt  }
0x82: {  	_ =	shalt  }
0x83: {  	_ =	shalt  }
0x84: {  	_ =	shalt  }
0x85: {  	_ =	shalt  }
0x86: {  	_ =	shalt  }
0x87: {  	_ =	shalt  }
.Lfunc_end0:
.L_simem_size_0:
called_computation.1_lowered:
.L_overlay_start_0:
0x88: {  	s2 =	sld [smem:$0x3FD9]  }
0x89: {  	s3 =	sld [smem:$0x3FFE];
	_ =	sdelay $0x1  }
0x8a: {  	s1 =	srdreg.scid  }
0x8b: {  	s0 =	sand.u32 $0x1, s1  }
0x8c: {  	s17 =	sshll.u32 s0, $0xA;
	s2 =	sadd.s32 s3, s2  }
0x8d: {  	s2 =	sadd.s32 s2, s17  }
0x8e: {  	[smem:$0x3FC2] =	sst s2  }
0x8f: {  	_ = 	snop  }
0x90: {  	s2 =	sld [smem:$0x3FC9]  }
0x91: {  	s18 =	sld [smem:$0x3FC8]  }
0x92: {  	s4 =	sld [smem:$0x3FD0];
	(tm) =	ssettm $0x1  }
0x93: {  	s5 =	sld [smem:$0x3FFB];
	_ =	sdelay $0x3  }
0x94: {  	_ =	strace s5  }
0x95: {  	s5 =	sld [smem:$0x3FFC];
	_ =	sdelay $0x3  }
0x96: {  	_ =	strace s5  }
0x97: {  	s5 =	sld [smem:$0x3FFD];
	_ =	sdelay $0x3  }
0x98: {  	_ =	strace s5  }
0x99: {  	_ =	strace $0x8FFFFFFF  }
0x9a: {  	s19 =	sld [smem:$0x3FDB];
	_ =	sdelay $0x1  }
0x9b: {  	s6 =	simm.s32 $_scs_section_size  }
0x9c: {  	s7 =	simm.s32 $_size__tile_overlayer_lowered;
	s8 =	simm.s32 $_tile_overlayer_lowered  }
0x9d: {  	s22 =	simm.s32 $0x1BFF;
	s21 =	sshll.u32 s8, $0x1;
	s5 =	sadd.s32 s6, s19  }
0x9e: {  	s9 =	simm.s32 $0x0;
	s20 =	sshll.u32 s7, $0x1;
	s7 =	sadd.s32 s21, s5  }
0x9f: {  	[timem:s9], [sflag:s22] =	dma.local [hbm:s7], s20  }
0xa0: {  	_ =	swait.ge [sflag:s22], s20  }
0xa1: {  	s6 =	ssub.s32 $0x0, s20;
	[sflag:s22] =	ssyncset.done $0x0  }
0xa2: {  	[sflag:s22] =	ssyncadd.s32 s6;
	_ =	sdelay $0x1  }
0xa3: {  	s23 =	simm.s32 $0x1B8B  }
0xa4: {  	_ =	swait.ge [sflag:s23], $0x1  }
0xa5: {  	[sflag:s23] =	ssyncset.done $0x0  }
0xa6: {  	s25 =	simm.s32 $0x1B8E;
	s24 =	sld [smem:$0x3FFE];
	[sflag:s23] =	ssyncadd.s32 $0xFFFFFFFF  }
0xa7: {  	s26 =	simm.s32 $execute0_lowered;
	[smem:$0x3FD2] =	sst s25  }
0xa8: {  	s7 =	sshll.u32 s26, $0x1;
	_ =	strace $0x80000049;
	[dreg:$0x1] =	wrdreg $0xFFFFFFFF  }
0xa9: {  	s28 =	simm.s32 $_size_execute0_lowered;
	s5 =	sadd.s32 s5, s7;
	[dreg:$0x0] =	wrdreg $0x0  }
0xaa: {  	s7 =	sshll.u32 s28, $0x1;
	[dreg:$0x2] =	wrdreg s5  }
0xab: {  	[dreg:$0x3] =	wrdreg s7  }
0xac: {  	[dreg:$0x4] =	wrdreg $0xC0  }
0xad: {  	_ =	task [dreg:s9], $0x5FFFF  }
0xae: {  	[dreg:$0x1] =	wrdreg $0xFFFFFFFF  }
0xaf: {  	[dreg:$0x0] =	wrdreg $0x60  }
0xb0: {  	[dreg:$0x2] =	wrdreg s2  }
0xb1: {  	[dreg:$0x3] =	wrdreg s18  }
0xb2: {  	[dreg:$0x4] =	wrdreg s24  }
0xb3: {  	[dreg:$0x5] =	wrdreg s4  }
0xb4: {  	[dreg:$0x6] =	wrdreg $0x9  }
0xb5: {  	_ =	task.clear_ibuf [dreg:s9], $0x7FFFF;
	_ =	strace $0x90000049  }
0xb6: {  	s29 =	simm.s32 $0x9;
	_ =	strace $0x8000004B  }
0xb7: {  	_ =	swait.ge [sflag:s29], $0x1  }
0xb8: {  	[sflag:s29] =	ssyncadd.s32 $0xFFFFFFFF  }
0xb9: {  	_ =	strace $0x9000004B  }
0xba: {  	_ =	sfence  }
0xbb: {  	s30 =	sld [smem:$0x0];
	_ =	sdelay $0x2  }
0xbc: {  	s31 =	sshll.u32 s1, $0xD;
	s1 =	sshrl.u32 s1, $0x2  }
0xbd: {  	s3 =	sand.u32 $0x4000, s31;
	s1 =	sadd.s32 s1, s30  }
0xbe: {  	s0 =	sor.u32 s3, s0;
	s1 =	sshll.u32 s1, $0x11  }
0xbf: {  	s0 =	sor.u32 s1, s0  }
0xc0: {  	s0 =	sadd.s32 $0x8F2B, s0  }
0xc1: {  	[sflag:s0] =	ssyncadd.remote.s32 $0x1  }
0xc2: {  	_ =	sfence.sel $0xFFFF  }
0xc3: {  	[dreg:$0x0] =	wrdreg $0xFFFFFFFF;
	(pc) =	sbr.abs _section_cstart, $3  }
0xc4: {  	[dreg:$0x1] =	wrdreg $0xFFFFFFFF  }
0xc5: {  	_ =	task.clear_ibuf [dreg:s9], $0x2FFFF;
	_ =	strace $0x9FFFFFFF  }
0xc6: {  	(tm) =	ssettm $0x7FFFFFFF  }
0xc7: {  	_ =	shalt  }
tec
execute0_lowered:
.L_overlay_start_1:
0x0: {  	(tag) =	ssettag $0x1  }
0x1: {  	s0 =	rddreg [dreg:$0x0]  }
0x2: {  	s1 =	rddreg [dreg:$0x1]  }
0x3: {  	s3 =	rddreg [dreg:$0x2]  }
0x4: {  	s4 =	rddreg [dreg:$0x3]  }
0x5: {  	s2 =	simm.s32 $0x0;
	s5 =	srdreg.scid;
	s7 =	stileid.u32  }
0x6: {  	s9 =	simm.s32 $0x8000;
	s10 =	simm.s32 $0x9000;
	s11 =	simm.s32 $0x1000  }
0x7: {  	s12 =	simm.s32 $0x20000;
	s14 =	simm.s32 $0x1;
	s16 =	simm.s32 $0x2  }
0x8: {  	s17 =	simm.s32 $0x0;
	[smem:$0x7FF] =	sst s2;
	s5 =	sand.u32 $0x1, s5  }
0x9: {  	s7 =	sshll.u32 s7, $0x9;
	s8 =	sadd.s32 $0x1800, s3;
	s3 =	sadd.s32 $0x1A00, s3  }
0xa: {  	_ =	strace $0x8000004A;
	s6 =	ssub.s32 $0x2, s5;
	s5 =	sshll.u32 s5, $0xD  }
0xb: {  	[dreg:$0x5] =	wrdreg s8;
	s30 =	sshrl.u32 s6, $0x1;
	s7 =	sor.u32 s7, s5  }
0xc: {  	[dreg:$0x6] =	wrdreg s3;
	s31 =	ssub.s32 s6, s30;
	s5 =	sadd.s32 s0, s7  }
0xd: {  	s6 =	sadd.s32 s1, s7;
	s7 =	sadd.s32 s4, s7;
	s8 =	smax.u32 s31, $0x1  }
.LBB2_1:
0xe: {  	s0 =	rddreg [dreg:$0x5]  }
0xf: {  	[tilespmem:s9], [sflag:$0x1] =	stream.linear.gather [hbm4b:s0+s2], $0x1000, $0x38;
	[tilespmem:$0xE000] =	vst v63  }
0x10: {  	s30 =	rddreg [dreg:$0x6]  }
0x11: {  	[tilespmem:s10], [sflag:$0x1] =	stream.linear.gather [hbm4b:s30+s2], $0x1000, $0x38;
	[tilespmem:$0xE000] =	vst v63  }
0x12: {  	_ = 	snop  }
0x13: {  	[tilespmem:s2], [sflag:$0x1] =	stream.strided.gather [hbm4b:s5+s11], $0x4000, s12, s11, $0x38;
	[tilespmem:$0xE000] =	vst v63  }
0x14: {  	s31 =	simm.s32 $0x4000  }
0x15: {  	[tilespmem:s31], [sflag:$0x1] =	stream.strided.gather [hbm4b:s6+s11], $0x4000, s12, s11, $0x38;
	[tilespmem:$0xE000] =	vst v63  }
0x16: {  	_ =	swait.ge [sflag:s14], $0x1000  }
0x17: {  	[sflag:s14] =	ssyncset.done $0x0  }
0x18: {  	[sflag:s14] =	ssyncadd.s32 $0xFFFFF000  }
0x19: {  	_ =	swait.ge [sflag:s14], $0x1000  }
0x1a: {  	[sflag:s14] =	ssyncset.done $0x0  }
0x1b: {  	[sflag:s14] =	ssyncadd.s32 $0xFFFFF000  }
0x1c: {  	_ =	swait.ge [sflag:s14], $0x4000  }
0x1d: {  	[sflag:s14] =	ssyncset.done $0x0  }
0x1e: {  	[sflag:s14] =	ssyncadd.s32 $0xFFFFC000  }
0x1f: {  	s18 =	simm.s32 $0xFFFFFFFC;
	_ =	swait.ge [sflag:s14], $0x4000  }
0x20: {  	p0 =	por $0x0, $0x0;
	s19 =	simm.s32 $0x0;
	[sflag:s14] =	ssyncset.done $0x0  }
0x21: {  	s20 =	simm.s32 $0x0;
	s21 =	simm.s32 $0x0;
	[sflag:s14] =	ssyncadd.s32 $0xFFFFC000  }
.LBB2_2:
0x22: {  	s0 =	sand.u32 $0x40, s19;
	s1 =	sand.u32 $0xC00, s21  }
0x23: {  	s22 =	sor.u32 s0, s1  }
0x24: {  	v0 =	vld [tilespmem:s22+$0x0]  }
0x25: {  	s30 =	sand.u32 $0xFFFFFC00, s21;
	v2 =	vld [tilespmem:s22+$0x80]  }
0x26: {  	s25 =	sadd.s32 s30, s19;
	v3 =	vld [tilespmem:s22+$0x100]  }
0x27: {  	s0 =	sor.u32 $0x180, s25  }
0x28: {  	v4 =	vld [tilespmem:s0+$0x0]  }
0x29: {  	v1 =	vmul.f32 $1.280000000e+02, v0  }
0x2a: {  	v5 =	vmul.f32 $1.280000000e+02, v2  }
0x2b: {  	v6 =	vmul.f32 $1.280000000e+02, v3;
	v1 =	vadd.f32 $5.000000000e-01, v1  }
0x2c: {  	v5 =	vadd.f32 $5.000000000e-01, v5  }
0x2d: {  	v7 =	vmul.f32 $1.280000000e+02, v4;
	v6 =	vadd.f32 $5.000000000e-01, v6;
	v1 =	vtrunc.f32 v1  }
0x2e: {  	v5 =	vtrunc.f32 v5;
	v1 =	vcvt.f32.s32 v1  }
0x2f: {  	v7 =	vadd.f32 $5.000000000e-01, v7;
	v6 =	vtrunc.f32 v6;
	v5 =	vcvt.f32.s32 v5  }
0x30: {  	v6 =	vcvt.f32.s32 v6;
	vm3 =	vgt.s32 v1, $0x7F  }
0x31: {  	v7 =	vtrunc.f32 v7;
	vm2 =	vgt.s32 v5, $0x7F;
	v1 =	vsel vm3, $0x7F, v1  }
0x32: {  	v7 =	vcvt.f32.s32 v7;
	v5 =	vsel vm2, $0x7F, v5  }
0x33: {  	vm1 =	vgt.s32 v6, $0x7F;
	v5 =	vadd.s32 $0x80, v5  }
0x34: {  	v54 =	vld [tilespmem:s22+$0x4000];
	v6 =	vsel vm1, $0x7F, v6;
	vm0 =	vgt.s32 v7, $0x7F  }
0x35: {  	v16 =	vld [tilespmem:s22+$0x4080];
	v7 =	vsel vm0, $0x7F, v7;
	v6 =	vadd.s32 $0x100, v6  }
0x36: {  	v7 =	vadd.s32 $0x180, v7;
	v8 =	vld.idx.msk [tilespmem:v1+s10+$0x0], $0xffff  }
0x37: {  	v1 =	vld.idx.msk [tilespmem:v1+s9+$0x0], $0xffff  }
0x38: {  	v10 =	vld.idx.msk [tilespmem:v5+s10+$0x0], $0xffff  }
0x39: {  	v5 =	vld.idx.msk [tilespmem:v5+s9+$0x0], $0xffff  }
0x3a: {  	v13 =	vld.idx.msk [tilespmem:v6+s10+$0x0], $0xffff  }
0x3b: {  	v11 =	vmul.f32 $2.560000000e+02, v0;
	v14 =	vld.idx.msk [tilespmem:v7+s10+$0x0], $0xffff;
	v9 =	vmul.f32 $9.960937500e-01, v8  }
0x3c: {  	v55 =	vmul.f32 $2.560000000e+02, v2;
	v15 =	vmul.f32 $2.560000000e+02, v3;
	vm9 =	veq.s32 v54, $0x1;
	v6 =	vld.idx.msk [tilespmem:v6+s9+$0x0], $0xffff  }
0x3d: {  	vm10 =	veq.s32 v16, $0x1;
	v60 =	vmul.f32 $2.560000000e+02, v4;
	v7 =	vld.idx.msk [tilespmem:v7+s9+$0x0], $0xffff;
	v9 =	vadd.f32 v9, v1  }
0x3e: {  	v11 =	vadd.f32 $-2.550000000e+02, v11;
	v0 =	vmul.f32 v8, v0;
	v51 =	vmul.f32 $9.960937500e-01, v10  }
0x3f: {  	v15 =	vadd.f32 $-2.550000000e+02, v15;
	v56 =	vmul.f32 $9.960937500e-01, v13;
	v12 =	vsub.f32 $1.000000000e+00, v9  }
0x40: {  	v0 =	vadd.f32 v0, v1;
	v58 =	vmul.f32 $9.960937500e-01, v14;
	v53 =	vadd.f32 v51, v5  }
0x41: {  	v1 =	vadd.f32 $-2.550000000e+02, v55;
	v50 =	vmul.f32 v12, v11;
	v11 =	vadd.f32 v56, v6  }
0x42: {  	v2 =	vmul.f32 v10, v2;
	v59 =	vadd.f32 v58, v7;
	v57 =	vsub.f32 $1.000000000e+00, v53  }
0x43: {  	v3 =	vmul.f32 v13, v3;
	v4 =	vmul.f32 v14, v4;
	v61 =	vsub.f32 $1.000000000e+00, v11  }
0x44: {  	v17 =	vld [tilespmem:s22+$0x4100];
	v62 =	vsub.f32 $1.000000000e+00, v59;
	v12 =	vadd.f32 $-2.550000000e+02, v60;
	v1 =	vmul.f32 v57, v1  }
0x45: {  	v18 =	vld [tilespmem:s0+$0x4000];
	v2 =	vadd.f32 v2, v5;
	v52 =	vadd.f32 v50, v9;
	v63 =	vmul.f32 v61, v15  }
0x46: {  	v13 =	vadd.f32 v3, v6;
	v9 =	vmul.f32 v62, v12;
	v1 =	vadd.f32 v1, v53  }
0x47: {  	v4 =	vadd.f32 v4, v7;
	v0 =	vsel vm3, v52, v0;
	v14 =	vadd.f32 v63, v11  }
0x48: {  	s1 =	simm.s32 $0x1;
	v5 =	vadd.f32 v9, v59;
	v0 =	vnsel vm9, $0x3F800000, v0;
	v1 =	vsel vm2, v1, v2  }
0x49: {  	s1 =	simm.s32 @!p0 $0x0;
	vm11 =	veq.s32 v17, $0x1;
	[tilespmem:s22+$0xA000] =	vst v0;
	v15 =	vnsel vm10, $0x3F800000, v1;
	v16 =	vsel vm1, v14, v13  }
0x4a: {  	s1 =	sshll.u32 s1, $0x6;
	vm12 =	veq.s32 v18, $0x1;
	v19 =	vsel vm0, v5, v4;
	[tilespmem:s22+$0xA080] =	vst v15;
	v17 =	vnsel vm11, $0x3F800000, v16  }
0x4b: {  	s23 =	sadd.s32 s1, s21;
	v20 =	vnsel vm12, $0x3F800000, v19;
	[tilespmem:s22+$0xA100] =	vst v17  }
0x4c: {  	s4 =	sor.u32 $0x200, s23;
	[tilespmem:s0+$0xA000] =	vst v20  }
0x4d: {  	v0 =	vld [tilespmem:s4+$0x0]  }
0x4e: {  	s1 =	sor.u32 $0x280, s23  }
0x4f: {  	s31 =	sor.u32 $0x300, s23;
	v22 =	vld [tilespmem:s1+$0x0]  }
0x50: {  	s3 =	sor.u32 $0x380, s20;
	v23 =	vld [tilespmem:s31+$0x0]  }
0x51: {  	v24 =	vld [tilespmem:s3+$0x0]  }
0x52: {  	v21 =	vmul.f32 $1.280000000e+02, v0;
	_ =	sdelay $0x1  }
0x53: {  	v25 =	vmul.f32 $1.280000000e+02, v22;
	v1 =	vadd.f32 $5.000000000e-01, v21  }
0x54: {  	v26 =	vmul.f32 $1.280000000e+02, v23  }
0x55: {  	v27 =	vmul.f32 $1.280000000e+02, v24;
	v5 =	vadd.f32 $5.000000000e-01, v25;
	v1 =	vtrunc.f32 v1  }
0x56: {  	v1 =	vcvt.f32.s32 v1  }
0x57: {  	v6 =	vadd.f32 $5.000000000e-01, v26;
	v7 =	vadd.f32 $5.000000000e-01, v27;
	v5 =	vtrunc.f32 v5  }
0x58: {  	v5 =	vcvt.f32.s32 v5;
	vm13 =	vgt.s32 v1, $0x7F  }
0x59: {  	v6 =	vtrunc.f32 v6;
	v7 =	vtrunc.f32 v7;
	v1 =	vsel vm13, $0x7F, v1  }
0x5a: {  	v6 =	vcvt.f32.s32 v6;
	vm14 =	vgt.s32 v5, $0x7F;
	v1 =	vadd.s32 $0x200, v1  }
0x5b: {  	v7 =	vcvt.f32.s32 v7;
	v5 =	vsel vm14, $0x7F, v5  }
0x5c: {  	vm15 =	vgt.s32 v6, $0x7F;
	v5 =	vadd.s32 $0x280, v5  }
0x5d: {  	v39 =	vld [tilespmem:s4+$0x4000];
	vm6 =	vgt.s32 v7, $0x7F;
	v6 =	vsel vm15, $0x7F, v6  }
0x5e: {  	v47 =	vld [tilespmem:s1+$0x4000];
	v7 =	vsel vm6, $0x7F, v7;
	v6 =	vadd.s32 $0x300, v6  }
0x5f: {  	v7 =	vadd.s32 $0x380, v7;
	v28 =	vld.idx.msk [tilespmem:v1+s10+$0x0], $0xffff  }
0x60: {  	v1 =	vld.idx.msk [tilespmem:v1+s9+$0x0], $0xffff  }
0x61: {  	v30 =	vld.idx.msk [tilespmem:v5+s10+$0x0], $0xffff  }
0x62: {  	v5 =	vld.idx.msk [tilespmem:v5+s9+$0x0], $0xffff  }
0x63: {  	v31 =	vmul.f32 $2.560000000e+02, v0;
	v33 =	vld.idx.msk [tilespmem:v6+s10+$0x0], $0xffff  }
0x64: {  	v40 =	vmul.f32 $2.560000000e+02, v22;
	v34 =	vld.idx.msk [tilespmem:v7+s10+$0x0], $0xffff;
	v29 =	vmul.f32 $9.960937500e-01, v28  }
0x65: {  	v44 =	vmul.f32 $2.560000000e+02, v23;
	v46 =	vmul.f32 $2.560000000e+02, v24;
	v6 =	vld.idx.msk [tilespmem:v6+s9+$0x0], $0xffff  }
0x66: {  	vm7 =	veq.s32 v39, $0x1;
	v11 =	vadd.f32 $-2.550000000e+02, v31;
	v7 =	vld.idx.msk [tilespmem:v7+s9+$0x0], $0xffff;
	v9 =	vadd.f32 v29, v1  }
0x67: {  	v15 =	vadd.f32 $-2.550000000e+02, v44;
	v0 =	vmul.f32 v28, v0;
	v36 =	vmul.f32 $9.960937500e-01, v30  }
0x68: {  	v12 =	vadd.f32 $-2.550000000e+02, v46;
	v41 =	vmul.f32 $9.960937500e-01, v33;
	v32 =	vsub.f32 $1.000000000e+00, v9  }
0x69: {  	v43 =	vmul.f32 $9.960937500e-01, v34;
	v0 =	vadd.f32 v0, v1;
	v38 =	vadd.f32 v36, v5  }
0x6a: {  	v1 =	vadd.f32 $-2.550000000e+02, v40;
	v35 =	vmul.f32 v32, v11;
	v11 =	vadd.f32 v41, v6  }
0x6b: {  	vm8 =	veq.s32 v47, $0x1;
	v45 =	vadd.f32 v43, v7;
	v42 =	vsub.f32 $1.000000000e+00, v38  }
0x6c: {  	v2 =	vmul.f32 v30, v22;
	v3 =	vmul.f32 v33, v23;
	v48 =	vsub.f32 $1.000000000e+00, v11  }
0x6d: {  	v49 =	vld [tilespmem:s31+$0x4000];
	v4 =	vmul.f32 v34, v24;
	v50 =	vsub.f32 $1.000000000e+00, v45;
	v1 =	vmul.f32 v42, v1  }
0x6e: {  	v51 =	vld [tilespmem:s3+$0x4000];
	v2 =	vadd.f32 v2, v5;
	v37 =	vadd.f32 v35, v9;
	v52 =	vmul.f32 v48, v15  }
0x6f: {  	v53 =	vadd.f32 v3, v6;
	v1 =	vadd.f32 v1, v38;
	v9 =	vmul.f32 v50, v12  }
0x70: {  	v4 =	vadd.f32 v4, v7;
	v0 =	vsel vm13, v37, v0;
	v54 =	vadd.f32 v52, v11  }
0x71: {  	v1 =	vsel vm14, v1, v2;
	v5 =	vadd.f32 v9, v45;
	v0 =	vnsel vm7, $0x3F800000, v0  }
0x72: {  	vm9 =	veq.s32 v49, $0x1;
	v55 =	vnsel vm8, $0x3F800000, v1;
	[tilespmem:s4+$0xA000] =	vst v0;
	v56 =	vsel vm15, v54, v53  }
0x73: {  	vm10 =	veq.s32 v51, $0x1;
	v58 =	vsel vm6, v5, v4;
	[tilespmem:s1+$0xA000] =	vst v55;
	v57 =	vnsel vm9, $0x3F800000, v56  }
0x74: {  	v59 =	vnsel vm10, $0x3F800000, v58;
	[tilespmem:s31+$0xA000] =	vst v57  }
0x75: {  	[tilespmem:s3+$0xA000] =	vst v59  }
0x76: {  	v0 =	vld [tilespmem:s22+$0x1000];
	_ =	sdelay $0x1  }
0x77: {  	v61 =	vld [tilespmem:s22+$0x1080]  }
0x78: {  	s3 =	sor.u32 $0x1180, s25;
	v62 =	vld [tilespmem:s22+$0x1100]  }
0x79: {  	v63 =	vld [tilespmem:s3+$0x0]  }
0x7a: {  	v60 =	vmul.f32 $1.280000000e+02, v0;
	_ =	sdelay $0x1  }
0x7b: {  	v19 =	vmul.f32 $1.280000000e+02, v61;
	v1 =	vadd.f32 $5.000000000e-01, v60  }
0x7c: {  	v20 =	vmul.f32 $1.280000000e+02, v62  }
0x7d: {  	v21 =	vmul.f32 $1.280000000e+02, v63;
	v5 =	vadd.f32 $5.000000000e-01, v19;
	v1 =	vtrunc.f32 v1  }
0x7e: {  	v1 =	vcvt.f32.s32 v1  }
0x7f: {  	v6 =	vadd.f32 $5.000000000e-01, v20;
	v7 =	vadd.f32 $5.000000000e-01, v21;
	v5 =	vtrunc.f32 v5  }
0x80: {  	v5 =	vcvt.f32.s32 v5;
	vm11 =	vgt.s32 v1, $0x7F  }
0x81: {  	v6 =	vtrunc.f32 v6;
	v7 =	vtrunc.f32 v7;
	v1 =	vsel vm11, $0x7F, v1  }
0x82: {  	v55 =	vld [tilespmem:s22+$0x10];
	v6 =	vcvt.f32.s32 v6;
	vm12 =	vgt.s32 v5, $0x7F;
	v1 =	vadd.s32 $0x400, v1  }
0x83: {  	v33 =	vld [tilespmem:s22+$0x5000];
	v7 =	vcvt.f32.s32 v7;
	v5 =	vsel vm12, $0x7F, v5  }
0x84: {  	v41 =	vld [tilespmem:s22+$0x5080];
	vm13 =	vgt.s32 v6, $0x7F;
	v5 =	vadd.s32 $0x480, v5  }
0x85: {  	v43 =	vld [tilespmem:s22+$0x5100];
	vm14 =	vgt.s32 v7, $0x7F;
	v6 =	vsel vm13, $0x7F, v6  }
0x86: {  	v45 =	vld [tilespmem:s3+$0x4000];
	v7 =	vsel vm14, $0x7F, v7;
	v6 =	vadd.s32 $0x500, v6  }
0x87: {  	v7 =	vadd.s32 $0x580, v7;
	v22 =	vld.idx.msk [tilespmem:v1+s10+$0x0], $0xffff  }
0x88: {  	v1 =	vld.idx.msk [tilespmem:v1+s9+$0x0], $0xffff  }
0x89: {  	v24 =	vld.idx.msk [tilespmem:v5+s10+$0x0], $0xffff  }
0x8a: {  	v58 =	vmul.f32 $1.280000000e+02, v55;
	v5 =	vld.idx.msk [tilespmem:v5+s9+$0x0], $0xffff  }
0x8b: {  	v25 =	vmul.f32 $2.560000000e+02, v0;
	v34 =	vmul.f32 $2.560000000e+02, v61;
	v27 =	vld.idx.msk [tilespmem:v6+s10+$0x0], $0xffff  }
0x8c: {  	v38 =	vmul.f32 $2.560000000e+02, v62;
	v40 =	vmul.f32 $2.560000000e+02, v63;
	v28 =	vld.idx.msk [tilespmem:v7+s10+$0x0], $0xffff  }
0x8d: {  	vm15 =	veq.s32 v33, $0x1;
	vm6 =	veq.s32 v41, $0x1;
	vm7 =	veq.s32 v43, $0x1;
	v6 =	vld.idx.msk [tilespmem:v6+s9+$0x0], $0xffff  }
0x8e: {  	v11 =	vadd.f32 $-2.550000000e+02, v25;
	v15 =	vadd.f32 $-2.550000000e+02, v38;
	v7 =	vld.idx.msk [tilespmem:v7+s9+$0x0], $0xffff;
	v23 =	vmul.f32 $9.960937500e-01, v22  }
0x8f: {  	v12 =	vadd.f32 $-2.550000000e+02, v40;
	v0 =	vmul.f32 v22, v0;
	v30 =	vmul.f32 $9.960937500e-01, v24  }
0x90: {  	v2 =	vmul.f32 v24, v61;
	v3 =	vmul.f32 v27, v62;
	v62 =	vld [tilespmem:s22+$0x110];
	v9 =	vadd.f32 v23, v1  }
0x91: {  	v37 =	vmul.f32 $9.960937500e-01, v28;
	v0 =	vadd.f32 v0, v1;
	v32 =	vadd.f32 v30, v5  }
0x92: {  	v59 =	vld [tilespmem:s22+$0x90];
	vm8 =	veq.s32 v45, $0x1;
	v1 =	vadd.f32 $-2.550000000e+02, v34;
	v2 =	vadd.f32 v2, v5  }
0x93: {  	v4 =	vmul.f32 v28, v63;
	v39 =	vadd.f32 v37, v7;
	v47 =	vadd.f32 v3, v6  }
0x94: {  	v35 =	vmul.f32 $9.960937500e-01, v27;
	v63 =	vld [tilespmem:s22+$0x190];
	v26 =	vsub.f32 $1.000000000e+00, v9;
	v36 =	vsub.f32 $1.000000000e+00, v32  }
0x95: {  	v4 =	vadd.f32 v4, v7;
	v44 =	vsub.f32 $1.000000000e+00, v39;
	v28 =	vmul.f32 $1.280000000e+02, v62  }
0x96: {  	v29 =	vmul.f32 v26, v11;
	v11 =	vadd.f32 v35, v6;
	v1 =	vmul.f32 v36, v1  }
0x97: {  	v6 =	vadd.f32 $5.000000000e-01, v58;
	v26 =	vmul.f32 $1.280000000e+02, v59;
	v14 =	vadd.f32 $5.000000000e-01, v28  }
0x98: {  	v31 =	vadd.f32 v29, v9;
	v42 =	vsub.f32 $1.000000000e+00, v11;
	v9 =	vmul.f32 v44, v12  }
0x99: {  	v1 =	vadd.f32 v1, v32;
	v6 =	vtrunc.f32 v6;
	v29 =	vmul.f32 $1.280000000e+02, v63  }
0x9a: {  	v12 =	vadd.f32 $5.000000000e-01, v26;
	v6 =	vcvt.f32.s32 v6;
	v46 =	vmul.f32 v42, v15  }
0x9b: {  	v14 =	vtrunc.f32 v14;
	v0 =	vsel vm11, v31, v0;
	v1 =	vsel vm12, v1, v2  }
0x9c: {  	v5 =	vadd.f32 v9, v39;
	v12 =	vtrunc.f32 v12;
	v48 =	vadd.f32 v46, v11  }
0x9d: {  	v15 =	vadd.f32 $5.000000000e-01, v29;
	v14 =	vcvt.f32.s32 v14;
	v0 =	vnsel vm15, $0x3F800000, v0  }
0x9e: {  	v49 =	vnsel vm6, $0x3F800000, v1;
	v12 =	vcvt.f32.s32 v12;
	[tilespmem:s22+$0xB000] =	vst v0;
	v50 =	vsel vm13, v48, v47  }
0x9f: {  	[tilespmem:s22+$0xB080] =	vst v49;
	v52 =	vsel vm14, v5, v4;
	vm6 =	vgt.s32 v14, $0x7F;
	v51 =	vnsel vm7, $0x3F800000, v50  }
0xa0: {  	v53 =	vnsel vm8, $0x3F800000, v52;
	vm4 =	vgt.s32 v12, $0x7F;
	v14 =	vsel vm6, $0x7F, v14;
	[tilespmem:s22+$0xB100] =	vst v51  }
0xa1: {  	s26 =	sor.u32 $0x1200, s23;
	v28 =	vld [tilespmem:s22+$0x4110];
	v15 =	vtrunc.f32 v15;
	v12 =	vsel vm4, $0x7F, v12;
	v14 =	vadd.s32 $0x100, v14;
	[tilespmem:s3+$0xA000] =	vst v53  }
0xa2: {  	s4 =	sor.u32 $0x1280, s23;
	v15 =	vcvt.f32.s32 v15;
	vm7 =	vgt.s32 v6, $0x7F;
	v12 =	vadd.s32 $0x80, v12;
	v54 =	vld [tilespmem:s26+$0x0]  }
0xa3: {  	s28 =	sor.u32 $0x1300, s23;
	v6 =	vsel vm7, $0x7F, v6;
	v2 =	vld [tilespmem:s4+$0x0]  }
0xa4: {  	vm5 =	vgt.s32 v15, $0x7F;
	v0 =	vld [tilespmem:s28+$0x0]  }
0xa5: {  	v23 =	vmul.f32 $2.560000000e+02, v55;
	v29 =	vld [tilespmem:s22+$0x4190];
	v15 =	vsel vm5, $0x7F, v15  }
0xa6: {  	v26 =	vmul.f32 $2.560000000e+02, v62;
	v15 =	vadd.s32 $0x180, v15;
	v34 =	vld.idx.msk [tilespmem:v14+s10+$0x0], $0xffff  }
0xa7: {  	v23 =	vadd.f32 $-2.550000000e+02, v23;
	v44 =	vmul.f32 $2.560000000e+02, v59;
	v48 =	vmul.f32 $2.560000000e+02, v63;
	v22 =	vld.idx.msk [tilespmem:v12+s10+$0x0], $0xffff  }
0xa8: {  	v26 =	vadd.f32 $-2.550000000e+02, v26;
	v31 =	vld.idx.msk [tilespmem:v6+s10+$0x0], $0xffff;
	v56 =	vmul.f32 $1.280000000e+02, v54;
	v57 =	vmul.f32 $1.280000000e+02, v2  }
0xa9: {  	v43 =	vld [tilespmem:s22+$0x4010];
	vm15 =	veq.s32 v28, $0x1;
	v61 =	vmul.f32 $1.280000000e+02, v0;
	v21 =	vmul.f32 $2.560000000e+02, v54  }
0xaa: {  	vm8 =	veq.s32 v29, $0x1;
	v12 =	vld.idx.msk [tilespmem:v12+s9+$0x0], $0xffff;
	v41 =	vmul.f32 $2.560000000e+02, v2;
	v29 =	vmul.f32 $2.560000000e+02, v0  }
0xab: {  	v35 =	vld.idx.msk [tilespmem:v15+s10+$0x0], $0xffff;
	v45 =	vmul.f32 $9.960937500e-01, v34;
	v10 =	vmul.f32 v34, v62;
	v1 =	vadd.f32 $5.000000000e-01, v56  }
0xac: {  	v5 =	vadd.f32 $5.000000000e-01, v57;
	v38 =	vmul.f32 $9.960937500e-01, v22;
	v7 =	vmul.f32 v22, v59  }
0xad: {  	v6 =	vld.idx.msk [tilespmem:v6+s9+$0x0], $0xffff;
	v9 =	vadd.f32 $5.000000000e-01, v61;
	v19 =	vmul.f32 $9.960937500e-01, v31;
	v4 =	vmul.f32 v31, v55  }
0xae: {  	vm13 =	veq.s32 v43, $0x1;
	v60 =	vtrunc.f32 v1;
	v5 =	vtrunc.f32 v5  }
0xaf: {  	s13 =	sor.u32 $0x1380, s20;
	v15 =	vld.idx.msk [tilespmem:v15+s9+$0x0], $0xffff;
	v21 =	vadd.f32 $-2.550000000e+02, v21;
	v9 =	vtrunc.f32 v9;
	v8 =	vcvt.f32.s32 v60  }
0xb0: {  	v1 =	vld [tilespmem:s13+$0x0];
	v42 =	vadd.f32 v38, v12;
	v25 =	vmul.f32 $9.960937500e-01, v35;
	v7 =	vadd.f32 v7, v12  }
0xb1: {  	v5 =	vcvt.f32.s32 v5;
	v9 =	vcvt.f32.s32 v9;
	vm9 =	vgt.s32 v8, $0x7F  }
0xb2: {  	v19 =	vadd.f32 v19, v6;
	v4 =	vadd.f32 v4, v6;
	v8 =	vsel vm9, $0x7F, v8  }
0xb3: {  	v14 =	vld.idx.msk [tilespmem:v14+s9+$0x0], $0xffff;
	v6 =	vadd.f32 $-2.550000000e+02, v44;
	v46 =	vsub.f32 $1.000000000e+00, v42;
	v8 =	vadd.s32 $0x600, v8  }
0xb4: {  	v47 =	vadd.f32 v25, v15;
	v25 =	vadd.f32 $-2.550000000e+02, v48;
	vm10 =	vgt.s32 v5, $0x7F  }
0xb5: {  	vm11 =	vgt.s32 v9, $0x7F;
	v5 =	vsel vm10, $0x7F, v5;
	v27 =	vmul.f32 $1.280000000e+02, v1  }
0xb6: {  	v33 =	vsub.f32 $1.000000000e+00, v19;
	v9 =	vsel vm11, $0x7F, v9;
	v5 =	vadd.s32 $0x680, v5  }
0xb7: {  	v6 =	vmul.f32 v46, v6;
	v50 =	vsub.f32 $1.000000000e+00, v47;
	v13 =	vadd.f32 $5.000000000e-01, v27  }
0xb8: {  	v9 =	vadd.s32 $0x700, v9;
	v16 =	vmul.f32 v33, v23;
	v23 =	vadd.f32 v45, v14;
	v30 =	vld.idx.msk [tilespmem:v8+s10+$0x0], $0xffff  }
0xb9: {  	v6 =	vadd.f32 v6, v42;
	v52 =	vmul.f32 v50, v25;
	v27 =	vld [tilespmem:s22+$0x4090];
	v13 =	vtrunc.f32 v13  }
0xba: {  	v39 =	vadd.f32 v16, v19;
	v49 =	vsub.f32 $1.000000000e+00, v23;
	v8 =	vld.idx.msk [tilespmem:v8+s9+$0x0], $0xffff;
	v13 =	vcvt.f32.s32 v13  }
0xbb: {  	v22 =	vadd.f32 $-2.550000000e+02, v41;
	v6 =	vsel vm4, v6, v7;
	v11 =	vadd.f32 v52, v47;
	v20 =	vld.idx.msk [tilespmem:v5+s10+$0x0], $0xffff  }
0xbc: {  	v4 =	vsel vm7, v39, v4;
	v51 =	vmul.f32 v49, v26;
	v5 =	vld.idx.msk [tilespmem:v5+s9+$0x0], $0xffff;
	vm12 =	vgt.s32 v13, $0x7F  }
0xbd: {  	v56 =	vld.idx.msk [tilespmem:v9+s10+$0x0], $0xffff;
	v13 =	vsel vm12, $0x7F, v13;
	v32 =	vmul.f32 $9.960937500e-01, v30;
	v3 =	vmul.f32 v30, v54  }
0xbe: {  	v4 =	vnsel vm13, $0x3F800000, v4;
	v55 =	vadd.f32 v51, v23;
	v13 =	vadd.s32 $0x780, v13  }
0xbf: {  	v18 =	vadd.f32 v32, v8;
	v3 =	vadd.f32 v3, v8;
	v8 =	vmul.f32 v35, v63  }
0xc0: {  	v60 =	vld.idx.msk [tilespmem:v9+s9+$0x0], $0xffff;
	vm14 =	veq.s32 v27, $0x1;
	v37 =	vmul.f32 $9.960937500e-01, v20;
	v54 =	vadd.f32 v10, v14  }
0xc1: {  	v58 =	vnsel vm14, $0x3F800000, v6;
	v2 =	vmul.f32 v20, v2;
	v8 =	vadd.f32 v8, v15  }
0xc2: {  	v53 =	vld [tilespmem:s26+$0x4000];
	[tilespmem:s22+$0xA010] =	vst v4;
	v25 =	vmul.f32 $9.960937500e-01, v56;
	v40 =	vadd.f32 v37, v5;
	v59 =	vsel vm6, v55, v54  }
0xc3: {  	[tilespmem:s22+$0xA090] =	vst v58;
	v61 =	vnsel vm15, $0x3F800000, v59;
	v24 =	vsub.f32 $1.000000000e+00, v18;
	v57 =	vld.idx.msk [tilespmem:v13+s10+$0x0], $0xffff;
	v62 =	vsel vm5, v11, v8  }
0xc4: {  	s24 =	sadd.s32 $0x10, s23;
	v27 =	vld [tilespmem:s4+$0x4000];
	v0 =	vmul.f32 v56, v0;
	v19 =	vsub.f32 $1.000000000e+00, v40;
	[tilespmem:s22+$0xA110] =	vst v61;
	v23 =	vnsel vm8, $0x3F800000, v62  }
0xc5: {  	s29 =	sor.u32 $0x200, s24;
	v6 =	vadd.f32 v25, v60;
	v63 =	vld.idx.msk [tilespmem:v13+s9+$0x0], $0xffff;
	v21 =	vmul.f32 v24, v21;
	[tilespmem:s22+$0xA190] =	vst v23  }
0xc6: {  	v2 =	vadd.f32 v2, v5;
	v0 =	vadd.f32 v0, v60;
	v24 =	vmul.f32 v19, v22;
	v26 =	vld [tilespmem:s29+$0x0]  }
0xc7: {  	s31 =	sor.u32 $0x380, s24;
	v30 =	vmul.f32 $2.560000000e+02, v1;
	v31 =	vsub.f32 $1.000000000e+00, v6;
	v36 =	vadd.f32 v21, v18  }
0xc8: {  	v11 =	vadd.f32 $-2.550000000e+02, v29;
	v4 =	vadd.f32 v24, v40;
	v28 =	vmul.f32 $9.960937500e-01, v57;
	v42 =	vld [tilespmem:s31+$0x0]  }
0xc9: {  	v13 =	vadd.f32 $-2.550000000e+02, v30;
	v1 =	vmul.f32 v57, v1;
	v3 =	vsel vm9, v36, v3  }
0xca: {  	s30 =	sor.u32 $0x280, s24;
	v32 =	vld [tilespmem:s28+$0x4000];
	v2 =	vsel vm10, v4, v2;
	v4 =	vmul.f32 v31, v11;
	v5 =	vadd.f32 v28, v63  }
0xcb: {  	s15 =	sor.u32 $0x300, s24;
	v37 =	vld [tilespmem:s30+$0x0];
	vm9 =	veq.s32 v53, $0x1;
	vm10 =	veq.s32 v27, $0x1;
	v34 =	vmul.f32 $1.280000000e+02, v26  }
0xcc: {  	v40 =	vld [tilespmem:s15+$0x0];
	v3 =	vnsel vm9, $0x3F800000, v3;
	v4 =	vadd.f32 v4, v6;
	v33 =	vsub.f32 $1.000000000e+00, v5  }
0xcd: {  	v35 =	vld [tilespmem:s13+$0x4000];
	v2 =	vnsel vm10, $0x3F800000, v2;
	v47 =	vmul.f32 $1.280000000e+02, v42;
	v38 =	vadd.f32 $5.000000000e-01, v34  }
0xce: {  	v1 =	vadd.f32 v1, v63;
	v0 =	vsel vm11, v4, v0;
	v36 =	vmul.f32 v33, v13  }
0xcf: {  	vm11 =	veq.s32 v32, $0x1;
	v6 =	vadd.f32 $5.000000000e-01, v47;
	v39 =	vtrunc.f32 v38  }
0xd0: {  	v44 =	vmul.f32 $1.280000000e+02, v37;
	v5 =	vadd.f32 v36, v5;
	v41 =	vcvt.f32.s32 v39  }
0xd1: {  	v46 =	vmul.f32 $1.280000000e+02, v40;
	v0 =	vnsel vm11, $0x3F800000, v0;
	v6 =	vtrunc.f32 v6  }
0xd2: {  	[tilespmem:s26+$0xA000] =	vst v3;
	v1 =	vsel vm12, v5, v1;
	vm12 =	veq.s32 v35, $0x1;
	vm13 =	vgt.s32 v41, $0x7F  }
0xd3: {  	[tilespmem:s4+$0xA000] =	vst v2;
	v43 =	vnsel vm12, $0x3F800000, v1;
	v1 =	vadd.f32 $5.000000000e-01, v44;
	v45 =	vsel vm13, $0x7F, v41  }
0xd4: {  	[tilespmem:s28+$0xA000] =	vst v0;
	v5 =	vadd.f32 $5.000000000e-01, v46;
	v6 =	vcvt.f32.s32 v6;
	v0 =	vadd.s32 $0x200, v45  }
0xd5: {  	[tilespmem:s13+$0xA000] =	vst v43;
	v1 =	vtrunc.f32 v1  }
0xd6: {  	v5 =	vtrunc.f32 v5;
	vm9 =	vgt.s32 v6, $0x7F;
	v4 =	vld [tilespmem:s22+$0x2000];
	v48 =	vcvt.f32.s32 v1  }
0xd7: {  	v5 =	vcvt.f32.s32 v5;
	v6 =	vsel vm9, $0x7F, v6;
	v1 =	vld [tilespmem:s22+$0x2080]  }
0xd8: {  	v6 =	vadd.s32 $0x380, v6;
	vm14 =	vgt.s32 v48, $0x7F  }
0xd9: {  	vm15 =	vgt.s32 v5, $0x7F;
	v7 =	vsel vm14, $0x7F, v48;
	v50 =	vld.idx.msk [tilespmem:v0+s10+$0x0], $0xffff  }
0xda: {  	v34 =	vld [tilespmem:s30+$0x4000];
	v5 =	vsel vm15, $0x7F, v5;
	v7 =	vadd.s32 $0x280, v7  }
0xdb: {  	v55 =	vmul.f32 $2.560000000e+02, v26;
	v5 =	vadd.s32 $0x300, v5;
	v51 =	vld.idx.msk [tilespmem:v0+s9+$0x0], $0xffff  }
0xdc: {  	v49 =	vmul.f32 $1.280000000e+02, v4;
	v52 =	vmul.f32 $1.280000000e+02, v1;
	v0 =	vld [tilespmem:s22+$0x2100]  }
0xdd: {  	v27 =	vmul.f32 $2.560000000e+02, v37;
	v31 =	vmul.f32 $2.560000000e+02, v40;
	v59 =	vld.idx.msk [tilespmem:v6+s10+$0x0], $0xffff  }
0xde: {  	v6 =	vld.idx.msk [tilespmem:v6+s9+$0x0], $0xffff;
	v8 =	vadd.f32 $5.000000000e-01, v49;
	v13 =	vadd.f32 $5.000000000e-01, v52;
	v53 =	vmul.f32 $9.960937500e-01, v50  }
0xdf: {  	v33 =	vmul.f32 $2.560000000e+02, v42;
	v16 =	vadd.f32 $-2.550000000e+02, v55;
	v21 =	vadd.f32 $-2.550000000e+02, v31;
	v54 =	vld.idx.msk [tilespmem:v7+s10+$0x0], $0xffff  }
0xe0: {  	v8 =	vtrunc.f32 v8;
	v58 =	vld.idx.msk [tilespmem:v5+s10+$0x0], $0xffff;
	v13 =	vtrunc.f32 v13;
	v14 =	vadd.f32 v53, v51  }
0xe1: {  	v17 =	vadd.f32 $-2.550000000e+02, v33;
	v8 =	vcvt.f32.s32 v8;
	v7 =	vld.idx.msk [tilespmem:v7+s9+$0x0], $0xffff;
	v13 =	vcvt.f32.s32 v13  }
0xe2: {  	v5 =	vld.idx.msk [tilespmem:v5+s9+$0x0], $0xffff;
	v57 =	vmul.f32 $1.280000000e+02, v0;
	v9 =	vmul.f32 v50, v26;
	v56 =	vsub.f32 $1.000000000e+00, v14  }
0xe3: {  	vm12 =	veq.s32 v34, $0x1;
	v30 =	vmul.f32 $9.960937500e-01, v59;
	v2 =	vmul.f32 v59, v42  }
0xe4: {  	vm10 =	vgt.s32 v8, $0x7F;
	v61 =	vmul.f32 $9.960937500e-01, v54;
	v60 =	vmul.f32 v56, v16  }
0xe5: {  	v8 =	vsel vm10, $0x7F, v8;
	v9 =	vadd.f32 v9, v51;
	v28 =	vmul.f32 $9.960937500e-01, v58  }
0xe6: {  	vm8 =	vgt.s32 v13, $0x7F;
	v63 =	vadd.f32 v61, v7;
	v10 =	vadd.f32 v60, v14  }
0xe7: {  	v32 =	vadd.f32 v30, v6;
	v13 =	vsel vm8, $0x7F, v13;
	v16 =	vadd.f32 v28, v5  }
0xe8: {  	v26 =	vld [tilespmem:s29+$0x4000];
	v29 =	vsub.f32 $1.000000000e+00, v63;
	v9 =	vsel vm13, v10, v9;
	v10 =	vadd.f32 $-2.550000000e+02, v27  }
0xe9: {  	v8 =	vadd.s32 $0x800, v8;
	v62 =	vadd.s32 $0x880, v13;
	v35 =	vsub.f32 $1.000000000e+00, v16  }
0xea: {  	v36 =	vld [tilespmem:s15+$0x4000];
	v11 =	vmul.f32 v54, v37;
	v37 =	vsub.f32 $1.000000000e+00, v32;
	v10 =	vmul.f32 v29, v10  }
0xeb: {  	v38 =	vld [tilespmem:s31+$0x4000];
	v2 =	vadd.f32 v2, v6;
	v3 =	vmul.f32 v58, v40;
	v39 =	vmul.f32 v35, v21  }
0xec: {  	v7 =	vadd.f32 v11, v7;
	v14 =	vmul.f32 v37, v17;
	v10 =	vadd.f32 v10, v63  }
0xed: {  	vm11 =	veq.s32 v26, $0x1;
	v3 =	vadd.f32 v3, v5;
	v40 =	vadd.f32 v39, v16  }
0xee: {  	v49 =	vld.idx.msk [tilespmem:v62+s10+$0x0], $0xffff;
	v41 =	vadd.f32 v14, v32;
	v9 =	vnsel vm11, $0x3F800000, v9;
	v7 =	vsel vm14, v10, v7  }
0xef: {  	v42 =	vld.idx.msk [tilespmem:v8+s10+$0x0], $0xffff;
	vm13 =	veq.s32 v36, $0x1;
	[tilespmem:s29+$0xA000] =	vst v9;
	v3 =	vsel vm15, v40, v3;
	v7 =	vnsel vm12, $0x3F800000, v7  }
0xf0: {  	v12 =	vld.idx.msk [tilespmem:v62+s9+$0x0], $0xffff;
	v2 =	vsel vm9, v41, v2;
	v3 =	vnsel vm13, $0x3F800000, v3;
	vm14 =	veq.s32 v38, $0x1;
	[tilespmem:s30+$0xA000] =	vst v7  }
0xf1: {  	s1 =	sor.u32 $0x2180, s25;
	v44 =	vld.idx.msk [tilespmem:v8+s9+$0x0], $0xffff;
	v2 =	vnsel vm14, $0x3F800000, v2;
	[tilespmem:s15+$0xA000] =	vst v3  }
0xf2: {  	v50 =	vmul.f32 $2.560000000e+02, v4;
	v31 =	vmul.f32 $2.560000000e+02, v0;
	v43 =	vadd.f32 $5.000000000e-01, v57;
	v10 =	vld [tilespmem:s1+$0x0];
	[tilespmem:s31+$0xA000] =	vst v2  }
0xf3: {  	v59 =	vmul.f32 $2.560000000e+02, v1;
	v53 =	vmul.f32 $9.960937500e-01, v49;
	v47 =	vld [tilespmem:s22+$0x1010]  }
0xf4: {  	v18 =	vadd.f32 $-2.550000000e+02, v31;
	v45 =	vtrunc.f32 v43;
	v4 =	vmul.f32 v42, v4  }
0xf5: {  	v11 =	vadd.f32 $-2.550000000e+02, v59;
	v48 =	vmul.f32 $9.960937500e-01, v42;
	v57 =	vadd.f32 v53, v12  }
0xf6: {  	v9 =	vadd.f32 $-2.550000000e+02, v50;
	v1 =	vmul.f32 v49, v1;
	v4 =	vadd.f32 v4, v44  }
0xf7: {  	v63 =	vld [tilespmem:s22+$0x6080];
	v7 =	vadd.f32 v48, v44;
	v60 =	vsub.f32 $1.000000000e+00, v57;
	v2 =	vcvt.f32.s32 v45  }
0xf8: {  	v1 =	vadd.f32 v1, v12;
	v46 =	vmul.f32 $1.280000000e+02, v10;
	v54 =	vld [tilespmem:s22+$0x1090];
	v52 =	vmul.f32 $1.280000000e+02, v47  }
0xf9: {  	v51 =	vsub.f32 $1.000000000e+00, v7;
	v6 =	vmul.f32 v60, v11;
	v16 =	vld [tilespmem:s22+$0x1190];
	vm15 =	vgt.s32 v2, $0x7F  }
0xfa: {  	v3 =	vadd.f32 $5.000000000e-01, v46;
	v2 =	vsel vm15, $0x7F, v2;
	v14 =	vadd.f32 $5.000000000e-01, v52  }
0xfb: {  	v39 =	vmul.f32 $2.560000000e+02, v10;
	v9 =	vmul.f32 v51, v9;
	v2 =	vadd.s32 $0x900, v2  }
0xfc: {  	v6 =	vadd.f32 v6, v57;
	v3 =	vtrunc.f32 v3;
	v58 =	vtrunc.f32 v14;
	v14 =	vld [tilespmem:s22+$0x1110]  }
0xfd: {  	vm11 =	veq.s32 v63, $0x1;
	v3 =	vcvt.f32.s32 v3;
	v62 =	vmul.f32 $1.280000000e+02, v54  }
0xfe: {  	v56 =	vadd.f32 v9, v7;
	v1 =	vsel vm8, v6, v1;
	v25 =	vmul.f32 $1.280000000e+02, v16  }
0xff: {  	v1 =	vnsel vm11, $0x3F800000, v1;
	vm0 =	vgt.s32 v3, $0x7F;
	v22 =	vadd.f32 $5.000000000e-01, v62  }
0x100: {  	v27 =	vadd.f32 $5.000000000e-01, v25;
	v3 =	vsel vm0, $0x7F, v3;
	v61 =	vld.idx.msk [tilespmem:v2+s10+$0x0], $0xffff;
	v9 =	vcvt.f32.s32 v58  }
0x101: {  	v55 =	vld [tilespmem:s22+$0x6000];
	v3 =	vadd.s32 $0x980, v3;
	v24 =	vtrunc.f32 v22;
	v23 =	vmul.f32 $1.280000000e+02, v14  }
0x102: {  	v4 =	vsel vm10, v56, v4;
	v2 =	vld.idx.msk [tilespmem:v2+s9+$0x0], $0xffff;
	v7 =	vcvt.f32.s32 v24;
	vm9 =	vgt.s32 v9, $0x7F  }
0x103: {  	v6 =	vtrunc.f32 v27;
	v21 =	vsel vm9, $0x7F, v9;
	v11 =	vadd.f32 $5.000000000e-01, v23  }
0x104: {  	v37 =	vld [tilespmem:s22+$0x6100];
	v6 =	vcvt.f32.s32 v6;
	vm12 =	vgt.s32 v7, $0x7F;
	v8 =	vadd.s32 $0x400, v21  }
0x105: {  	v49 =	vld [tilespmem:s22+$0x5010];
	v26 =	vmul.f32 $9.960937500e-01, v61;
	v7 =	vsel vm12, $0x7F, v7;
	v11 =	vtrunc.f32 v11  }
0x106: {  	vm14 =	vgt.s32 v6, $0x7F;
	v30 =	vld.idx.msk [tilespmem:v3+s10+$0x0], $0xffff;
	v7 =	vadd.s32 $0x480, v7;
	v11 =	vcvt.f32.s32 v11  }
0x107: {  	vm10 =	veq.s32 v55, $0x1;
	v55 =	vld [tilespmem:s1+$0x4000];
	v6 =	vsel vm14, $0x7F, v6;
	v28 =	vadd.f32 v26, v2  }
0x108: {  	v36 =	vmul.f32 $2.560000000e+02, v47;
	v3 =	vld.idx.msk [tilespmem:v3+s9+$0x0], $0xffff;
	v6 =	vadd.s32 $0x580, v6;
	vm13 =	vgt.s32 v11, $0x7F  }
0x109: {  	v50 =	vmul.f32 $2.560000000e+02, v54;
	v32 =	vsub.f32 $1.000000000e+00, v28;
	v29 =	vld.idx.msk [tilespmem:v8+s10+$0x0], $0xffff;
	v11 =	vsel vm13, $0x7F, v11  }
0x10a: {  	v57 =	vmul.f32 $2.560000000e+02, v16;
	v0 =	vmul.f32 v61, v0;
	v8 =	vld.idx.msk [tilespmem:v8+s9+$0x0], $0xffff;
	v11 =	vadd.s32 $0x500, v11  }
0x10b: {  	vm6 =	veq.s32 v49, $0x1;
	v17 =	vmul.f32 v32, v18;
	v34 =	vmul.f32 $9.960937500e-01, v30;
	v35 =	vld.idx.msk [tilespmem:v7+s10+$0x0], $0xffff  }
0x10c: {  	v20 =	vadd.f32 $-2.550000000e+02, v36;
	v0 =	vadd.f32 v0, v2;
	v7 =	vld.idx.msk [tilespmem:v7+s9+$0x0], $0xffff;
	v10 =	vmul.f32 v30, v10  }
0x10d: {  	v4 =	vnsel vm10, $0x3F800000, v4;
	v43 =	vld.idx.msk [tilespmem:v6+s10+$0x0], $0xffff;
	v9 =	vadd.f32 v17, v28;
	v38 =	vadd.f32 v34, v3  }
0x10e: {  	vm10 =	veq.s32 v55, $0x1;
	v18 =	vadd.f32 $-2.550000000e+02, v39;
	v3 =	vadd.f32 v10, v3  }
0x10f: {  	v41 =	vsub.f32 $1.000000000e+00, v38;
	v0 =	vsel vm15, v9, v0;
	v33 =	vmul.f32 $9.960937500e-01, v29;
	v42 =	vld.idx.msk [tilespmem:v11+s10+$0x0], $0xffff  }
0x110: {  	v6 =	vld.idx.msk [tilespmem:v6+s9+$0x0], $0xffff;
	vm15 =	veq.s32 v37, $0x1;
	v5 =	vmul.f32 v29, v47;
	v46 =	vmul.f32 $9.960937500e-01, v35  }
0x111: {  	v0 =	vnsel vm15, $0x3F800000, v0;
	v2 =	vmul.f32 v35, v54;
	v19 =	vadd.f32 v33, v8;
	v11 =	vld.idx.msk [tilespmem:v11+s9+$0x0], $0xffff  }
0x112: {  	v53 =	vmul.f32 $9.960937500e-01, v43;
	v54 =	vmul.f32 $2.560000000e+02, v14;
	v48 =	vadd.f32 v46, v7  }
0x113: {  	v45 =	vmul.f32 v41, v18;
	v5 =	vadd.f32 v5, v8;
	v40 =	vsub.f32 $1.000000000e+00, v19  }
0x114: {  	v58 =	vld [tilespmem:s22+$0x5090];
	v8 =	vadd.f32 $-2.550000000e+02, v50;
	v52 =	vsub.f32 $1.000000000e+00, v48;
	v51 =	vmul.f32 $9.960937500e-01, v42  }
0x115: {  	v2 =	vadd.f32 v2, v7;
	v10 =	vadd.f32 v45, v38;
	v44 =	vmul.f32 v40, v20  }
0x116: {  	[tilespmem:s22+$0xC000] =	vst v4;
	v56 =	vadd.f32 v53, v6;
	v8 =	vmul.f32 v52, v8;
	v17 =	vadd.f32 v51, v11  }
0x117: {  	v60 =	vld [tilespmem:s22+$0x5110];
	[tilespmem:s22+$0xC080] =	vst v1;
	v30 =	vsel vm0, v10, v3;
	v47 =	vadd.f32 v44, v19;
	v19 =	vadd.f32 $-2.550000000e+02, v54  }
0x118: {  	[tilespmem:s22+$0xC100] =	vst v0;
	v31 =	vnsel vm10, $0x3F800000, v30;
	v8 =	vadd.f32 v8, v48;
	v59 =	vsub.f32 $1.000000000e+00, v17  }
0x119: {  	s29 =	sor.u32 $0x2200, s23;
	v62 =	vld [tilespmem:s22+$0x5190];
	vm7 =	veq.s32 v58, $0x1;
	v18 =	vadd.f32 $-2.550000000e+02, v57;
	v61 =	vsub.f32 $1.000000000e+00, v56;
	[tilespmem:s1+$0xA000] =	vst v31  }
0x11a: {  	v33 =	vld [tilespmem:s29+$0x0];
	v63 =	vmul.f32 v42, v14;
	v23 =	vsel vm12, v8, v2;
	v13 =	vmul.f32 v59, v19  }
0x11b: {  	s26 =	sor.u32 $0x2280, s23;
	v16 =	vmul.f32 v43, v16;
	v1 =	vnsel vm7, $0x3F800000, v23;
	v19 =	vmul.f32 v61, v18  }
0x11c: {  	vm8 =	veq.s32 v60, $0x1;
	v25 =	vadd.f32 v63, v11;
	[tilespmem:s22+$0xB090] =	vst v1;
	v1 =	vld [tilespmem:s26+$0x0];
	v26 =	vadd.f32 v13, v17  }
0x11d: {  	v27 =	vadd.f32 v16, v6;
	v5 =	vsel vm9, v47, v5;
	v28 =	vadd.f32 v19, v56  }
0x11e: {  	vm9 =	veq.s32 v62, $0x1;
	v14 =	vnsel vm6, $0x3F800000, v5;
	v2 =	vsel vm13, v26, v25  }
0x11f: {  	[tilespmem:s22+$0xB010] =	vst v14;
	v36 =	vmul.f32 $1.280000000e+02, v33;
	v0 =	vsel vm14, v28, v27;
	v29 =	vnsel vm8, $0x3F800000, v2  }
0x120: {  	v22 =	vld [tilespmem:s22+$0x20];
	v0 =	vnsel vm9, $0x3F800000, v0;
	[tilespmem:s22+$0xB110] =	vst v29  }
0x121: {  	s13 =	sor.u32 $0x1200, s24;
	v3 =	vadd.f32 $5.000000000e-01, v36;
	v37 =	vmul.f32 $1.280000000e+02, v1;
	[tilespmem:s22+$0xB190] =	vst v0  }
0x122: {  	s28 =	sor.u32 $0x2300, s23;
	v32 =	vld [tilespmem:s13+$0x0]  }
0x123: {  	s15 =	sor.u32 $0x1280, s24;
	v3 =	vtrunc.f32 v3;
	v4 =	vadd.f32 $5.000000000e-01, v37;
	v2 =	vld [tilespmem:s28+$0x0]  }
0x124: {  	s25 =	sor.u32 $0x1300, s24;
	v3 =	vcvt.f32.s32 v3;
	v34 =	vld [tilespmem:s15+$0x0]  }
0x125: {  	s31 =	sor.u32 $0x1380, s24;
	v62 =	vmul.f32 $1.280000000e+02, v22;
	v4 =	vtrunc.f32 v4;
	v9 =	vld [tilespmem:s25+$0x0]  }
0x126: {  	v6 =	vmul.f32 $2.560000000e+02, v33;
	vm3 =	vgt.s32 v3, $0x7F;
	v12 =	vld [tilespmem:s31+$0x0];
	v41 =	vcvt.f32.s32 v4  }
0x127: {  	v31 =	vadd.f32 $5.000000000e-01, v62;
	v3 =	vsel vm3, $0x7F, v3;
	v35 =	vmul.f32 $1.280000000e+02, v32  }
0x128: {  	v62 =	vadd.f32 $-2.550000000e+02, v6;
	v3 =	vadd.s32 $0xA00, v3;
	vm2 =	vgt.s32 v41, $0x7F  }
0x129: {  	v13 =	vsel vm2, $0x7F, v41;
	v38 =	vmul.f32 $1.280000000e+02, v34;
	v0 =	vadd.f32 $5.000000000e-01, v35  }
0x12a: {  	v40 =	vmul.f32 $1.280000000e+02, v2;
	v13 =	vadd.s32 $0xA80, v13;
	v43 =	vmul.f32 $1.280000000e+02, v9  }
0x12b: {  	v45 =	vmul.f32 $1.280000000e+02, v12;
	v8 =	vadd.f32 $5.000000000e-01, v38;
	v0 =	vtrunc.f32 v0  }
0x12c: {  	v52 =	vmul.f32 $2.560000000e+02, v32;
	v11 =	vadd.f32 $5.000000000e-01, v43;
	v39 =	vcvt.f32.s32 v0  }
0x12d: {  	v55 =	vld [tilespmem:s13+$0x4000];
	v42 =	vadd.f32 $5.000000000e-01, v40;
	v58 =	vmul.f32 $2.560000000e+02, v34;
	v8 =	vtrunc.f32 v8  }
0x12e: {  	s30 =	sor.u32 $0x2380, s20;
	v50 =	vld.idx.msk [tilespmem:v3+s10+$0x0], $0xffff;
	v11 =	vtrunc.f32 v11;
	v8 =	vcvt.f32.s32 v8;
	vm11 =	vgt.s32 v39, $0x7F  }
0x12f: {  	v36 =	vmul.f32 $2.560000000e+02, v9;
	v0 =	vld [tilespmem:s30+$0x0];
	v11 =	vcvt.f32.s32 v11;
	v10 =	vsel vm11, $0x7F, v39  }
0x130: {  	v40 =	vmul.f32 $2.560000000e+02, v12;
	vm12 =	vgt.s32 v8, $0x7F;
	v10 =	vadd.s32 $0x600, v10  }
0x131: {  	v15 =	vadd.f32 $5.000000000e-01, v45;
	vm13 =	vgt.s32 v11, $0x7F;
	v8 =	vsel vm12, $0x7F, v8  }
0x132: {  	v35 =	vtrunc.f32 v31;
	v11 =	vsel vm13, $0x7F, v11;
	v8 =	vadd.s32 $0x680, v8  }
0x133: {  	v20 =	vld.idx.msk [tilespmem:v3+s9+$0x0], $0xffff;
	v48 =	vtrunc.f32 v15;
	v15 =	vcvt.f32.s32 v35;
	v11 =	vadd.s32 $0x700, v11  }
0x134: {  	vm15 =	veq.s32 v55, $0x1;
	v18 =	vmul.f32 v50, v33;
	v33 =	vld [tilespmem:s15+$0x4000];
	v44 =	vmul.f32 $1.280000000e+02, v0  }
0x135: {  	v4 =	vtrunc.f32 v42;
	v21 =	vadd.f32 $-2.550000000e+02, v52;
	v61 =	vadd.f32 $-2.550000000e+02, v58;
	v46 =	vld.idx.msk [tilespmem:v10+s10+$0x0], $0xffff  }
0x136: {  	v47 =	vcvt.f32.s32 v4;
	vm9 =	vgt.s32 v15, $0x7F;
	v14 =	vadd.f32 $5.000000000e-01, v44;
	v10 =	vld.idx.msk [tilespmem:v10+s9+$0x0], $0xffff  }
0x137: {  	v16 =	vadd.f32 $-2.550000000e+02, v36;
	v25 =	vadd.f32 $-2.550000000e+02, v40;
	v15 =	vsel vm9, $0x7F, v15;
	v49 =	vld.idx.msk [tilespmem:v8+s10+$0x0], $0xffff  }
0x138: {  	vm1 =	vgt.s32 v47, $0x7F;
	v54 =	vmul.f32 $9.960937500e-01, v50;
	v14 =	vtrunc.f32 v14;
	v57 =	vld.idx.msk [tilespmem:v11+s10+$0x0], $0xffff  }
0x139: {  	v17 =	vsel vm1, $0x7F, v47;
	v8 =	vld.idx.msk [tilespmem:v8+s9+$0x0], $0xffff;
	v4 =	vcvt.f32.s32 v14;
	v14 =	vcvt.f32.s32 v48  }
0x13a: {  	v3 =	vadd.s32 $0xB00, v17;
	v23 =	vadd.f32 v54, v20;
	v35 =	vadd.f32 v18, v20;
	v11 =	vld.idx.msk [tilespmem:v11+s9+$0x0], $0xffff  }
0x13b: {  	v26 =	vld [tilespmem:s22+$0x1A0];
	vm10 =	veq.s32 v33, $0x1;
	vm14 =	vgt.s32 v14, $0x7F;
	vm0 =	vgt.s32 v4, $0x7F  }
0x13c: {  	v48 =	vld.idx.msk [tilespmem:v15+s10+$0x0], $0xffff;
	v14 =	vsel vm14, $0x7F, v14;
	v51 =	vmul.f32 $9.960937500e-01, v46;
	v53 =	vmul.f32 $9.960937500e-01, v49  }
0x13d: {  	v4 =	vsel vm0, $0x7F, v4;
	v5 =	vmul.f32 v46, v32;
	v32 =	vmul.f32 $9.960937500e-01, v57  }
0x13e: {  	v14 =	vadd.s32 $0x780, v14;
	v19 =	vadd.f32 v51, v10;
	v17 =	vadd.f32 v53, v8  }
0x13f: {  	v7 =	vmul.f32 v49, v34;
	v5 =	vadd.f32 v5, v10;
	v10 =	vadd.f32 v32, v11  }
0x140: {  	v9 =	vmul.f32 v57, v9;
	v51 =	vmul.f32 $1.280000000e+02, v26;
	v56 =	vsub.f32 $1.000000000e+00, v19  }
0x141: {  	v15 =	vld.idx.msk [tilespmem:v15+s9+$0x0], $0xffff;
	v33 =	vmul.f32 v48, v22;
	v60 =	vsub.f32 $1.000000000e+00, v17;
	v38 =	vsub.f32 $1.000000000e+00, v10  }
0x142: {  	v39 =	vld [tilespmem:s25+$0x4000];
	v7 =	vadd.f32 v7, v8;
	v53 =	vadd.f32 $5.000000000e-01, v51;
	v59 =	vmul.f32 v56, v21  }
0x143: {  	v9 =	vadd.f32 v9, v11;
	v63 =	vld.idx.msk [tilespmem:v14+s10+$0x0], $0xffff;
	v30 =	vmul.f32 v60, v61;
	v16 =	vmul.f32 v38, v16  }
0x144: {  	v14 =	vld.idx.msk [tilespmem:v14+s9+$0x0], $0xffff;
	v56 =	vmul.f32 $9.960937500e-01, v48;
	v57 =	vtrunc.f32 v53;
	v61 =	vsub.f32 $1.000000000e+00, v23  }
0x145: {  	v60 =	vmul.f32 $2.560000000e+02, v22;
	v29 =	vadd.f32 v59, v19;
	v34 =	vadd.f32 v30, v17;
	v17 =	vld [tilespmem:s22+$0xA0]  }
0x146: {  	v19 =	vld [tilespmem:s22+$0x120];
	v10 =	vadd.f32 v16, v10;
	v59 =	vadd.f32 v56, v15;
	v21 =	vmul.f32 v61, v62  }
0x147: {  	v15 =	vadd.f32 v33, v15;
	v56 =	vmul.f32 $2.560000000e+02, v26;
	v5 =	vsel vm11, v29, v5  }
0x148: {  	v43 =	vld [tilespmem:s31+$0x4000];
	v7 =	vsel vm12, v34, v7;
	v37 =	vmul.f32 $9.960937500e-01, v63;
	v44 =	vmul.f32 v63, v12  }
0x149: {  	v9 =	vsel vm13, v10, v9;
	vm11 =	veq.s32 v39, $0x1;
	v63 =	vsub.f32 $1.000000000e+00, v59  }
0x14a: {  	v5 =	vnsel vm15, $0x3F800000, v5;
	v8 =	vadd.f32 v37, v14;
	v42 =	vmul.f32 $1.280000000e+02, v17  }
0x14b: {  	v36 =	vadd.f32 v21, v23;
	v7 =	vnsel vm10, $0x3F800000, v7;
	[tilespmem:s13+$0xA000] =	vst v5;
	v50 =	vmul.f32 $1.280000000e+02, v19  }
0x14c: {  	[tilespmem:s15+$0xA000] =	vst v7;
	v7 =	vcvt.f32.s32 v57;
	v41 =	vsub.f32 $1.000000000e+00, v8;
	v46 =	vadd.f32 $5.000000000e-01, v42  }
0x14d: {  	vm12 =	veq.s32 v43, $0x1;
	v47 =	vadd.f32 v44, v14;
	v52 =	vadd.f32 $5.000000000e-01, v50  }
0x14e: {  	v51 =	vld [tilespmem:s22+$0x40A0];
	vm15 =	vgt.s32 v7, $0x7F;
	v45 =	vmul.f32 v41, v25;
	v49 =	vtrunc.f32 v46  }
0x14f: {  	v34 =	vld.idx.msk [tilespmem:v13+s10+$0x0], $0xffff;
	v7 =	vsel vm15, $0x7F, v7;
	v54 =	vtrunc.f32 v52;
	v12 =	vcvt.f32.s32 v49  }
0x150: {  	v58 =	vld [tilespmem:s29+$0x4000];
	v7 =	vadd.s32 $0x180, v7;
	v8 =	vadd.f32 v45, v8;
	v5 =	vcvt.f32.s32 v54  }
0x151: {  	v38 =	vld.idx.msk [tilespmem:v3+s10+$0x0], $0xffff;
	v23 =	vadd.f32 $-2.550000000e+02, v56;
	v9 =	vnsel vm11, $0x3F800000, v9;
	vm13 =	vgt.s32 v12, $0x7F  }
0x152: {  	v16 =	vld.idx.msk [tilespmem:v13+s9+$0x0], $0xffff;
	v8 =	vsel vm14, v8, v47;
	vm14 =	vgt.s32 v5, $0x7F;
	v55 =	vsel vm13, $0x7F, v12  }
0x153: {  	v30 =	vld [tilespmem:s22+$0x4020];
	vm10 =	veq.s32 v51, $0x1;
	v5 =	vsel vm14, $0x7F, v5;
	v10 =	vadd.s32 $0x80, v55  }
0x154: {  	v62 =	vld.idx.msk [tilespmem:v3+s9+$0x0], $0xffff;
	v43 =	vmul.f32 v34, v1;
	v12 =	vadd.f32 $-2.550000000e+02, v60;
	v31 =	vadd.s32 $0x100, v5  }
0x155: {  	[tilespmem:s25+$0xA000] =	vst v9;
	v11 =	vmul.f32 $9.960937500e-01, v34;
	v1 =	vmul.f32 $2.560000000e+02, v1;
	v8 =	vnsel vm12, $0x3F800000, v8;
	v44 =	vld.idx.msk [tilespmem:v7+s10+$0x0], $0xffff  }
0x156: {  	v37 =	vsel vm3, v36, v35;
	v46 =	vmul.f32 $2.560000000e+02, v17;
	[tilespmem:s31+$0xA000] =	vst v8;
	v7 =	vld.idx.msk [tilespmem:v7+s9+$0x0], $0xffff;
	v8 =	vmul.f32 v63, v12  }
0x157: {  	v11 =	vadd.f32 v11, v16;
	v1 =	vadd.f32 $-2.550000000e+02, v1;
	v54 =	vmul.f32 $2.560000000e+02, v19;
	v6 =	vld [tilespmem:s22+$0x2010]  }
0x158: {  	vm8 =	veq.s32 v30, $0x1;
	v21 =	vadd.f32 $-2.550000000e+02, v46;
	v8 =	vadd.f32 v8, v59;
	v32 =	vld.idx.msk [tilespmem:v10+s10+$0x0], $0xffff  }
0x159: {  	v49 =	vsub.f32 $1.000000000e+00, v11;
	v47 =	vmul.f32 $9.960937500e-01, v38;
	v25 =	vadd.f32 $-2.550000000e+02, v54;
	v41 =	vld.idx.msk [tilespmem:v31+s10+$0x0], $0xffff  }
0x15a: {  	v5 =	vadd.s32 $0xB80, v4;
	v12 =	vmul.f32 v38, v2;
	v10 =	vld.idx.msk [tilespmem:v10+s9+$0x0], $0xffff;
	v39 =	vsel vm9, v8, v15  }
0x15b: {  	vm9 =	veq.s32 v58, $0x1;
	v45 =	vld.idx.msk [tilespmem:v31+s9+$0x0], $0xffff;
	v52 =	vmul.f32 $9.960937500e-01, v44;
	v61 =	vmul.f32 v44, v26  }
0x15c: {  	v31 =	vadd.f32 v47, v62;
	v40 =	vmul.f32 $1.280000000e+02, v6;
	v4 =	vnsel vm8, $0x3F800000, v39  }
0x15d: {  	v39 =	vadd.f32 v12, v62;
	v55 =	vadd.f32 v52, v7;
	v42 =	vmul.f32 $9.960937500e-01, v32  }
0x15e: {  	v7 =	vadd.f32 v61, v7;
	v8 =	vadd.f32 $5.000000000e-01, v40;
	v50 =	vmul.f32 $9.960937500e-01, v41  }
0x15f: {  	v58 =	vld [tilespmem:s22+$0x4120];
	v17 =	vmul.f32 v32, v17;
	v32 =	vmul.f32 $2.560000000e+02, v2;
	v15 =	vadd.f32 v42, v10  }
0x160: {  	v46 =	vmul.f32 $2.560000000e+02, v6;
	v35 =	vsub.f32 $1.000000000e+00, v31;
	v53 =	vadd.f32 v50, v45  }
0x161: {  	v8 =	vtrunc.f32 v8;
	v14 =	vadd.f32 $-2.550000000e+02, v32;
	v48 =	vsub.f32 $1.000000000e+00, v15  }
0x162: {  	v13 =	vmul.f32 v41, v19;
	v8 =	vcvt.f32.s32 v8;
	v57 =	vsub.f32 $1.000000000e+00, v53  }
0x163: {  	v30 =	vld [tilespmem:s22+$0x41A0];
	v59 =	vsub.f32 $1.000000000e+00, v55;
	v38 =	vmul.f32 v35, v14;
	v21 =	vmul.f32 v48, v21  }
0x164: {  	v26 =	vld [tilespmem:s26+$0x4000];
	vm12 =	veq.s32 v58, $0x1;
	v10 =	vadd.f32 v17, v10;
	v60 =	vmul.f32 v57, v25  }
0x165: {  	[tilespmem:s22+$0xA020] =	vst v4;
	vm11 =	vgt.s32 v8, $0x7F;
	v25 =	vld [tilespmem:s22+$0x2090];
	v4 =	vadd.f32 v38, v31;
	v15 =	vadd.f32 v21, v15  }
0x166: {  	v63 =	vadd.f32 v13, v45;
	v8 =	vsel vm11, $0x7F, v8;
	v20 =	vadd.f32 v60, v53  }
0x167: {  	v21 =	vadd.s32 $0x800, v8;
	v8 =	vld [tilespmem:s22+$0x2190];
	v4 =	vsel vm1, v4, v39;
	v10 =	vsel vm13, v15, v10  }
0x168: {  	v15 =	vmul.f32 v59, v23;
	v3 =	vsel vm14, v20, v63;
	vm13 =	veq.s32 v30, $0x1  }
0x169: {  	v30 =	vadd.f32 v43, v16;
	v27 =	vnsel vm10, $0x3F800000, v10;
	v10 =	vld [tilespmem:s22+$0x2110];
	v3 =	vnsel vm12, $0x3F800000, v3  }
0x16a: {  	vm14 =	veq.s32 v26, $0x1;
	v28 =	vmul.f32 $1.280000000e+02, v25;
	v15 =	vadd.f32 v15, v55;
	[tilespmem:s22+$0xA120] =	vst v3;
	v3 =	vld.idx.msk [tilespmem:v5+s10+$0x0], $0xffff  }
0x16b: {  	v57 =	vmul.f32 $2.560000000e+02, v25;
	[tilespmem:s22+$0xA0A0] =	vst v27;
	v27 =	vmul.f32 v49, v1;
	v1 =	vnsel vm9, $0x3F800000, v37;
	v55 =	vld [tilespmem:s22+$0x6010]  }
0x16c: {  	v34 =	vadd.f32 $5.000000000e-01, v28;
	v37 =	vld.idx.msk [tilespmem:v21+s10+$0x0], $0xffff;
	v43 =	vmul.f32 $1.280000000e+02, v8;
	v23 =	vsel vm15, v15, v7  }
0x16d: {  	s25 =	sadd.s32 $0x20, s23;
	v41 =	vld.idx.msk [tilespmem:v21+s9+$0x0], $0xffff;
	v21 =	vadd.f32 $-2.550000000e+02, v46;
	v33 =	vadd.f32 v27, v11;
	v29 =	vnsel vm13, $0x3F800000, v23  }
0x16e: {  	s4 =	sor.u32 $0x200, s25;
	v5 =	vld.idx.msk [tilespmem:v5+s9+$0x0], $0xffff;
	v26 =	vadd.f32 $-2.550000000e+02, v57;
	v11 =	vtrunc.f32 v34;
	v17 =	vadd.f32 $5.000000000e-01, v43;
	[tilespmem:s22+$0xA1A0] =	vst v29  }
0x16f: {  	s13 =	sor.u32 $0x280, s25;
	v9 =	vsel vm2, v33, v30;
	v36 =	vmul.f32 $1.280000000e+02, v10;
	v11 =	vcvt.f32.s32 v11;
	v13 =	vld [tilespmem:s4+$0x0]  }
0x170: {  	s15 =	sor.u32 $0x300, s25;
	v2 =	vnsel vm14, $0x3F800000, v9;
	v15 =	vld [tilespmem:s13+$0x0];
	v45 =	vmul.f32 $9.960937500e-01, v3;
	v17 =	vtrunc.f32 v17  }
0x171: {  	s31 =	sor.u32 $0x380, s25;
	v20 =	vld [tilespmem:s15+$0x0];
	vm12 =	veq.s32 v55, $0x1;
	v3 =	vmul.f32 v3, v0;
	v40 =	vadd.f32 $5.000000000e-01, v36  }
0x172: {  	v16 =	vld [tilespmem:s31+$0x0];
	vm15 =	vgt.s32 v11, $0x7F;
	v44 =	vmul.f32 $9.960937500e-01, v37;
	v6 =	vmul.f32 v37, v6  }
0x173: {  	v17 =	vcvt.f32.s32 v17;
	v11 =	vsel vm15, $0x7F, v11;
	v3 =	vadd.f32 v3, v5  }
0x174: {  	v12 =	vtrunc.f32 v40;
	v11 =	vadd.s32 $0x880, v11;
	v18 =	vadd.f32 v44, v41  }
0x175: {  	v6 =	vadd.f32 v6, v41;
	vm2 =	vgt.s32 v17, $0x7F;
	v12 =	vcvt.f32.s32 v12  }
0x176: {  	v17 =	vsel vm2, $0x7F, v17;
	v42 =	vmul.f32 $1.280000000e+02, v13;
	v47 =	vmul.f32 $1.280000000e+02, v15  }
0x177: {  	v48 =	vsub.f32 $1.000000000e+00, v18;
	v50 =	vmul.f32 $1.280000000e+02, v20;
	v56 =	vmul.f32 $1.280000000e+02, v16  }
0x178: {  	v38 =	vmul.f32 $2.560000000e+02, v13;
	vm1 =	vgt.s32 v12, $0x7F;
	v7 =	vadd.f32 $5.000000000e-01, v42  }
0x179: {  	v9 =	vadd.f32 $5.000000000e-01, v47;
	v21 =	vmul.f32 v48, v21;
	v12 =	vsel vm1, $0x7F, v12  }
0x17a: {  	v51 =	vadd.f32 $5.000000000e-01, v50;
	v58 =	vadd.f32 $5.000000000e-01, v56;
	v7 =	vtrunc.f32 v7  }
0x17b: {  	v42 =	vadd.f32 $-2.550000000e+02, v38;
	v49 =	vld.idx.msk [tilespmem:v11+s10+$0x0], $0xffff;
	v12 =	vadd.s32 $0x900, v12;
	v7 =	vcvt.f32.s32 v7  }
0x17c: {  	v9 =	vtrunc.f32 v9;
	v52 =	vadd.f32 v21, v18;
	v54 =	vtrunc.f32 v51  }
0x17d: {  	v28 =	vld [tilespmem:s22+$0xB0];
	v61 =	vtrunc.f32 v58;
	v9 =	vcvt.f32.s32 v9;
	vm9 =	vgt.s32 v7, $0x7F  }
0x17e: {  	v11 =	vld.idx.msk [tilespmem:v11+s9+$0x0], $0xffff;
	v21 =	vcvt.f32.s32 v54;
	v32 =	vcvt.f32.s32 v61;
	v7 =	vsel vm9, $0x7F, v7  }
0x17f: {  	v38 =	vld [tilespmem:s22+$0x6090];
	v6 =	vsel vm11, v52, v6;
	vm10 =	vgt.s32 v9, $0x7F;
	v7 =	vadd.s32 $0x200, v7  }
0x180: {  	vm11 =	vgt.s32 v21, $0x7F;
	v53 =	vmul.f32 $9.960937500e-01, v49;
	v9 =	vsel vm10, $0x7F, v9;
	v63 =	vld.idx.msk [tilespmem:v12+s10+$0x0], $0xffff  }
0x181: {  	v54 =	vld [tilespmem:s13+$0x4000];
	v21 =	vsel vm11, $0x7F, v21;
	v23 =	vmul.f32 v49, v25;
	v9 =	vadd.s32 $0x280, v9  }
0x182: {  	v47 =	vmul.f32 $2.560000000e+02, v15;
	vm13 =	vgt.s32 v32, $0x7F;
	v12 =	vld.idx.msk [tilespmem:v12+s9+$0x0], $0xffff;
	v62 =	vadd.s32 $0x300, v21  }
0x183: {  	v35 =	vsel vm13, $0x7F, v32;
	v18 =	vadd.f32 v53, v11;
	v11 =	vadd.f32 v23, v11;
	v23 =	vld [tilespmem:s22+$0x30]  }
0x184: {  	v17 =	vadd.s32 $0x980, v17;
	v52 =	vmul.f32 $2.560000000e+02, v20;
	v39 =	vadd.s32 $0x380, v35;
	v27 =	vld.idx.msk [tilespmem:v7+s10+$0x0], $0xffff  }
0x185: {  	v51 =	vadd.f32 $-2.550000000e+02, v47;
	v59 =	vsub.f32 $1.000000000e+00, v18;
	v43 =	vmul.f32 v63, v10;
	v60 =	vld.idx.msk [tilespmem:v7+s9+$0x0], $0xffff  }
0x186: {  	v56 =	vadd.f32 $-2.550000000e+02, v52;
	v21 =	vmul.f32 $9.960937500e-01, v63;
	v10 =	vmul.f32 $2.560000000e+02, v10;
	v33 =	vld.idx.msk [tilespmem:v9+s10+$0x0], $0xffff  }
0x187: {  	v31 =	vmul.f32 v59, v26;
	v7 =	vnsel vm12, $0x3F800000, v6;
	v6 =	vadd.f32 v45, v5;
	v40 =	vld.idx.msk [tilespmem:v62+s10+$0x0], $0xffff  }
0x188: {  	v45 =	vld [tilespmem:s4+$0x4000];
	vm12 =	veq.s32 v38, $0x1;
	v38 =	vmul.f32 $2.560000000e+02, v28;
	v21 =	vadd.f32 v21, v12  }
0x189: {  	v61 =	vmul.f32 $2.560000000e+02, v16;
	v48 =	vld.idx.msk [tilespmem:v39+s10+$0x0], $0xffff;
	v10 =	vadd.f32 $-2.550000000e+02, v10;
	v18 =	vadd.f32 v31, v18  }
0x18a: {  	v58 =	vld.idx.msk [tilespmem:v17+s10+$0x0], $0xffff;
	v63 =	vmul.f32 $1.280000000e+02, v23;
	v12 =	vadd.f32 v43, v12;
	v26 =	vadd.f32 $-2.550000000e+02, v38  }
0x18b: {  	v36 =	vld.idx.msk [tilespmem:v9+s9+$0x0], $0xffff;
	v59 =	vsub.f32 $1.000000000e+00, v21;
	v9 =	vsel vm15, v18, v11;
	v34 =	vmul.f32 $9.960937500e-01, v27  }
0x18c: {  	v14 =	vld.idx.msk [tilespmem:v62+s9+$0x0], $0xffff;
	vm15 =	veq.s32 v54, $0x1;
	v44 =	vmul.f32 $9.960937500e-01, v33;
	v13 =	vmul.f32 v27, v13  }
0x18d: {  	v49 =	vmul.f32 $9.960937500e-01, v40;
	v15 =	vmul.f32 v33, v15;
	vm14 =	veq.s32 v45, $0x1  }
0x18e: {  	v17 =	vld.idx.msk [tilespmem:v17+s9+$0x0], $0xffff;
	v18 =	vmul.f32 v40, v20;
	v57 =	vmul.f32 $9.960937500e-01, v48;
	v20 =	vadd.f32 $-2.550000000e+02, v61  }
0x18f: {  	v11 =	vld.idx.msk [tilespmem:v39+s9+$0x0], $0xffff;
	v16 =	vmul.f32 v48, v16;
	v33 =	vmul.f32 $9.960937500e-01, v58;
	v37 =	vadd.f32 v34, v60  }
0x190: {  	v10 =	vmul.f32 v59, v10;
	v46 =	vadd.f32 v44, v36;
	v13 =	vadd.f32 v13, v60  }
0x191: {  	v45 =	vmul.f32 v58, v8;
	v24 =	vadd.f32 v49, v14;
	v15 =	vadd.f32 v15, v36  }
0x192: {  	v59 =	vmul.f32 $2.560000000e+02, v23;
	v14 =	vadd.f32 v18, v14;
	v41 =	vsub.f32 $1.000000000e+00, v37  }
0x193: {  	v36 =	vmul.f32 $1.280000000e+02, v28;
	v18 =	vadd.f32 v33, v17;
	v55 =	vsub.f32 $1.000000000e+00, v24  }
0x194: {  	v50 =	vsub.f32 $1.000000000e+00, v46;
	v60 =	vadd.f32 v57, v11;
	v19 =	vmul.f32 v41, v42  }
0x195: {  	v31 =	vld [tilespmem:s15+$0x4000];
	v11 =	vadd.f32 v16, v11;
	v44 =	vsub.f32 $1.000000000e+00, v18;
	v22 =	vmul.f32 v55, v56  }
0x196: {  	v53 =	vmul.f32 v50, v51;
	v32 =	vsub.f32 $1.000000000e+00, v60;
	v19 =	vadd.f32 v19, v37  }
0x197: {  	v34 =	vld [tilespmem:s31+$0x4000];
	v42 =	vmul.f32 $2.560000000e+02, v8;
	v62 =	vadd.f32 v22, v24;
	v22 =	vadd.f32 $5.000000000e-01, v63  }
0x198: {  	v20 =	vmul.f32 v32, v20;
	v13 =	vsel vm9, v19, v13;
	v19 =	vadd.f32 v53, v46  }
0x199: {  	v14 =	vsel vm11, v62, v14;
	v35 =	vtrunc.f32 v22;
	v22 =	vadd.f32 $5.000000000e-01, v36  }
0x19a: {  	vm9 =	veq.s32 v31, $0x1;
	v13 =	vnsel vm14, $0x3F800000, v13;
	v16 =	vcvt.f32.s32 v35  }
0x19b: {  	v15 =	vsel vm10, v19, v15;
	v19 =	vadd.f32 v20, v60;
	v20 =	vld [tilespmem:s22+$0x130];
	v39 =	vtrunc.f32 v22  }
0x19c: {  	vm11 =	veq.s32 v34, $0x1;
	[tilespmem:s4+$0xA000] =	vst v13;
	v22 =	vld [tilespmem:s22+$0x1B0];
	v15 =	vnsel vm15, $0x3F800000, v15;
	v41 =	vcvt.f32.s32 v39  }
0x19d: {  	v37 =	vnsel vm9, $0x3F800000, v14;
	vm10 =	vgt.s32 v16, $0x7F;
	v11 =	vsel vm13, v19, v11;
	[tilespmem:s13+$0xA000] =	vst v15  }
0x19e: {  	v40 =	vld [tilespmem:s22+$0x6110];
	v15 =	vadd.f32 $-2.550000000e+02, v42;
	[tilespmem:s15+$0xA000] =	vst v37;
	v11 =	vnsel vm11, $0x3F800000, v11;
	vm6 =	vgt.s32 v41, $0x7F  }
0x19f: {  	v9 =	vnsel vm12, $0x3F800000, v9;
	v16 =	vsel vm10, $0x7F, v16;
	[tilespmem:s31+$0xA000] =	vst v11;
	v13 =	vsel vm6, $0x7F, v41;
	v41 =	vld [tilespmem:s22+$0x4030]  }
0x1a0: {  	v10 =	vadd.f32 v10, v21;
	v47 =	vmul.f32 v44, v15;
	v43 =	vmul.f32 $1.280000000e+02, v20;
	v11 =	vld [tilespmem:s22+$0x1020]  }
0x1a1: {  	v27 =	vadd.f32 $-2.550000000e+02, v59;
	v53 =	vadd.f32 v45, v17;
	v8 =	vld [tilespmem:s22+$0x10A0];
	v51 =	vmul.f32 $1.280000000e+02, v22  }
0x1a2: {  	v49 =	vsel vm1, v10, v12;
	v10 =	vld [tilespmem:s22+$0x1120];
	v14 =	vadd.f32 v47, v18;
	v24 =	vadd.f32 $5.000000000e-01, v43  }
0x1a3: {  	v13 =	vadd.s32 $0x80, v13;
	v45 =	vmul.f32 $2.560000000e+02, v20;
	v12 =	vadd.f32 $5.000000000e-01, v51  }
0x1a4: {  	v46 =	vld.idx.msk [tilespmem:v16+s10+$0x0], $0xffff;
	v14 =	vsel vm2, v14, v53;
	v53 =	vmul.f32 $2.560000000e+02, v22;
	v48 =	vtrunc.f32 v24  }
0x1a5: {  	vm13 =	veq.s32 v40, $0x1;
	v12 =	vtrunc.f32 v12;
	v50 =	vcvt.f32.s32 v48  }
0x1a6: {  	v51 =	vld [tilespmem:s22+$0x40B0];
	vm8 =	veq.s32 v41, $0x1;
	v54 =	vmul.f32 $1.280000000e+02, v11;
	v58 =	vmul.f32 $1.280000000e+02, v8  }
0x1a7: {  	v52 =	vld.idx.msk [tilespmem:v16+s9+$0x0], $0xffff;
	v24 =	vnsel vm13, $0x3F800000, v49;
	v12 =	vcvt.f32.s32 v12;
	v33 =	vmul.f32 $1.280000000e+02, v10  }
0x1a8: {  	v56 =	vld.idx.msk [tilespmem:v13+s10+$0x0], $0xffff;
	v29 =	vadd.f32 $-2.550000000e+02, v53;
	v30 =	vmul.f32 $2.560000000e+02, v11;
	vm14 =	vgt.s32 v50, $0x7F  }
0x1a9: {  	v17 =	vadd.f32 $5.000000000e-01, v54;
	v57 =	vmul.f32 $9.960937500e-01, v46;
	v61 =	vadd.f32 $5.000000000e-01, v58  }
0x1aa: {  	v13 =	vld.idx.msk [tilespmem:v13+s9+$0x0], $0xffff;
	vm15 =	vgt.s32 v12, $0x7F;
	v23 =	vmul.f32 v46, v23;
	v39 =	vadd.f32 $5.000000000e-01, v33  }
0x1ab: {  	vm12 =	veq.s32 v51, $0x1;
	v33 =	vld [tilespmem:s28+$0x4000];
	v55 =	vsel vm14, $0x7F, v50;
	v12 =	vsel vm15, $0x7F, v12  }
0x1ac: {  	v18 =	vadd.s32 $0x100, v55;
	v21 =	vadd.f32 v57, v52;
	v60 =	vtrunc.f32 v17  }
0x1ad: {  	v34 =	vadd.s32 $0x180, v12;
	v17 =	vtrunc.f32 v61;
	v63 =	vmul.f32 $9.960937500e-01, v56  }
0x1ae: {  	v15 =	vadd.f32 v23, v52;
	v16 =	vcvt.f32.s32 v60;
	v19 =	vmul.f32 v56, v28  }
0x1af: {  	v55 =	vld [tilespmem:s22+$0x4130];
	v17 =	vcvt.f32.s32 v17;
	v62 =	vsub.f32 $1.000000000e+00, v21;
	v37 =	vadd.f32 v63, v13  }
0x1b0: {  	vm3 =	vgt.s32 v16, $0x7F;
	v13 =	vadd.f32 v19, v13;
	vm5 =	veq.s32 v33, $0x1  }
0x1b1: {  	v35 =	vmul.f32 v62, v27;
	v16 =	vsel vm3, $0x7F, v16;
	v27 =	vtrunc.f32 v39  }
0x1b2: {  	v62 =	vmul.f32 $2.560000000e+02, v0;
	v39 =	vsub.f32 $1.000000000e+00, v6;
	v4 =	vnsel vm5, $0x3F800000, v4;
	v36 =	vld.idx.msk [tilespmem:v18+s10+$0x0], $0xffff  }
0x1b3: {  	v18 =	vld.idx.msk [tilespmem:v18+s9+$0x0], $0xffff;
	v40 =	vsub.f32 $1.000000000e+00, v37;
	v16 =	vadd.s32 $0x400, v16;
	v27 =	vcvt.f32.s32 v27  }
0x1b4: {  	[tilespmem:s22+$0xC090] =	vst v9;
	v43 =	vld.idx.msk [tilespmem:v34+s10+$0x0], $0xffff;
	vm13 =	veq.s32 v55, $0x1;
	v12 =	vadd.f32 v35, v21;
	v9 =	vadd.f32 $-2.550000000e+02, v62  }
0x1b5: {  	v21 =	vmul.f32 v40, v26;
	v26 =	vadd.f32 $-2.550000000e+02, v45;
	vm11 =	vgt.s32 v27, $0x7F  }
0x1b6: {  	v46 =	vld.idx.msk [tilespmem:v34+s9+$0x0], $0xffff;
	v15 =	vsel vm10, v12, v15;
	vm10 =	vgt.s32 v17, $0x7F;
	v27 =	vsel vm11, $0x7F, v27  }
0x1b7: {  	v12 =	vld [tilespmem:s22+$0x11A0];
	v9 =	vmul.f32 v39, v9;
	v21 =	vadd.f32 v21, v37;
	v42 =	vmul.f32 $9.960937500e-01, v36  }
0x1b8: {  	v17 =	vsel vm10, $0x7F, v17;
	v27 =	vadd.s32 $0x500, v27;
	v20 =	vmul.f32 v36, v20  }
0x1b9: {  	v59 =	vnsel vm8, $0x3F800000, v15;
	v49 =	vmul.f32 $9.960937500e-01, v43;
	v50 =	vld.idx.msk [tilespmem:v16+s10+$0x0], $0xffff;
	v44 =	vadd.f32 v42, v18  }
0x1ba: {  	v17 =	vadd.s32 $0x480, v17;
	v19 =	vmul.f32 v43, v22;
	v18 =	vadd.f32 v20, v18  }
0x1bb: {  	v16 =	vld.idx.msk [tilespmem:v16+s9+$0x0], $0xffff;
	v13 =	vsel vm6, v21, v13;
	v52 =	vadd.f32 v49, v46;
	v47 =	vsub.f32 $1.000000000e+00, v44  }
0x1bc: {  	v19 =	vadd.f32 v19, v46;
	v28 =	vnsel vm12, $0x3F800000, v13;
	v48 =	vmul.f32 $1.280000000e+02, v12  }
0x1bd: {  	v13 =	vadd.f32 $-2.550000000e+02, v30;
	v42 =	vmul.f32 $2.560000000e+02, v8;
	v31 =	vld.idx.msk [tilespmem:v27+s10+$0x0], $0xffff;
	v26 =	vmul.f32 v47, v26  }
0x1be: {  	v56 =	vld [tilespmem:s22+$0x41B0];
	v25 =	vadd.f32 $5.000000000e-01, v48;
	v58 =	vmul.f32 $9.960937500e-01, v50;
	v11 =	vmul.f32 v50, v11  }
0x1bf: {  	v54 =	vsub.f32 $1.000000000e+00, v52;
	v61 =	vld.idx.msk [tilespmem:v17+s10+$0x0], $0xffff;
	v47 =	vmul.f32 $2.560000000e+02, v10;
	v23 =	vadd.f32 v26, v44  }
0x1c0: {  	v57 =	vld [tilespmem:s22+$0x6190];
	v25 =	vtrunc.f32 v25;
	v63 =	vadd.f32 v58, v16;
	v11 =	vadd.f32 v11, v16  }
0x1c1: {  	v36 =	vld.idx.msk [tilespmem:v27+s9+$0x0], $0xffff;
	v25 =	vcvt.f32.s32 v25;
	v18 =	vsel vm14, v23, v18;
	v23 =	vmul.f32 v54, v29  }
0x1c2: {  	[tilespmem:s22+$0xC010] =	vst v7;
	v17 =	vld.idx.msk [tilespmem:v17+s9+$0x0], $0xffff;
	v50 =	vadd.f32 $-2.550000000e+02, v47;
	v37 =	vsub.f32 $1.000000000e+00, v63;
	v43 =	vmul.f32 $9.960937500e-01, v31  }
0x1c3: {  	[tilespmem:s22+$0xC110] =	vst v24;
	vm1 =	vgt.s32 v25, $0x7F;
	vm14 =	veq.s32 v56, $0x1;
	v60 =	vadd.f32 v23, v52  }
0x1c4: {  	v53 =	vld [tilespmem:s22+$0x50A0];
	[tilespmem:s22+$0xA030] =	vst v59;
	v38 =	vmul.f32 $9.960937500e-01, v61;
	v25 =	vsel vm1, $0x7F, v25;
	v32 =	vnsel vm13, $0x3F800000, v18  }
0x1c5: {  	[tilespmem:s22+$0xA0B0] =	vst v28;
	v58 =	vld [tilespmem:s22+$0x5120];
	v13 =	vmul.f32 v37, v13;
	v34 =	vadd.s32 $0x580, v25;
	v15 =	vsel vm15, v60, v19  }
0x1c6: {  	s23 =	sadd.s32 $0x30, s23;
	v44 =	vld [tilespmem:s22+$0x5020];
	v21 =	vadd.f32 v43, v36;
	[tilespmem:s22+$0xA130] =	vst v32;
	vm15 =	veq.s32 v57, $0x1;
	v35 =	vnsel vm14, $0x3F800000, v15  }
0x1c7: {  	s3 =	sor.u32 $0x200, s23;
	v41 =	vadd.f32 v38, v17;
	v13 =	vadd.f32 v13, v63;
	v63 =	vld [tilespmem:s22+$0x51A0];
	v40 =	vnsel vm15, $0x3F800000, v14;
	[tilespmem:s22+$0xA1B0] =	vst v35  }
0x1c8: {  	s31 =	sor.u32 $0x2200, s24;
	v10 =	vmul.f32 v31, v10;
	v8 =	vmul.f32 v61, v8;
	v49 =	vsub.f32 $1.000000000e+00, v21;
	[tilespmem:s22+$0xC190] =	vst v40;
	v14 =	vld [tilespmem:s3+$0x0]  }
0x1c9: {  	v16 =	vadd.f32 $-2.550000000e+02, v42;
	v56 =	vmul.f32 $2.560000000e+02, v12;
	v45 =	vsub.f32 $1.000000000e+00, v41;
	v7 =	vld [tilespmem:s31+$0x0]  }
0x1ca: {  	v10 =	vadd.f32 v10, v36;
	v8 =	vadd.f32 v8, v17;
	v52 =	vmul.f32 v49, v50;
	v46 =	vld.idx.msk [tilespmem:v34+s10+$0x0], $0xffff  }
0x1cb: {  	s4 =	sor.u32 $0x280, s23;
	v20 =	vadd.f32 $-2.550000000e+02, v56;
	vm8 =	veq.s32 v44, $0x1;
	v16 =	vmul.f32 v45, v16;
	v19 =	vld.idx.msk [tilespmem:v34+s9+$0x0], $0xffff  }
0x1cc: {  	s13 =	sor.u32 $0x300, s23;
	v11 =	vsel vm3, v13, v11;
	v40 =	vadd.f32 v9, v6;
	v17 =	vld [tilespmem:s4+$0x0];
	v55 =	vadd.f32 v52, v21  }
0x1cd: {  	s15 =	sor.u32 $0x380, s23;
	v11 =	vnsel vm8, $0x3F800000, v11;
	v15 =	vld [tilespmem:s13+$0x0];
	v16 =	vadd.f32 v16, v41;
	v48 =	vmul.f32 $1.280000000e+02, v14  }
0x1ce: {  	v21 =	vld [tilespmem:s15+$0x0];
	vm13 =	veq.s32 v63, $0x1;
	v3 =	vsel vm0, v40, v3;
	v10 =	vsel vm11, v55, v10  }
0x1cf: {  	v34 =	vld [tilespmem:s30+$0x4000];
	vm11 =	veq.s32 v58, $0x1;
	v8 =	vsel vm10, v16, v8;
	v13 =	vadd.f32 $5.000000000e-01, v48  }
0x1d0: {  	vm10 =	veq.s32 v53, $0x1;
	v51 =	vmul.f32 $1.280000000e+02, v7;
	v54 =	vmul.f32 $9.960937500e-01, v46  }
0x1d1: {  	v10 =	vnsel vm11, $0x3F800000, v10;
	v12 =	vmul.f32 v46, v12;
	v13 =	vtrunc.f32 v13  }
0x1d2: {  	v8 =	vnsel vm10, $0x3F800000, v8;
	v57 =	vmul.f32 $1.280000000e+02, v17;
	v13 =	vcvt.f32.s32 v13  }
0x1d3: {  	v60 =	vmul.f32 $1.280000000e+02, v15;
	v62 =	vmul.f32 $1.280000000e+02, v21;
	v18 =	vadd.f32 v54, v19  }
0x1d4: {  	vm7 =	veq.s32 v34, $0x1;
	v23 =	vadd.f32 $5.000000000e-01, v57;
	vm9 =	vgt.s32 v13, $0x7F  }
0x1d5: {  	v22 =	vadd.f32 $5.000000000e-01, v60;
	v59 =	vsub.f32 $1.000000000e+00, v18;
	v13 =	vsel vm9, $0x7F, v13  }
0x1d6: {  	[tilespmem:s22+$0xB020] =	vst v11;
	v28 =	vadd.f32 $5.000000000e-01, v62;
	v61 =	vtrunc.f32 v23;
	v13 =	vadd.s32 $0x200, v13  }
0x1d7: {  	[tilespmem:s29+$0xA000] =	vst v1;
	v3 =	vnsel vm7, $0x3F800000, v3;
	v16 =	vcvt.f32.s32 v61;
	v20 =	vmul.f32 v59, v20  }
0x1d8: {  	[tilespmem:s26+$0xA000] =	vst v2;
	v12 =	vadd.f32 v12, v19;
	v29 =	vtrunc.f32 v22;
	v19 =	vtrunc.f32 v28  }
0x1d9: {  	v63 =	vld [tilespmem:s13+$0x4000];
	[tilespmem:s28+$0xA000] =	vst v4;
	vm12 =	vgt.s32 v16, $0x7F;
	v18 =	vadd.f32 v20, v18;
	v20 =	vcvt.f32.s32 v29  }
0x1da: {  	v53 =	vld [tilespmem:s3+$0x4000];
	[tilespmem:s22+$0xB120] =	vst v10;
	v37 =	vadd.f32 $5.000000000e-01, v51;
	v31 =	vcvt.f32.s32 v19;
	v16 =	vsel vm12, $0x7F, v16  }
0x1db: {  	[tilespmem:s30+$0xA000] =	vst v3;
	v16 =	vadd.s32 $0x280, v16;
	v32 =	vsel vm1, v18, v12;
	vm14 =	vgt.s32 v20, $0x7F;
	v30 =	vld.idx.msk [tilespmem:v13+s10+$0x0], $0xffff  }
0x1dc: {  	[tilespmem:s22+$0xB0A0] =	vst v8;
	v1 =	vld [tilespmem:s22+$0x3000];
	vm15 =	vgt.s32 v31, $0x7F;
	v8 =	vnsel vm13, $0x3F800000, v32;
	v33 =	vsel vm14, $0x7F, v20  }
0x1dd: {  	s0 =	sor.u32 $0x1200, s25;
	v35 =	vsel vm15, $0x7F, v31;
	[tilespmem:s22+$0xB1A0] =	vst v8;
	v10 =	vadd.s32 $0x300, v33;
	v13 =	vld.idx.msk [tilespmem:v13+s9+$0x0], $0xffff  }
0x1de: {  	v39 =	vmul.f32 $2.560000000e+02, v14;
	v41 =	vtrunc.f32 v37;
	v8 =	vadd.s32 $0x380, v35;
	v0 =	vld [tilespmem:s0+$0x0]  }
0x1df: {  	v58 =	vmul.f32 $2.560000000e+02, v15;
	vm10 =	veq.s32 v63, $0x1;
	v28 =	vld [tilespmem:s15+$0x4000];
	v45 =	vcvt.f32.s32 v41  }
0x1e0: {  	v44 =	vadd.f32 $-2.550000000e+02, v39;
	v54 =	vmul.f32 $2.560000000e+02, v17;
	v38 =	vld.idx.msk [tilespmem:v16+s10+$0x0], $0xffff;
	v36 =	vmul.f32 $9.960937500e-01, v30  }
0x1e1: {  	v60 =	vmul.f32 $2.560000000e+02, v21;
	vm8 =	veq.s32 v53, $0x1;
	vm0 =	vgt.s32 v45, $0x7F;
	v42 =	vld.idx.msk [tilespmem:v16+s9+$0x0], $0xffff  }
0x1e2: {  	v23 =	vadd.f32 $-2.550000000e+02, v58;
	v5 =	vsel vm0, $0x7F, v45;
	v46 =	vld.idx.msk [tilespmem:v10+s10+$0x0], $0xffff;
	v11 =	vadd.f32 v36, v13  }
0x1e3: {  	v22 =	vadd.f32 $-2.550000000e+02, v60;
	v50 =	vadd.s32 $0xA00, v5;
	v47 =	vld.idx.msk [tilespmem:v8+s10+$0x0], $0xffff;
	v48 =	vmul.f32 $1.280000000e+02, v0  }
0x1e4: {  	v10 =	vld.idx.msk [tilespmem:v10+s9+$0x0], $0xffff;
	v58 =	vmul.f32 $2.560000000e+02, v0;
	v14 =	vmul.f32 v30, v14;
	v43 =	vsub.f32 $1.000000000e+00, v11  }
0x1e5: {  	vm11 =	veq.s32 v28, $0x1;
	v8 =	vld.idx.msk [tilespmem:v8+s9+$0x0], $0xffff;
	v49 =	vmul.f32 $9.960937500e-01, v38;
	v17 =	vmul.f32 v38, v17  }
0x1e6: {  	v51 =	vadd.f32 $5.000000000e-01, v48;
	v13 =	vadd.f32 v14, v13;
	v16 =	vmul.f32 v43, v44  }
0x1e7: {  	v52 =	vadd.f32 v49, v42;
	v9 =	vadd.f32 v17, v42;
	v55 =	vmul.f32 $9.960937500e-01, v46  }
0x1e8: {  	v49 =	vmul.f32 $1.280000000e+02, v1;
	v57 =	vmul.f32 $9.960937500e-01, v47;
	v11 =	vadd.f32 v16, v11  }
0x1e9: {  	s26 =	sor.u32 $0x2280, s24;
	v61 =	vld [tilespmem:s4+$0x4000];
	v6 =	vmul.f32 v46, v15;
	v56 =	vsub.f32 $1.000000000e+00, v52;
	v20 =	vadd.f32 v55, v10  }
0x1ea: {  	v5 =	vld [tilespmem:s26+$0x0];
	v59 =	vadd.f32 v57, v8;
	v11 =	vsel vm9, v11, v13;
	v13 =	vadd.f32 $-2.550000000e+02, v54  }
0x1eb: {  	v31 =	vmul.f32 v47, v21;
	v40 =	vtrunc.f32 v51;
	v62 =	vsub.f32 $1.000000000e+00, v20  }
0x1ec: {  	v42 =	vcvt.f32.s32 v40;
	v27 =	vsub.f32 $1.000000000e+00, v59;
	v13 =	vmul.f32 v56, v13  }
0x1ed: {  	s30 =	sor.u32 $0x1300, s25;
	v45 =	vld.idx.msk [tilespmem:v50+s9+$0x0], $0xffff;
	v14 =	vadd.f32 $5.000000000e-01, v49;
	v6 =	vadd.f32 v6, v10;
	v29 =	vmul.f32 v62, v23  }
0x1ee: {  	v35 =	vadd.f32 v31, v8;
	v8 =	vld [tilespmem:s30+$0x0];
	v32 =	vmul.f32 v27, v22;
	v13 =	vadd.f32 v13, v52  }
0x1ef: {  	s29 =	sor.u32 $0x1280, s25;
	v43 =	vld.idx.msk [tilespmem:v50+s10+$0x0], $0xffff;
	v50 =	vmul.f32 $1.280000000e+02, v5;
	vm9 =	veq.s32 v61, $0x1;
	v34 =	vadd.f32 v29, v20  }
0x1f0: {  	v30 =	vnsel vm8, $0x3F800000, v11;
	v36 =	vadd.f32 v32, v59;
	v11 =	vld [tilespmem:s29+$0x0];
	v33 =	vsel vm12, v13, v9  }
0x1f1: {  	v14 =	vtrunc.f32 v14;
	[tilespmem:s3+$0xA000] =	vst v30;
	v38 =	vsel vm14, v34, v6;
	v37 =	vnsel vm9, $0x3F800000, v33  }
0x1f2: {  	v15 =	vadd.f32 $5.000000000e-01, v50;
	v3 =	vsel vm15, v36, v35;
	v39 =	vnsel vm10, $0x3F800000, v38;
	[tilespmem:s4+$0xA000] =	vst v37  }
0x1f3: {  	v41 =	vnsel vm11, $0x3F800000, v3;
	v52 =	vmul.f32 $1.280000000e+02, v8;
	vm12 =	vgt.s32 v42, $0x7F;
	[tilespmem:s13+$0xA000] =	vst v39  }
0x1f4: {  	v15 =	vtrunc.f32 v15;
	v47 =	vmul.f32 $9.960937500e-01, v43;
	v3 =	vsel vm12, $0x7F, v42;
	[tilespmem:s15+$0xA000] =	vst v41  }
0x1f5: {  	v44 =	vmul.f32 $1.280000000e+02, v11;
	v18 =	vadd.f32 $5.000000000e-01, v52;
	v3 =	vadd.s32 $0x600, v3;
	v2 =	vld [tilespmem:s22+$0x1030]  }
0x1f6: {  	v61 =	vadd.f32 $-2.550000000e+02, v58;
	v4 =	vmul.f32 v43, v7;
	v7 =	vmul.f32 $2.560000000e+02, v7  }
0x1f7: {  	v12 =	vadd.f32 v47, v45;
	v6 =	vadd.f32 $5.000000000e-01, v44;
	v18 =	vtrunc.f32 v18;
	v48 =	vld [tilespmem:s22+$0x10B0]  }
0x1f8: {  	v15 =	vcvt.f32.s32 v15;
	v4 =	vadd.f32 v4, v45;
	v18 =	vcvt.f32.s32 v18;
	v17 =	vld [tilespmem:s22+$0x1130]  }
0x1f9: {  	v7 =	vadd.f32 $-2.550000000e+02, v7;
	v53 =	vsub.f32 $1.000000000e+00, v12;
	v6 =	vtrunc.f32 v6;
	v21 =	vld [tilespmem:s22+$0x11B0]  }
0x1fa: {  	v6 =	vcvt.f32.s32 v6;
	vm10 =	vgt.s32 v18, $0x7F;
	v51 =	vld.idx.msk [tilespmem:v3+s10+$0x0], $0xffff;
	v46 =	vmul.f32 $1.280000000e+02, v2  }
0x1fb: {  	v7 =	vmul.f32 v53, v7;
	v33 =	vmul.f32 $2.560000000e+02, v11;
	v18 =	vsel vm10, $0x7F, v18  }
0x1fc: {  	vm1 =	vgt.s32 v6, $0x7F;
	v3 =	vld.idx.msk [tilespmem:v3+s9+$0x0], $0xffff;
	v18 =	vadd.s32 $0x700, v18;
	v10 =	vadd.f32 $5.000000000e-01, v46  }
0x1fd: {  	v6 =	vsel vm1, $0x7F, v6;
	v54 =	vmul.f32 $1.280000000e+02, v48;
	v56 =	vmul.f32 $1.280000000e+02, v17  }
0x1fe: {  	v6 =	vadd.s32 $0x680, v6;
	v62 =	vmul.f32 $1.280000000e+02, v21;
	v10 =	vtrunc.f32 v10  }
0x1ff: {  	v55 =	vmul.f32 $9.960937500e-01, v51;
	v19 =	vadd.f32 $5.000000000e-01, v54;
	v10 =	vcvt.f32.s32 v10  }
0x200: {  	v9 =	vadd.f32 $5.000000000e-01, v56;
	v0 =	vmul.f32 v51, v0;
	v30 =	vadd.f32 $5.000000000e-01, v62  }
0x201: {  	v20 =	vadd.f32 v55, v3;
	v19 =	vtrunc.f32 v19;
	vm13 =	vgt.s32 v10, $0x7F  }
0x202: {  	v9 =	vtrunc.f32 v9;
	v19 =	vcvt.f32.s32 v19;
	v10 =	vsel vm13, $0x7F, v10  }
0x203: {  	v57 =	vld.idx.msk [tilespmem:v6+s10+$0x0], $0xffff;
	v0 =	vadd.f32 v0, v3;
	v9 =	vcvt.f32.s32 v9;
	v10 =	vadd.s32 $0x400, v10  }
0x204: {  	v62 =	vld [tilespmem:s22+$0x50B0];
	v3 =	vtrunc.f32 v30;
	v60 =	vsub.f32 $1.000000000e+00, v20;
	vm14 =	vgt.s32 v19, $0x7F  }
0x205: {  	v59 =	vld.idx.msk [tilespmem:v6+s9+$0x0], $0xffff;
	v3 =	vcvt.f32.s32 v3;
	vm15 =	vgt.s32 v9, $0x7F;
	v19 =	vsel vm14, $0x7F, v19  }
0x206: {  	v6 =	vmul.f32 v60, v61;
	v32 =	vsel vm15, $0x7F, v9;
	v60 =	vld.idx.msk [tilespmem:v18+s10+$0x0], $0xffff;
	v19 =	vadd.s32 $0x480, v19  }
0x207: {  	v38 =	vmul.f32 $2.560000000e+02, v2;
	v13 =	vmul.f32 $2.560000000e+02, v48;
	v61 =	vld [tilespmem:s22+$0x5030];
	v34 =	vadd.s32 $0x500, v32  }
0x208: {  	vm9 =	vgt.s32 v3, $0x7F;
	v29 =	vmul.f32 $9.960937500e-01, v57;
	v20 =	vadd.f32 v6, v20;
	v63 =	vld.idx.msk [tilespmem:v10+s10+$0x0], $0xffff  }
0x209: {  	s15 =	sor.u32 $0x1380, s25;
	v27 =	vadd.f32 $-2.550000000e+02, v38;
	v39 =	vsel vm9, $0x7F, v3;
	v6 =	vadd.f32 v7, v12;
	v31 =	vld.idx.msk [tilespmem:v10+s9+$0x0], $0xffff  }
0x20a: {  	v16 =	vadd.f32 v29, v59;
	v7 =	vsel vm12, v20, v0;
	v0 =	vadd.s32 $0x580, v39;
	v10 =	vld [tilespmem:s15+$0x0]  }
0x20b: {  	v52 =	vadd.f32 $-2.550000000e+02, v13;
	v54 =	vmul.f32 $2.560000000e+02, v17;
	v11 =	vmul.f32 v57, v11;
	v37 =	vld.idx.msk [tilespmem:v19+s10+$0x0], $0xffff  }
0x20c: {  	vm2 =	vgt.s32 v15, $0x7F;
	v9 =	vadd.f32 $-2.550000000e+02, v33;
	v36 =	vsub.f32 $1.000000000e+00, v16;
	v41 =	vld.idx.msk [tilespmem:v34+s10+$0x0], $0xffff  }
0x20d: {  	v24 =	vadd.f32 $-2.550000000e+02, v54;
	v57 =	vmul.f32 $2.560000000e+02, v21;
	v11 =	vadd.f32 v11, v59;
	v40 =	vld.idx.msk [tilespmem:v19+s9+$0x0], $0xffff  }
0x20e: {  	vm12 =	veq.s32 v62, $0x1;
	v39 =	vmul.f32 $9.960937500e-01, v60;
	v26 =	vld.idx.msk [tilespmem:v34+s9+$0x0], $0xffff;
	v22 =	vmul.f32 v36, v9  }
0x20f: {  	vm11 =	veq.s32 v61, $0x1;
	v47 =	vld.idx.msk [tilespmem:v0+s10+$0x0], $0xffff;
	v35 =	vmul.f32 $9.960937500e-01, v63;
	v2 =	vmul.f32 v63, v2  }
0x210: {  	v16 =	vadd.f32 v22, v16;
	v43 =	vmul.f32 $1.280000000e+02, v10;
	v44 =	vmul.f32 $9.960937500e-01, v37  }
0x211: {  	v45 =	vmul.f32 v37, v48;
	v48 =	vmul.f32 $9.960937500e-01, v41;
	v12 =	vadd.f32 v35, v31  }
0x212: {  	v51 =	vld.idx.msk [tilespmem:v0+s9+$0x0], $0xffff;
	v17 =	vmul.f32 v41, v17;
	v25 =	vadd.f32 $5.000000000e-01, v43;
	v2 =	vadd.f32 v2, v31  }
0x213: {  	v11 =	vsel vm1, v16, v11;
	v46 =	vadd.f32 v44, v40;
	v3 =	vadd.f32 v45, v40  }
0x214: {  	v53 =	vadd.f32 v48, v26;
	v17 =	vadd.f32 v17, v26;
	v56 =	vmul.f32 $9.960937500e-01, v47  }
0x215: {  	v42 =	vsub.f32 $1.000000000e+00, v12;
	v50 =	vsub.f32 $1.000000000e+00, v46;
	v25 =	vtrunc.f32 v25  }
0x216: {  	v31 =	vsel vm2, $0x7F, v15;
	v21 =	vmul.f32 v47, v21;
	v25 =	vcvt.f32.s32 v25  }
0x217: {  	v32 =	vld [tilespmem:s22+$0x51B0];
	v19 =	vadd.f32 v56, v51;
	v9 =	vmul.f32 v42, v27;
	v0 =	vmul.f32 v50, v52  }
0x218: {  	v63 =	vld [tilespmem:s22+$0x5130];
	v55 =	vsub.f32 $1.000000000e+00, v53;
	v42 =	vmul.f32 $2.560000000e+02, v8;
	v8 =	vmul.f32 v60, v8  }
0x219: {  	v38 =	vld [tilespmem:s0+$0x4000];
	vm5 =	vgt.s32 v25, $0x7F;
	v59 =	vsub.f32 $1.000000000e+00, v19;
	v9 =	vadd.f32 v9, v12  }
0x21a: {  	v20 =	vadd.f32 v0, v46;
	v0 =	vld [tilespmem:s22+$0x3080];
	v25 =	vsel vm5, $0x7F, v25;
	v12 =	vadd.f32 v21, v51  }
0x21b: {  	s28 =	sor.u32 $0x2300, s24;
	v33 =	vld.idx.msk [tilespmem:v18+s9+$0x0], $0xffff;
	v49 =	vsel vm13, v9, v2;
	v2 =	vmul.f32 v55, v24;
	v24 =	vadd.f32 $-2.550000000e+02, v57  }
0x21c: {  	v46 =	vmul.f32 $2.560000000e+02, v10;
	v25 =	vadd.s32 $0x780, v25;
	v9 =	vld [tilespmem:s28+$0x0];
	v20 =	vsel vm14, v20, v3  }
0x21d: {  	v61 =	vld [tilespmem:s31+$0x4000];
	vm13 =	veq.s32 v63, $0x1;
	vm14 =	veq.s32 v32, $0x1;
	v3 =	vmul.f32 v59, v24  }
0x21e: {  	v55 =	vld [tilespmem:s15+$0x4000];
	v37 =	vnsel vm11, $0x3F800000, v49;
	v20 =	vnsel vm12, $0x3F800000, v20;
	v13 =	vadd.f32 v2, v53  }
0x21f: {  	s24 =	sor.u32 $0x2380, s24;
	v47 =	vld [tilespmem:s29+$0x4000];
	v49 =	vadd.f32 $-2.550000000e+02, v46;
	v34 =	vmul.f32 $1.280000000e+02, v0;
	v19 =	vadd.f32 v3, v19  }
0x220: {  	v2 =	vld [tilespmem:s24+$0x0];
	v3 =	vcvt.f32.s32 v14;
	v13 =	vsel vm15, v13, v17;
	v14 =	vadd.s32 $0xA80, v31  }
0x221: {  	[tilespmem:s22+$0xB030] =	vst v37;
	v36 =	vld.idx.msk [tilespmem:v25+s10+$0x0], $0xffff;
	vm15 =	veq.s32 v38, $0x1;
	v17 =	vadd.f32 v8, v33;
	v58 =	vmul.f32 $1.280000000e+02, v9  }
0x222: {  	[tilespmem:s22+$0xB0B0] =	vst v20;
	v25 =	vld.idx.msk [tilespmem:v25+s9+$0x0], $0xffff;
	v13 =	vnsel vm13, $0x3F800000, v13;
	v8 =	vadd.f32 $5.000000000e-01, v34;
	v7 =	vnsel vm15, $0x3F800000, v7  }
0x223: {  	vm11 =	veq.s32 v55, $0x1;
	v59 =	vmul.f32 $2.560000000e+02, v9;
	v34 =	vld [tilespmem:s26+$0x4000];
	v12 =	vsel vm9, v19, v12;
	[tilespmem:s22+$0xB130] =	vst v13  }
0x224: {  	v52 =	vld [tilespmem:s30+$0x4000];
	v13 =	vadd.f32 $-2.550000000e+02, v42;
	vm9 =	veq.s32 v47, $0x1;
	[tilespmem:s0+$0xA000] =	vst v7;
	v12 =	vnsel vm14, $0x3F800000, v12  }
0x225: {  	v26 =	vadd.f32 $5.000000000e-01, v58;
	v40 =	vmul.f32 $1.280000000e+02, v2;
	v11 =	vnsel vm9, $0x3F800000, v11;
	[tilespmem:s22+$0xB1B0] =	vst v12;
	v41 =	vld.idx.msk [tilespmem:v14+s9+$0x0], $0xffff  }
0x226: {  	s1 =	sor.u32 $0x1200, s23;
	vm9 =	veq.s32 v61, $0x1;
	[tilespmem:s29+$0xA000] =	vst v11;
	v11 =	vadd.f32 $-2.550000000e+02, v59;
	v14 =	vld.idx.msk [tilespmem:v14+s10+$0x0], $0xffff;
	v43 =	vmul.f32 $9.960937500e-01, v36  }
0x227: {  	s13 =	sor.u32 $0x1280, s23;
	v26 =	vtrunc.f32 v26;
	v21 =	vld [tilespmem:s1+$0x0];
	v10 =	vmul.f32 v36, v10;
	v20 =	vadd.f32 $5.000000000e-01, v40  }
0x228: {  	v50 =	vld [tilespmem:s13+$0x0];
	v26 =	vcvt.f32.s32 v26;
	vm14 =	veq.s32 v34, $0x1;
	v22 =	vadd.f32 v43, v25  }
0x229: {  	v10 =	vadd.f32 v10, v25;
	v25 =	vsel vm0, v6, v4;
	vm0 =	vgt.s32 v3, $0x7F  }
0x22a: {  	v20 =	vtrunc.f32 v20;
	vm3 =	vgt.s32 v26, $0x7F;
	v3 =	vsel vm0, $0x7F, v3  }
0x22b: {  	v35 =	vsel vm3, $0x7F, v26;
	v26 =	vadd.f32 v39, v33;
	v51 =	vmul.f32 $9.960937500e-01, v14  }
0x22c: {  	v48 =	vsub.f32 $1.000000000e+00, v22;
	v53 =	vmul.f32 $1.280000000e+02, v21;
	v14 =	vmul.f32 v14, v5  }
0x22d: {  	v3 =	vadd.s32 $0xC00, v3;
	v5 =	vmul.f32 $2.560000000e+02, v5;
	v56 =	vmul.f32 $1.280000000e+02, v50  }
0x22e: {  	v19 =	vadd.s32 $0xB00, v35;
	v35 =	vcvt.f32.s32 v20;
	v42 =	vmul.f32 $2.560000000e+02, v21  }
0x22f: {  	v46 =	vmul.f32 $2.560000000e+02, v50;
	v44 =	vsub.f32 $1.000000000e+00, v26;
	v18 =	vadd.f32 $5.000000000e-01, v53  }
0x230: {  	v16 =	vmul.f32 v48, v49;
	v5 =	vadd.f32 $-2.550000000e+02, v5;
	v33 =	vadd.f32 v14, v41  }
0x231: {  	s4 =	sor.u32 $0x1380, s23;
	v14 =	vadd.f32 $-2.550000000e+02, v42;
	vm1 =	vgt.s32 v35, $0x7F;
	v12 =	vmul.f32 v44, v13  }
0x232: {  	v49 =	vadd.f32 $-2.550000000e+02, v46;
	v16 =	vadd.f32 v16, v22;
	v13 =	vld [tilespmem:s4+$0x0];
	v15 =	vsel vm1, $0x7F, v35  }
0x233: {  	v18 =	vtrunc.f32 v18;
	v15 =	vadd.s32 $0xB80, v15;
	v12 =	vadd.f32 v12, v26  }
0x234: {  	s3 =	sor.u32 $0x1300, s23;
	v45 =	vld.idx.msk [tilespmem:v19+s10+$0x0], $0xffff;
	v26 =	vadd.f32 v51, v41;
	v10 =	vsel vm5, v16, v10;
	v18 =	vcvt.f32.s32 v18  }
0x235: {  	v16 =	vld [tilespmem:s3+$0x0];
	v10 =	vnsel vm11, $0x3F800000, v10;
	v12 =	vsel vm10, v12, v17;
	vm10 =	veq.s32 v52, $0x1  }
0x236: {  	v19 =	vld.idx.msk [tilespmem:v19+s9+$0x0], $0xffff;
	v57 =	vsub.f32 $1.000000000e+00, v26;
	v17 =	vadd.f32 $5.000000000e-01, v56;
	vm4 =	vgt.s32 v18, $0x7F  }
0x237: {  	v18 =	vsel vm4, $0x7F, v18;
	v31 =	vmul.f32 $1.280000000e+02, v13;
	v61 =	vmul.f32 $2.560000000e+02, v13  }
0x238: {  	v12 =	vnsel vm10, $0x3F800000, v12;
	v17 =	vtrunc.f32 v17;
	v62 =	vmul.f32 v57, v5  }
0x239: {  	v18 =	vadd.s32 $0x600, v18;
	[tilespmem:s30+$0xA000] =	vst v12;
	v54 =	vmul.f32 $9.960937500e-01, v45;
	v17 =	vcvt.f32.s32 v17  }
0x23a: {  	v58 =	vmul.f32 $1.280000000e+02, v16;
	[tilespmem:s15+$0xA000] =	vst v10;
	v9 =	vmul.f32 v45, v9;
	v6 =	vadd.f32 $5.000000000e-01, v31  }
0x23b: {  	v55 =	vmul.f32 $2.560000000e+02, v16;
	v5 =	vld [tilespmem:s22+$0x2020];
	v22 =	vadd.f32 v54, v19;
	vm12 =	vgt.s32 v17, $0x7F  }
0x23c: {  	v31 =	vld.idx.msk [tilespmem:v15+s10+$0x0], $0xffff;
	v7 =	vadd.f32 $5.000000000e-01, v58;
	v9 =	vadd.f32 v9, v19;
	v6 =	vtrunc.f32 v6  }
0x23d: {  	v60 =	vsel vm12, $0x7F, v17;
	v17 =	vadd.f32 v62, v26;
	v38 =	vcvt.f32.s32 v6  }
0x23e: {  	v12 =	vadd.s32 $0x680, v60;
	v63 =	vsub.f32 $1.000000000e+00, v22;
	v7 =	vtrunc.f32 v7  }
0x23f: {  	v23 =	vadd.f32 $-2.550000000e+02, v55;
	v32 =	vld.idx.msk [tilespmem:v18+s10+$0x0], $0xffff;
	v30 =	vcvt.f32.s32 v7;
	v17 =	vsel vm2, v17, v33  }
0x240: {  	v6 =	vld [tilespmem:s22+$0x20A0];
	vm15 =	vgt.s32 v38, $0x7F;
	v11 =	vmul.f32 v63, v11;
	v37 =	vmul.f32 $1.280000000e+02, v5  }
0x241: {  	v18 =	vld.idx.msk [tilespmem:v18+s9+$0x0], $0xffff;
	v10 =	vsel vm15, $0x7F, v38;
	v17 =	vnsel vm14, $0x3F800000, v17;
	v38 =	vmul.f32 v31, v2  }
0x242: {  	v33 =	vld [tilespmem:s1+$0x4000];
	v42 =	vmul.f32 $2.560000000e+02, v5;
	vm13 =	vgt.s32 v30, $0x7F;
	v10 =	vadd.s32 $0x780, v10  }
0x243: {  	v11 =	vadd.f32 v11, v22;
	v4 =	vsel vm13, $0x7F, v30;
	v40 =	vadd.f32 $5.000000000e-01, v37;
	v36 =	vld.idx.msk [tilespmem:v12+s10+$0x0], $0xffff  }
0x244: {  	v2 =	vmul.f32 $2.560000000e+02, v2;
	v4 =	vadd.s32 $0x700, v4;
	v12 =	vld.idx.msk [tilespmem:v12+s9+$0x0], $0xffff;
	v39 =	vmul.f32 $9.960937500e-01, v32  }
0x245: {  	v21 =	vmul.f32 v32, v21;
	v7 =	vsel vm3, v11, v9;
	v47 =	vtrunc.f32 v40;
	v9 =	vld [tilespmem:s22+$0x2120]  }
0x246: {  	v30 =	vadd.f32 $-2.550000000e+02, v61;
	v41 =	vadd.f32 v39, v18;
	v53 =	vcvt.f32.s32 v47;
	v39 =	vld [tilespmem:s4+$0x4000]  }
0x247: {  	v2 =	vadd.f32 $-2.550000000e+02, v2;
	vm11 =	veq.s32 v33, $0x1;
	v18 =	vadd.f32 v21, v18;
	v51 =	vld.idx.msk [tilespmem:v10+s10+$0x0], $0xffff  }
0x248: {  	v45 =	vsub.f32 $1.000000000e+00, v41;
	vm2 =	vgt.s32 v53, $0x7F;
	v43 =	vmul.f32 $9.960937500e-01, v36  }
0x249: {  	v44 =	vld.idx.msk [tilespmem:v4+s10+$0x0], $0xffff;
	v19 =	vmul.f32 v36, v50;
	v50 =	vmul.f32 $1.280000000e+02, v6;
	v26 =	vsel vm2, $0x7F, v53  }
0x24a: {  	v10 =	vld.idx.msk [tilespmem:v10+s9+$0x0], $0xffff;
	v14 =	vmul.f32 v45, v14;
	v56 =	vmul.f32 $1.280000000e+02, v9;
	v20 =	vadd.f32 v43, v12  }
0x24b: {  	v26 =	vadd.s32 $0x800, v26;
	v24 =	vadd.f32 $5.000000000e-01, v50;
	v12 =	vadd.f32 v19, v12  }
0x24c: {  	v60 =	vld [tilespmem:s28+$0x4000];
	vm14 =	veq.s32 v39, $0x1;
	v11 =	vadd.f32 v14, v41;
	v58 =	vmul.f32 $9.960937500e-01, v51  }
0x24d: {  	v19 =	vadd.f32 $5.000000000e-01, v56;
	v13 =	vmul.f32 v51, v13;
	v48 =	vsub.f32 $1.000000000e+00, v20  }
0x24e: {  	v4 =	vld.idx.msk [tilespmem:v4+s9+$0x0], $0xffff;
	v24 =	vtrunc.f32 v24;
	v52 =	vmul.f32 $9.960937500e-01, v44;
	v11 =	vsel vm4, v11, v18  }
0x24f: {  	v16 =	vmul.f32 v44, v16;
	v22 =	vadd.f32 v58, v10;
	v32 =	vcvt.f32.s32 v24  }
0x250: {  	v24 =	vnsel vm9, $0x3F800000, v25;
	v19 =	vtrunc.f32 v19;
	v10 =	vadd.f32 v13, v10  }
0x251: {  	v56 =	vld [tilespmem:s22+$0x60A0];
	vm9 =	veq.s32 v60, $0x1;
	v25 =	vadd.f32 $-2.550000000e+02, v42;
	v21 =	vmul.f32 v48, v49  }
0x252: {  	v62 =	vld.idx.msk [tilespmem:v15+s9+$0x0], $0xffff;
	v19 =	vcvt.f32.s32 v19;
	v11 =	vnsel vm11, $0x3F800000, v11;
	v49 =	vmul.f32 $2.560000000e+02, v6  }
0x253: {  	v36 =	vld [tilespmem:s13+$0x4000];
	v7 =	vnsel vm9, $0x3F800000, v7;
	v54 =	vadd.f32 v52, v4;
	v16 =	vadd.f32 v16, v4  }
0x254: {  	v34 =	vld.idx.msk [tilespmem:v26+s10+$0x0], $0xffff;
	v63 =	vsub.f32 $1.000000000e+00, v22;
	v4 =	vtrunc.f32 v8;
	vm3 =	vgt.s32 v32, $0x7F  }
0x255: {  	v48 =	vld [tilespmem:s22+$0x6020];
	v8 =	vmul.f32 $9.960937500e-01, v31;
	v20 =	vadd.f32 v21, v20;
	v15 =	vsel vm3, $0x7F, v32  }
0x256: {  	v31 =	vld [tilespmem:s22+$0x61A0];
	vm10 =	vgt.s32 v19, $0x7F;
	vm8 =	veq.s32 v56, $0x1;
	v57 =	vsub.f32 $1.000000000e+00, v54  }
0x257: {  	v26 =	vld.idx.msk [tilespmem:v26+s9+$0x0], $0xffff;
	v14 =	vmul.f32 v63, v30;
	v15 =	vadd.s32 $0x880, v15;
	v19 =	vsel vm10, $0x7F, v19  }
0x258: {  	v8 =	vadd.f32 v8, v62;
	v12 =	vsel vm12, v20, v12;
	v59 =	vmul.f32 v57, v23;
	v23 =	vld [tilespmem:s22+$0x21A0]  }
0x259: {  	vm12 =	veq.s32 v36, $0x1;
	v19 =	vadd.s32 $0x900, v19;
	v14 =	vadd.f32 v14, v22  }
0x25a: {  	v37 =	vld [tilespmem:s3+$0x4000];
	v40 =	vmul.f32 $9.960937500e-01, v34;
	v12 =	vnsel vm12, $0x3F800000, v12;
	v5 =	vmul.f32 v34, v5  }
0x25b: {  	v29 =	vld [tilespmem:s24+$0x4000];
	v47 =	vsub.f32 $1.000000000e+00, v8;
	vm7 =	veq.s32 v48, $0x1;
	vm11 =	veq.s32 v31, $0x1  }
0x25c: {  	v18 =	vadd.f32 v59, v54;
	v10 =	vsel vm15, v14, v10;
	v22 =	vadd.f32 v40, v26;
	v41 =	vld.idx.msk [tilespmem:v15+s10+$0x0], $0xffff  }
0x25d: {  	v5 =	vadd.f32 v5, v26;
	v14 =	vadd.f32 v38, v62;
	v15 =	vld.idx.msk [tilespmem:v15+s9+$0x0], $0xffff;
	v35 =	vmul.f32 $1.280000000e+02, v23  }
0x25e: {  	v2 =	vmul.f32 v47, v2;
	v54 =	vmul.f32 $2.560000000e+02, v9;
	v10 =	vnsel vm14, $0x3F800000, v10;
	v45 =	vld.idx.msk [tilespmem:v19+s10+$0x0], $0xffff  }
0x25f: {  	[tilespmem:s31+$0xA000] =	vst v24;
	v16 =	vsel vm13, v18, v16;
	vm13 =	veq.s32 v37, $0x1;
	v13 =	vadd.f32 $5.000000000e-01, v35  }
0x260: {  	[tilespmem:s1+$0xA000] =	vst v11;
	v44 =	vsub.f32 $1.000000000e+00, v22;
	v19 =	vld.idx.msk [tilespmem:v19+s9+$0x0], $0xffff;
	v2 =	vadd.f32 v2, v8;
	v16 =	vnsel vm13, $0x3F800000, v16  }
0x261: {  	v36 =	vld.idx.msk [tilespmem:v3+s10+$0x0], $0xffff;
	[tilespmem:s13+$0xA000] =	vst v12;
	vm13 =	veq.s32 v29, $0x1;
	v46 =	vmul.f32 $9.960937500e-01, v41;
	v13 =	vtrunc.f32 v13  }
0x262: {  	[tilespmem:s3+$0xA000] =	vst v16;
	v2 =	vsel vm1, v2, v14;
	v6 =	vmul.f32 v41, v6;
	v13 =	vcvt.f32.s32 v13  }
0x263: {  	[tilespmem:s4+$0xA000] =	vst v10;
	v10 =	vadd.f32 $-2.550000000e+02, v49;
	v52 =	vmul.f32 $9.960937500e-01, v45;
	v18 =	vadd.f32 v46, v15  }
0x264: {  	[tilespmem:s26+$0xA000] =	vst v17;
	v2 =	vnsel vm13, $0x3F800000, v2;
	v6 =	vadd.f32 v6, v15;
	v15 =	vld [tilespmem:s22+$0x20B0];
	vm15 =	vgt.s32 v13, $0x7F  }
0x265: {  	[tilespmem:s28+$0xA000] =	vst v7;
	v20 =	vld [tilespmem:s22+$0x2130];
	v53 =	vadd.f32 v52, v19;
	v50 =	vsub.f32 $1.000000000e+00, v18;
	v43 =	vsel vm15, $0x7F, v13  }
0x266: {  	v47 =	vmul.f32 $9.960937500e-01, v36;
	[tilespmem:s24+$0xA000] =	vst v2;
	v13 =	vmul.f32 v44, v25;
	v11 =	vadd.s32 $0x980, v43  }
0x267: {  	v16 =	vadd.f32 $-2.550000000e+02, v54;
	v2 =	vld [tilespmem:s22+$0x3010];
	v57 =	vsub.f32 $1.000000000e+00, v53;
	v10 =	vmul.f32 v50, v10  }
0x268: {  	v62 =	vmul.f32 $2.560000000e+02, v23;
	v9 =	vmul.f32 v45, v9;
	v13 =	vadd.f32 v13, v22  }
0x269: {  	v22 =	vld [tilespmem:s22+$0x2030];
	v59 =	vmul.f32 v57, v16;
	v28 =	vmul.f32 $1.280000000e+02, v15;
	v10 =	vadd.f32 v10, v18  }
0x26a: {  	v9 =	vadd.f32 v9, v19;
	v41 =	vmul.f32 $1.280000000e+02, v20;
	v5 =	vsel vm2, v13, v5  }
0x26b: {  	v32 =	vadd.f32 $5.000000000e-01, v28;
	v6 =	vsel vm3, v10, v6;
	v10 =	vadd.f32 v59, v53;
	v51 =	vld.idx.msk [tilespmem:v11+s10+$0x0], $0xffff  }
0x26c: {  	v5 =	vnsel vm7, $0x3F800000, v5;
	v53 =	vmul.f32 $1.280000000e+02, v2;
	v11 =	vld.idx.msk [tilespmem:v11+s9+$0x0], $0xffff;
	v37 =	vnsel vm8, $0x3F800000, v6  }
0x26d: {  	[tilespmem:s22+$0xC020] =	vst v5;
	v5 =	vld.idx.msk [tilespmem:v3+s9+$0x0], $0xffff;
	v3 =	vcvt.f32.s32 v4;
	v9 =	vsel vm10, v10, v9;
	v10 =	vtrunc.f32 v32  }
0x26e: {  	v60 =	vld [tilespmem:s22+$0x6120];
	v6 =	vadd.f32 $5.000000000e-01, v41;
	v55 =	vmul.f32 $1.280000000e+02, v22;
	v10 =	vcvt.f32.s32 v10  }
0x26f: {  	v19 =	vadd.f32 $-2.550000000e+02, v62;
	v16 =	vld [tilespmem:s22+$0x21B0];
	v4 =	vmul.f32 v36, v1;
	v1 =	vmul.f32 $2.560000000e+02, v1  }
0x270: {  	v6 =	vtrunc.f32 v6;
	v18 =	vadd.f32 $5.000000000e-01, v55;
	vm12 =	vgt.s32 v10, $0x7F  }
0x271: {  	v6 =	vcvt.f32.s32 v6;
	v58 =	vmul.f32 $9.960937500e-01, v51;
	v42 =	vsel vm12, $0x7F, v10  }
0x272: {  	v36 =	vmul.f32 $2.560000000e+02, v20;
	v18 =	vtrunc.f32 v18;
	v43 =	vadd.s32 $0x880, v42  }
0x273: {  	vm14 =	vgt.s32 v6, $0x7F;
	v63 =	vcvt.f32.s32 v18;
	v61 =	vadd.f32 v58, v11  }
0x274: {  	vm10 =	veq.s32 v60, $0x1;
	v45 =	vmul.f32 $1.280000000e+02, v16;
	v6 =	vsel vm14, $0x7F, v6  }
0x275: {  	v54 =	vadd.s32 $0x900, v6;
	vm9 =	vgt.s32 v63, $0x7F;
	v30 =	vsub.f32 $1.000000000e+00, v61  }
0x276: {  	v52 =	vmul.f32 $2.560000000e+02, v22;
	v21 =	vadd.f32 $5.000000000e-01, v53;
	v13 =	vsel vm9, $0x7F, v63;
	v63 =	vld [tilespmem:s22+$0x6030]  }
0x277: {  	v33 =	vmul.f32 v51, v23;
	v34 =	vadd.s32 $0x800, v13;
	v19 =	vmul.f32 v30, v19;
	v49 =	vld.idx.msk [tilespmem:v43+s10+$0x0], $0xffff  }
0x278: {  	v38 =	vnsel vm10, $0x3F800000, v9;
	v24 =	vadd.f32 $-2.550000000e+02, v36;
	v48 =	vadd.f32 $5.000000000e-01, v45;
	v9 =	vld.idx.msk [tilespmem:v43+s9+$0x0], $0xffff  }
0x279: {  	v60 =	vmul.f32 $2.560000000e+02, v15;
	v11 =	vadd.f32 v33, v11;
	v43 =	vld [tilespmem:s22+$0x6130];
	v35 =	vadd.f32 v19, v61  }
0x27a: {  	v1 =	vadd.f32 $-2.550000000e+02, v1;
	vm1 =	vgt.s32 v3, $0x7F;
	v13 =	vtrunc.f32 v48;
	v23 =	vld.idx.msk [tilespmem:v54+s9+$0x0], $0xffff  }
0x27b: {  	[tilespmem:s22+$0xC0A0] =	vst v37;
	v12 =	vadd.f32 v47, v5;
	v13 =	vcvt.f32.s32 v13;
	v61 =	vld.idx.msk [tilespmem:v54+s10+$0x0], $0xffff;
	v39 =	vsel vm15, v35, v11  }
0x27c: {  	[tilespmem:s22+$0xC120] =	vst v38;
	v29 =	vadd.f32 $-2.550000000e+02, v60;
	v3 =	vsel vm1, $0x7F, v3;
	v44 =	vld.idx.msk [tilespmem:v34+s10+$0x0], $0xffff;
	v40 =	vnsel vm11, $0x3F800000, v39  }
0x27d: {  	s4 =	sor.u32 $0x2200, s25;
	v30 =	vsub.f32 $1.000000000e+00, v12;
	v19 =	vadd.f32 $-2.550000000e+02, v52;
	v46 =	vld.idx.msk [tilespmem:v34+s9+$0x0], $0xffff;
	vm15 =	vgt.s32 v13, $0x7F;
	[tilespmem:s22+$0xC1A0] =	vst v40  }
0x27e: {  	s13 =	sor.u32 $0x2280, s25;
	v13 =	vsel vm15, $0x7F, v13;
	v57 =	vmul.f32 $9.960937500e-01, v49;
	v14 =	vmul.f32 v49, v15;
	v8 =	vld [tilespmem:s4+$0x0]  }
0x27f: {  	s15 =	sor.u32 $0x2300, s25;
	vm11 =	veq.s32 v63, $0x1;
	v13 =	vadd.s32 $0x980, v13;
	v40 =	vmul.f32 $2.560000000e+02, v16;
	v7 =	vld [tilespmem:s13+$0x0]  }
0x280: {  	v6 =	vld [tilespmem:s15+$0x0];
	v59 =	vadd.f32 v57, v9;
	v9 =	vadd.f32 v14, v9;
	v34 =	vmul.f32 $9.960937500e-01, v61  }
0x281: {  	v20 =	vmul.f32 v61, v20;
	v26 =	vadd.f32 $-2.550000000e+02, v40;
	v50 =	vmul.f32 $9.960937500e-01, v44  }
0x282: {  	vm13 =	veq.s32 v43, $0x1;
	v28 =	vsub.f32 $1.000000000e+00, v59;
	v35 =	vadd.f32 v34, v23  }
0x283: {  	v10 =	vmul.f32 v44, v22;
	v20 =	vadd.f32 v20, v23;
	v17 =	vadd.f32 v50, v46  }
0x284: {  	v31 =	vld.idx.msk [tilespmem:v13+s10+$0x0], $0xffff;
	v38 =	vsub.f32 $1.000000000e+00, v35;
	v51 =	vmul.f32 $1.280000000e+02, v8;
	v56 =	vmul.f32 $1.280000000e+02, v7  }
0x285: {  	v15 =	vmul.f32 v28, v29;
	v32 =	vmul.f32 $1.280000000e+02, v6;
	v55 =	vsub.f32 $1.000000000e+00, v17  }
0x286: {  	v13 =	vld.idx.msk [tilespmem:v13+s9+$0x0], $0xffff;
	v14 =	vmul.f32 v38, v24;
	v18 =	vadd.f32 $5.000000000e-01, v51;
	v58 =	vadd.f32 $5.000000000e-01, v56  }
0x287: {  	v33 =	vld [tilespmem:s22+$0x60B0];
	v10 =	vadd.f32 v10, v46;
	v51 =	vmul.f32 v30, v1;
	v19 =	vmul.f32 v55, v19  }
0x288: {  	v15 =	vadd.f32 v15, v59;
	v18 =	vtrunc.f32 v18;
	v22 =	vtrunc.f32 v58  }
0x289: {  	v37 =	vmul.f32 $9.960937500e-01, v31;
	v62 =	vadd.f32 v19, v17;
	v18 =	vcvt.f32.s32 v18  }
0x28a: {  	v15 =	vsel vm12, v15, v9;
	v22 =	vcvt.f32.s32 v22;
	v19 =	vadd.f32 $5.000000000e-01, v32  }
0x28b: {  	v39 =	vadd.f32 v37, v13;
	v10 =	vsel vm9, v62, v10;
	vm9 =	vgt.s32 v18, $0x7F  }
0x28c: {  	v45 =	vld [tilespmem:s22+$0x61B0];
	vm12 =	veq.s32 v33, $0x1;
	vm10 =	vgt.s32 v22, $0x7F;
	v18 =	vsel vm9, $0x7F, v18  }
0x28d: {  	s25 =	sor.u32 $0x2380, s25;
	v54 =	vld [tilespmem:s4+$0x4000];
	v19 =	vtrunc.f32 v19;
	v42 =	vsub.f32 $1.000000000e+00, v39;
	v18 =	vadd.s32 $0xA00, v18  }
0x28e: {  	v9 =	vld [tilespmem:s25+$0x0];
	v14 =	vadd.f32 v14, v35;
	v22 =	vsel vm10, $0x7F, v22;
	v19 =	vcvt.f32.s32 v19  }
0x28f: {  	v28 =	vld [tilespmem:s13+$0x4000];
	v11 =	vmul.f32 v31, v16;
	v22 =	vadd.s32 $0xA80, v22;
	v16 =	vmul.f32 v42, v26  }
0x290: {  	v38 =	vld [tilespmem:s15+$0x4000];
	v15 =	vnsel vm12, $0x3F800000, v15;
	v14 =	vsel vm14, v14, v20;
	vm3 =	vgt.s32 v19, $0x7F  }
0x291: {  	v1 =	vld [tilespmem:s22+$0x3090];
	v11 =	vadd.f32 v11, v13;
	v19 =	vsel vm3, $0x7F, v19;
	v16 =	vadd.f32 v16, v39  }
0x292: {  	[tilespmem:s22+$0xC0B0] =	vst v15;
	vm14 =	veq.s32 v45, $0x1;
	v14 =	vnsel vm13, $0x3F800000, v14;
	v19 =	vadd.s32 $0xB00, v19;
	v41 =	vld.idx.msk [tilespmem:v18+s10+$0x0], $0xffff  }
0x293: {  	[tilespmem:s22+$0xC130] =	vst v14;
	v44 =	vmul.f32 $1.280000000e+02, v9;
	v10 =	vnsel vm11, $0x3F800000, v10;
	v18 =	vld.idx.msk [tilespmem:v18+s9+$0x0], $0xffff;
	v11 =	vsel vm15, v16, v11  }
0x294: {  	v3 =	vadd.s32 $0xC80, v3;
	v4 =	vadd.f32 v4, v5;
	[tilespmem:s22+$0xC030] =	vst v10;
	v47 =	vld.idx.msk [tilespmem:v22+s10+$0x0], $0xffff;
	v11 =	vnsel vm14, $0x3F800000, v11  }
0x295: {  	s28 =	sor.u32 $0x2200, s23;
	v50 =	vmul.f32 $2.560000000e+02, v8;
	v34 =	vmul.f32 $2.560000000e+02, v6;
	v13 =	vadd.f32 $5.000000000e-01, v44;
	v48 =	vld.idx.msk [tilespmem:v22+s9+$0x0], $0xffff;
	[tilespmem:s22+$0xC1B0] =	vst v11  }
0x296: {  	v5 =	vadd.f32 v51, v12;
	v20 =	vtrunc.f32 v21;
	v63 =	vmul.f32 $1.280000000e+02, v1;
	v21 =	vld [tilespmem:s28+$0x0]  }
0x297: {  	s29 =	sor.u32 $0x2280, s23;
	v58 =	vmul.f32 $2.560000000e+02, v7;
	vm4 =	veq.s32 v28, $0x1;
	v52 =	vtrunc.f32 v13;
	v56 =	vld.idx.msk [tilespmem:v19+s10+$0x0], $0xffff  }
0x298: {  	s30 =	sor.u32 $0x2300, s23;
	v17 =	vadd.f32 $-2.550000000e+02, v50;
	v51 =	vadd.f32 $5.000000000e-01, v63;
	v11 =	vcvt.f32.s32 v52;
	v59 =	vld [tilespmem:s29+$0x0]  }
0x299: {  	s31 =	sor.u32 $0x2380, s23;
	vm15 =	veq.s32 v54, $0x1;
	vm14 =	veq.s32 v38, $0x1;
	v14 =	vld [tilespmem:s30+$0x0];
	v46 =	vmul.f32 $9.960937500e-01, v41  }
0x29a: {  	v25 =	vld [tilespmem:s31+$0x0];
	vm5 =	vgt.s32 v11, $0x7F;
	v55 =	vmul.f32 $9.960937500e-01, v47;
	v8 =	vmul.f32 v41, v8  }
0x29b: {  	v11 =	vsel vm5, $0x7F, v11;
	v7 =	vmul.f32 v47, v7;
	v41 =	vmul.f32 $2.560000000e+02, v9  }
0x29c: {  	v60 =	vld.idx.msk [tilespmem:v19+s9+$0x0], $0xffff;
	v11 =	vadd.s32 $0xB80, v11;
	v49 =	vadd.f32 v46, v18;
	v57 =	vadd.f32 v55, v48  }
0x29d: {  	v63 =	vld [tilespmem:s28+$0x4000];
	v8 =	vadd.f32 v8, v18;
	v62 =	vmul.f32 $1.280000000e+02, v21;
	v29 =	vmul.f32 $9.960937500e-01, v56  }
0x29e: {  	v30 =	vmul.f32 $1.280000000e+02, v59;
	v36 =	vmul.f32 $1.280000000e+02, v14;
	v53 =	vsub.f32 $1.000000000e+00, v49  }
0x29f: {  	v7 =	vadd.f32 v7, v48;
	v6 =	vmul.f32 v56, v6;
	v39 =	vmul.f32 $1.280000000e+02, v25  }
0x2a0: {  	v50 =	vmul.f32 $2.560000000e+02, v21;
	v61 =	vsub.f32 $1.000000000e+00, v57;
	v13 =	vmul.f32 v53, v17  }
0x2a1: {  	v55 =	vmul.f32 $2.560000000e+02, v59;
	v27 =	vadd.f32 $5.000000000e-01, v62;
	v31 =	vadd.f32 v29, v60  }
0x2a2: {  	vm8 =	veq.s32 v63, $0x1;
	v32 =	vadd.f32 $5.000000000e-01, v30;
	v13 =	vadd.f32 v13, v49  }
0x2a3: {  	v16 =	vadd.f32 $5.000000000e-01, v39;
	v29 =	vmul.f32 $2.560000000e+02, v14;
	v17 =	vadd.f32 $-2.550000000e+02, v58  }
0x2a4: {  	v58 =	vcvt.f32.s32 v20;
	v8 =	vsel vm9, v13, v8;
	v13 =	vtrunc.f32 v27  }
0x2a5: {  	v6 =	vadd.f32 v6, v60;
	v18 =	vtrunc.f32 v32;
	v13 =	vcvt.f32.s32 v13  }
0x2a6: {  	v39 =	vld [tilespmem:s31+$0x4000];
	v35 =	vsub.f32 $1.000000000e+00, v31;
	v16 =	vtrunc.f32 v16;
	v26 =	vmul.f32 v61, v17  }
0x2a7: {  	v33 =	vld.idx.msk [tilespmem:v11+s10+$0x0], $0xffff;
	v18 =	vcvt.f32.s32 v18;
	v17 =	vadd.f32 $5.000000000e-01, v36;
	vm6 =	vgt.s32 v13, $0x7F  }
0x2a8: {  	v16 =	vcvt.f32.s32 v16;
	vm2 =	vgt.s32 v58, $0x7F;
	v13 =	vsel vm6, $0x7F, v13  }
0x2a9: {  	v10 =	vadd.f32 v26, v57;
	vm12 =	vgt.s32 v18, $0x7F;
	v13 =	vadd.s32 $0xA00, v13  }
0x2aa: {  	v11 =	vld.idx.msk [tilespmem:v11+s9+$0x0], $0xffff;
	v40 =	vtrunc.f32 v17;
	v17 =	vadd.f32 $-2.550000000e+02, v41;
	v26 =	vadd.f32 $-2.550000000e+02, v55  }
0x2ab: {  	vm11 =	veq.s32 v39, $0x1;
	v8 =	vnsel vm15, $0x3F800000, v8;
	v15 =	vcvt.f32.s32 v40  }
0x2ac: {  	v37 =	vmul.f32 $9.960937500e-01, v33;
	v18 =	vsel vm12, $0x7F, v18;
	v9 =	vmul.f32 v33, v9  }
0x2ad: {  	vm15 =	vgt.s32 v16, $0x7F;
	v18 =	vadd.s32 $0xA80, v18;
	vm13 =	vgt.s32 v15, $0x7F  }
0x2ae: {  	v7 =	vsel vm10, v10, v7;
	v10 =	vadd.f32 $-2.550000000e+02, v34;
	v15 =	vsel vm13, $0x7F, v15;
	v42 =	vld.idx.msk [tilespmem:v13+s10+$0x0], $0xffff  }
0x2af: {  	v48 =	vsel vm15, $0x7F, v16;
	v34 =	vld [tilespmem:s29+$0x4000];
	v12 =	vadd.f32 v37, v11;
	v15 =	vadd.s32 $0xB00, v15  }
0x2b0: {  	v9 =	vadd.f32 v9, v11;
	v11 =	vadd.s32 $0xB80, v48;
	v10 =	vmul.f32 v35, v10;
	v13 =	vld.idx.msk [tilespmem:v13+s9+$0x0], $0xffff  }
0x2b1: {  	v45 =	vld [tilespmem:s25+$0x4000];
	v33 =	vmul.f32 $2.560000000e+02, v25;
	v16 =	vadd.f32 $-2.550000000e+02, v50;
	[tilespmem:s4+$0xA000] =	vst v8;
	v8 =	vsel vm2, $0x7F, v58  }
0x2b2: {  	v50 =	vmul.f32 $2.560000000e+02, v0;
	v43 =	vsub.f32 $1.000000000e+00, v12;
	v10 =	vadd.f32 v10, v31;
	v44 =	vld.idx.msk [tilespmem:v18+s10+$0x0], $0xffff  }
0x2b3: {  	v7 =	vnsel vm4, $0x3F800000, v7;
	v46 =	vld.idx.msk [tilespmem:v18+s9+$0x0], $0xffff;
	v18 =	vtrunc.f32 v51;
	v47 =	vmul.f32 $9.960937500e-01, v42  }
0x2b4: {  	v6 =	vsel vm3, v10, v6;
	v10 =	vmul.f32 v43, v17;
	v18 =	vcvt.f32.s32 v18;
	v53 =	vld.idx.msk [tilespmem:v15+s10+$0x0], $0xffff  }
0x2b5: {  	v8 =	vadd.s32 $0xC00, v8;
	vm9 =	veq.s32 v34, $0x1;
	v56 =	vld.idx.msk [tilespmem:v11+s10+$0x0], $0xffff;
	v49 =	vadd.f32 v47, v13  }
0x2b6: {  	v6 =	vnsel vm14, $0x3F800000, v6;
	v10 =	vadd.f32 v10, v12;
	v15 =	vld.idx.msk [tilespmem:v15+s9+$0x0], $0xffff;
	vm3 =	vgt.s32 v18, $0x7F  }
0x2b7: {  	v11 =	vld.idx.msk [tilespmem:v11+s9+$0x0], $0xffff;
	v48 =	vsel vm3, $0x7F, v18;
	v52 =	vmul.f32 $9.960937500e-01, v44;
	v54 =	vsub.f32 $1.000000000e+00, v49  }
0x2b8: {  	v9 =	vsel vm5, v10, v9;
	v22 =	vmul.f32 v44, v59;
	v21 =	vmul.f32 v42, v21  }
0x2b9: {  	vm5 =	veq.s32 v45, $0x1;
	v61 =	vmul.f32 $9.960937500e-01, v53;
	v16 =	vmul.f32 v54, v16  }
0x2ba: {  	v30 =	vmul.f32 $9.960937500e-01, v56;
	v10 =	vadd.f32 v52, v46;
	v59 =	vadd.f32 v21, v13  }
0x2bb: {  	v62 =	vnsel vm5, $0x3F800000, v9;
	v28 =	vadd.f32 v61, v15;
	v12 =	vadd.f32 v16, v49  }
0x2bc: {  	v38 =	vmul.f32 v56, v25;
	v17 =	vadd.f32 v30, v11;
	v57 =	vsub.f32 $1.000000000e+00, v10  }
0x2bd: {  	[tilespmem:s13+$0xA000] =	vst v7;
	v35 =	vld [tilespmem:s30+$0x4000];
	v32 =	vsub.f32 $1.000000000e+00, v28;
	v7 =	vsel vm6, v12, v59;
	v12 =	vadd.f32 $-2.550000000e+02, v29  }
0x2be: {  	v31 =	vld.idx.msk [tilespmem:v3+s10+$0x0], $0xffff;
	[tilespmem:s15+$0xA000] =	vst v6;
	v36 =	vsub.f32 $1.000000000e+00, v17;
	v21 =	vadd.f32 $-2.550000000e+02, v33;
	v60 =	vmul.f32 v57, v26  }
0x2bf: {  	[tilespmem:s25+$0xA000] =	vst v62;
	v14 =	vmul.f32 v53, v14;
	v41 =	vadd.f32 v38, v11;
	v12 =	vmul.f32 v32, v12  }
0x2c0: {  	v13 =	vld [tilespmem:s22+$0x3020];
	v26 =	vadd.f32 v22, v46;
	v27 =	vadd.f32 v60, v10;
	v16 =	vmul.f32 v36, v21  }
0x2c1: {  	v43 =	vld.idx.msk [tilespmem:v8+s10+$0x0], $0xffff;
	v11 =	vadd.s32 $0xC80, v48;
	v14 =	vadd.f32 v14, v15;
	v10 =	vadd.f32 v12, v28  }
0x2c2: {  	v3 =	vld.idx.msk [tilespmem:v3+s9+$0x0], $0xffff;
	v6 =	vsel vm12, v27, v26;
	v42 =	vadd.f32 v16, v17;
	v7 =	vnsel vm8, $0x3F800000, v7  }
0x2c3: {  	v8 =	vld.idx.msk [tilespmem:v8+s9+$0x0], $0xffff;
	vm10 =	veq.s32 v35, $0x1;
	v6 =	vnsel vm9, $0x3F800000, v6;
	[tilespmem:s28+$0xA000] =	vst v7;
	v44 =	vsel vm13, v10, v14  }
0x2c4: {  	v58 =	vmul.f32 $2.560000000e+02, v2;
	v46 =	vsel vm15, v42, v41;
	[tilespmem:s29+$0xA000] =	vst v6;
	v45 =	vnsel vm10, $0x3F800000, v44  }
0x2c5: {  	v40 =	vmul.f32 $9.960937500e-01, v31;
	v37 =	vmul.f32 $1.280000000e+02, v13;
	v49 =	vnsel vm11, $0x3F800000, v46;
	v10 =	vld [tilespmem:s22+$0x30A0];
	[tilespmem:s30+$0xA000] =	vst v45  }
0x2c6: {  	v0 =	vmul.f32 v31, v0;
	v2 =	vmul.f32 v43, v2;
	v57 =	vld.idx.msk [tilespmem:v11+s10+$0x0], $0xffff;
	[tilespmem:s31+$0xA000] =	vst v49  }
0x2c7: {  	v47 =	vadd.f32 v40, v3;
	v54 =	vmul.f32 $9.960937500e-01, v43;
	v15 =	vadd.f32 $5.000000000e-01, v37;
	v6 =	vld [tilespmem:s22+$0x3030]  }
0x2c8: {  	v0 =	vadd.f32 v0, v3;
	v2 =	vadd.f32 v2, v8;
	v33 =	vmul.f32 $2.560000000e+02, v13;
	v16 =	vld [tilespmem:s22+$0x30B0]  }
0x2c9: {  	v53 =	vsub.f32 $1.000000000e+00, v47;
	v56 =	vadd.f32 v54, v8;
	v51 =	vtrunc.f32 v15  }
0x2ca: {  	v37 =	vadd.f32 $-2.550000000e+02, v33;
	v52 =	vcvt.f32.s32 v51;
	v55 =	vmul.f32 $1.280000000e+02, v10  }
0x2cb: {  	v4 =	vsel vm0, v5, v4;
	v59 =	vsub.f32 $1.000000000e+00, v56;
	v17 =	vadd.f32 $-2.550000000e+02, v58  }
0x2cc: {  	vm12 =	vgt.s32 v52, $0x7F;
	v3 =	vadd.f32 $5.000000000e-01, v55;
	v60 =	vmul.f32 $1.280000000e+02, v6  }
0x2cd: {  	v23 =	vmul.f32 $9.960937500e-01, v57;
	v5 =	vsel vm12, $0x7F, v52;
	v61 =	vmul.f32 $1.280000000e+02, v16  }
0x2ce: {  	v62 =	vld.idx.msk [tilespmem:v11+s9+$0x0], $0xffff;
	v5 =	vadd.s32 $0xC00, v5;
	v3 =	vtrunc.f32 v3;
	v63 =	vadd.f32 $5.000000000e-01, v60  }
0x2cf: {  	v25 =	vmul.f32 v57, v1;
	v3 =	vcvt.f32.s32 v3;
	v22 =	vadd.f32 $5.000000000e-01, v61  }
0x2d0: {  	v35 =	vld [tilespmem:s22+$0x7090];
	v1 =	vmul.f32 $2.560000000e+02, v1;
	v7 =	vadd.f32 $-2.550000000e+02, v50;
	v11 =	vtrunc.f32 v63  }
0x2d1: {  	v27 =	vld [tilespmem:s22+$0x7000];
	vm13 =	vgt.s32 v3, $0x7F;
	v12 =	vtrunc.f32 v22;
	v11 =	vcvt.f32.s32 v11  }
0x2d2: {  	v30 =	vld [tilespmem:s22+$0x7010];
	v21 =	vmul.f32 v59, v17;
	v3 =	vsel vm13, $0x7F, v3;
	v12 =	vcvt.f32.s32 v12  }
0x2d3: {  	v26 =	vadd.f32 v23, v62;
	v24 =	vld.idx.msk [tilespmem:v5+s10+$0x0], $0xffff;
	v3 =	vadd.s32 $0xC80, v3;
	vm14 =	vgt.s32 v11, $0x7F  }
0x2d4: {  	v1 =	vadd.f32 $-2.550000000e+02, v1;
	v28 =	vld [tilespmem:s22+$0x7080];
	vm15 =	vgt.s32 v12, $0x7F;
	v11 =	vsel vm14, $0x7F, v11  }
0x2d5: {  	v34 =	vadd.f32 v25, v62;
	v5 =	vld.idx.msk [tilespmem:v5+s9+$0x0], $0xffff;
	v12 =	vsel vm15, $0x7F, v12;
	v11 =	vadd.s32 $0xC00, v11  }
0x2d6: {  	vm8 =	veq.s32 v27, $0x1;
	v7 =	vmul.f32 v53, v7;
	v12 =	vadd.s32 $0xC80, v12  }
0x2d7: {  	v4 =	vnsel vm8, $0x3F800000, v4;
	v8 =	vadd.f32 v21, v56;
	v31 =	vsub.f32 $1.000000000e+00, v26  }
0x2d8: {  	vm11 =	veq.s32 v35, $0x1;
	v7 =	vadd.f32 v7, v47;
	v29 =	vmul.f32 $9.960937500e-01, v24;
	v32 =	vld.idx.msk [tilespmem:v3+s10+$0x0], $0xffff  }
0x2d9: {  	v2 =	vsel vm2, v8, v2;
	v1 =	vmul.f32 v31, v1;
	vm10 =	veq.s32 v30, $0x1;
	v3 =	vld.idx.msk [tilespmem:v3+s9+$0x0], $0xffff  }
0x2da: {  	v0 =	vsel vm1, v7, v0;
	vm9 =	veq.s32 v28, $0x1;
	v20 =	vadd.f32 v29, v5;
	v38 =	vld.idx.msk [tilespmem:v11+s10+$0x0], $0xffff  }
0x2db: {  	v1 =	vadd.f32 v1, v26;
	v2 =	vnsel vm10, $0x3F800000, v2;
	v0 =	vnsel vm9, $0x3F800000, v0;
	v39 =	vld.idx.msk [tilespmem:v12+s10+$0x0], $0xffff  }
0x2dc: {  	v43 =	vmul.f32 $2.560000000e+02, v10;
	v47 =	vmul.f32 $2.560000000e+02, v6;
	v36 =	vsub.f32 $1.000000000e+00, v20;
	v11 =	vld.idx.msk [tilespmem:v11+s9+$0x0], $0xffff  }
0x2dd: {  	v1 =	vsel vm3, v1, v34;
	v49 =	vmul.f32 $2.560000000e+02, v16;
	v13 =	vmul.f32 v24, v13;
	v12 =	vld.idx.msk [tilespmem:v12+s9+$0x0], $0xffff  }
0x2de: {  	v42 =	vld [tilespmem:s22+$0x7020];
	v9 =	vadd.f32 $-2.550000000e+02, v43;
	v14 =	vmul.f32 v36, v37;
	v40 =	vmul.f32 $9.960937500e-01, v32  }
0x2df: {  	v19 =	vadd.f32 $-2.550000000e+02, v47;
	v5 =	vadd.f32 v13, v5;
	v44 =	vmul.f32 $9.960937500e-01, v38  }
0x2e0: {  	v41 =	vadd.f32 v14, v20;
	v8 =	vadd.f32 v40, v3;
	v46 =	vmul.f32 $9.960937500e-01, v39  }
0x2e1: {  	v1 =	vnsel vm11, $0x3F800000, v1;
	v18 =	vadd.f32 $-2.550000000e+02, v49;
	v14 =	vadd.f32 v44, v11  }
0x2e2: {  	v5 =	vsel vm12, v41, v5;
	v45 =	vsub.f32 $1.000000000e+00, v8;
	v48 =	vadd.f32 v46, v12  }
0x2e3: {  	v50 =	vld [tilespmem:s22+$0x70A0];
	vm12 =	veq.s32 v42, $0x1;
	v7 =	vmul.f32 v32, v10;
	v51 =	vsub.f32 $1.000000000e+00, v14  }
0x2e4: {  	v52 =	vld [tilespmem:s22+$0x7030];
	v6 =	vmul.f32 v38, v6;
	v9 =	vmul.f32 v45, v9;
	v53 =	vsub.f32 $1.000000000e+00, v48  }
0x2e5: {  	[tilespmem:s22+$0xD000] =	vst v4;
	v56 =	vld [tilespmem:s22+$0x70B0];
	v3 =	vadd.f32 v7, v3;
	v57 =	vmul.f32 v39, v16;
	v55 =	vmul.f32 v51, v19  }
0x2e6: {  	s18 =	sadd.s32 $0x4, s18;
	[tilespmem:s22+$0xD010] =	vst v2;
	v60 =	vadd.f32 v6, v11;
	v54 =	vadd.f32 v9, v8;
	v58 =	vmul.f32 v53, v18  }
0x2e7: {  	p1 =	slt.u32 s18, $0x1C;
	[tilespmem:s22+$0xD080] =	vst v0;
	v5 =	vnsel vm12, $0x3F800000, v5;
	v0 =	vadd.f32 v57, v12;
	v61 =	vadd.f32 v55, v14  }
.Ltmp0:
0x2e8: {  	[tilespmem:s22+$0xD090] =	vst v1;
	v59 =	vsel vm13, v54, v3;
	vm13 =	veq.s32 v50, $0x1;
	v62 =	vadd.f32 v58, v48;
	(pc) =	sbr.rel @p1 .LBB2_2-.Ltmp0, $4  }
0x2e9: {  	[tilespmem:s22+$0xD020] =	vst v5;
	v2 =	vnsel vm13, $0x3F800000, v59;
	v3 =	vsel vm14, v61, v60;
	vm14 =	veq.s32 v52, $0x1  }
0x2ea: {  	[tilespmem:s22+$0xD0A0] =	vst v2;
	v0 =	vsel vm15, v62, v0;
	vm15 =	veq.s32 v56, $0x1;
	v63 =	vnsel vm14, $0x3F800000, v3  }
0x2eb: {  	s19 =	sadd.s32 $0x40, s19;
	v0 =	vnsel vm15, $0x3F800000, v0;
	[tilespmem:s22+$0xD030] =	vst v63  }
0x2ec: {  	p0 =	por !p0, !p0;
	s21 =	sadd.s32 $0x200, s21;
	s20 =	sadd.s32 $0x240, s20;
	[tilespmem:s22+$0xD0B0] =	vst v0  }
0x2ed: {  	s17 =	sadd.s32 $0x1, s17  }
0x2ee: {  	p0 =	sne.s32 s17, s8  }
.Ltmp1:
0x2ef: {  	s0 =	simm.s32 $0xA000;
	(pc) =	sbr.rel @p0 .LBB2_1-.Ltmp1, $4  }
0x2f0: {  	[hbm4b:s7+s11] =	stream.strided.scatter [tilespmem:s0], [sflag:$0x2], $0x4000, s12, s11, $0x38;
	[tilespmem:$0xE000] =	vst v63  }
0x2f1: {  	_ =	swait.ge [sflag:s16], $0x4000  }
0x2f2: {  	[sflag:s16] =	ssyncset.done $0x0  }
0x2f3: {  	[sflag:s16] =	ssyncadd.s32 $0xFFFFC000  }
0x2f4: {  	_ =	sfence.sel $0x180000  }
0x2f5: {  	[bflag:$0x0] =	sbarrier.arrive $0xFFFF  }
0x2f6: {  	_ =	strace $0x9000004A  }
0x2f7: {  	s0 =	stileid.u32;
	[bflag:$0x2] =	sbarrier.arrive $0xFFFF  }
0x2f8: {  	p0 =	sne.s32 s0, $0x0;
	s0 =	rddreg [dreg:$0x4]  }
0x2f9: {  	s0 =	sadd.s32 @!p0 $0x100000, s0  }
0x2fa: {  	[sflag:s0] =	ssyncadd.tile.s32 @!p0 $0x1;
	_ =	shalt  }
.Lfunc_end2:
_tile_overlayer_lowered:
.L_overlay_start_2:
0x2fb: {  	(tag) =	ssettag $0x2  }
0x2fc: {  	s0 =	rddreg [dreg:$0x0];
	s2 =	stileid.u32  }
0x2fd: {  	s1 =	rddreg [dreg:$0x1];
	p0 =	sne.s32 s2, $0x0  }
0x2fe: {  	s3 =	rddreg [dreg:$0x2];
	[bflag:$0x3] =	sbarrier.arrive $0xFFFF;
	s2 =	simm.s32 @!p0 $0x1C02  }
0x2ff: {  	[timem:s3], [sflag:s2] =	dma.local @!p0 [hbm:s0], s1  }
0x300: {  	s0 =	simm.s32 @!p0 $0x2  }
0x301: {  	_ =	swait.ge @!p0 [sflag:s0], s1  }
0x302: {  	s1 =	ssub.s32 @!p0 $0x0, s1;
	[sflag:s0] =	ssyncset.done @!p0 $0x0  }
0x303: {  	[sflag:s0] =	ssyncadd.s32 @!p0 s1  }
0x304: {  	[bflag:$0x3] =	sbarrier.arrive $0xFFFF  }
0x305: {  	_ =	shalt  }

</sc_bundles>
